<compile_context>
chip_gen: v7x
topology: tpu7x:2x2x1
jax: 0.10.2.dev20260603
libtpu: 0.0.44.dev20260713+nightly
codegen_flags: <defaults>
</compile_context>

<pallas_src>
import functools
import jax
import jax.numpy as jnp
from jax import lax
from jax.experimental import pallas as pl
from jax.experimental.pallas import tpu as pltpu
from jax.experimental.pallas import tpu_sc as plsc

N = 10000
E = 320000
D = 128
H = 128

_NC = 2
_NS = 16
_NW = _NC * _NS


def _k1_body(x_ref, wl_ref, bl_ref, w1_ref, p_ref, q_ref):
    h = jnp.dot(x_ref[...], wl_ref[...], preferred_element_type=jnp.float32)
    h = h + bl_ref[...]
    wa = w1_ref[:D, :] - w1_ref[D:, :]
    wb = w1_ref[D:, :]
    p_ref[...] = jnp.dot(h, wa, preferred_element_type=jnp.float32)
    q_ref[...] = jnp.dot(h, wb, preferred_element_type=jnp.float32)


def _node_matmuls(x, W_lin1, b_lin1, W1):
    blk = 1000
    grid = (N // blk,)
    return pl.pallas_call(
        _k1_body,
        grid=grid,
        in_specs=[
            pl.BlockSpec((blk, D), lambda i: (i, 0)),
            pl.BlockSpec((D, D), lambda i: (0, 0)),
            pl.BlockSpec((1, D), lambda i: (0, 0)),
            pl.BlockSpec((2 * D, H), lambda i: (0, 0)),
        ],
        out_specs=[
            pl.BlockSpec((blk, H), lambda i: (i, 0)),
            pl.BlockSpec((blk, H), lambda i: (i, 0)),
        ],
        out_shape=[
            jax.ShapeDtypeStruct((N, H), jnp.float32),
            jax.ShapeDtypeStruct((N, H), jnp.float32),
        ],
    )(x, W_lin1, b_lin1.reshape(1, D), W1)



_EPW = E // _NW
_CH = 400


def _k2_body(dst_hbm, src_hbm, p_hbm, q_hbm, z_hbm,
             idxd_v, idxs_v, bufp, bufq, semp, semq):
    wid = lax.axis_index("s") * _NC + lax.axis_index("c")
    base = wid * _EPW

    def chunk(i, carry):
        off = base + i * _CH
        pltpu.sync_copy(dst_hbm.at[pl.ds(off, _CH)], idxd_v)
        pltpu.sync_copy(src_hbm.at[pl.ds(off, _CH)], idxs_v)
        cp = pltpu.async_copy(p_hbm.at[idxd_v], bufp, semp)
        cq = pltpu.async_copy(q_hbm.at[idxs_v], bufq, semq)
        cp.wait()
        cq.wait()

        def row(r, c2):
            for c in range(H // 16):
                s = pl.ds(c * 16, 16)
                bufp[r, s] = bufp[r, s] + bufq[r, s]
            return c2

        lax.fori_loop(0, _CH, row, 0)
        pltpu.sync_copy(bufp, z_hbm.at[pl.ds(off, _CH)])
        return carry

    lax.fori_loop(0, _EPW // _CH, chunk, 0)


def _edge_gather(dst, src, p, q):
    mesh = plsc.VectorSubcoreMesh(core_axis_name="c", subcore_axis_name="s")
    f = functools.partial(
        pl.kernel,
        out_type=jax.ShapeDtypeStruct((E, H), jnp.float32),
        mesh=mesh,
        compiler_params=pltpu.CompilerParams(needs_layout_passes=False),
        scratch_types=[
            pltpu.VMEM((_CH,), jnp.int32),
            pltpu.VMEM((_CH,), jnp.int32),
            pltpu.VMEM((_CH, H), jnp.float32),
            pltpu.VMEM((_CH, H), jnp.float32),
            pltpu.SemaphoreType.DMA,
            pltpu.SemaphoreType.DMA,
        ],
    )(_k2_body)
    return f(dst, src, p, q)



def _k3_body(z_ref, b1_ref, w2_ref, b2_ref, y_ref):
    z = jnp.maximum(z_ref[...] + b1_ref[...], 0.0)
    y = jnp.dot(z, w2_ref[...], preferred_element_type=jnp.float32)
    y_ref[...] = jnp.maximum(y + b2_ref[...], 0.0)


def _edge_mlp(z, b1, W2, b2):
    blk = 2000
    grid = (E // blk,)
    return pl.pallas_call(
        _k3_body,
        grid=grid,
        in_specs=[
            pl.BlockSpec((blk, H), lambda i: (i, 0)),
            pl.BlockSpec((1, H), lambda i: (0, 0)),
            pl.BlockSpec((H, H), lambda i: (0, 0)),
            pl.BlockSpec((1, H), lambda i: (0, 0)),
        ],
        out_specs=pl.BlockSpec((blk, H), lambda i: (i, 0)),
        out_shape=jax.ShapeDtypeStruct((E, H), jnp.float32),
    )(z, b1.reshape(1, H), W2, b2.reshape(1, H))



_G = 632
_NPAD = 16 * _G
_CH2 = 2000
_GCH = 320
_ESH = E // 2


def _k4_body(dst_hbm, y_hbm, out_hbm, dwin, pid, pd, rows, acc, semg, semg2):
    g = lax.axis_index("s")
    r = lax.axis_index("c")
    lo = g * _G
    ebase = r * _ESH
    iota = lax.iota(jnp.int32, 16)
    zeros16 = jnp.zeros((16,), jnp.float32)

    def zrow(row, c2):
        for c in range(H // 16):
            acc[row, pl.ds(c * 16, 16)] = zeros16
        return c2

    lax.fori_loop(0, _G, zrow, 0)

    def zpid(i, c2):
        pid[pl.ds(i * 16, 16)] = jnp.zeros((16,), jnp.int32)
        return c2

    lax.fori_loop(0, _GCH // 16, zpid, 0)

    def rmw_range(jlo, jhi):
        def rmw(j, c4):
            jvec = jnp.full((16,), j, jnp.int32)
            dvec = plsc.load_gather(pd, [jvec]) - lo
            for c in range(H // 16):
                colv = jnp.full((16,), c * 16, jnp.int32) + iota
                cur = plsc.load_gather(acc, [dvec, colv])
                yv = rows[j, pl.ds(c * 16, 16)]
                plsc.store_scatter(acc, [dvec, colv], jnp.maximum(cur, yv))
            return c4

        lax.fori_loop(jlo, jhi, rmw, 0)

    _HG = _GCH // 2

    def flush(cnt):
        cp0 = pltpu.async_copy(y_hbm.at[pid.at[pl.ds(0, _HG)]],
                               rows.at[pl.ds(0, _HG)], semg)
        cp1 = pltpu.async_copy(y_hbm.at[pid.at[pl.ds(_HG, _HG)]],
                               rows.at[pl.ds(_HG, _HG)], semg2)
        cp0.wait()
        rmw_range(0, jnp.minimum(cnt, _HG))
        cp1.wait()
        rmw_range(_HG, jnp.maximum(cnt, _HG))

    def chunk(ci, off):
        cb = ebase + ci * _CH2
        pltpu.sync_copy(dst_hbm.at[pl.ds(cb, _CH2)], dwin)

        def vb(v, off):
            d = dwin[pl.ds(v * 16, 16)]
            mask = (d >= lo) & (d < lo + _G)
            mi = jnp.where(mask, 1, 0)
            pos = plsc.cumsum(mi) - 1 + off
            eid = cb + v * 16 + iota
            plsc.store_scatter(pid, [pos], eid, mask=mask)
            plsc.store_scatter(pd, [pos], d, mask=mask)
            off = off + plsc.all_reduce_population_count(mask)[0]

            def do_flush(o):
                flush(o)
                return jnp.int32(0)

            return lax.cond(off >= _GCH - 16, do_flush, lambda o: o, off)

        return lax.fori_loop(0, _CH2 // 16, vb, off, unroll=5)

    off = lax.fori_loop(0, _ESH // _CH2, chunk, jnp.int32(0))
    flush(off)
    pltpu.sync_copy(acc, out_hbm.at[r, pl.ds(lo, _G)])


def _scatter_max(dst, y):
    mesh = plsc.VectorSubcoreMesh(core_axis_name="c", subcore_axis_name="s")
    f = functools.partial(
        pl.kernel,
        out_type=jax.ShapeDtypeStruct((2, _NPAD, H), jnp.float32),
        mesh=mesh,
        compiler_params=pltpu.CompilerParams(needs_layout_passes=False),
        scratch_types=[
            pltpu.VMEM((_CH2,), jnp.int32),
            pltpu.VMEM((_GCH,), jnp.int32),
            pltpu.VMEM((_GCH,), jnp.int32),
            pltpu.VMEM((_GCH, H), jnp.float32),
            pltpu.VMEM((_G, H), jnp.float32),
            pltpu.SemaphoreType.DMA,
            pltpu.SemaphoreType.DMA,
        ],
    )(_k4_body)
    return f(dst, y)



def _k5_body(a_ref, b_ref, o_ref):
    o_ref[...] = jnp.maximum(a_ref[0], b_ref[0])


def _shard_merge(agg2):
    blk = 632
    grid = (_NPAD // blk,)
    return pl.pallas_call(
        _k5_body,
        grid=grid,
        in_specs=[
            pl.BlockSpec((1, blk, H), lambda i: (0, i, 0)),
            pl.BlockSpec((1, blk, H), lambda i: (1, i, 0)),
        ],
        out_specs=pl.BlockSpec((blk, H), lambda i: (i, 0)),
        out_shape=jax.ShapeDtypeStruct((_NPAD, H), jnp.float32),
    )(agg2, agg2)



def kernel(x, edge_index, W_lin1, b_lin1, W1, b1, W2, b2):
    src = edge_index[0]
    dst = edge_index[1]
    p, q = _node_matmuls(x, W_lin1, b_lin1, W1)
    z = _edge_gather(dst, src, p, q)
    y = _edge_mlp(z, b1, W2, b2)
    agg2 = _scatter_max(dst, y)
    agg = _shard_merge(agg2)
    return agg[:N]

# --- scband reference (transcript-rebuilt; emitter-appended) ---
"""Pipeline reference for scband-encoder-edge-conv-80015240725028 (READ-ONLY COPY).

The authoritative reference and input builder live on the scoring server;
editing this copy changes nothing except your own understanding.
"""

import jax, jax.numpy as jnp
import numpy as np

N = 10000
E = 320000
D = 128   # input feature dim
U = 128   # unique_user (lin1 out dim)
H = 128   # hidden_layer_size

def setup_inputs(seed: int = 0) -> dict:
    key = jax.random.key(seed)
    k = jax.random.split(key, 8)
    x = jax.random.normal(k[0], (N, D), dtype=jnp.float32)
    edge_index = jax.random.randint(k[1], (2, E), 0, N, dtype=jnp.int32)
    # lin1: Linear(D -> U)
    W_lin1 = jax.random.normal(k[2], (D, U), dtype=jnp.float32) / np.sqrt(D)
    b_lin1 = jnp.zeros((U,), dtype=jnp.float32)
    # EdgeConv nn: Linear(2U -> H) -> ReLU -> Linear(H -> H) -> ReLU
    W1 = jax.random.normal(k[3], (2 * U, H), dtype=jnp.float32) / np.sqrt(2 * U)
    b1 = jnp.zeros((H,), dtype=jnp.float32)
    W2 = jax.random.normal(k[4], (H, H), dtype=jnp.float32) / np.sqrt(H)
    b2 = jnp.zeros((H,), dtype=jnp.float32)
    return {"x": x, "edge_index": edge_index, "W_lin1": W_lin1, "b_lin1": b_lin1,
            "W1": W1, "b1": b1, "W2": W2, "b2": b2}

def reference(x, edge_index, W_lin1, b_lin1, W1, b1, W2, b2):
    # lin1
    h = x @ W_lin1 + b_lin1
    # EdgeConv: message = nn(cat[x_i, x_j - x_i]), max aggregation over target nodes
    src = edge_index[0]  # j (source)
    dst = edge_index[1]  # i (target)
    x_i = jnp.take(h, dst, axis=0)
    x_j = jnp.take(h, src, axis=0)
    m = jnp.concatenate([x_i, x_j - x_i], axis=-1)
    m = jax.nn.relu(m @ W1 + b1)
    m = jax.nn.relu(m @ W2 + b2)
    agg = jax.ops.segment_max(m, dst, num_segments=N)
    agg = jnp.where(jnp.isfinite(agg), agg, 0.0)  # empty segments -> 0 (PyG fill)
    # final relu from forward()
    return jax.nn.relu(agg)

if __name__ == "__main__":
    import jax
    _d = setup_inputs()
    print(jax.jit(kernel)(*tuple(_d.values())))

</pallas_src>

<mosaic_0001>
#map = affine_map<(d0, d1) -> (0)>
#map1 = affine_map<(d0, d1) -> (0, 0)>
module attributes {stable_mosaic.version = 14 : i64} {
  func.func @_k2_body(%arg0: i32, %arg1: i32, %arg2: memref<320000xi32, #tpu.memory_space<hbm>>, %arg3: memref<320000xi32, #tpu.memory_space<hbm>>, %arg4: memref<10000x128xf32, #tpu.memory_space<hbm>>, %arg5: memref<10000x128xf32, #tpu.memory_space<hbm>>, %arg6: memref<320000x128xf32, #tpu.memory_space<hbm>>, %arg7: memref<400xi32, #tpu.memory_space<vmem>>, %arg8: memref<400xi32, #tpu.memory_space<vmem>>, %arg9: memref<400x128xf32, #tpu.memory_space<vmem>>, %arg10: memref<400x128xf32, #tpu.memory_space<vmem>>, %arg11: memref<!tpu.dma_semaphore, #tpu.memory_space<semaphore_mem>>, %arg12: memref<!tpu.dma_semaphore, #tpu.memory_space<semaphore_mem>>) attributes {dimension_semantics = [#tpu.dimension_semantics<core_parallel>, #tpu.dimension_semantics<subcore_parallel>], iteration_bounds = array<i64: 2, 16>, scalar_prefetch = 0 : i64, scratch_operands = 6 : i64, tpu.core_type = #tpu.core_type<sc_vector_subcore>, window_params = [{transform_indices = #map}, {transform_indices = #map}, {transform_indices = #map1}, {transform_indices = #map1}, {transform_indices = #map1}]} {
    %mul3A = arith.constant 2 : i32
    %mul3A_0 = arith.muli %arg1, %mul3A : i32
    %add3A = arith.addi %mul3A_0, %arg0 : i32
    %mul3A_1 = arith.constant 10000 : i32
    %mul3A_2 = arith.muli %add3A, %mul3A_1 : i32
    %scan3A = arith.constant 0 : i32
    %scan3A_3 = arith.constant 0 : i32
    %scan3A_4 = arith.constant 25 : i32
    %scan3A_5 = arith.addi %scan3A_3, %scan3A_4 : i32
    %scan3A_6 = arith.constant 1 : i32
    scf.for %scan3A_8 = %scan3A_3 to %scan3A_5 step %scan3A_6  : i32 {
      %mul3A_9 = arith.constant 400 : i32
      %mul3A_10 = arith.muli %scan3A_8, %mul3A_9 : i32
      %add3A_11 = arith.addi %mul3A_2, %mul3A_10 : i32
      "tpu.region"() ({
        %run_scoped3A = tpu.sem_alloc : memref<!tpu.dma_semaphore, #tpu.memory_space<semaphore_mem>>
        %dma_start3A_28 = tpu.memref_slice %arg2[%add3A_11] : memref<320000xi32, #tpu.memory_space<hbm>> -> memref<400xi32, #tpu.memory_space<hbm>>
        %dma_start3A_29 = tpu.memref_slice %arg2[%add3A_11] : memref<320000xi32, #tpu.memory_space<hbm>> -> memref<400xi32, #tpu.memory_space<hbm>>
        tpu.enqueue_dma source(%dma_start3A_29 : memref<400xi32, #tpu.memory_space<hbm>>) target(%arg7 : memref<400xi32, #tpu.memory_space<vmem>>) target_semaphore(%run_scoped3A : memref<!tpu.dma_semaphore, #tpu.memory_space<semaphore_mem>>)
        %dma_wait3A_30 = tpu.memref_slice %arg2[%add3A_11] : memref<320000xi32, #tpu.memory_space<hbm>> -> memref<400xi32, #tpu.memory_space<hbm>>
        %dma_wait3A_31 = tpu.memref_slice %arg2[%add3A_11] : memref<320000xi32, #tpu.memory_space<hbm>> -> memref<400xi32, #tpu.memory_space<hbm>>
        tpu.wait_dma2 semaphore(%run_scoped3A : memref<!tpu.dma_semaphore, #tpu.memory_space<semaphore_mem>>) src(%dma_wait3A_31 : memref<400xi32, #tpu.memory_space<hbm>>) dst(%arg7 : memref<400xi32, #tpu.memory_space<vmem>>)
        tpu.yield
      }) : () -> ()
      "tpu.region"() ({
        %run_scoped3A = tpu.sem_alloc : memref<!tpu.dma_semaphore, #tpu.memory_space<semaphore_mem>>
        %dma_start3A_28 = tpu.memref_slice %arg3[%add3A_11] : memref<320000xi32, #tpu.memory_space<hbm>> -> memref<400xi32, #tpu.memory_space<hbm>>
        %dma_start3A_29 = tpu.memref_slice %arg3[%add3A_11] : memref<320000xi32, #tpu.memory_space<hbm>> -> memref<400xi32, #tpu.memory_space<hbm>>
        tpu.enqueue_dma source(%dma_start3A_29 : memref<400xi32, #tpu.memory_space<hbm>>) target(%arg8 : memref<400xi32, #tpu.memory_space<vmem>>) target_semaphore(%run_scoped3A : memref<!tpu.dma_semaphore, #tpu.memory_space<semaphore_mem>>)
        %dma_wait3A_30 = tpu.memref_slice %arg3[%add3A_11] : memref<320000xi32, #tpu.memory_space<hbm>> -> memref<400xi32, #tpu.memory_space<hbm>>
        %dma_wait3A_31 = tpu.memref_slice %arg3[%add3A_11] : memref<320000xi32, #tpu.memory_space<hbm>> -> memref<400xi32, #tpu.memory_space<hbm>>
        tpu.wait_dma2 semaphore(%run_scoped3A : memref<!tpu.dma_semaphore, #tpu.memory_space<semaphore_mem>>) src(%dma_wait3A_31 : memref<400xi32, #tpu.memory_space<hbm>>) dst(%arg8 : memref<400xi32, #tpu.memory_space<vmem>>)
        tpu.yield
      }) : () -> ()
      %dma_start3A = arith.constant 0 : i32
      %dma_start3A_12 = arith.constant 0 : i32
      %dma_start3A_13 = tpu.memref_slice %arg4[%dma_start3A, %dma_start3A_12] : memref<10000x128xf32, #tpu.memory_space<hbm>> -> memref<10000x128xf32, #tpu.memory_space<hbm>>
      tpu.enqueue_indirect_dma source(%dma_start3A_13 : memref<10000x128xf32, #tpu.memory_space<hbm>>) target(%arg9 : memref<400x128xf32, #tpu.memory_space<vmem>>) offsets(%arg7 : memref<400xi32, #tpu.memory_space<vmem>>) semaphore(%arg11 : memref<!tpu.dma_semaphore, #tpu.memory_space<semaphore_mem>>)
      %dma_start3A_14 = arith.constant 0 : i32
      %dma_start3A_15 = arith.constant 0 : i32
      %dma_start3A_16 = tpu.memref_slice %arg5[%dma_start3A_14, %dma_start3A_15] : memref<10000x128xf32, #tpu.memory_space<hbm>> -> memref<10000x128xf32, #tpu.memory_space<hbm>>
      tpu.enqueue_indirect_dma source(%dma_start3A_16 : memref<10000x128xf32, #tpu.memory_space<hbm>>) target(%arg10 : memref<400x128xf32, #tpu.memory_space<vmem>>) offsets(%arg8 : memref<400xi32, #tpu.memory_space<vmem>>) semaphore(%arg12 : memref<!tpu.dma_semaphore, #tpu.memory_space<semaphore_mem>>)
      %dma_wait3A = arith.constant 0 : i32
      %dma_wait3A_17 = arith.constant 0 : i32
      %dma_wait3A_18 = tpu.memref_slice %arg4[%dma_wait3A, %dma_wait3A_17] : memref<10000x128xf32, #tpu.memory_space<hbm>> -> memref<10000x128xf32, #tpu.memory_space<hbm>>
      tpu.wait_indirect_dma semaphore(%arg11 : memref<!tpu.dma_semaphore, #tpu.memory_space<semaphore_mem>>) src(%dma_wait3A_18 : memref<10000x128xf32, #tpu.memory_space<hbm>>) dst(%arg9 : memref<400x128xf32, #tpu.memory_space<vmem>>)
      %dma_wait3A_19 = arith.constant 0 : i32
      %dma_wait3A_20 = arith.constant 0 : i32
      %dma_wait3A_21 = tpu.memref_slice %arg5[%dma_wait3A_19, %dma_wait3A_20] : memref<10000x128xf32, #tpu.memory_space<hbm>> -> memref<10000x128xf32, #tpu.memory_space<hbm>>
      tpu.wait_indirect_dma semaphore(%arg12 : memref<!tpu.dma_semaphore, #tpu.memory_space<semaphore_mem>>) src(%dma_wait3A_21 : memref<10000x128xf32, #tpu.memory_space<hbm>>) dst(%arg10 : memref<400x128xf32, #tpu.memory_space<vmem>>)
      %scan3A_22 = arith.constant 0 : i32
      %scan3A_23 = arith.constant 0 : i32
      %scan3A_24 = arith.constant 400 : i32
      %scan3A_25 = arith.addi %scan3A_23, %scan3A_24 : i32
      %scan3A_26 = arith.constant 1 : i32
      scf.for %scan3A_28 = %scan3A_23 to %scan3A_25 step %scan3A_26  : i32 {
        %get3A = arith.index_cast %scan3A_28 : i32 to index
        %get3A_29 = arith.constant 0 : index
        %get3A_30 = tpu.vector_load %arg9[%get3A, %get3A_29] {strides = array<i32>} : memref<400x128xf32, #tpu.memory_space<vmem>>, vector<16xf32>,
        %get3A_31 = arith.index_cast %scan3A_28 : i32 to index
        %get3A_32 = arith.constant 0 : index
        %get3A_33 = tpu.vector_load %arg10[%get3A_31, %get3A_32] {strides = array<i32>} : memref<400x128xf32, #tpu.memory_space<vmem>>, vector<16xf32>,
        %add3A_34 = arith.addf %get3A_30, %get3A_33 : vector<16xf32>
        %swap3A = arith.index_cast %scan3A_28 : i32 to index
        %swap3A_35 = arith.constant 0 : index
        %swap3A_36 = tpu.vector_load %arg9[%swap3A, %swap3A_35] {strides = array<i32>} : memref<400x128xf32, #tpu.memory_space<vmem>>, vector<16xf32>,
        tpu.vector_store %arg9[%swap3A, %swap3A_35], %add3A_34 {strides = array<i32>} : memref<400x128xf32, #tpu.memory_space<vmem>>, vector<16xf32>,
        %get3A_37 = arith.index_cast %scan3A_28 : i32 to index
        %get3A_38 = arith.constant 16 : index
        %get3A_39 = tpu.vector_load %arg9[%get3A_37, %get3A_38] {strides = array<i32>} : memref<400x128xf32, #tpu.memory_space<vmem>>, vector<16xf32>,
        %get3A_40 = arith.index_cast %scan3A_28 : i32 to index
        %get3A_41 = arith.constant 16 : index
        %get3A_42 = tpu.vector_load %arg10[%get3A_40, %get3A_41] {strides = array<i32>} : memref<400x128xf32, #tpu.memory_space<vmem>>, vector<16xf32>,
        %add3A_43 = arith.addf %get3A_39, %get3A_42 : vector<16xf32>
        %swap3A_44 = arith.index_cast %scan3A_28 : i32 to index
        %swap3A_45 = arith.constant 16 : index
        %swap3A_46 = tpu.vector_load %arg9[%swap3A_44, %swap3A_45] {strides = array<i32>} : memref<400x128xf32, #tpu.memory_space<vmem>>, vector<16xf32>,
        tpu.vector_store %arg9[%swap3A_44, %swap3A_45], %add3A_43 {strides = array<i32>} : memref<400x128xf32, #tpu.memory_space<vmem>>, vector<16xf32>,
        %get3A_47 = arith.index_cast %scan3A_28 : i32 to index
        %get3A_48 = arith.constant 32 : index
        %get3A_49 = tpu.vector_load %arg9[%get3A_47, %get3A_48] {strides = array<i32>} : memref<400x128xf32, #tpu.memory_space<vmem>>, vector<16xf32>,
        %get3A_50 = arith.index_cast %scan3A_28 : i32 to index
        %get3A_51 = arith.constant 32 : index
        %get3A_52 = tpu.vector_load %arg10[%get3A_50, %get3A_51] {strides = array<i32>} : memref<400x128xf32, #tpu.memory_space<vmem>>, vector<16xf32>,
        %add3A_53 = arith.addf %get3A_49, %get3A_52 : vector<16xf32>
        %swap3A_54 = arith.index_cast %scan3A_28 : i32 to index
        %swap3A_55 = arith.constant 32 : index
        %swap3A_56 = tpu.vector_load %arg9[%swap3A_54, %swap3A_55] {strides = array<i32>} : memref<400x128xf32, #tpu.memory_space<vmem>>, vector<16xf32>,
        tpu.vector_store %arg9[%swap3A_54, %swap3A_55], %add3A_53 {strides = array<i32>} : memref<400x128xf32, #tpu.memory_space<vmem>>, vector<16xf32>,
        %get3A_57 = arith.index_cast %scan3A_28 : i32 to index
        %get3A_58 = arith.constant 48 : index
        %get3A_59 = tpu.vector_load %arg9[%get3A_57, %get3A_58] {strides = array<i32>} : memref<400x128xf32, #tpu.memory_space<vmem>>, vector<16xf32>,
        %get3A_60 = arith.index_cast %scan3A_28 : i32 to index
        %get3A_61 = arith.constant 48 : index
        %get3A_62 = tpu.vector_load %arg10[%get3A_60, %get3A_61] {strides = array<i32>} : memref<400x128xf32, #tpu.memory_space<vmem>>, vector<16xf32>,
        %add3A_63 = arith.addf %get3A_59, %get3A_62 : vector<16xf32>
        %swap3A_64 = arith.index_cast %scan3A_28 : i32 to index
        %swap3A_65 = arith.constant 48 : index
        %swap3A_66 = tpu.vector_load %arg9[%swap3A_64, %swap3A_65] {strides = array<i32>} : memref<400x128xf32, #tpu.memory_space<vmem>>, vector<16xf32>,
        tpu.vector_store %arg9[%swap3A_64, %swap3A_65], %add3A_63 {strides = array<i32>} : memref<400x128xf32, #tpu.memory_space<vmem>>, vector<16xf32>,
        %get3A_67 = arith.index_cast %scan3A_28 : i32 to index
        %get3A_68 = arith.constant 64 : index
        %get3A_69 = tpu.vector_load %arg9[%get3A_67, %get3A_68] {strides = array<i32>} : memref<400x128xf32, #tpu.memory_space<vmem>>, vector<16xf32>,
        %get3A_70 = arith.index_cast %scan3A_28 : i32 to index
        %get3A_71 = arith.constant 64 : index
        %get3A_72 = tpu.vector_load %arg10[%get3A_70, %get3A_71] {strides = array<i32>} : memref<400x128xf32, #tpu.memory_space<vmem>>, vector<16xf32>,
        %add3A_73 = arith.addf %get3A_69, %get3A_72 : vector<16xf32>
        %swap3A_74 = arith.index_cast %scan3A_28 : i32 to index
        %swap3A_75 = arith.constant 64 : index
        %swap3A_76 = tpu.vector_load %arg9[%swap3A_74, %swap3A_75] {strides = array<i32>} : memref<400x128xf32, #tpu.memory_space<vmem>>, vector<16xf32>,
        tpu.vector_store %arg9[%swap3A_74, %swap3A_75], %add3A_73 {strides = array<i32>} : memref<400x128xf32, #tpu.memory_space<vmem>>, vector<16xf32>,
        %get3A_77 = arith.index_cast %scan3A_28 : i32 to index
        %get3A_78 = arith.constant 80 : index
        %get3A_79 = tpu.vector_load %arg9[%get3A_77, %get3A_78] {strides = array<i32>} : memref<400x128xf32, #tpu.memory_space<vmem>>, vector<16xf32>,
        %get3A_80 = arith.index_cast %scan3A_28 : i32 to index
        %get3A_81 = arith.constant 80 : index
        %get3A_82 = tpu.vector_load %arg10[%get3A_80, %get3A_81] {strides = array<i32>} : memref<400x128xf32, #tpu.memory_space<vmem>>, vector<16xf32>,
        %add3A_83 = arith.addf %get3A_79, %get3A_82 : vector<16xf32>
        %swap3A_84 = arith.index_cast %scan3A_28 : i32 to index
        %swap3A_85 = arith.constant 80 : index
        %swap3A_86 = tpu.vector_load %arg9[%swap3A_84, %swap3A_85] {strides = array<i32>} : memref<400x128xf32, #tpu.memory_space<vmem>>, vector<16xf32>,
        tpu.vector_store %arg9[%swap3A_84, %swap3A_85], %add3A_83 {strides = array<i32>} : memref<400x128xf32, #tpu.memory_space<vmem>>, vector<16xf32>,
        %get3A_87 = arith.index_cast %scan3A_28 : i32 to index
        %get3A_88 = arith.constant 96 : index
        %get3A_89 = tpu.vector_load %arg9[%get3A_87, %get3A_88] {strides = array<i32>} : memref<400x128xf32, #tpu.memory_space<vmem>>, vector<16xf32>,
        %get3A_90 = arith.index_cast %scan3A_28 : i32 to index
        %get3A_91 = arith.constant 96 : index
        %get3A_92 = tpu.vector_load %arg10[%get3A_90, %get3A_91] {strides = array<i32>} : memref<400x128xf32, #tpu.memory_space<vmem>>, vector<16xf32>,
        %add3A_93 = arith.addf %get3A_89, %get3A_92 : vector<16xf32>
        %swap3A_94 = arith.index_cast %scan3A_28 : i32 to index
        %swap3A_95 = arith.constant 96 : index
        %swap3A_96 = tpu.vector_load %arg9[%swap3A_94, %swap3A_95] {strides = array<i32>} : memref<400x128xf32, #tpu.memory_space<vmem>>, vector<16xf32>,
        tpu.vector_store %arg9[%swap3A_94, %swap3A_95], %add3A_93 {strides = array<i32>} : memref<400x128xf32, #tpu.memory_space<vmem>>, vector<16xf32>,
        %get3A_97 = arith.index_cast %scan3A_28 : i32 to index
        %get3A_98 = arith.constant 112 : index
        %get3A_99 = tpu.vector_load %arg9[%get3A_97, %get3A_98] {strides = array<i32>} : memref<400x128xf32, #tpu.memory_space<vmem>>, vector<16xf32>,
        %get3A_100 = arith.index_cast %scan3A_28 : i32 to index
        %get3A_101 = arith.constant 112 : index
        %get3A_102 = tpu.vector_load %arg10[%get3A_100, %get3A_101] {strides = array<i32>} : memref<400x128xf32, #tpu.memory_space<vmem>>, vector<16xf32>,
        %add3A_103 = arith.addf %get3A_99, %get3A_102 : vector<16xf32>
        %swap3A_104 = arith.index_cast %scan3A_28 : i32 to index
        %swap3A_105 = arith.constant 112 : index
        %swap3A_106 = tpu.vector_load %arg9[%swap3A_104, %swap3A_105] {strides = array<i32>} : memref<400x128xf32, #tpu.memory_space<vmem>>, vector<16xf32>,
        tpu.vector_store %arg9[%swap3A_104, %swap3A_105], %add3A_103 {strides = array<i32>} : memref<400x128xf32, #tpu.memory_space<vmem>>, vector<16xf32>,
      }
      %scan3A_27 = arith.constant 400 : i32
      "tpu.region"() ({
        %run_scoped3A = tpu.sem_alloc : memref<!tpu.dma_semaphore, #tpu.memory_space<semaphore_mem>>
        %dma_start3A_28 = arith.constant 0 : i32
        %dma_start3A_29 = tpu.memref_slice %arg6[%add3A_11, %dma_start3A_28] : memref<320000x128xf32, #tpu.memory_space<hbm>> -> memref<400x128xf32, #tpu.memory_space<hbm>>
        %dma_start3A_30 = arith.constant 0 : i32
        %dma_start3A_31 = tpu.memref_slice %arg6[%add3A_11, %dma_start3A_30] : memref<320000x128xf32, #tpu.memory_space<hbm>> -> memref<400x128xf32, #tpu.memory_space<hbm>>
        tpu.enqueue_dma source(%arg9 : memref<400x128xf32, #tpu.memory_space<vmem>>) target(%dma_start3A_31 : memref<400x128xf32, #tpu.memory_space<hbm>>) target_semaphore(%run_scoped3A : memref<!tpu.dma_semaphore, #tpu.memory_space<semaphore_mem>>)
        %dma_wait3A_32 = arith.constant 0 : i32
        %dma_wait3A_33 = tpu.memref_slice %arg6[%add3A_11, %dma_wait3A_32] : memref<320000x128xf32, #tpu.memory_space<hbm>> -> memref<400x128xf32, #tpu.memory_space<hbm>>
        %dma_wait3A_34 = arith.constant 0 : i32
        %dma_wait3A_35 = tpu.memref_slice %arg6[%add3A_11, %dma_wait3A_34] : memref<320000x128xf32, #tpu.memory_space<hbm>> -> memref<400x128xf32, #tpu.memory_space<hbm>>
        tpu.wait_dma2 semaphore(%run_scoped3A : memref<!tpu.dma_semaphore, #tpu.memory_space<semaphore_mem>>) src(%arg9 : memref<400x128xf32, #tpu.memory_space<vmem>>) dst(%dma_wait3A_35 : memref<400x128xf32, #tpu.memory_space<hbm>>)
        tpu.yield
      }) : () -> ()
    }
    %scan3A_7 = arith.constant 25 : i32
    return
  }
}

#map = affine_map<(d0, d1) -> (0)>
#map1 = affine_map<(d0, d1) -> (0, 0)>
#map2 = affine_map<(d0, d1) -> (0, 0, 0)>
module attributes {stable_mosaic.version = 14 : i64} {
  func.func @_k4_body(%arg0: i32, %arg1: i32, %arg2: memref<320000xi32, #tpu.memory_space<hbm>>, %arg3: memref<320000x128xf32, #tpu.memory_space<hbm>>, %arg4: memref<2x10112x128xf32, #tpu.memory_space<hbm>>, %arg5: memref<2000xi32, #tpu.memory_space<vmem>>, %arg6: memref<320xi32, #tpu.memory_space<vmem>>, %arg7: memref<320xi32, #tpu.memory_space<vmem>>, %arg8: memref<320x128xf32, #tpu.memory_space<vmem>>, %arg9: memref<632x128xf32, #tpu.memory_space<vmem>>, %arg10: memref<!tpu.dma_semaphore, #tpu.memory_space<semaphore_mem>>, %arg11: memref<!tpu.dma_semaphore, #tpu.memory_space<semaphore_mem>>) attributes {dimension_semantics = [#tpu.dimension_semantics<core_parallel>, #tpu.dimension_semantics<subcore_parallel>], iteration_bounds = array<i64: 2, 16>, scalar_prefetch = 0 : i64, scratch_operands = 7 : i64, tpu.core_type = #tpu.core_type<sc_vector_subcore>, window_params = [{transform_indices = #map}, {transform_indices = #map1}, {transform_indices = #map2}]} {
    %mul3A = arith.constant 632 : i32
    %mul3A_0 = arith.muli %arg1, %mul3A : i32
    %mul3A_1 = arith.constant 160000 : i32
    %mul3A_2 = arith.muli %arg0, %mul3A_1 : i32
    %iota3A = tpu.iota {dimensions = array<i32: 0>} : vector<16xi32>
    %broadcast_in_dim3A = arith.constant 0.000000e+00 : f32
    %broadcast_in_dim3A_3 = vector.broadcast %broadcast_in_dim3A : f32 to vector<16xf32>
    %scan3A = arith.constant 0 : i32
    %scan3A_4 = arith.constant 0 : i32
    %scan3A_5 = arith.constant 632 : i32
    %scan3A_6 = arith.addi %scan3A_4, %scan3A_5 : i32
    %scan3A_7 = arith.constant 1 : i32
    scf.for %scan3A_73 = %scan3A_4 to %scan3A_6 step %scan3A_7  : i32 {
      %swap3A = arith.index_cast %scan3A_73 : i32 to index
      %swap3A_74 = arith.constant 0 : index
      %swap3A_75 = tpu.vector_load %arg9[%swap3A, %swap3A_74] {strides = array<i32>} : memref<632x128xf32, #tpu.memory_space<vmem>>, vector<16xf32>,
      tpu.vector_store %arg9[%swap3A, %swap3A_74], %broadcast_in_dim3A_3 {strides = array<i32>} : memref<632x128xf32, #tpu.memory_space<vmem>>, vector<16xf32>,
      %swap3A_76 = arith.index_cast %scan3A_73 : i32 to index
      %swap3A_77 = arith.constant 16 : index
      %swap3A_78 = tpu.vector_load %arg9[%swap3A_76, %swap3A_77] {strides = array<i32>} : memref<632x128xf32, #tpu.memory_space<vmem>>, vector<16xf32>,
      tpu.vector_store %arg9[%swap3A_76, %swap3A_77], %broadcast_in_dim3A_3 {strides = array<i32>} : memref<632x128xf32, #tpu.memory_space<vmem>>, vector<16xf32>,
      %swap3A_79 = arith.index_cast %scan3A_73 : i32 to index
      %swap3A_80 = arith.constant 32 : index
      %swap3A_81 = tpu.vector_load %arg9[%swap3A_79, %swap3A_80] {strides = array<i32>} : memref<632x128xf32, #tpu.memory_space<vmem>>, vector<16xf32>,
      tpu.vector_store %arg9[%swap3A_79, %swap3A_80], %broadcast_in_dim3A_3 {strides = array<i32>} : memref<632x128xf32, #tpu.memory_space<vmem>>, vector<16xf32>,
      %swap3A_82 = arith.index_cast %scan3A_73 : i32 to index
      %swap3A_83 = arith.constant 48 : index
      %swap3A_84 = tpu.vector_load %arg9[%swap3A_82, %swap3A_83] {strides = array<i32>} : memref<632x128xf32, #tpu.memory_space<vmem>>, vector<16xf32>,
      tpu.vector_store %arg9[%swap3A_82, %swap3A_83], %broadcast_in_dim3A_3 {strides = array<i32>} : memref<632x128xf32, #tpu.memory_space<vmem>>, vector<16xf32>,
      %swap3A_85 = arith.index_cast %scan3A_73 : i32 to index
      %swap3A_86 = arith.constant 64 : index
      %swap3A_87 = tpu.vector_load %arg9[%swap3A_85, %swap3A_86] {strides = array<i32>} : memref<632x128xf32, #tpu.memory_space<vmem>>, vector<16xf32>,
      tpu.vector_store %arg9[%swap3A_85, %swap3A_86], %broadcast_in_dim3A_3 {strides = array<i32>} : memref<632x128xf32, #tpu.memory_space<vmem>>, vector<16xf32>,
      %swap3A_88 = arith.index_cast %scan3A_73 : i32 to index
      %swap3A_89 = arith.constant 80 : index
      %swap3A_90 = tpu.vector_load %arg9[%swap3A_88, %swap3A_89] {strides = array<i32>} : memref<632x128xf32, #tpu.memory_space<vmem>>, vector<16xf32>,
      tpu.vector_store %arg9[%swap3A_88, %swap3A_89], %broadcast_in_dim3A_3 {strides = array<i32>} : memref<632x128xf32, #tpu.memory_space<vmem>>, vector<16xf32>,
      %swap3A_91 = arith.index_cast %scan3A_73 : i32 to index
      %swap3A_92 = arith.constant 96 : index
      %swap3A_93 = tpu.vector_load %arg9[%swap3A_91, %swap3A_92] {strides = array<i32>} : memref<632x128xf32, #tpu.memory_space<vmem>>, vector<16xf32>,
      tpu.vector_store %arg9[%swap3A_91, %swap3A_92], %broadcast_in_dim3A_3 {strides = array<i32>} : memref<632x128xf32, #tpu.memory_space<vmem>>, vector<16xf32>,
      %swap3A_94 = arith.index_cast %scan3A_73 : i32 to index
      %swap3A_95 = arith.constant 112 : index
      %swap3A_96 = tpu.vector_load %arg9[%swap3A_94, %swap3A_95] {strides = array<i32>} : memref<632x128xf32, #tpu.memory_space<vmem>>, vector<16xf32>,
      tpu.vector_store %arg9[%swap3A_94, %swap3A_95], %broadcast_in_dim3A_3 {strides = array<i32>} : memref<632x128xf32, #tpu.memory_space<vmem>>, vector<16xf32>,
    }
    %scan3A_8 = arith.constant 632 : i32
    %scan3A_9 = arith.constant 0 : i32
    %scan3A_10 = arith.constant 0 : i32
    %scan3A_11 = arith.constant 20 : i32
    %scan3A_12 = arith.addi %scan3A_10, %scan3A_11 : i32
    %scan3A_13 = arith.constant 1 : i32
    scf.for %scan3A_73 = %scan3A_10 to %scan3A_12 step %scan3A_13  : i32 {
      %broadcast_in_dim3A_74 = arith.constant 0 : i32
      %broadcast_in_dim3A_75 = vector.broadcast %broadcast_in_dim3A_74 : i32 to vector<16xi32>
      %mul3A_76 = arith.constant 16 : i32
      %mul3A_77 = arith.muli %scan3A_73, %mul3A_76 : i32
      %swap3A = arith.index_cast %mul3A_77 : i32 to index
      %swap3A_78 = tpu.vector_load %arg6[%swap3A] {strides = array<i32>} : memref<320xi32, #tpu.memory_space<vmem>>, vector<16xi32>,
      tpu.vector_store %arg6[%swap3A], %broadcast_in_dim3A_75 {strides = array<i32>} : memref<320xi32, #tpu.memory_space<vmem>>, vector<16xi32>,
    }
    %scan3A_14 = arith.constant 20 : i32
    %scan3A_15 = arith.constant 0 : i32
    %scan3A_16 = arith.constant 0 : i32
    %scan3A_17 = arith.constant 80 : i32
    %scan3A_18 = arith.addi %scan3A_16, %scan3A_17 : i32
    %scan3A_19 = arith.constant 1 : i32
    %scan3A_20 = scf.for %scan3A_73 = %scan3A_16 to %scan3A_18 step %scan3A_19 iter_args(%scan3A_74 = %scan3A_15) -> (i32)  : i32 {
      %mul3A_75 = arith.constant 2000 : i32
      %mul3A_76 = arith.muli %scan3A_73, %mul3A_75 : i32
      %add3A = arith.addi %mul3A_2, %mul3A_76 : i32
      "tpu.region"() ({
        %run_scoped3A = tpu.sem_alloc : memref<!tpu.dma_semaphore, #tpu.memory_space<semaphore_mem>>
        %dma_start3A_83 = tpu.memref_slice %arg2[%add3A] : memref<320000xi32, #tpu.memory_space<hbm>> -> memref<2000xi32, #tpu.memory_space<hbm>>
        %dma_start3A_84 = tpu.memref_slice %arg2[%add3A] : memref<320000xi32, #tpu.memory_space<hbm>> -> memref<2000xi32, #tpu.memory_space<hbm>>
        tpu.enqueue_dma source(%dma_start3A_84 : memref<2000xi32, #tpu.memory_space<hbm>>) target(%arg5 : memref<2000xi32, #tpu.memory_space<vmem>>) target_semaphore(%run_scoped3A : memref<!tpu.dma_semaphore, #tpu.memory_space<semaphore_mem>>)
        %dma_wait3A_85 = tpu.memref_slice %arg2[%add3A] : memref<320000xi32, #tpu.memory_space<hbm>> -> memref<2000xi32, #tpu.memory_space<hbm>>
        %dma_wait3A_86 = tpu.memref_slice %arg2[%add3A] : memref<320000xi32, #tpu.memory_space<hbm>> -> memref<2000xi32, #tpu.memory_space<hbm>>
        tpu.wait_dma2 semaphore(%run_scoped3A : memref<!tpu.dma_semaphore, #tpu.memory_space<semaphore_mem>>) src(%dma_wait3A_86 : memref<2000xi32, #tpu.memory_space<hbm>>) dst(%arg5 : memref<2000xi32, #tpu.memory_space<vmem>>)
        tpu.yield
      }) : () -> ()
      %scan3A_77 = arith.constant 0 : i32
      %scan3A_78 = arith.constant 125 : i32
      %scan3A_79 = arith.addi %scan3A_77, %scan3A_78 : i32
      %scan3A_80 = arith.constant 5 : i32
      %scan3A_81 = scf.for %scan3A_83 = %scan3A_77 to %scan3A_79 step %scan3A_80 iter_args(%scan3A_84 = %scan3A_74) -> (i32)  : i32 {
        %mul3A_85 = arith.constant 16 : i32
        %mul3A_86 = arith.muli %scan3A_83, %mul3A_85 : i32
        %get3A = arith.index_cast %mul3A_86 : i32 to index
        %get3A_87 = tpu.vector_load %arg5[%get3A] {strides = array<i32>} : memref<2000xi32, #tpu.memory_space<vmem>>, vector<16xi32>,
        %ge3A = vector.broadcast %mul3A_0 : i32 to vector<16xi32>
        %ge3A_88 = arith.cmpi sge, %get3A_87, %ge3A : vector<16xi32>
        %add3A_89 = arith.constant 632 : i32
        %add3A_90 = arith.addi %mul3A_0, %add3A_89 : i32
        %lt3A = vector.broadcast %add3A_90 : i32 to vector<16xi32>
        %lt3A_91 = arith.cmpi slt, %get3A_87, %lt3A : vector<16xi32>
        %and3A = arith.andi %ge3A_88, %lt3A_91 : vector<16xi1>
        %jit3A = arith.constant 1 : i32
        %jit3A_92 = arith.constant 0 : i32
        %broadcast_in_dim3A_93 = vector.broadcast %jit3A : i32 to vector<16xi32>
        %broadcast_in_dim3A_94 = vector.broadcast %jit3A_92 : i32 to vector<16xi32>
        %select_n3A = arith.select %and3A, %broadcast_in_dim3A_93, %broadcast_in_dim3A_94 : vector<16xi1>, vector<16xi32>
        %broadcast_in_dim3A_95 = arith.constant true
        %broadcast_in_dim3A_96 = vector.broadcast %broadcast_in_dim3A_95 : i1 to vector<16xi1>
        %masked_cumsum3A = tpu.scan <sum>, %select_n3A masked %broadcast_in_dim3A_96 : vector<16xi32>, vector<16xi1> -> vector<16xi32>
        %sub3A = arith.constant 1 : i32
        %sub3A_97 = vector.broadcast %sub3A : i32 to vector<16xi32>
        %sub3A_98 = arith.subi %masked_cumsum3A, %sub3A_97 : vector<16xi32>
        %add3A_99 = vector.broadcast %scan3A_84 : i32 to vector<16xi32>
        %add3A_100 = arith.addi %sub3A_98, %add3A_99 : vector<16xi32>
        %mul3A_101 = arith.constant 16 : i32
        %mul3A_102 = arith.muli %scan3A_83, %mul3A_101 : i32
        %add3A_103 = arith.addi %add3A, %mul3A_102 : i32
        %add3A_104 = vector.broadcast %add3A_103 : i32 to vector<16xi32>
        %add3A_105 = arith.addi %add3A_104, %iota3A : vector<16xi32>
        tpu.vector_store_idx %arg6[%add3A_100], %add3A_105 masked %and3A : memref<320xi32, #tpu.memory_space<vmem>>[vector<16xi32>], vector<16xi32>, vector<16xi1>
        tpu.vector_store_idx %arg7[%add3A_100], %get3A_87 masked %and3A : memref<320xi32, #tpu.memory_space<vmem>>[vector<16xi32>], vector<16xi32>, vector<16xi1>
        %all_reduce_population_count3A = tpu.all_reduce %and3A {dim = 0 : i64, kind = #tpu.reduction_kind<sum>} : vector<16xi1> -> vector<16xi32>
        %slice3A = vector.extract_strided_slice %all_reduce_population_count3A {offsets = [0], sizes = [1], strides = [1]} : vector<16xi32> to vector<1xi32>
        %squeeze3A = vector.extract %slice3A[0] : i32 from vector<1xi32>
        %add3A_106 = arith.addi %scan3A_84, %squeeze3A : i32
        %ge3A_107 = arith.constant 304 : i32
        %ge3A_108 = arith.cmpi sge, %add3A_106, %ge3A_107 : i32
        %convert_element_type3A = arith.extui %ge3A_108 : i1 to i32
        %cond3A = arith.constant 0 : i32
        %cond3A_109 = arith.cmpi ne, %convert_element_type3A, %cond3A : i32
        %cond3A_110 = scf.if %cond3A_109 -> (i32) {
          %dma_start3A_275 = arith.constant 0 : i32
          %dma_start3A_276 = arith.constant 0 : i32
          %dma_start3A_277 = tpu.memref_slice %arg8[%dma_start3A_275, %dma_start3A_276] : memref<320x128xf32, #tpu.memory_space<vmem>> -> memref<160x128xf32, #tpu.memory_space<vmem>>
          %dma_start3A_278 = arith.constant 0 : i32
          %dma_start3A_279 = tpu.memref_slice %arg6[%dma_start3A_278] : memref<320xi32, #tpu.memory_space<vmem>> -> memref<160xi32, #tpu.memory_space<vmem>>
          %dma_start3A_280 = arith.constant 0 : i32
          %dma_start3A_281 = arith.constant 0 : i32
          %dma_start3A_282 = tpu.memref_slice %arg3[%dma_start3A_280, %dma_start3A_281] : memref<320000x128xf32, #tpu.memory_space<hbm>> -> memref<320000x128xf32, #tpu.memory_space<hbm>>
          tpu.enqueue_indirect_dma source(%dma_start3A_282 : memref<320000x128xf32, #tpu.memory_space<hbm>>) target(%dma_start3A_277 : memref<160x128xf32, #tpu.memory_space<vmem>>) offsets(%dma_start3A_279 : memref<160xi32, #tpu.memory_space<vmem>>) semaphore(%arg10 : memref<!tpu.dma_semaphore, #tpu.memory_space<semaphore_mem>>)
          %dma_start3A_283 = arith.constant 160 : i32
          %dma_start3A_284 = arith.constant 0 : i32
          %dma_start3A_285 = tpu.memref_slice %arg8[%dma_start3A_283, %dma_start3A_284] : memref<320x128xf32, #tpu.memory_space<vmem>> -> memref<160x128xf32, #tpu.memory_space<vmem>>
          %dma_start3A_286 = arith.constant 160 : i32
          %dma_start3A_287 = tpu.memref_slice %arg6[%dma_start3A_286] : memref<320xi32, #tpu.memory_space<vmem>> -> memref<160xi32, #tpu.memory_space<vmem>>
          %dma_start3A_288 = arith.constant 0 : i32
          %dma_start3A_289 = arith.constant 0 : i32
          %dma_start3A_290 = tpu.memref_slice %arg3[%dma_start3A_288, %dma_start3A_289] : memref<320000x128xf32, #tpu.memory_space<hbm>> -> memref<320000x128xf32, #tpu.memory_space<hbm>>
          tpu.enqueue_indirect_dma source(%dma_start3A_290 : memref<320000x128xf32, #tpu.memory_space<hbm>>) target(%dma_start3A_285 : memref<160x128xf32, #tpu.memory_space<vmem>>) offsets(%dma_start3A_287 : memref<160xi32, #tpu.memory_space<vmem>>) semaphore(%arg11 : memref<!tpu.dma_semaphore, #tpu.memory_space<semaphore_mem>>)
          %dma_wait3A_291 = arith.constant 0 : i32
          %dma_wait3A_292 = arith.constant 0 : i32
          %dma_wait3A_293 = tpu.memref_slice %arg8[%dma_wait3A_291, %dma_wait3A_292] : memref<320x128xf32, #tpu.memory_space<vmem>> -> memref<160x128xf32, #tpu.memory_space<vmem>>
          %dma_wait3A_294 = arith.constant 0 : i32
          %dma_wait3A_295 = tpu.memref_slice %arg6[%dma_wait3A_294] : memref<320xi32, #tpu.memory_space<vmem>> -> memref<160xi32, #tpu.memory_space<vmem>>
          %dma_wait3A_296 = arith.constant 0 : i32
          %dma_wait3A_297 = arith.constant 0 : i32
          %dma_wait3A_298 = tpu.memref_slice %arg3[%dma_wait3A_296, %dma_wait3A_297] : memref<320000x128xf32, #tpu.memory_space<hbm>> -> memref<320000x128xf32, #tpu.memory_space<hbm>>
          tpu.wait_indirect_dma semaphore(%arg10 : memref<!tpu.dma_semaphore, #tpu.memory_space<semaphore_mem>>) src(%dma_wait3A_298 : memref<320000x128xf32, #tpu.memory_space<hbm>>) dst(%dma_wait3A_293 : memref<160x128xf32, #tpu.memory_space<vmem>>)
          %min3A_299 = arith.constant 160 : i32
          %min3A_300 = arith.minsi %add3A_106, %min3A_299 : i32
          %while3A_301 = arith.constant 0 : i32
          %while3A_302 = arith.constant 0 : i32
          %while3A_303 = arith.subi %min3A_300, %while3A_302 : i32
          %while3A_304 = arith.addi %while3A_302, %while3A_303 : i32
          %while3A_305 = arith.constant 1 : i32
          %while3A_306 = arith.divsi %while3A_303, %while3A_305 : i32
          %while3A_307 = arith.muli %while3A_306, %while3A_305 : i32
          %while3A_308 = arith.addi %while3A_302, %while3A_307 : i32
          %while3A_309 = arith.constant 1 : i32
          scf.for %while3A_332 = %while3A_302 to %while3A_308 step %while3A_309  : i32 {
            %broadcast_in_dim3A_333 = vector.broadcast %while3A_332 : i32 to vector<16xi32>
            %gather3A = tpu.vector_load_idx %arg7[%broadcast_in_dim3A_333] : memref<320xi32, #tpu.memory_space<vmem>>[vector<16xi32>], vector<16xi32>,
            %sub3A_334 = vector.broadcast %mul3A_0 : i32 to vector<16xi32>
            %sub3A_335 = arith.subi %gather3A, %sub3A_334 : vector<16xi32>
            %broadcast_in_dim3A_336 = arith.constant 0 : i32
            %broadcast_in_dim3A_337 = vector.broadcast %broadcast_in_dim3A_336 : i32 to vector<16xi32>
            %add3A_338 = arith.addi %broadcast_in_dim3A_337, %iota3A : vector<16xi32>
            %gather3A_339 = tpu.vector_load_idx %arg9[%sub3A_335, %add3A_338] : memref<632x128xf32, #tpu.memory_space<vmem>>[vector<16xi32>, vector<16xi32>], vector<16xf32>,
            %get3A_340 = arith.index_cast %while3A_332 : i32 to index
            %get3A_341 = arith.constant 0 : index
            %get3A_342 = tpu.vector_load %arg8[%get3A_340, %get3A_341] {strides = array<i32>} : memref<320x128xf32, #tpu.memory_space<vmem>>, vector<16xf32>,
            %max3A_343 = arith.maximumf %gather3A_339, %get3A_342 : vector<16xf32>
            tpu.vector_store_idx %arg9[%sub3A_335, %add3A_338], %max3A_343 : memref<632x128xf32, #tpu.memory_space<vmem>>[vector<16xi32>, vector<16xi32>], vector<16xf32>,
            %broadcast_in_dim3A_344 = arith.constant 16 : i32
            %broadcast_in_dim3A_345 = vector.broadcast %broadcast_in_dim3A_344 : i32 to vector<16xi32>
            %add3A_346 = arith.addi %broadcast_in_dim3A_345, %iota3A : vector<16xi32>
            %gather3A_347 = tpu.vector_load_idx %arg9[%sub3A_335, %add3A_346] : memref<632x128xf32, #tpu.memory_space<vmem>>[vector<16xi32>, vector<16xi32>], vector<16xf32>,
            %get3A_348 = arith.index_cast %while3A_332 : i32 to index
            %get3A_349 = arith.constant 16 : index
            %get3A_350 = tpu.vector_load %arg8[%get3A_348, %get3A_349] {strides = array<i32>} : memref<320x128xf32, #tpu.memory_space<vmem>>, vector<16xf32>,
            %max3A_351 = arith.maximumf %gather3A_347, %get3A_350 : vector<16xf32>
            tpu.vector_store_idx %arg9[%sub3A_335, %add3A_346], %max3A_351 : memref<632x128xf32, #tpu.memory_space<vmem>>[vector<16xi32>, vector<16xi32>], vector<16xf32>,
            %broadcast_in_dim3A_352 = arith.constant 32 : i32
            %broadcast_in_dim3A_353 = vector.broadcast %broadcast_in_dim3A_352 : i32 to vector<16xi32>
            %add3A_354 = arith.addi %broadcast_in_dim3A_353, %iota3A : vector<16xi32>
            %gather3A_355 = tpu.vector_load_idx %arg9[%sub3A_335, %add3A_354] : memref<632x128xf32, #tpu.memory_space<vmem>>[vector<16xi32>, vector<16xi32>], vector<16xf32>,
            %get3A_356 = arith.index_cast %while3A_332 : i32 to index
            %get3A_357 = arith.constant 32 : index
            %get3A_358 = tpu.vector_load %arg8[%get3A_356, %get3A_357] {strides = array<i32>} : memref<320x128xf32, #tpu.memory_space<vmem>>, vector<16xf32>,
            %max3A_359 = arith.maximumf %gather3A_355, %get3A_358 : vector<16xf32>
            tpu.vector_store_idx %arg9[%sub3A_335, %add3A_354], %max3A_359 : memref<632x128xf32, #tpu.memory_space<vmem>>[vector<16xi32>, vector<16xi32>], vector<16xf32>,
            %broadcast_in_dim3A_360 = arith.constant 48 : i32
            %broadcast_in_dim3A_361 = vector.broadcast %broadcast_in_dim3A_360 : i32 to vector<16xi32>
            %add3A_362 = arith.addi %broadcast_in_dim3A_361, %iota3A : vector<16xi32>
            %gather3A_363 = tpu.vector_load_idx %arg9[%sub3A_335, %add3A_362] : memref<632x128xf32, #tpu.memory_space<vmem>>[vector<16xi32>, vector<16xi32>], vector<16xf32>,
            %get3A_364 = arith.index_cast %while3A_332 : i32 to index
            %get3A_365 = arith.constant 48 : index
            %get3A_366 = tpu.vector_load %arg8[%get3A_364, %get3A_365] {strides = array<i32>} : memref<320x128xf32, #tpu.memory_space<vmem>>, vector<16xf32>,
            %max3A_367 = arith.maximumf %gather3A_363, %get3A_366 : vector<16xf32>
            tpu.vector_store_idx %arg9[%sub3A_335, %add3A_362], %max3A_367 : memref<632x128xf32, #tpu.memory_space<vmem>>[vector<16xi32>, vector<16xi32>], vector<16xf32>,
            %broadcast_in_dim3A_368 = arith.constant 64 : i32
            %broadcast_in_dim3A_369 = vector.broadcast %broadcast_in_dim3A_368 : i32 to vector<16xi32>
            %add3A_370 = arith.addi %broadcast_in_dim3A_369, %iota3A : vector<16xi32>
            %gather3A_371 = tpu.vector_load_idx %arg9[%sub3A_335, %add3A_370] : memref<632x128xf32, #tpu.memory_space<vmem>>[vector<16xi32>, vector<16xi32>], vector<16xf32>,
            %get3A_372 = arith.index_cast %while3A_332 : i32 to index
            %get3A_373 = arith.constant 64 : index
            %get3A_374 = tpu.vector_load %arg8[%get3A_372, %get3A_373] {strides = array<i32>} : memref<320x128xf32, #tpu.memory_space<vmem>>, vector<16xf32>,
            %max3A_375 = arith.maximumf %gather3A_371, %get3A_374 : vector<16xf32>
            tpu.vector_store_idx %arg9[%sub3A_335, %add3A_370], %max3A_375 : memref<632x128xf32, #tpu.memory_space<vmem>>[vector<16xi32>, vector<16xi32>], vector<16xf32>,
            %broadcast_in_dim3A_376 = arith.constant 80 : i32
            %broadcast_in_dim3A_377 = vector.broadcast %broadcast_in_dim3A_376 : i32 to vector<16xi32>
            %add3A_378 = arith.addi %broadcast_in_dim3A_377, %iota3A : vector<16xi32>
            %gather3A_379 = tpu.vector_load_idx %arg9[%sub3A_335, %add3A_378] : memref<632x128xf32, #tpu.memory_space<vmem>>[vector<16xi32>, vector<16xi32>], vector<16xf32>,
            %get3A_380 = arith.index_cast %while3A_332 : i32 to index
            %get3A_381 = arith.constant 80 : index
            %get3A_382 = tpu.vector_load %arg8[%get3A_380, %get3A_381] {strides = array<i32>} : memref<320x128xf32, #tpu.memory_space<vmem>>, vector<16xf32>,
            %max3A_383 = arith.maximumf %gather3A_379, %get3A_382 : vector<16xf32>
            tpu.vector_store_idx %arg9[%sub3A_335, %add3A_378], %max3A_383 : memref<632x128xf32, #tpu.memory_space<vmem>>[vector<16xi32>, vector<16xi32>], vector<16xf32>,
            %broadcast_in_dim3A_384 = arith.constant 96 : i32
            %broadcast_in_dim3A_385 = vector.broadcast %broadcast_in_dim3A_384 : i32 to vector<16xi32>
            %add3A_386 = arith.addi %broadcast_in_dim3A_385, %iota3A : vector<16xi32>
            %gather3A_387 = tpu.vector_load_idx %arg9[%sub3A_335, %add3A_386] : memref<632x128xf32, #tpu.memory_space<vmem>>[vector<16xi32>, vector<16xi32>], vector<16xf32>,
            %get3A_388 = arith.index_cast %while3A_332 : i32 to index
            %get3A_389 = arith.constant 96 : index
            %get3A_390 = tpu.vector_load %arg8[%get3A_388, %get3A_389] {strides = array<i32>} : memref<320x128xf32, #tpu.memory_space<vmem>>, vector<16xf32>,
            %max3A_391 = arith.maximumf %gather3A_387, %get3A_390 : vector<16xf32>
            tpu.vector_store_idx %arg9[%sub3A_335, %add3A_386], %max3A_391 : memref<632x128xf32, #tpu.memory_space<vmem>>[vector<16xi32>, vector<16xi32>], vector<16xf32>,
            %broadcast_in_dim3A_392 = arith.constant 112 : i32
            %broadcast_in_dim3A_393 = vector.broadcast %broadcast_in_dim3A_392 : i32 to vector<16xi32>
            %add3A_394 = arith.addi %broadcast_in_dim3A_393, %iota3A : vector<16xi32>
            %gather3A_395 = tpu.vector_load_idx %arg9[%sub3A_335, %add3A_394] : memref<632x128xf32, #tpu.memory_space<vmem>>[vector<16xi32>, vector<16xi32>], vector<16xf32>,
            %get3A_396 = arith.index_cast %while3A_332 : i32 to index
            %get3A_397 = arith.constant 112 : index
            %get3A_398 = tpu.vector_load %arg8[%get3A_396, %get3A_397] {strides = array<i32>} : memref<320x128xf32, #tpu.memory_space<vmem>>, vector<16xf32>,
            %max3A_399 = arith.maximumf %gather3A_395, %get3A_398 : vector<16xf32>
            tpu.vector_store_idx %arg9[%sub3A_335, %add3A_394], %max3A_399 : memref<632x128xf32, #tpu.memory_space<vmem>>[vector<16xi32>, vector<16xi32>], vector<16xf32>,
          }
          %while3A_310 = arith.constant 1 : i32
          scf.for %while3A_332 = %while3A_308 to %while3A_304 step %while3A_310  : i32 {
            %broadcast_in_dim3A_333 = vector.broadcast %while3A_332 : i32 to vector<16xi32>
            %gather3A = tpu.vector_load_idx %arg7[%broadcast_in_dim3A_333] : memref<320xi32, #tpu.memory_space<vmem>>[vector<16xi32>], vector<16xi32>,
            %sub3A_334 = vector.broadcast %mul3A_0 : i32 to vector<16xi32>
            %sub3A_335 = arith.subi %gather3A, %sub3A_334 : vector<16xi32>
            %broadcast_in_dim3A_336 = arith.constant 0 : i32
            %broadcast_in_dim3A_337 = vector.broadcast %broadcast_in_dim3A_336 : i32 to vector<16xi32>
            %add3A_338 = arith.addi %broadcast_in_dim3A_337, %iota3A : vector<16xi32>
            %gather3A_339 = tpu.vector_load_idx %arg9[%sub3A_335, %add3A_338] : memref<632x128xf32, #tpu.memory_space<vmem>>[vector<16xi32>, vector<16xi32>], vector<16xf32>,
            %get3A_340 = arith.index_cast %while3A_332 : i32 to index
            %get3A_341 = arith.constant 0 : index
            %get3A_342 = tpu.vector_load %arg8[%get3A_340, %get3A_341] {strides = array<i32>} : memref<320x128xf32, #tpu.memory_space<vmem>>, vector<16xf32>,
            %max3A_343 = arith.maximumf %gather3A_339, %get3A_342 : vector<16xf32>
            tpu.vector_store_idx %arg9[%sub3A_335, %add3A_338], %max3A_343 : memref<632x128xf32, #tpu.memory_space<vmem>>[vector<16xi32>, vector<16xi32>], vector<16xf32>,
            %broadcast_in_dim3A_344 = arith.constant 16 : i32
            %broadcast_in_dim3A_345 = vector.broadcast %broadcast_in_dim3A_344 : i32 to vector<16xi32>
            %add3A_346 = arith.addi %broadcast_in_dim3A_345, %iota3A : vector<16xi32>
            %gather3A_347 = tpu.vector_load_idx %arg9[%sub3A_335, %add3A_346] : memref<632x128xf32, #tpu.memory_space<vmem>>[vector<16xi32>, vector<16xi32>], vector<16xf32>,
            %get3A_348 = arith.index_cast %while3A_332 : i32 to index
            %get3A_349 = arith.constant 16 : index
            %get3A_350 = tpu.vector_load %arg8[%get3A_348, %get3A_349] {strides = array<i32>} : memref<320x128xf32, #tpu.memory_space<vmem>>, vector<16xf32>,
            %max3A_351 = arith.maximumf %gather3A_347, %get3A_350 : vector<16xf32>
            tpu.vector_store_idx %arg9[%sub3A_335, %add3A_346], %max3A_351 : memref<632x128xf32, #tpu.memory_space<vmem>>[vector<16xi32>, vector<16xi32>], vector<16xf32>,
            %broadcast_in_dim3A_352 = arith.constant 32 : i32
            %broadcast_in_dim3A_353 = vector.broadcast %broadcast_in_dim3A_352 : i32 to vector<16xi32>
            %add3A_354 = arith.addi %broadcast_in_dim3A_353, %iota3A : vector<16xi32>
            %gather3A_355 = tpu.vector_load_idx %arg9[%sub3A_335, %add3A_354] : memref<632x128xf32, #tpu.memory_space<vmem>>[vector<16xi32>, vector<16xi32>], vector<16xf32>,
            %get3A_356 = arith.index_cast %while3A_332 : i32 to index
            %get3A_357 = arith.constant 32 : index
            %get3A_358 = tpu.vector_load %arg8[%get3A_356, %get3A_357] {strides = array<i32>} : memref<320x128xf32, #tpu.memory_space<vmem>>, vector<16xf32>,
            %max3A_359 = arith.maximumf %gather3A_355, %get3A_358 : vector<16xf32>
            tpu.vector_store_idx %arg9[%sub3A_335, %add3A_354], %max3A_359 : memref<632x128xf32, #tpu.memory_space<vmem>>[vector<16xi32>, vector<16xi32>], vector<16xf32>,
            %broadcast_in_dim3A_360 = arith.constant 48 : i32
            %broadcast_in_dim3A_361 = vector.broadcast %broadcast_in_dim3A_360 : i32 to vector<16xi32>
            %add3A_362 = arith.addi %broadcast_in_dim3A_361, %iota3A : vector<16xi32>
            %gather3A_363 = tpu.vector_load_idx %arg9[%sub3A_335, %add3A_362] : memref<632x128xf32, #tpu.memory_space<vmem>>[vector<16xi32>, vector<16xi32>], vector<16xf32>,
            %get3A_364 = arith.index_cast %while3A_332 : i32 to index
            %get3A_365 = arith.constant 48 : index
            %get3A_366 = tpu.vector_load %arg8[%get3A_364, %get3A_365] {strides = array<i32>} : memref<320x128xf32, #tpu.memory_space<vmem>>, vector<16xf32>,
            %max3A_367 = arith.maximumf %gather3A_363, %get3A_366 : vector<16xf32>
            tpu.vector_store_idx %arg9[%sub3A_335, %add3A_362], %max3A_367 : memref<632x128xf32, #tpu.memory_space<vmem>>[vector<16xi32>, vector<16xi32>], vector<16xf32>,
            %broadcast_in_dim3A_368 = arith.constant 64 : i32
            %broadcast_in_dim3A_369 = vector.broadcast %broadcast_in_dim3A_368 : i32 to vector<16xi32>
            %add3A_370 = arith.addi %broadcast_in_dim3A_369, %iota3A : vector<16xi32>
            %gather3A_371 = tpu.vector_load_idx %arg9[%sub3A_335, %add3A_370] : memref<632x128xf32, #tpu.memory_space<vmem>>[vector<16xi32>, vector<16xi32>], vector<16xf32>,
            %get3A_372 = arith.index_cast %while3A_332 : i32 to index
            %get3A_373 = arith.constant 64 : index
            %get3A_374 = tpu.vector_load %arg8[%get3A_372, %get3A_373] {strides = array<i32>} : memref<320x128xf32, #tpu.memory_space<vmem>>, vector<16xf32>,
            %max3A_375 = arith.maximumf %gather3A_371, %get3A_374 : vector<16xf32>
            tpu.vector_store_idx %arg9[%sub3A_335, %add3A_370], %max3A_375 : memref<632x128xf32, #tpu.memory_space<vmem>>[vector<16xi32>, vector<16xi32>], vector<16xf32>,
            %broadcast_in_dim3A_376 = arith.constant 80 : i32
            %broadcast_in_dim3A_377 = vector.broadcast %broadcast_in_dim3A_376 : i32 to vector<16xi32>
            %add3A_378 = arith.addi %broadcast_in_dim3A_377, %iota3A : vector<16xi32>
            %gather3A_379 = tpu.vector_load_idx %arg9[%sub3A_335, %add3A_378] : memref<632x128xf32, #tpu.memory_space<vmem>>[vector<16xi32>, vector<16xi32>], vector<16xf32>,
            %get3A_380 = arith.index_cast %while3A_332 : i32 to index
            %get3A_381 = arith.constant 80 : index
            %get3A_382 = tpu.vector_load %arg8[%get3A_380, %get3A_381] {strides = array<i32>} : memref<320x128xf32, #tpu.memory_space<vmem>>, vector<16xf32>,
            %max3A_383 = arith.maximumf %gather3A_379, %get3A_382 : vector<16xf32>
            tpu.vector_store_idx %arg9[%sub3A_335, %add3A_378], %max3A_383 : memref<632x128xf32, #tpu.memory_space<vmem>>[vector<16xi32>, vector<16xi32>], vector<16xf32>,
            %broadcast_in_dim3A_384 = arith.constant 96 : i32
            %broadcast_in_dim3A_385 = vector.broadcast %broadcast_in_dim3A_384 : i32 to vector<16xi32>
            %add3A_386 = arith.addi %broadcast_in_dim3A_385, %iota3A : vector<16xi32>
            %gather3A_387 = tpu.vector_load_idx %arg9[%sub3A_335, %add3A_386] : memref<632x128xf32, #tpu.memory_space<vmem>>[vector<16xi32>, vector<16xi32>], vector<16xf32>,
            %get3A_388 = arith.index_cast %while3A_332 : i32 to index
            %get3A_389 = arith.constant 96 : index
            %get3A_390 = tpu.vector_load %arg8[%get3A_388, %get3A_389] {strides = array<i32>} : memref<320x128xf32, #tpu.memory_space<vmem>>, vector<16xf32>,
            %max3A_391 = arith.maximumf %gather3A_387, %get3A_390 : vector<16xf32>
            tpu.vector_store_idx %arg9[%sub3A_335, %add3A_386], %max3A_391 : memref<632x128xf32, #tpu.memory_space<vmem>>[vector<16xi32>, vector<16xi32>], vector<16xf32>,
            %broadcast_in_dim3A_392 = arith.constant 112 : i32
            %broadcast_in_dim3A_393 = vector.broadcast %broadcast_in_dim3A_392 : i32 to vector<16xi32>
            %add3A_394 = arith.addi %broadcast_in_dim3A_393, %iota3A : vector<16xi32>
            %gather3A_395 = tpu.vector_load_idx %arg9[%sub3A_335, %add3A_394] : memref<632x128xf32, #tpu.memory_space<vmem>>[vector<16xi32>, vector<16xi32>], vector<16xf32>,
            %get3A_396 = arith.index_cast %while3A_332 : i32 to index
            %get3A_397 = arith.constant 112 : index
            %get3A_398 = tpu.vector_load %arg8[%get3A_396, %get3A_397] {strides = array<i32>} : memref<320x128xf32, #tpu.memory_space<vmem>>, vector<16xf32>,
            %max3A_399 = arith.maximumf %gather3A_395, %get3A_398 : vector<16xf32>
            tpu.vector_store_idx %arg9[%sub3A_335, %add3A_394], %max3A_399 : memref<632x128xf32, #tpu.memory_space<vmem>>[vector<16xi32>, vector<16xi32>], vector<16xf32>,
          }
          %dma_wait3A_311 = arith.constant 160 : i32
          %dma_wait3A_312 = arith.constant 0 : i32
          %dma_wait3A_313 = tpu.memref_slice %arg8[%dma_wait3A_311, %dma_wait3A_312] : memref<320x128xf32, #tpu.memory_space<vmem>> -> memref<160x128xf32, #tpu.memory_space<vmem>>
          %dma_wait3A_314 = arith.constant 160 : i32
          %dma_wait3A_315 = tpu.memref_slice %arg6[%dma_wait3A_314] : memref<320xi32, #tpu.memory_space<vmem>> -> memref<160xi32, #tpu.memory_space<vmem>>
          %dma_wait3A_316 = arith.constant 0 : i32
          %dma_wait3A_317 = arith.constant 0 : i32
          %dma_wait3A_318 = tpu.memref_slice %arg3[%dma_wait3A_316, %dma_wait3A_317] : memref<320000x128xf32, #tpu.memory_space<hbm>> -> memref<320000x128xf32, #tpu.memory_space<hbm>>
          tpu.wait_indirect_dma semaphore(%arg11 : memref<!tpu.dma_semaphore, #tpu.memory_space<semaphore_mem>>) src(%dma_wait3A_318 : memref<320000x128xf32, #tpu.memory_space<hbm>>) dst(%dma_wait3A_313 : memref<160x128xf32, #tpu.memory_space<vmem>>)
          %max3A_319 = arith.constant 160 : i32
          %max3A_320 = arith.maxsi %add3A_106, %max3A_319 : i32
          %while3A_321 = arith.constant 0 : i32
          %while3A_322 = arith.constant 160 : i32
          %while3A_323 = arith.subi %max3A_320, %while3A_322 : i32
          %while3A_324 = arith.addi %while3A_322, %while3A_323 : i32
          %while3A_325 = arith.constant 1 : i32
          %while3A_326 = arith.divsi %while3A_323, %while3A_325 : i32
          %while3A_327 = arith.muli %while3A_326, %while3A_325 : i32
          %while3A_328 = arith.addi %while3A_322, %while3A_327 : i32
          %while3A_329 = arith.constant 1 : i32
          scf.for %while3A_332 = %while3A_322 to %while3A_328 step %while3A_329  : i32 {
            %broadcast_in_dim3A_333 = vector.broadcast %while3A_332 : i32 to vector<16xi32>
            %gather3A = tpu.vector_load_idx %arg7[%broadcast_in_dim3A_333] : memref<320xi32, #tpu.memory_space<vmem>>[vector<16xi32>], vector<16xi32>,
            %sub3A_334 = vector.broadcast %mul3A_0 : i32 to vector<16xi32>
            %sub3A_335 = arith.subi %gather3A, %sub3A_334 : vector<16xi32>
            %broadcast_in_dim3A_336 = arith.constant 0 : i32
            %broadcast_in_dim3A_337 = vector.broadcast %broadcast_in_dim3A_336 : i32 to vector<16xi32>
            %add3A_338 = arith.addi %broadcast_in_dim3A_337, %iota3A : vector<16xi32>
            %gather3A_339 = tpu.vector_load_idx %arg9[%sub3A_335, %add3A_338] : memref<632x128xf32, #tpu.memory_space<vmem>>[vector<16xi32>, vector<16xi32>], vector<16xf32>,
            %get3A_340 = arith.index_cast %while3A_332 : i32 to index
            %get3A_341 = arith.constant 0 : index
            %get3A_342 = tpu.vector_load %arg8[%get3A_340, %get3A_341] {strides = array<i32>} : memref<320x128xf32, #tpu.memory_space<vmem>>, vector<16xf32>,
            %max3A_343 = arith.maximumf %gather3A_339, %get3A_342 : vector<16xf32>
            tpu.vector_store_idx %arg9[%sub3A_335, %add3A_338], %max3A_343 : memref<632x128xf32, #tpu.memory_space<vmem>>[vector<16xi32>, vector<16xi32>], vector<16xf32>,
            %broadcast_in_dim3A_344 = arith.constant 16 : i32
            %broadcast_in_dim3A_345 = vector.broadcast %broadcast_in_dim3A_344 : i32 to vector<16xi32>
            %add3A_346 = arith.addi %broadcast_in_dim3A_345, %iota3A : vector<16xi32>
            %gather3A_347 = tpu.vector_load_idx %arg9[%sub3A_335, %add3A_346] : memref<632x128xf32, #tpu.memory_space<vmem>>[vector<16xi32>, vector<16xi32>], vector<16xf32>,
            %get3A_348 = arith.index_cast %while3A_332 : i32 to index
            %get3A_349 = arith.constant 16 : index
            %get3A_350 = tpu.vector_load %arg8[%get3A_348, %get3A_349] {strides = array<i32>} : memref<320x128xf32, #tpu.memory_space<vmem>>, vector<16xf32>,
            %max3A_351 = arith.maximumf %gather3A_347, %get3A_350 : vector<16xf32>
            tpu.vector_store_idx %arg9[%sub3A_335, %add3A_346], %max3A_351 : memref<632x128xf32, #tpu.memory_space<vmem>>[vector<16xi32>, vector<16xi32>], vector<16xf32>,
            %broadcast_in_dim3A_352 = arith.constant 32 : i32
            %broadcast_in_dim3A_353 = vector.broadcast %broadcast_in_dim3A_352 : i32 to vector<16xi32>
            %add3A_354 = arith.addi %broadcast_in_dim3A_353, %iota3A : vector<16xi32>
            %gather3A_355 = tpu.vector_load_idx %arg9[%sub3A_335, %add3A_354] : memref<632x128xf32, #tpu.memory_space<vmem>>[vector<16xi32>, vector<16xi32>], vector<16xf32>,
            %get3A_356 = arith.index_cast %while3A_332 : i32 to index
            %get3A_357 = arith.constant 32 : index
            %get3A_358 = tpu.vector_load %arg8[%get3A_356, %get3A_357] {strides = array<i32>} : memref<320x128xf32, #tpu.memory_space<vmem>>, vector<16xf32>,
            %max3A_359 = arith.maximumf %gather3A_355, %get3A_358 : vector<16xf32>
            tpu.vector_store_idx %arg9[%sub3A_335, %add3A_354], %max3A_359 : memref<632x128xf32, #tpu.memory_space<vmem>>[vector<16xi32>, vector<16xi32>], vector<16xf32>,
            %broadcast_in_dim3A_360 = arith.constant 48 : i32
            %broadcast_in_dim3A_361 = vector.broadcast %broadcast_in_dim3A_360 : i32 to vector<16xi32>
            %add3A_362 = arith.addi %broadcast_in_dim3A_361, %iota3A : vector<16xi32>
            %gather3A_363 = tpu.vector_load_idx %arg9[%sub3A_335, %add3A_362] : memref<632x128xf32, #tpu.memory_space<vmem>>[vector<16xi32>, vector<16xi32>], vector<16xf32>,
            %get3A_364 = arith.index_cast %while3A_332 : i32 to index
            %get3A_365 = arith.constant 48 : index
            %get3A_366 = tpu.vector_load %arg8[%get3A_364, %get3A_365] {strides = array<i32>} : memref<320x128xf32, #tpu.memory_space<vmem>>, vector<16xf32>,
            %max3A_367 = arith.maximumf %gather3A_363, %get3A_366 : vector<16xf32>
            tpu.vector_store_idx %arg9[%sub3A_335, %add3A_362], %max3A_367 : memref<632x128xf32, #tpu.memory_space<vmem>>[vector<16xi32>, vector<16xi32>], vector<16xf32>,
            %broadcast_in_dim3A_368 = arith.constant 64 : i32
            %broadcast_in_dim3A_369 = vector.broadcast %broadcast_in_dim3A_368 : i32 to vector<16xi32>
            %add3A_370 = arith.addi %broadcast_in_dim3A_369, %iota3A : vector<16xi32>
            %gather3A_371 = tpu.vector_load_idx %arg9[%sub3A_335, %add3A_370] : memref<632x128xf32, #tpu.memory_space<vmem>>[vector<16xi32>, vector<16xi32>], vector<16xf32>,
            %get3A_372 = arith.index_cast %while3A_332 : i32 to index
            %get3A_373 = arith.constant 64 : index
            %get3A_374 = tpu.vector_load %arg8[%get3A_372, %get3A_373] {strides = array<i32>} : memref<320x128xf32, #tpu.memory_space<vmem>>, vector<16xf32>,
            %max3A_375 = arith.maximumf %gather3A_371, %get3A_374 : vector<16xf32>
            tpu.vector_store_idx %arg9[%sub3A_335, %add3A_370], %max3A_375 : memref<632x128xf32, #tpu.memory_space<vmem>>[vector<16xi32>, vector<16xi32>], vector<16xf32>,
            %broadcast_in_dim3A_376 = arith.constant 80 : i32
            %broadcast_in_dim3A_377 = vector.broadcast %broadcast_in_dim3A_376 : i32 to vector<16xi32>
            %add3A_378 = arith.addi %broadcast_in_dim3A_377, %iota3A : vector<16xi32>
            %gather3A_379 = tpu.vector_load_idx %arg9[%sub3A_335, %add3A_378] : memref<632x128xf32, #tpu.memory_space<vmem>>[vector<16xi32>, vector<16xi32>], vector<16xf32>,
            %get3A_380 = arith.index_cast %while3A_332 : i32 to index
            %get3A_381 = arith.constant 80 : index
            %get3A_382 = tpu.vector_load %arg8[%get3A_380, %get3A_381] {strides = array<i32>} : memref<320x128xf32, #tpu.memory_space<vmem>>, vector<16xf32>,
            %max3A_383 = arith.maximumf %gather3A_379, %get3A_382 : vector<16xf32>
            tpu.vector_store_idx %arg9[%sub3A_335, %add3A_378], %max3A_383 : memref<632x128xf32, #tpu.memory_space<vmem>>[vector<16xi32>, vector<16xi32>], vector<16xf32>,
            %broadcast_in_dim3A_384 = arith.constant 96 : i32
            %broadcast_in_dim3A_385 = vector.broadcast %broadcast_in_dim3A_384 : i32 to vector<16xi32>
            %add3A_386 = arith.addi %broadcast_in_dim3A_385, %iota3A : vector<16xi32>
            %gather3A_387 = tpu.vector_load_idx %arg9[%sub3A_335, %add3A_386] : memref<632x128xf32, #tpu.memory_space<vmem>>[vector<16xi32>, vector<16xi32>], vector<16xf32>,
            %get3A_388 = arith.index_cast %while3A_332 : i32 to index
            %get3A_389 = arith.constant 96 : index
            %get3A_390 = tpu.vector_load %arg8[%get3A_388, %get3A_389] {strides = array<i32>} : memref<320x128xf32, #tpu.memory_space<vmem>>, vector<16xf32>,
            %max3A_391 = arith.maximumf %gather3A_387, %get3A_390 : vector<16xf32>
            tpu.vector_store_idx %arg9[%sub3A_335, %add3A_386], %max3A_391 : memref<632x128xf32, #tpu.memory_space<vmem>>[vector<16xi32>, vector<16xi32>], vector<16xf32>,
            %broadcast_in_dim3A_392 = arith.constant 112 : i32
            %broadcast_in_dim3A_393 = vector.broadcast %broadcast_in_dim3A_392 : i32 to vector<16xi32>
            %add3A_394 = arith.addi %broadcast_in_dim3A_393, %iota3A : vector<16xi32>
            %gather3A_395 = tpu.vector_load_idx %arg9[%sub3A_335, %add3A_394] : memref<632x128xf32, #tpu.memory_space<vmem>>[vector<16xi32>, vector<16xi32>], vector<16xf32>,
            %get3A_396 = arith.index_cast %while3A_332 : i32 to index
            %get3A_397 = arith.constant 112 : index
            %get3A_398 = tpu.vector_load %arg8[%get3A_396, %get3A_397] {strides = array<i32>} : memref<320x128xf32, #tpu.memory_space<vmem>>, vector<16xf32>,
            %max3A_399 = arith.maximumf %gather3A_395, %get3A_398 : vector<16xf32>
            tpu.vector_store_idx %arg9[%sub3A_335, %add3A_394], %max3A_399 : memref<632x128xf32, #tpu.memory_space<vmem>>[vector<16xi32>, vector<16xi32>], vector<16xf32>,
          }
          %while3A_330 = arith.constant 1 : i32
          scf.for %while3A_332 = %while3A_328 to %while3A_324 step %while3A_330  : i32 {
            %broadcast_in_dim3A_333 = vector.broadcast %while3A_332 : i32 to vector<16xi32>
            %gather3A = tpu.vector_load_idx %arg7[%broadcast_in_dim3A_333] : memref<320xi32, #tpu.memory_space<vmem>>[vector<16xi32>], vector<16xi32>,
            %sub3A_334 = vector.broadcast %mul3A_0 : i32 to vector<16xi32>
            %sub3A_335 = arith.subi %gather3A, %sub3A_334 : vector<16xi32>
            %broadcast_in_dim3A_336 = arith.constant 0 : i32
            %broadcast_in_dim3A_337 = vector.broadcast %broadcast_in_dim3A_336 : i32 to vector<16xi32>
            %add3A_338 = arith.addi %broadcast_in_dim3A_337, %iota3A : vector<16xi32>
            %gather3A_339 = tpu.vector_load_idx %arg9[%sub3A_335, %add3A_338] : memref<632x128xf32, #tpu.memory_space<vmem>>[vector<16xi32>, vector<16xi32>], vector<16xf32>,
            %get3A_340 = arith.index_cast %while3A_332 : i32 to index
            %get3A_341 = arith.constant 0 : index
            %get3A_342 = tpu.vector_load %arg8[%get3A_340, %get3A_341] {strides = array<i32>} : memref<320x128xf32, #tpu.memory_space<vmem>>, vector<16xf32>,
            %max3A_343 = arith.maximumf %gather3A_339, %get3A_342 : vector<16xf32>
            tpu.vector_store_idx %arg9[%sub3A_335, %add3A_338], %max3A_343 : memref<632x128xf32, #tpu.memory_space<vmem>>[vector<16xi32>, vector<16xi32>], vector<16xf32>,
            %broadcast_in_dim3A_344 = arith.constant 16 : i32
            %broadcast_in_dim3A_345 = vector.broadcast %broadcast_in_dim3A_344 : i32 to vector<16xi32>
            %add3A_346 = arith.addi %broadcast_in_dim3A_345, %iota3A : vector<16xi32>
            %gather3A_347 = tpu.vector_load_idx %arg9[%sub3A_335, %add3A_346] : memref<632x128xf32, #tpu.memory_space<vmem>>[vector<16xi32>, vector<16xi32>], vector<16xf32>,
            %get3A_348 = arith.index_cast %while3A_332 : i32 to index
            %get3A_349 = arith.constant 16 : index
            %get3A_350 = tpu.vector_load %arg8[%get3A_348, %get3A_349] {strides = array<i32>} : memref<320x128xf32, #tpu.memory_space<vmem>>, vector<16xf32>,
            %max3A_351 = arith.maximumf %gather3A_347, %get3A_350 : vector<16xf32>
            tpu.vector_store_idx %arg9[%sub3A_335, %add3A_346], %max3A_351 : memref<632x128xf32, #tpu.memory_space<vmem>>[vector<16xi32>, vector<16xi32>], vector<16xf32>,
            %broadcast_in_dim3A_352 = arith.constant 32 : i32
            %broadcast_in_dim3A_353 = vector.broadcast %broadcast_in_dim3A_352 : i32 to vector<16xi32>
            %add3A_354 = arith.addi %broadcast_in_dim3A_353, %iota3A : vector<16xi32>
            %gather3A_355 = tpu.vector_load_idx %arg9[%sub3A_335, %add3A_354] : memref<632x128xf32, #tpu.memory_space<vmem>>[vector<16xi32>, vector<16xi32>], vector<16xf32>,
            %get3A_356 = arith.index_cast %while3A_332 : i32 to index
            %get3A_357 = arith.constant 32 : index
            %get3A_358 = tpu.vector_load %arg8[%get3A_356, %get3A_357] {strides = array<i32>} : memref<320x128xf32, #tpu.memory_space<vmem>>, vector<16xf32>,
            %max3A_359 = arith.maximumf %gather3A_355, %get3A_358 : vector<16xf32>
            tpu.vector_store_idx %arg9[%sub3A_335, %add3A_354], %max3A_359 : memref<632x128xf32, #tpu.memory_space<vmem>>[vector<16xi32>, vector<16xi32>], vector<16xf32>,
            %broadcast_in_dim3A_360 = arith.constant 48 : i32
            %broadcast_in_dim3A_361 = vector.broadcast %broadcast_in_dim3A_360 : i32 to vector<16xi32>
            %add3A_362 = arith.addi %broadcast_in_dim3A_361, %iota3A : vector<16xi32>
            %gather3A_363 = tpu.vector_load_idx %arg9[%sub3A_335, %add3A_362] : memref<632x128xf32, #tpu.memory_space<vmem>>[vector<16xi32>, vector<16xi32>], vector<16xf32>,
            %get3A_364 = arith.index_cast %while3A_332 : i32 to index
            %get3A_365 = arith.constant 48 : index
            %get3A_366 = tpu.vector_load %arg8[%get3A_364, %get3A_365] {strides = array<i32>} : memref<320x128xf32, #tpu.memory_space<vmem>>, vector<16xf32>,
            %max3A_367 = arith.maximumf %gather3A_363, %get3A_366 : vector<16xf32>
            tpu.vector_store_idx %arg9[%sub3A_335, %add3A_362], %max3A_367 : memref<632x128xf32, #tpu.memory_space<vmem>>[vector<16xi32>, vector<16xi32>], vector<16xf32>,
            %broadcast_in_dim3A_368 = arith.constant 64 : i32
            %broadcast_in_dim3A_369 = vector.broadcast %broadcast_in_dim3A_368 : i32 to vector<16xi32>
            %add3A_370 = arith.addi %broadcast_in_dim3A_369, %iota3A : vector<16xi32>
            %gather3A_371 = tpu.vector_load_idx %arg9[%sub3A_335, %add3A_370] : memref<632x128xf32, #tpu.memory_space<vmem>>[vector<16xi32>, vector<16xi32>], vector<16xf32>,
            %get3A_372 = arith.index_cast %while3A_332 : i32 to index
            %get3A_373 = arith.constant 64 : index
            %get3A_374 = tpu.vector_load %arg8[%get3A_372, %get3A_373] {strides = array<i32>} : memref<320x128xf32, #tpu.memory_space<vmem>>, vector<16xf32>,
            %max3A_375 = arith.maximumf %gather3A_371, %get3A_374 : vector<16xf32>
            tpu.vector_store_idx %arg9[%sub3A_335, %add3A_370], %max3A_375 : memref<632x128xf32, #tpu.memory_space<vmem>>[vector<16xi32>, vector<16xi32>], vector<16xf32>,
            %broadcast_in_dim3A_376 = arith.constant 80 : i32
            %broadcast_in_dim3A_377 = vector.broadcast %broadcast_in_dim3A_376 : i32 to vector<16xi32>
            %add3A_378 = arith.addi %broadcast_in_dim3A_377, %iota3A : vector<16xi32>
            %gather3A_379 = tpu.vector_load_idx %arg9[%sub3A_335, %add3A_378] : memref<632x128xf32, #tpu.memory_space<vmem>>[vector<16xi32>, vector<16xi32>], vector<16xf32>,
            %get3A_380 = arith.index_cast %while3A_332 : i32 to index
            %get3A_381 = arith.constant 80 : index
            %get3A_382 = tpu.vector_load %arg8[%get3A_380, %get3A_381] {strides = array<i32>} : memref<320x128xf32, #tpu.memory_space<vmem>>, vector<16xf32>,
            %max3A_383 = arith.maximumf %gather3A_379, %get3A_382 : vector<16xf32>
            tpu.vector_store_idx %arg9[%sub3A_335, %add3A_378], %max3A_383 : memref<632x128xf32, #tpu.memory_space<vmem>>[vector<16xi32>, vector<16xi32>], vector<16xf32>,
            %broadcast_in_dim3A_384 = arith.constant 96 : i32
            %broadcast_in_dim3A_385 = vector.broadcast %broadcast_in_dim3A_384 : i32 to vector<16xi32>
            %add3A_386 = arith.addi %broadcast_in_dim3A_385, %iota3A : vector<16xi32>
            %gather3A_387 = tpu.vector_load_idx %arg9[%sub3A_335, %add3A_386] : memref<632x128xf32, #tpu.memory_space<vmem>>[vector<16xi32>, vector<16xi32>], vector<16xf32>,
            %get3A_388 = arith.index_cast %while3A_332 : i32 to index
            %get3A_389 = arith.constant 96 : index
            %get3A_390 = tpu.vector_load %arg8[%get3A_388, %get3A_389] {strides = array<i32>} : memref<320x128xf32, #tpu.memory_space<vmem>>, vector<16xf32>,
            %max3A_391 = arith.maximumf %gather3A_387, %get3A_390 : vector<16xf32>
            tpu.vector_store_idx %arg9[%sub3A_335, %add3A_386], %max3A_391 : memref<632x128xf32, #tpu.memory_space<vmem>>[vector<16xi32>, vector<16xi32>], vector<16xf32>,
            %broadcast_in_dim3A_392 = arith.constant 112 : i32
            %broadcast_in_dim3A_393 = vector.broadcast %broadcast_in_dim3A_392 : i32 to vector<16xi32>
            %add3A_394 = arith.addi %broadcast_in_dim3A_393, %iota3A : vector<16xi32>
            %gather3A_395 = tpu.vector_load_idx %arg9[%sub3A_335, %add3A_394] : memref<632x128xf32, #tpu.memory_space<vmem>>[vector<16xi32>, vector<16xi32>], vector<16xf32>,
            %get3A_396 = arith.index_cast %while3A_332 : i32 to index
            %get3A_397 = arith.constant 112 : index
            %get3A_398 = tpu.vector_load %arg8[%get3A_396, %get3A_397] {strides = array<i32>} : memref<320x128xf32, #tpu.memory_space<vmem>>, vector<16xf32>,
            %max3A_399 = arith.maximumf %gather3A_395, %get3A_398 : vector<16xf32>
            tpu.vector_store_idx %arg9[%sub3A_335, %add3A_394], %max3A_399 : memref<632x128xf32, #tpu.memory_space<vmem>>[vector<16xi32>, vector<16xi32>], vector<16xf32>,
          }
          %cond3A_331 = arith.constant 0 : i32
          scf.yield %cond3A_331 : i32
        } else {
          scf.yield %add3A_106 : i32
        }
        %scan3A_111 = arith.constant 1 : i32
        %scan3A_112 = arith.addi %scan3A_83, %scan3A_111 : i32
        %mul3A_113 = arith.constant 16 : i32
        %mul3A_114 = arith.muli %scan3A_112, %mul3A_113 : i32
        %get3A_115 = arith.index_cast %mul3A_114 : i32 to index
        %get3A_116 = tpu.vector_load %arg5[%get3A_115] {strides = array<i32>} : memref<2000xi32, #tpu.memory_space<vmem>>, vector<16xi32>,
        %ge3A_117 = vector.broadcast %mul3A_0 : i32 to vector<16xi32>
        %ge3A_118 = arith.cmpi sge, %get3A_116, %ge3A_117 : vector<16xi32>
        %add3A_119 = arith.constant 632 : i32
        %add3A_120 = arith.addi %mul3A_0, %add3A_119 : i32
        %lt3A_121 = vector.broadcast %add3A_120 : i32 to vector<16xi32>
        %lt3A_122 = arith.cmpi slt, %get3A_116, %lt3A_121 : vector<16xi32>
        %and3A_123 = arith.andi %ge3A_118, %lt3A_122 : vector<16xi1>
        %jit3A_124 = arith.constant 1 : i32
        %jit3A_125 = arith.constant 0 : i32
        %broadcast_in_dim3A_126 = vector.broadcast %jit3A_124 : i32 to vector<16xi32>
        %broadcast_in_dim3A_127 = vector.broadcast %jit3A_125 : i32 to vector<16xi32>
        %select_n3A_128 = arith.select %and3A_123, %broadcast_in_dim3A_126, %broadcast_in_dim3A_127 : vector<16xi1>, vector<16xi32>
        %broadcast_in_dim3A_129 = arith.constant true
        %broadcast_in_dim3A_130 = vector.broadcast %broadcast_in_dim3A_129 : i1 to vector<16xi1>
        %masked_cumsum3A_131 = tpu.scan <sum>, %select_n3A_128 masked %broadcast_in_dim3A_130 : vector<16xi32>, vector<16xi1> -> vector<16xi32>
        %sub3A_132 = arith.constant 1 : i32
        %sub3A_133 = vector.broadcast %sub3A_132 : i32 to vector<16xi32>
        %sub3A_134 = arith.subi %masked_cumsum3A_131, %sub3A_133 : vector<16xi32>
        %add3A_135 = vector.broadcast %cond3A_110 : i32 to vector<16xi32>
        %add3A_136 = arith.addi %sub3A_134, %add3A_135 : vector<16xi32>
        %mul3A_137 = arith.constant 16 : i32
        %mul3A_138 = arith.muli %scan3A_112, %mul3A_137 : i32
        %add3A_139 = arith.addi %add3A, %mul3A_138 : i32
        %add3A_140 = vector.broadcast %add3A_139 : i32 to vector<16xi32>
        %add3A_141 = arith.addi %add3A_140, %iota3A : vector<16xi32>
        tpu.vector_store_idx %arg6[%add3A_136], %add3A_141 masked %and3A_123 : memref<320xi32, #tpu.memory_space<vmem>>[vector<16xi32>], vector<16xi32>, vector<16xi1>
        tpu.vector_store_idx %arg7[%add3A_136], %get3A_116 masked %and3A_123 : memref<320xi32, #tpu.memory_space<vmem>>[vector<16xi32>], vector<16xi32>, vector<16xi1>
        %all_reduce_population_count3A_142 = tpu.all_reduce %and3A_123 {dim = 0 : i64, kind = #tpu.reduction_kind<sum>} : vector<16xi1> -> vector<16xi32>
        %slice3A_143 = vector.extract_strided_slice %all_reduce_population_count3A_142 {offsets = [0], sizes = [1], strides = [1]} : vector<16xi32> to vector<1xi32>
        %squeeze3A_144 = vector.extract %slice3A_143[0] : i32 from vector<1xi32>
        %add3A_145 = arith.addi %cond3A_110, %squeeze3A_144 : i32
        %ge3A_146 = arith.constant 304 : i32
        %ge3A_147 = arith.cmpi sge, %add3A_145, %ge3A_146 : i32
        %convert_element_type3A_148 = arith.extui %ge3A_147 : i1 to i32
        %cond3A_149 = arith.constant 0 : i32
        %cond3A_150 = arith.cmpi ne, %convert_element_type3A_148, %cond3A_149 : i32
        %cond3A_151 = scf.if %cond3A_150 -> (i32) {
          %dma_start3A_275 = arith.constant 0 : i32
          %dma_start3A_276 = arith.constant 0 : i32
          %dma_start3A_277 = tpu.memref_slice %arg8[%dma_start3A_275, %dma_start3A_276] : memref<320x128xf32, #tpu.memory_space<vmem>> -> memref<160x128xf32, #tpu.memory_space<vmem>>
          %dma_start3A_278 = arith.constant 0 : i32
          %dma_start3A_279 = tpu.memref_slice %arg6[%dma_start3A_278] : memref<320xi32, #tpu.memory_space<vmem>> -> memref<160xi32, #tpu.memory_space<vmem>>
          %dma_start3A_280 = arith.constant 0 : i32
          %dma_start3A_281 = arith.constant 0 : i32
          %dma_start3A_282 = tpu.memref_slice %arg3[%dma_start3A_280, %dma_start3A_281] : memref<320000x128xf32, #tpu.memory_space<hbm>> -> memref<320000x128xf32, #tpu.memory_space<hbm>>
          tpu.enqueue_indirect_dma source(%dma_start3A_282 : memref<320000x128xf32, #tpu.memory_space<hbm>>) target(%dma_start3A_277 : memref<160x128xf32, #tpu.memory_space<vmem>>) offsets(%dma_start3A_279 : memref<160xi32, #tpu.memory_space<vmem>>) semaphore(%arg10 : memref<!tpu.dma_semaphore, #tpu.memory_space<semaphore_mem>>)
          %dma_start3A_283 = arith.constant 160 : i32
          %dma_start3A_284 = arith.constant 0 : i32
          %dma_start3A_285 = tpu.memref_slice %arg8[%dma_start3A_283, %dma_start3A_284] : memref<320x128xf32, #tpu.memory_space<vmem>> -> memref<160x128xf32, #tpu.memory_space<vmem>>
          %dma_start3A_286 = arith.constant 160 : i32
          %dma_start3A_287 = tpu.memref_slice %arg6[%dma_start3A_286] : memref<320xi32, #tpu.memory_space<vmem>> -> memref<160xi32, #tpu.memory_space<vmem>>
          %dma_start3A_288 = arith.constant 0 : i32
          %dma_start3A_289 = arith.constant 0 : i32
          %dma_start3A_290 = tpu.memref_slice %arg3[%dma_start3A_288, %dma_start3A_289] : memref<320000x128xf32, #tpu.memory_space<hbm>> -> memref<320000x128xf32, #tpu.memory_space<hbm>>
          tpu.enqueue_indirect_dma source(%dma_start3A_290 : memref<320000x128xf32, #tpu.memory_space<hbm>>) target(%dma_start3A_285 : memref<160x128xf32, #tpu.memory_space<vmem>>) offsets(%dma_start3A_287 : memref<160xi32, #tpu.memory_space<vmem>>) semaphore(%arg11 : memref<!tpu.dma_semaphore, #tpu.memory_space<semaphore_mem>>)
          %dma_wait3A_291 = arith.constant 0 : i32
          %dma_wait3A_292 = arith.constant 0 : i32
          %dma_wait3A_293 = tpu.memref_slice %arg8[%dma_wait3A_291, %dma_wait3A_292] : memref<320x128xf32, #tpu.memory_space<vmem>> -> memref<160x128xf32, #tpu.memory_space<vmem>>
          %dma_wait3A_294 = arith.constant 0 : i32
          %dma_wait3A_295 = tpu.memref_slice %arg6[%dma_wait3A_294] : memref<320xi32, #tpu.memory_space<vmem>> -> memref<160xi32, #tpu.memory_space<vmem>>
          %dma_wait3A_296 = arith.constant 0 : i32
          %dma_wait3A_297 = arith.constant 0 : i32
          %dma_wait3A_298 = tpu.memref_slice %arg3[%dma_wait3A_296, %dma_wait3A_297] : memref<320000x128xf32, #tpu.memory_space<hbm>> -> memref<320000x128xf32, #tpu.memory_space<hbm>>
          tpu.wait_indirect_dma semaphore(%arg10 : memref<!tpu.dma_semaphore, #tpu.memory_space<semaphore_mem>>) src(%dma_wait3A_298 : memref<320000x128xf32, #tpu.memory_space<hbm>>) dst(%dma_wait3A_293 : memref<160x128xf32, #tpu.memory_space<vmem>>)
          %min3A_299 = arith.constant 160 : i32
          %min3A_300 = arith.minsi %add3A_145, %min3A_299 : i32
          %while3A_301 = arith.constant 0 : i32
          %while3A_302 = arith.constant 0 : i32
          %while3A_303 = arith.subi %min3A_300, %while3A_302 : i32
          %while3A_304 = arith.addi %while3A_302, %while3A_303 : i32
          %while3A_305 = arith.constant 1 : i32
          %while3A_306 = arith.divsi %while3A_303, %while3A_305 : i32
          %while3A_307 = arith.muli %while3A_306, %while3A_305 : i32
          %while3A_308 = arith.addi %while3A_302, %while3A_307 : i32
          %while3A_309 = arith.constant 1 : i32
          scf.for %while3A_332 = %while3A_302 to %while3A_308 step %while3A_309  : i32 {
            %broadcast_in_dim3A_333 = vector.broadcast %while3A_332 : i32 to vector<16xi32>
            %gather3A = tpu.vector_load_idx %arg7[%broadcast_in_dim3A_333] : memref<320xi32, #tpu.memory_space<vmem>>[vector<16xi32>], vector<16xi32>,
            %sub3A_334 = vector.broadcast %mul3A_0 : i32 to vector<16xi32>
            %sub3A_335 = arith.subi %gather3A, %sub3A_334 : vector<16xi32>
            %broadcast_in_dim3A_336 = arith.constant 0 : i32
            %broadcast_in_dim3A_337 = vector.broadcast %broadcast_in_dim3A_336 : i32 to vector<16xi32>
            %add3A_338 = arith.addi %broadcast_in_dim3A_337, %iota3A : vector<16xi32>
            %gather3A_339 = tpu.vector_load_idx %arg9[%sub3A_335, %add3A_338] : memref<632x128xf32, #tpu.memory_space<vmem>>[vector<16xi32>, vector<16xi32>], vector<16xf32>,
            %get3A_340 = arith.index_cast %while3A_332 : i32 to index
            %get3A_341 = arith.constant 0 : index
            %get3A_342 = tpu.vector_load %arg8[%get3A_340, %get3A_341] {strides = array<i32>} : memref<320x128xf32, #tpu.memory_space<vmem>>, vector<16xf32>,
            %max3A_343 = arith.maximumf %gather3A_339, %get3A_342 : vector<16xf32>
            tpu.vector_store_idx %arg9[%sub3A_335, %add3A_338], %max3A_343 : memref<632x128xf32, #tpu.memory_space<vmem>>[vector<16xi32>, vector<16xi32>], vector<16xf32>,
            %broadcast_in_dim3A_344 = arith.constant 16 : i32
            %broadcast_in_dim3A_345 = vector.broadcast %broadcast_in_dim3A_344 : i32 to vector<16xi32>
            %add3A_346 = arith.addi %broadcast_in_dim3A_345, %iota3A : vector<16xi32>
            %gather3A_347 = tpu.vector_load_idx %arg9[%sub3A_335, %add3A_346] : memref<632x128xf32, #tpu.memory_space<vmem>>[vector<16xi32>, vector<16xi32>], vector<16xf32>,
            %get3A_348 = arith.index_cast %while3A_332 : i32 to index
            %get3A_349 = arith.constant 16 : index
            %get3A_350 = tpu.vector_load %arg8[%get3A_348, %get3A_349] {strides = array<i32>} : memref<320x128xf32, #tpu.memory_space<vmem>>, vector<16xf32>,
            %max3A_351 = arith.maximumf %gather3A_347, %get3A_350 : vector<16xf32>
            tpu.vector_store_idx %arg9[%sub3A_335, %add3A_346], %max3A_351 : memref<632x128xf32, #tpu.memory_space<vmem>>[vector<16xi32>, vector<16xi32>], vector<16xf32>,
            %broadcast_in_dim3A_352 = arith.constant 32 : i32
            %broadcast_in_dim3A_353 = vector.broadcast %broadcast_in_dim3A_352 : i32 to vector<16xi32>
            %add3A_354 = arith.addi %broadcast_in_dim3A_353, %iota3A : vector<16xi32>
            %gather3A_355 = tpu.vector_load_idx %arg9[%sub3A_335, %add3A_354] : memref<632x128xf32, #tpu.memory_space<vmem>>[vector<16xi32>, vector<16xi32>], vector<16xf32>,
            %get3A_356 = arith.index_cast %while3A_332 : i32 to index
            %get3A_357 = arith.constant 32 : index
            %get3A_358 = tpu.vector_load %arg8[%get3A_356, %get3A_357] {strides = array<i32>} : memref<320x128xf32, #tpu.memory_space<vmem>>, vector<16xf32>,
            %max3A_359 = arith.maximumf %gather3A_355, %get3A_358 : vector<16xf32>
            tpu.vector_store_idx %arg9[%sub3A_335, %add3A_354], %max3A_359 : memref<632x128xf32, #tpu.memory_space<vmem>>[vector<16xi32>, vector<16xi32>], vector<16xf32>,
            %broadcast_in_dim3A_360 = arith.constant 48 : i32
            %broadcast_in_dim3A_361 = vector.broadcast %broadcast_in_dim3A_360 : i32 to vector<16xi32>
            %add3A_362 = arith.addi %broadcast_in_dim3A_361, %iota3A : vector<16xi32>
            %gather3A_363 = tpu.vector_load_idx %arg9[%sub3A_335, %add3A_362] : memref<632x128xf32, #tpu.memory_space<vmem>>[vector<16xi32>, vector<16xi32>], vector<16xf32>,
            %get3A_364 = arith.index_cast %while3A_332 : i32 to index
            %get3A_365 = arith.constant 48 : index
            %get3A_366 = tpu.vector_load %arg8[%get3A_364, %get3A_365] {strides = array<i32>} : memref<320x128xf32, #tpu.memory_space<vmem>>, vector<16xf32>,
            %max3A_367 = arith.maximumf %gather3A_363, %get3A_366 : vector<16xf32>
            tpu.vector_store_idx %arg9[%sub3A_335, %add3A_362], %max3A_367 : memref<632x128xf32, #tpu.memory_space<vmem>>[vector<16xi32>, vector<16xi32>], vector<16xf32>,
            %broadcast_in_dim3A_368 = arith.constant 64 : i32
            %broadcast_in_dim3A_369 = vector.broadcast %broadcast_in_dim3A_368 : i32 to vector<16xi32>
            %add3A_370 = arith.addi %broadcast_in_dim3A_369, %iota3A : vector<16xi32>
            %gather3A_371 = tpu.vector_load_idx %arg9[%sub3A_335, %add3A_370] : memref<632x128xf32, #tpu.memory_space<vmem>>[vector<16xi32>, vector<16xi32>], vector<16xf32>,
            %get3A_372 = arith.index_cast %while3A_332 : i32 to index
            %get3A_373 = arith.constant 64 : index
            %get3A_374 = tpu.vector_load %arg8[%get3A_372, %get3A_373] {strides = array<i32>} : memref<320x128xf32, #tpu.memory_space<vmem>>, vector<16xf32>,
            %max3A_375 = arith.maximumf %gather3A_371, %get3A_374 : vector<16xf32>
            tpu.vector_store_idx %arg9[%sub3A_335, %add3A_370], %max3A_375 : memref<632x128xf32, #tpu.memory_space<vmem>>[vector<16xi32>, vector<16xi32>], vector<16xf32>,
            %broadcast_in_dim3A_376 = arith.constant 80 : i32
            %broadcast_in_dim3A_377 = vector.broadcast %broadcast_in_dim3A_376 : i32 to vector<16xi32>
            %add3A_378 = arith.addi %broadcast_in_dim3A_377, %iota3A : vector<16xi32>
            %gather3A_379 = tpu.vector_load_idx %arg9[%sub3A_335, %add3A_378] : memref<632x128xf32, #tpu.memory_space<vmem>>[vector<16xi32>, vector<16xi32>], vector<16xf32>,
            %get3A_380 = arith.index_cast %while3A_332 : i32 to index
            %get3A_381 = arith.constant 80 : index
            %get3A_382 = tpu.vector_load %arg8[%get3A_380, %get3A_381] {strides = array<i32>} : memref<320x128xf32, #tpu.memory_space<vmem>>, vector<16xf32>,
            %max3A_383 = arith.maximumf %gather3A_379, %get3A_382 : vector<16xf32>
            tpu.vector_store_idx %arg9[%sub3A_335, %add3A_378], %max3A_383 : memref<632x128xf32, #tpu.memory_space<vmem>>[vector<16xi32>, vector<16xi32>], vector<16xf32>,
            %broadcast_in_dim3A_384 = arith.constant 96 : i32
            %broadcast_in_dim3A_385 = vector.broadcast %broadcast_in_dim3A_384 : i32 to vector<16xi32>
            %add3A_386 = arith.addi %broadcast_in_dim3A_385, %iota3A : vector<16xi32>
            %gather3A_387 = tpu.vector_load_idx %arg9[%sub3A_335, %add3A_386] : memref<632x128xf32, #tpu.memory_space<vmem>>[vector<16xi32>, vector<16xi32>], vector<16xf32>,
            %get3A_388 = arith.index_cast %while3A_332 : i32 to index
            %get3A_389 = arith.constant 96 : index
            %get3A_390 = tpu.vector_load %arg8[%get3A_388, %get3A_389] {strides = array<i32>} : memref<320x128xf32, #tpu.memory_space<vmem>>, vector<16xf32>,
            %max3A_391 = arith.maximumf %gather3A_387, %get3A_390 : vector<16xf32>
            tpu.vector_store_idx %arg9[%sub3A_335, %add3A_386], %max3A_391 : memref<632x128xf32, #tpu.memory_space<vmem>>[vector<16xi32>, vector<16xi32>], vector<16xf32>,
            %broadcast_in_dim3A_392 = arith.constant 112 : i32
            %broadcast_in_dim3A_393 = vector.broadcast %broadcast_in_dim3A_392 : i32 to vector<16xi32>
            %add3A_394 = arith.addi %broadcast_in_dim3A_393, %iota3A : vector<16xi32>
            %gather3A_395 = tpu.vector_load_idx %arg9[%sub3A_335, %add3A_394] : memref<632x128xf32, #tpu.memory_space<vmem>>[vector<16xi32>, vector<16xi32>], vector<16xf32>,
            %get3A_396 = arith.index_cast %while3A_332 : i32 to index
            %get3A_397 = arith.constant 112 : index
            %get3A_398 = tpu.vector_load %arg8[%get3A_396, %get3A_397] {strides = array<i32>} : memref<320x128xf32, #tpu.memory_space<vmem>>, vector<16xf32>,
            %max3A_399 = arith.maximumf %gather3A_395, %get3A_398 : vector<16xf32>
            tpu.vector_store_idx %arg9[%sub3A_335, %add3A_394], %max3A_399 : memref<632x128xf32, #tpu.memory_space<vmem>>[vector<16xi32>, vector<16xi32>], vector<16xf32>,
          }
          %while3A_310 = arith.constant 1 : i32
          scf.for %while3A_332 = %while3A_308 to %while3A_304 step %while3A_310  : i32 {
            %broadcast_in_dim3A_333 = vector.broadcast %while3A_332 : i32 to vector<16xi32>
            %gather3A = tpu.vector_load_idx %arg7[%broadcast_in_dim3A_333] : memref<320xi32, #tpu.memory_space<vmem>>[vector<16xi32>], vector<16xi32>,
            %sub3A_334 = vector.broadcast %mul3A_0 : i32 to vector<16xi32>
            %sub3A_335 = arith.subi %gather3A, %sub3A_334 : vector<16xi32>
            %broadcast_in_dim3A_336 = arith.constant 0 : i32
            %broadcast_in_dim3A_337 = vector.broadcast %broadcast_in_dim3A_336 : i32 to vector<16xi32>
            %add3A_338 = arith.addi %broadcast_in_dim3A_337, %iota3A : vector<16xi32>
            %gather3A_339 = tpu.vector_load_idx %arg9[%sub3A_335, %add3A_338] : memref<632x128xf32, #tpu.memory_space<vmem>>[vector<16xi32>, vector<16xi32>], vector<16xf32>,
            %get3A_340 = arith.index_cast %while3A_332 : i32 to index
            %get3A_341 = arith.constant 0 : index
            %get3A_342 = tpu.vector_load %arg8[%get3A_340, %get3A_341] {strides = array<i32>} : memref<320x128xf32, #tpu.memory_space<vmem>>, vector<16xf32>,
            %max3A_343 = arith.maximumf %gather3A_339, %get3A_342 : vector<16xf32>
            tpu.vector_store_idx %arg9[%sub3A_335, %add3A_338], %max3A_343 : memref<632x128xf32, #tpu.memory_space<vmem>>[vector<16xi32>, vector<16xi32>], vector<16xf32>,
            %broadcast_in_dim3A_344 = arith.constant 16 : i32
            %broadcast_in_dim3A_345 = vector.broadcast %broadcast_in_dim3A_344 : i32 to vector<16xi32>
            %add3A_346 = arith.addi %broadcast_in_dim3A_345, %iota3A : vector<16xi32>
            %gather3A_347 = tpu.vector_load_idx %arg9[%sub3A_335, %add3A_346] : memref<632x128xf32, #tpu.memory_space<vmem>>[vector<16xi32>, vector<16xi32>], vector<16xf32>,
            %get3A_348 = arith.index_cast %while3A_332 : i32 to index
            %get3A_349 = arith.constant 16 : index
            %get3A_350 = tpu.vector_load %arg8[%get3A_348, %get3A_349] {strides = array<i32>} : memref<320x128xf32, #tpu.memory_space<vmem>>, vector<16xf32>,
            %max3A_351 = arith.maximumf %gather3A_347, %get3A_350 : vector<16xf32>
            tpu.vector_store_idx %arg9[%sub3A_335, %add3A_346], %max3A_351 : memref<632x128xf32, #tpu.memory_space<vmem>>[vector<16xi32>, vector<16xi32>], vector<16xf32>,
            %broadcast_in_dim3A_352 = arith.constant 32 : i32
            %broadcast_in_dim3A_353 = vector.broadcast %broadcast_in_dim3A_352 : i32 to vector<16xi32>
            %add3A_354 = arith.addi %broadcast_in_dim3A_353, %iota3A : vector<16xi32>
            %gather3A_355 = tpu.vector_load_idx %arg9[%sub3A_335, %add3A_354] : memref<632x128xf32, #tpu.memory_space<vmem>>[vector<16xi32>, vector<16xi32>], vector<16xf32>,
            %get3A_356 = arith.index_cast %while3A_332 : i32 to index
            %get3A_357 = arith.constant 32 : index
            %get3A_358 = tpu.vector_load %arg8[%get3A_356, %get3A_357] {strides = array<i32>} : memref<320x128xf32, #tpu.memory_space<vmem>>, vector<16xf32>,
            %max3A_359 = arith.maximumf %gather3A_355, %get3A_358 : vector<16xf32>
            tpu.vector_store_idx %arg9[%sub3A_335, %add3A_354], %max3A_359 : memref<632x128xf32, #tpu.memory_space<vmem>>[vector<16xi32>, vector<16xi32>], vector<16xf32>,
            %broadcast_in_dim3A_360 = arith.constant 48 : i32
            %broadcast_in_dim3A_361 = vector.broadcast %broadcast_in_dim3A_360 : i32 to vector<16xi32>
            %add3A_362 = arith.addi %broadcast_in_dim3A_361, %iota3A : vector<16xi32>
            %gather3A_363 = tpu.vector_load_idx %arg9[%sub3A_335, %add3A_362] : memref<632x128xf32, #tpu.memory_space<vmem>>[vector<16xi32>, vector<16xi32>], vector<16xf32>,
            %get3A_364 = arith.index_cast %while3A_332 : i32 to index
            %get3A_365 = arith.constant 48 : index
            %get3A_366 = tpu.vector_load %arg8[%get3A_364, %get3A_365] {strides = array<i32>} : memref<320x128xf32, #tpu.memory_space<vmem>>, vector<16xf32>,
            %max3A_367 = arith.maximumf %gather3A_363, %get3A_366 : vector<16xf32>
            tpu.vector_store_idx %arg9[%sub3A_335, %add3A_362], %max3A_367 : memref<632x128xf32, #tpu.memory_space<vmem>>[vector<16xi32>, vector<16xi32>], vector<16xf32>,
            %broadcast_in_dim3A_368 = arith.constant 64 : i32
            %broadcast_in_dim3A_369 = vector.broadcast %broadcast_in_dim3A_368 : i32 to vector<16xi32>
            %add3A_370 = arith.addi %broadcast_in_dim3A_369, %iota3A : vector<16xi32>
            %gather3A_371 = tpu.vector_load_idx %arg9[%sub3A_335, %add3A_370] : memref<632x128xf32, #tpu.memory_space<vmem>>[vector<16xi32>, vector<16xi32>], vector<16xf32>,
            %get3A_372 = arith.index_cast %while3A_332 : i32 to index
            %get3A_373 = arith.constant 64 : index
            %get3A_374 = tpu.vector_load %arg8[%get3A_372, %get3A_373] {strides = array<i32>} : memref<320x128xf32, #tpu.memory_space<vmem>>, vector<16xf32>,
            %max3A_375 = arith.maximumf %gather3A_371, %get3A_374 : vector<16xf32>
            tpu.vector_store_idx %arg9[%sub3A_335, %add3A_370], %max3A_375 : memref<632x128xf32, #tpu.memory_space<vmem>>[vector<16xi32>, vector<16xi32>], vector<16xf32>,
            %broadcast_in_dim3A_376 = arith.constant 80 : i32
            %broadcast_in_dim3A_377 = vector.broadcast %broadcast_in_dim3A_376 : i32 to vector<16xi32>
            %add3A_378 = arith.addi %broadcast_in_dim3A_377, %iota3A : vector<16xi32>
            %gather3A_379 = tpu.vector_load_idx %arg9[%sub3A_335, %add3A_378] : memref<632x128xf32, #tpu.memory_space<vmem>>[vector<16xi32>, vector<16xi32>], vector<16xf32>,
            %get3A_380 = arith.index_cast %while3A_332 : i32 to index
            %get3A_381 = arith.constant 80 : index
            %get3A_382 = tpu.vector_load %arg8[%get3A_380, %get3A_381] {strides = array<i32>} : memref<320x128xf32, #tpu.memory_space<vmem>>, vector<16xf32>,
            %max3A_383 = arith.maximumf %gather3A_379, %get3A_382 : vector<16xf32>
            tpu.vector_store_idx %arg9[%sub3A_335, %add3A_378], %max3A_383 : memref<632x128xf32, #tpu.memory_space<vmem>>[vector<16xi32>, vector<16xi32>], vector<16xf32>,
            %broadcast_in_dim3A_384 = arith.constant 96 : i32
            %broadcast_in_dim3A_385 = vector.broadcast %broadcast_in_dim3A_384 : i32 to vector<16xi32>
            %add3A_386 = arith.addi %broadcast_in_dim3A_385, %iota3A : vector<16xi32>
            %gather3A_387 = tpu.vector_load_idx %arg9[%sub3A_335, %add3A_386] : memref<632x128xf32, #tpu.memory_space<vmem>>[vector<16xi32>, vector<16xi32>], vector<16xf32>,
            %get3A_388 = arith.index_cast %while3A_332 : i32 to index
            %get3A_389 = arith.constant 96 : index
            %get3A_390 = tpu.vector_load %arg8[%get3A_388, %get3A_389] {strides = array<i32>} : memref<320x128xf32, #tpu.memory_space<vmem>>, vector<16xf32>,
            %max3A_391 = arith.maximumf %gather3A_387, %get3A_390 : vector<16xf32>
            tpu.vector_store_idx %arg9[%sub3A_335, %add3A_386], %max3A_391 : memref<632x128xf32, #tpu.memory_space<vmem>>[vector<16xi32>, vector<16xi32>], vector<16xf32>,
            %broadcast_in_dim3A_392 = arith.constant 112 : i32
            %broadcast_in_dim3A_393 = vector.broadcast %broadcast_in_dim3A_392 : i32 to vector<16xi32>
            %add3A_394 = arith.addi %broadcast_in_dim3A_393, %iota3A : vector<16xi32>
            %gather3A_395 = tpu.vector_load_idx %arg9[%sub3A_335, %add3A_394] : memref<632x128xf32, #tpu.memory_space<vmem>>[vector<16xi32>, vector<16xi32>], vector<16xf32>,
            %get3A_396 = arith.index_cast %while3A_332 : i32 to index
            %get3A_397 = arith.constant 112 : index
            %get3A_398 = tpu.vector_load %arg8[%get3A_396, %get3A_397] {strides = array<i32>} : memref<320x128xf32, #tpu.memory_space<vmem>>, vector<16xf32>,
            %max3A_399 = arith.maximumf %gather3A_395, %get3A_398 : vector<16xf32>
            tpu.vector_store_idx %arg9[%sub3A_335, %add3A_394], %max3A_399 : memref<632x128xf32, #tpu.memory_space<vmem>>[vector<16xi32>, vector<16xi32>], vector<16xf32>,
          }
          %dma_wait3A_311 = arith.constant 160 : i32
          %dma_wait3A_312 = arith.constant 0 : i32
          %dma_wait3A_313 = tpu.memref_slice %arg8[%dma_wait3A_311, %dma_wait3A_312] : memref<320x128xf32, #tpu.memory_space<vmem>> -> memref<160x128xf32, #tpu.memory_space<vmem>>
          %dma_wait3A_314 = arith.constant 160 : i32
          %dma_wait3A_315 = tpu.memref_slice %arg6[%dma_wait3A_314] : memref<320xi32, #tpu.memory_space<vmem>> -> memref<160xi32, #tpu.memory_space<vmem>>
          %dma_wait3A_316 = arith.constant 0 : i32
          %dma_wait3A_317 = arith.constant 0 : i32
          %dma_wait3A_318 = tpu.memref_slice %arg3[%dma_wait3A_316, %dma_wait3A_317] : memref<320000x128xf32, #tpu.memory_space<hbm>> -> memref<320000x128xf32, #tpu.memory_space<hbm>>
          tpu.wait_indirect_dma semaphore(%arg11 : memref<!tpu.dma_semaphore, #tpu.memory_space<semaphore_mem>>) src(%dma_wait3A_318 : memref<320000x128xf32, #tpu.memory_space<hbm>>) dst(%dma_wait3A_313 : memref<160x128xf32, #tpu.memory_space<vmem>>)
          %max3A_319 = arith.constant 160 : i32
          %max3A_320 = arith.maxsi %add3A_145, %max3A_319 : i32
          %while3A_321 = arith.constant 0 : i32
          %while3A_322 = arith.constant 160 : i32
          %while3A_323 = arith.subi %max3A_320, %while3A_322 : i32
          %while3A_324 = arith.addi %while3A_322, %while3A_323 : i32
          %while3A_325 = arith.constant 1 : i32
          %while3A_326 = arith.divsi %while3A_323, %while3A_325 : i32
          %while3A_327 = arith.muli %while3A_326, %while3A_325 : i32
          %while3A_328 = arith.addi %while3A_322, %while3A_327 : i32
          %while3A_329 = arith.constant 1 : i32
          scf.for %while3A_332 = %while3A_322 to %while3A_328 step %while3A_329  : i32 {
            %broadcast_in_dim3A_333 = vector.broadcast %while3A_332 : i32 to vector<16xi32>
            %gather3A = tpu.vector_load_idx %arg7[%broadcast_in_dim3A_333] : memref<320xi32, #tpu.memory_space<vmem>>[vector<16xi32>], vector<16xi32>,
            %sub3A_334 = vector.broadcast %mul3A_0 : i32 to vector<16xi32>
            %sub3A_335 = arith.subi %gather3A, %sub3A_334 : vector<16xi32>
            %broadcast_in_dim3A_336 = arith.constant 0 : i32
            %broadcast_in_dim3A_337 = vector.broadcast %broadcast_in_dim3A_336 : i32 to vector<16xi32>
            %add3A_338 = arith.addi %broadcast_in_dim3A_337, %iota3A : vector<16xi32>
            %gather3A_339 = tpu.vector_load_idx %arg9[%sub3A_335, %add3A_338] : memref<632x128xf32, #tpu.memory_space<vmem>>[vector<16xi32>, vector<16xi32>], vector<16xf32>,
            %get3A_340 = arith.index_cast %while3A_332 : i32 to index
            %get3A_341 = arith.constant 0 : index
            %get3A_342 = tpu.vector_load %arg8[%get3A_340, %get3A_341] {strides = array<i32>} : memref<320x128xf32, #tpu.memory_space<vmem>>, vector<16xf32>,
            %max3A_343 = arith.maximumf %gather3A_339, %get3A_342 : vector<16xf32>
            tpu.vector_store_idx %arg9[%sub3A_335, %add3A_338], %max3A_343 : memref<632x128xf32, #tpu.memory_space<vmem>>[vector<16xi32>, vector<16xi32>], vector<16xf32>,
            %broadcast_in_dim3A_344 = arith.constant 16 : i32
            %broadcast_in_dim3A_345 = vector.broadcast %broadcast_in_dim3A_344 : i32 to vector<16xi32>
            %add3A_346 = arith.addi %broadcast_in_dim3A_345, %iota3A : vector<16xi32>
            %gather3A_347 = tpu.vector_load_idx %arg9[%sub3A_335, %add3A_346] : memref<632x128xf32, #tpu.memory_space<vmem>>[vector<16xi32>, vector<16xi32>], vector<16xf32>,
            %get3A_348 = arith.index_cast %while3A_332 : i32 to index
            %get3A_349 = arith.constant 16 : index
            %get3A_350 = tpu.vector_load %arg8[%get3A_348, %get3A_349] {strides = array<i32>} : memref<320x128xf32, #tpu.memory_space<vmem>>, vector<16xf32>,
            %max3A_351 = arith.maximumf %gather3A_347, %get3A_350 : vector<16xf32>
            tpu.vector_store_idx %arg9[%sub3A_335, %add3A_346], %max3A_351 : memref<632x128xf32, #tpu.memory_space<vmem>>[vector<16xi32>, vector<16xi32>], vector<16xf32>,
            %broadcast_in_dim3A_352 = arith.constant 32 : i32
            %broadcast_in_dim3A_353 = vector.broadcast %broadcast_in_dim3A_352 : i32 to vector<16xi32>
            %add3A_354 = arith.addi %broadcast_in_dim3A_353, %iota3A : vector<16xi32>
            %gather3A_355 = tpu.vector_load_idx %arg9[%sub3A_335, %add3A_354] : memref<632x128xf32, #tpu.memory_space<vmem>>[vector<16xi32>, vector<16xi32>], vector<16xf32>,
            %get3A_356 = arith.index_cast %while3A_332 : i32 to index
            %get3A_357 = arith.constant 32 : index
            %get3A_358 = tpu.vector_load %arg8[%get3A_356, %get3A_357] {strides = array<i32>} : memref<320x128xf32, #tpu.memory_space<vmem>>, vector<16xf32>,
            %max3A_359 = arith.maximumf %gather3A_355, %get3A_358 : vector<16xf32>
            tpu.vector_store_idx %arg9[%sub3A_335, %add3A_354], %max3A_359 : memref<632x128xf32, #tpu.memory_space<vmem>>[vector<16xi32>, vector<16xi32>], vector<16xf32>,
            %broadcast_in_dim3A_360 = arith.constant 48 : i32
            %broadcast_in_dim3A_361 = vector.broadcast %broadcast_in_dim3A_360 : i32 to vector<16xi32>
            %add3A_362 = arith.addi %broadcast_in_dim3A_361, %iota3A : vector<16xi32>
            %gather3A_363 = tpu.vector_load_idx %arg9[%sub3A_335, %add3A_362] : memref<632x128xf32, #tpu.memory_space<vmem>>[vector<16xi32>, vector<16xi32>], vector<16xf32>,
            %get3A_364 = arith.index_cast %while3A_332 : i32 to index
            %get3A_365 = arith.constant 48 : index
            %get3A_366 = tpu.vector_load %arg8[%get3A_364, %get3A_365] {strides = array<i32>} : memref<320x128xf32, #tpu.memory_space<vmem>>, vector<16xf32>,
            %max3A_367 = arith.maximumf %gather3A_363, %get3A_366 : vector<16xf32>
            tpu.vector_store_idx %arg9[%sub3A_335, %add3A_362], %max3A_367 : memref<632x128xf32, #tpu.memory_space<vmem>>[vector<16xi32>, vector<16xi32>], vector<16xf32>,
            %broadcast_in_dim3A_368 = arith.constant 64 : i32
            %broadcast_in_dim3A_369 = vector.broadcast %broadcast_in_dim3A_368 : i32 to vector<16xi32>
            %add3A_370 = arith.addi %broadcast_in_dim3A_369, %iota3A : vector<16xi32>
            %gather3A_371 = tpu.vector_load_idx %arg9[%sub3A_335, %add3A_370] : memref<632x128xf32, #tpu.memory_space<vmem>>[vector<16xi32>, vector<16xi32>], vector<16xf32>,
            %get3A_372 = arith.index_cast %while3A_332 : i32 to index
            %get3A_373 = arith.constant 64 : index
            %get3A_374 = tpu.vector_load %arg8[%get3A_372, %get3A_373] {strides = array<i32>} : memref<320x128xf32, #tpu.memory_space<vmem>>, vector<16xf32>,
            %max3A_375 = arith.maximumf %gather3A_371, %get3A_374 : vector<16xf32>
            tpu.vector_store_idx %arg9[%sub3A_335, %add3A_370], %max3A_375 : memref<632x128xf32, #tpu.memory_space<vmem>>[vector<16xi32>, vector<16xi32>], vector<16xf32>,
            %broadcast_in_dim3A_376 = arith.constant 80 : i32
            %broadcast_in_dim3A_377 = vector.broadcast %broadcast_in_dim3A_376 : i32 to vector<16xi32>
            %add3A_378 = arith.addi %broadcast_in_dim3A_377, %iota3A : vector<16xi32>
            %gather3A_379 = tpu.vector_load_idx %arg9[%sub3A_335, %add3A_378] : memref<632x128xf32, #tpu.memory_space<vmem>>[vector<16xi32>, vector<16xi32>], vector<16xf32>,
            %get3A_380 = arith.index_cast %while3A_332 : i32 to index
            %get3A_381 = arith.constant 80 : index
            %get3A_382 = tpu.vector_load %arg8[%get3A_380, %get3A_381] {strides = array<i32>} : memref<320x128xf32, #tpu.memory_space<vmem>>, vector<16xf32>,
            %max3A_383 = arith.maximumf %gather3A_379, %get3A_382 : vector<16xf32>
            tpu.vector_store_idx %arg9[%sub3A_335, %add3A_378], %max3A_383 : memref<632x128xf32, #tpu.memory_space<vmem>>[vector<16xi32>, vector<16xi32>], vector<16xf32>,
            %broadcast_in_dim3A_384 = arith.constant 96 : i32
            %broadcast_in_dim3A_385 = vector.broadcast %broadcast_in_dim3A_384 : i32 to vector<16xi32>
            %add3A_386 = arith.addi %broadcast_in_dim3A_385, %iota3A : vector<16xi32>
            %gather3A_387 = tpu.vector_load_idx %arg9[%sub3A_335, %add3A_386] : memref<632x128xf32, #tpu.memory_space<vmem>>[vector<16xi32>, vector<16xi32>], vector<16xf32>,
            %get3A_388 = arith.index_cast %while3A_332 : i32 to index
            %get3A_389 = arith.constant 96 : index
            %get3A_390 = tpu.vector_load %arg8[%get3A_388, %get3A_389] {strides = array<i32>} : memref<320x128xf32, #tpu.memory_space<vmem>>, vector<16xf32>,
            %max3A_391 = arith.maximumf %gather3A_387, %get3A_390 : vector<16xf32>
            tpu.vector_store_idx %arg9[%sub3A_335, %add3A_386], %max3A_391 : memref<632x128xf32, #tpu.memory_space<vmem>>[vector<16xi32>, vector<16xi32>], vector<16xf32>,
            %broadcast_in_dim3A_392 = arith.constant 112 : i32
            %broadcast_in_dim3A_393 = vector.broadcast %broadcast_in_dim3A_392 : i32 to vector<16xi32>
            %add3A_394 = arith.addi %broadcast_in_dim3A_393, %iota3A : vector<16xi32>
            %gather3A_395 = tpu.vector_load_idx %arg9[%sub3A_335, %add3A_394] : memref<632x128xf32, #tpu.memory_space<vmem>>[vector<16xi32>, vector<16xi32>], vector<16xf32>,
            %get3A_396 = arith.index_cast %while3A_332 : i32 to index
            %get3A_397 = arith.constant 112 : index
            %get3A_398 = tpu.vector_load %arg8[%get3A_396, %get3A_397] {strides = array<i32>} : memref<320x128xf32, #tpu.memory_space<vmem>>, vector<16xf32>,
            %max3A_399 = arith.maximumf %gather3A_395, %get3A_398 : vector<16xf32>
            tpu.vector_store_idx %arg9[%sub3A_335, %add3A_394], %max3A_399 : memref<632x128xf32, #tpu.memory_space<vmem>>[vector<16xi32>, vector<16xi32>], vector<16xf32>,
          }
          %while3A_330 = arith.constant 1 : i32
          scf.for %while3A_332 = %while3A_328 to %while3A_324 step %while3A_330  : i32 {
            %broadcast_in_dim3A_333 = vector.broadcast %while3A_332 : i32 to vector<16xi32>
            %gather3A = tpu.vector_load_idx %arg7[%broadcast_in_dim3A_333] : memref<320xi32, #tpu.memory_space<vmem>>[vector<16xi32>], vector<16xi32>,
            %sub3A_334 = vector.broadcast %mul3A_0 : i32 to vector<16xi32>
            %sub3A_335 = arith.subi %gather3A, %sub3A_334 : vector<16xi32>
            %broadcast_in_dim3A_336 = arith.constant 0 : i32
            %broadcast_in_dim3A_337 = vector.broadcast %broadcast_in_dim3A_336 : i32 to vector<16xi32>
            %add3A_338 = arith.addi %broadcast_in_dim3A_337, %iota3A : vector<16xi32>
            %gather3A_339 = tpu.vector_load_idx %arg9[%sub3A_335, %add3A_338] : memref<632x128xf32, #tpu.memory_space<vmem>>[vector<16xi32>, vector<16xi32>], vector<16xf32>,
            %get3A_340 = arith.index_cast %while3A_332 : i32 to index
            %get3A_341 = arith.constant 0 : index
            %get3A_342 = tpu.vector_load %arg8[%get3A_340, %get3A_341] {strides = array<i32>} : memref<320x128xf32, #tpu.memory_space<vmem>>, vector<16xf32>,
            %max3A_343 = arith.maximumf %gather3A_339, %get3A_342 : vector<16xf32>
            tpu.vector_store_idx %arg9[%sub3A_335, %add3A_338], %max3A_343 : memref<632x128xf32, #tpu.memory_space<vmem>>[vector<16xi32>, vector<16xi32>], vector<16xf32>,
            %broadcast_in_dim3A_344 = arith.constant 16 : i32
            %broadcast_in_dim3A_345 = vector.broadcast %broadcast_in_dim3A_344 : i32 to vector<16xi32>
            %add3A_346 = arith.addi %broadcast_in_dim3A_345, %iota3A : vector<16xi32>
            %gather3A_347 = tpu.vector_load_idx %arg9[%sub3A_335, %add3A_346] : memref<632x128xf32, #tpu.memory_space<vmem>>[vector<16xi32>, vector<16xi32>], vector<16xf32>,
            %get3A_348 = arith.index_cast %while3A_332 : i32 to index
            %get3A_349 = arith.constant 16 : index
            %get3A_350 = tpu.vector_load %arg8[%get3A_348, %get3A_349] {strides = array<i32>} : memref<320x128xf32, #tpu.memory_space<vmem>>, vector<16xf32>,
            %max3A_351 = arith.maximumf %gather3A_347, %get3A_350 : vector<16xf32>
            tpu.vector_store_idx %arg9[%sub3A_335, %add3A_346], %max3A_351 : memref<632x128xf32, #tpu.memory_space<vmem>>[vector<16xi32>, vector<16xi32>], vector<16xf32>,
            %broadcast_in_dim3A_352 = arith.constant 32 : i32
            %broadcast_in_dim3A_353 = vector.broadcast %broadcast_in_dim3A_352 : i32 to vector<16xi32>
            %add3A_354 = arith.addi %broadcast_in_dim3A_353, %iota3A : vector<16xi32>
            %gather3A_355 = tpu.vector_load_idx %arg9[%sub3A_335, %add3A_354] : memref<632x128xf32, #tpu.memory_space<vmem>>[vector<16xi32>, vector<16xi32>], vector<16xf32>,
            %get3A_356 = arith.index_cast %while3A_332 : i32 to index
            %get3A_357 = arith.constant 32 : index
            %get3A_358 = tpu.vector_load %arg8[%get3A_356, %get3A_357] {strides = array<i32>} : memref<320x128xf32, #tpu.memory_space<vmem>>, vector<16xf32>,
            %max3A_359 = arith.maximumf %gather3A_355, %get3A_358 : vector<16xf32>
            tpu.vector_store_idx %arg9[%sub3A_335, %add3A_354], %max3A_359 : memref<632x128xf32, #tpu.memory_space<vmem>>[vector<16xi32>, vector<16xi32>], vector<16xf32>,
            %broadcast_in_dim3A_360 = arith.constant 48 : i32
            %broadcast_in_dim3A_361 = vector.broadcast %broadcast_in_dim3A_360 : i32 to vector<16xi32>
            %add3A_362 = arith.addi %broadcast_in_dim3A_361, %iota3A : vector<16xi32>
            %gather3A_363 = tpu.vector_load_idx %arg9[%sub3A_335, %add3A_362] : memref<632x128xf32, #tpu.memory_space<vmem>>[vector<16xi32>, vector<16xi32>], vector<16xf32>,
            %get3A_364 = arith.index_cast %while3A_332 : i32 to index
            %get3A_365 = arith.constant 48 : index
            %get3A_366 = tpu.vector_load %arg8[%get3A_364, %get3A_365] {strides = array<i32>} : memref<320x128xf32, #tpu.memory_space<vmem>>, vector<16xf32>,
            %max3A_367 = arith.maximumf %gather3A_363, %get3A_366 : vector<16xf32>
            tpu.vector_store_idx %arg9[%sub3A_335, %add3A_362], %max3A_367 : memref<632x128xf32, #tpu.memory_space<vmem>>[vector<16xi32>, vector<16xi32>], vector<16xf32>,
            %broadcast_in_dim3A_368 = arith.constant 64 : i32
            %broadcast_in_dim3A_369 = vector.broadcast %broadcast_in_dim3A_368 : i32 to vector<16xi32>
            %add3A_370 = arith.addi %broadcast_in_dim3A_369, %iota3A : vector<16xi32>
            %gather3A_371 = tpu.vector_load_idx %arg9[%sub3A_335, %add3A_370] : memref<632x128xf32, #tpu.memory_space<vmem>>[vector<16xi32>, vector<16xi32>], vector<16xf32>,
            %get3A_372 = arith.index_cast %while3A_332 : i32 to index
            %get3A_373 = arith.constant 64 : index
            %get3A_374 = tpu.vector_load %arg8[%get3A_372, %get3A_373] {strides = array<i32>} : memref<320x128xf32, #tpu.memory_space<vmem>>, vector<16xf32>,
            %max3A_375 = arith.maximumf %gather3A_371, %get3A_374 : vector<16xf32>
            tpu.vector_store_idx %arg9[%sub3A_335, %add3A_370], %max3A_375 : memref<632x128xf32, #tpu.memory_space<vmem>>[vector<16xi32>, vector<16xi32>], vector<16xf32>,
            %broadcast_in_dim3A_376 = arith.constant 80 : i32
            %broadcast_in_dim3A_377 = vector.broadcast %broadcast_in_dim3A_376 : i32 to vector<16xi32>
            %add3A_378 = arith.addi %broadcast_in_dim3A_377, %iota3A : vector<16xi32>
            %gather3A_379 = tpu.vector_load_idx %arg9[%sub3A_335, %add3A_378] : memref<632x128xf32, #tpu.memory_space<vmem>>[vector<16xi32>, vector<16xi32>], vector<16xf32>,
            %get3A_380 = arith.index_cast %while3A_332 : i32 to index
            %get3A_381 = arith.constant 80 : index
            %get3A_382 = tpu.vector_load %arg8[%get3A_380, %get3A_381] {strides = array<i32>} : memref<320x128xf32, #tpu.memory_space<vmem>>, vector<16xf32>,
            %max3A_383 = arith.maximumf %gather3A_379, %get3A_382 : vector<16xf32>
            tpu.vector_store_idx %arg9[%sub3A_335, %add3A_378], %max3A_383 : memref<632x128xf32, #tpu.memory_space<vmem>>[vector<16xi32>, vector<16xi32>], vector<16xf32>,
            %broadcast_in_dim3A_384 = arith.constant 96 : i32
            %broadcast_in_dim3A_385 = vector.broadcast %broadcast_in_dim3A_384 : i32 to vector<16xi32>
            %add3A_386 = arith.addi %broadcast_in_dim3A_385, %iota3A : vector<16xi32>
            %gather3A_387 = tpu.vector_load_idx %arg9[%sub3A_335, %add3A_386] : memref<632x128xf32, #tpu.memory_space<vmem>>[vector<16xi32>, vector<16xi32>], vector<16xf32>,
            %get3A_388 = arith.index_cast %while3A_332 : i32 to index
            %get3A_389 = arith.constant 96 : index
            %get3A_390 = tpu.vector_load %arg8[%get3A_388, %get3A_389] {strides = array<i32>} : memref<320x128xf32, #tpu.memory_space<vmem>>, vector<16xf32>,
            %max3A_391 = arith.maximumf %gather3A_387, %get3A_390 : vector<16xf32>
            tpu.vector_store_idx %arg9[%sub3A_335, %add3A_386], %max3A_391 : memref<632x128xf32, #tpu.memory_space<vmem>>[vector<16xi32>, vector<16xi32>], vector<16xf32>,
            %broadcast_in_dim3A_392 = arith.constant 112 : i32
            %broadcast_in_dim3A_393 = vector.broadcast %broadcast_in_dim3A_392 : i32 to vector<16xi32>
            %add3A_394 = arith.addi %broadcast_in_dim3A_393, %iota3A : vector<16xi32>
            %gather3A_395 = tpu.vector_load_idx %arg9[%sub3A_335, %add3A_394] : memref<632x128xf32, #tpu.memory_space<vmem>>[vector<16xi32>, vector<16xi32>], vector<16xf32>,
            %get3A_396 = arith.index_cast %while3A_332 : i32 to index
            %get3A_397 = arith.constant 112 : index
            %get3A_398 = tpu.vector_load %arg8[%get3A_396, %get3A_397] {strides = array<i32>} : memref<320x128xf32, #tpu.memory_space<vmem>>, vector<16xf32>,
            %max3A_399 = arith.maximumf %gather3A_395, %get3A_398 : vector<16xf32>
            tpu.vector_store_idx %arg9[%sub3A_335, %add3A_394], %max3A_399 : memref<632x128xf32, #tpu.memory_space<vmem>>[vector<16xi32>, vector<16xi32>], vector<16xf32>,
          }
          %cond3A_331 = arith.constant 0 : i32
          scf.yield %cond3A_331 : i32
        } else {
          scf.yield %add3A_145 : i32
        }
        %scan3A_152 = arith.constant 2 : i32
        %scan3A_153 = arith.addi %scan3A_83, %scan3A_152 : i32
        %mul3A_154 = arith.constant 16 : i32
        %mul3A_155 = arith.muli %scan3A_153, %mul3A_154 : i32
        %get3A_156 = arith.index_cast %mul3A_155 : i32 to index
        %get3A_157 = tpu.vector_load %arg5[%get3A_156] {strides = array<i32>} : memref<2000xi32, #tpu.memory_space<vmem>>, vector<16xi32>,
        %ge3A_158 = vector.broadcast %mul3A_0 : i32 to vector<16xi32>
        %ge3A_159 = arith.cmpi sge, %get3A_157, %ge3A_158 : vector<16xi32>
        %add3A_160 = arith.constant 632 : i32
        %add3A_161 = arith.addi %mul3A_0, %add3A_160 : i32
        %lt3A_162 = vector.broadcast %add3A_161 : i32 to vector<16xi32>
        %lt3A_163 = arith.cmpi slt, %get3A_157, %lt3A_162 : vector<16xi32>
        %and3A_164 = arith.andi %ge3A_159, %lt3A_163 : vector<16xi1>
        %jit3A_165 = arith.constant 1 : i32
        %jit3A_166 = arith.constant 0 : i32
        %broadcast_in_dim3A_167 = vector.broadcast %jit3A_165 : i32 to vector<16xi32>
        %broadcast_in_dim3A_168 = vector.broadcast %jit3A_166 : i32 to vector<16xi32>
        %select_n3A_169 = arith.select %and3A_164, %broadcast_in_dim3A_167, %broadcast_in_dim3A_168 : vector<16xi1>, vector<16xi32>
        %broadcast_in_dim3A_170 = arith.constant true
        %broadcast_in_dim3A_171 = vector.broadcast %broadcast_in_dim3A_170 : i1 to vector<16xi1>
        %masked_cumsum3A_172 = tpu.scan <sum>, %select_n3A_169 masked %broadcast_in_dim3A_171 : vector<16xi32>, vector<16xi1> -> vector<16xi32>
        %sub3A_173 = arith.constant 1 : i32
        %sub3A_174 = vector.broadcast %sub3A_173 : i32 to vector<16xi32>
        %sub3A_175 = arith.subi %masked_cumsum3A_172, %sub3A_174 : vector<16xi32>
        %add3A_176 = vector.broadcast %cond3A_151 : i32 to vector<16xi32>
        %add3A_177 = arith.addi %sub3A_175, %add3A_176 : vector<16xi32>
        %mul3A_178 = arith.constant 16 : i32
        %mul3A_179 = arith.muli %scan3A_153, %mul3A_178 : i32
        %add3A_180 = arith.addi %add3A, %mul3A_179 : i32
        %add3A_181 = vector.broadcast %add3A_180 : i32 to vector<16xi32>
        %add3A_182 = arith.addi %add3A_181, %iota3A : vector<16xi32>
        tpu.vector_store_idx %arg6[%add3A_177], %add3A_182 masked %and3A_164 : memref<320xi32, #tpu.memory_space<vmem>>[vector<16xi32>], vector<16xi32>, vector<16xi1>
        tpu.vector_store_idx %arg7[%add3A_177], %get3A_157 masked %and3A_164 : memref<320xi32, #tpu.memory_space<vmem>>[vector<16xi32>], vector<16xi32>, vector<16xi1>
        %all_reduce_population_count3A_183 = tpu.all_reduce %and3A_164 {dim = 0 : i64, kind = #tpu.reduction_kind<sum>} : vector<16xi1> -> vector<16xi32>
        %slice3A_184 = vector.extract_strided_slice %all_reduce_population_count3A_183 {offsets = [0], sizes = [1], strides = [1]} : vector<16xi32> to vector<1xi32>
        %squeeze3A_185 = vector.extract %slice3A_184[0] : i32 from vector<1xi32>
        %add3A_186 = arith.addi %cond3A_151, %squeeze3A_185 : i32
        %ge3A_187 = arith.constant 304 : i32
        %ge3A_188 = arith.cmpi sge, %add3A_186, %ge3A_187 : i32
        %convert_element_type3A_189 = arith.extui %ge3A_188 : i1 to i32
        %cond3A_190 = arith.constant 0 : i32
        %cond3A_191 = arith.cmpi ne, %convert_element_type3A_189, %cond3A_190 : i32
        %cond3A_192 = scf.if %cond3A_191 -> (i32) {
          %dma_start3A_275 = arith.constant 0 : i32
          %dma_start3A_276 = arith.constant 0 : i32
          %dma_start3A_277 = tpu.memref_slice %arg8[%dma_start3A_275, %dma_start3A_276] : memref<320x128xf32, #tpu.memory_space<vmem>> -> memref<160x128xf32, #tpu.memory_space<vmem>>
          %dma_start3A_278 = arith.constant 0 : i32
          %dma_start3A_279 = tpu.memref_slice %arg6[%dma_start3A_278] : memref<320xi32, #tpu.memory_space<vmem>> -> memref<160xi32, #tpu.memory_space<vmem>>
          %dma_start3A_280 = arith.constant 0 : i32
          %dma_start3A_281 = arith.constant 0 : i32
          %dma_start3A_282 = tpu.memref_slice %arg3[%dma_start3A_280, %dma_start3A_281] : memref<320000x128xf32, #tpu.memory_space<hbm>> -> memref<320000x128xf32, #tpu.memory_space<hbm>>
          tpu.enqueue_indirect_dma source(%dma_start3A_282 : memref<320000x128xf32, #tpu.memory_space<hbm>>) target(%dma_start3A_277 : memref<160x128xf32, #tpu.memory_space<vmem>>) offsets(%dma_start3A_279 : memref<160xi32, #tpu.memory_space<vmem>>) semaphore(%arg10 : memref<!tpu.dma_semaphore, #tpu.memory_space<semaphore_mem>>)
          %dma_start3A_283 = arith.constant 160 : i32
          %dma_start3A_284 = arith.constant 0 : i32
          %dma_start3A_285 = tpu.memref_slice %arg8[%dma_start3A_283, %dma_start3A_284] : memref<320x128xf32, #tpu.memory_space<vmem>> -> memref<160x128xf32, #tpu.memory_space<vmem>>
          %dma_start3A_286 = arith.constant 160 : i32
          %dma_start3A_287 = tpu.memref_slice %arg6[%dma_start3A_286] : memref<320xi32, #tpu.memory_space<vmem>> -> memref<160xi32, #tpu.memory_space<vmem>>
          %dma_start3A_288 = arith.constant 0 : i32
          %dma_start3A_289 = arith.constant 0 : i32
          %dma_start3A_290 = tpu.memref_slice %arg3[%dma_start3A_288, %dma_start3A_289] : memref<320000x128xf32, #tpu.memory_space<hbm>> -> memref<320000x128xf32, #tpu.memory_space<hbm>>
          tpu.enqueue_indirect_dma source(%dma_start3A_290 : memref<320000x128xf32, #tpu.memory_space<hbm>>) target(%dma_start3A_285 : memref<160x128xf32, #tpu.memory_space<vmem>>) offsets(%dma_start3A_287 : memref<160xi32, #tpu.memory_space<vmem>>) semaphore(%arg11 : memref<!tpu.dma_semaphore, #tpu.memory_space<semaphore_mem>>)
          %dma_wait3A_291 = arith.constant 0 : i32
          %dma_wait3A_292 = arith.constant 0 : i32
          %dma_wait3A_293 = tpu.memref_slice %arg8[%dma_wait3A_291, %dma_wait3A_292] : memref<320x128xf32, #tpu.memory_space<vmem>> -> memref<160x128xf32, #tpu.memory_space<vmem>>
          %dma_wait3A_294 = arith.constant 0 : i32
          %dma_wait3A_295 = tpu.memref_slice %arg6[%dma_wait3A_294] : memref<320xi32, #tpu.memory_space<vmem>> -> memref<160xi32, #tpu.memory_space<vmem>>
          %dma_wait3A_296 = arith.constant 0 : i32
          %dma_wait3A_297 = arith.constant 0 : i32
          %dma_wait3A_298 = tpu.memref_slice %arg3[%dma_wait3A_296, %dma_wait3A_297] : memref<320000x128xf32, #tpu.memory_space<hbm>> -> memref<320000x128xf32, #tpu.memory_space<hbm>>
          tpu.wait_indirect_dma semaphore(%arg10 : memref<!tpu.dma_semaphore, #tpu.memory_space<semaphore_mem>>) src(%dma_wait3A_298 : memref<320000x128xf32, #tpu.memory_space<hbm>>) dst(%dma_wait3A_293 : memref<160x128xf32, #tpu.memory_space<vmem>>)
          %min3A_299 = arith.constant 160 : i32
          %min3A_300 = arith.minsi %add3A_186, %min3A_299 : i32
          %while3A_301 = arith.constant 0 : i32
          %while3A_302 = arith.constant 0 : i32
          %while3A_303 = arith.subi %min3A_300, %while3A_302 : i32
          %while3A_304 = arith.addi %while3A_302, %while3A_303 : i32
          %while3A_305 = arith.constant 1 : i32
          %while3A_306 = arith.divsi %while3A_303, %while3A_305 : i32
          %while3A_307 = arith.muli %while3A_306, %while3A_305 : i32
          %while3A_308 = arith.addi %while3A_302, %while3A_307 : i32
          %while3A_309 = arith.constant 1 : i32
          scf.for %while3A_332 = %while3A_302 to %while3A_308 step %while3A_309  : i32 {
            %broadcast_in_dim3A_333 = vector.broadcast %while3A_332 : i32 to vector<16xi32>
            %gather3A = tpu.vector_load_idx %arg7[%broadcast_in_dim3A_333] : memref<320xi32, #tpu.memory_space<vmem>>[vector<16xi32>], vector<16xi32>,
            %sub3A_334 = vector.broadcast %mul3A_0 : i32 to vector<16xi32>
            %sub3A_335 = arith.subi %gather3A, %sub3A_334 : vector<16xi32>
            %broadcast_in_dim3A_336 = arith.constant 0 : i32
            %broadcast_in_dim3A_337 = vector.broadcast %broadcast_in_dim3A_336 : i32 to vector<16xi32>
            %add3A_338 = arith.addi %broadcast_in_dim3A_337, %iota3A : vector<16xi32>
            %gather3A_339 = tpu.vector_load_idx %arg9[%sub3A_335, %add3A_338] : memref<632x128xf32, #tpu.memory_space<vmem>>[vector<16xi32>, vector<16xi32>], vector<16xf32>,
            %get3A_340 = arith.index_cast %while3A_332 : i32 to index
            %get3A_341 = arith.constant 0 : index
            %get3A_342 = tpu.vector_load %arg8[%get3A_340, %get3A_341] {strides = array<i32>} : memref<320x128xf32, #tpu.memory_space<vmem>>, vector<16xf32>,
            %max3A_343 = arith.maximumf %gather3A_339, %get3A_342 : vector<16xf32>
            tpu.vector_store_idx %arg9[%sub3A_335, %add3A_338], %max3A_343 : memref<632x128xf32, #tpu.memory_space<vmem>>[vector<16xi32>, vector<16xi32>], vector<16xf32>,
            %broadcast_in_dim3A_344 = arith.constant 16 : i32
            %broadcast_in_dim3A_345 = vector.broadcast %broadcast_in_dim3A_344 : i32 to vector<16xi32>
            %add3A_346 = arith.addi %broadcast_in_dim3A_345, %iota3A : vector<16xi32>
            %gather3A_347 = tpu.vector_load_idx %arg9[%sub3A_335, %add3A_346] : memref<632x128xf32, #tpu.memory_space<vmem>>[vector<16xi32>, vector<16xi32>], vector<16xf32>,
            %get3A_348 = arith.index_cast %while3A_332 : i32 to index
            %get3A_349 = arith.constant 16 : index
            %get3A_350 = tpu.vector_load %arg8[%get3A_348, %get3A_349] {strides = array<i32>} : memref<320x128xf32, #tpu.memory_space<vmem>>, vector<16xf32>,
            %max3A_351 = arith.maximumf %gather3A_347, %get3A_350 : vector<16xf32>
            tpu.vector_store_idx %arg9[%sub3A_335, %add3A_346], %max3A_351 : memref<632x128xf32, #tpu.memory_space<vmem>>[vector<16xi32>, vector<16xi32>], vector<16xf32>,
            %broadcast_in_dim3A_352 = arith.constant 32 : i32
            %broadcast_in_dim3A_353 = vector.broadcast %broadcast_in_dim3A_352 : i32 to vector<16xi32>
            %add3A_354 = arith.addi %broadcast_in_dim3A_353, %iota3A : vector<16xi32>
            %gather3A_355 = tpu.vector_load_idx %arg9[%sub3A_335, %add3A_354] : memref<632x128xf32, #tpu.memory_space<vmem>>[vector<16xi32>, vector<16xi32>], vector<16xf32>,
            %get3A_356 = arith.index_cast %while3A_332 : i32 to index
            %get3A_357 = arith.constant 32 : index
            %get3A_358 = tpu.vector_load %arg8[%get3A_356, %get3A_357] {strides = array<i32>} : memref<320x128xf32, #tpu.memory_space<vmem>>, vector<16xf32>,
            %max3A_359 = arith.maximumf %gather3A_355, %get3A_358 : vector<16xf32>
            tpu.vector_store_idx %arg9[%sub3A_335, %add3A_354], %max3A_359 : memref<632x128xf32, #tpu.memory_space<vmem>>[vector<16xi32>, vector<16xi32>], vector<16xf32>,
            %broadcast_in_dim3A_360 = arith.constant 48 : i32
            %broadcast_in_dim3A_361 = vector.broadcast %broadcast_in_dim3A_360 : i32 to vector<16xi32>
            %add3A_362 = arith.addi %broadcast_in_dim3A_361, %iota3A : vector<16xi32>
            %gather3A_363 = tpu.vector_load_idx %arg9[%sub3A_335, %add3A_362] : memref<632x128xf32, #tpu.memory_space<vmem>>[vector<16xi32>, vector<16xi32>], vector<16xf32>,
            %get3A_364 = arith.index_cast %while3A_332 : i32 to index
            %get3A_365 = arith.constant 48 : index
            %get3A_366 = tpu.vector_load %arg8[%get3A_364, %get3A_365] {strides = array<i32>} : memref<320x128xf32, #tpu.memory_space<vmem>>, vector<16xf32>,
            %max3A_367 = arith.maximumf %gather3A_363, %get3A_366 : vector<16xf32>
            tpu.vector_store_idx %arg9[%sub3A_335, %add3A_362], %max3A_367 : memref<632x128xf32, #tpu.memory_space<vmem>>[vector<16xi32>, vector<16xi32>], vector<16xf32>,
            %broadcast_in_dim3A_368 = arith.constant 64 : i32
            %broadcast_in_dim3A_369 = vector.broadcast %broadcast_in_dim3A_368 : i32 to vector<16xi32>
            %add3A_370 = arith.addi %broadcast_in_dim3A_369, %iota3A : vector<16xi32>
            %gather3A_371 = tpu.vector_load_idx %arg9[%sub3A_335, %add3A_370] : memref<632x128xf32, #tpu.memory_space<vmem>>[vector<16xi32>, vector<16xi32>], vector<16xf32>,
            %get3A_372 = arith.index_cast %while3A_332 : i32 to index
            %get3A_373 = arith.constant 64 : index
            %get3A_374 = tpu.vector_load %arg8[%get3A_372, %get3A_373] {strides = array<i32>} : memref<320x128xf32, #tpu.memory_space<vmem>>, vector<16xf32>,
            %max3A_375 = arith.maximumf %gather3A_371, %get3A_374 : vector<16xf32>
            tpu.vector_store_idx %arg9[%sub3A_335, %add3A_370], %max3A_375 : memref<632x128xf32, #tpu.memory_space<vmem>>[vector<16xi32>, vector<16xi32>], vector<16xf32>,
            %broadcast_in_dim3A_376 = arith.constant 80 : i32
            %broadcast_in_dim3A_377 = vector.broadcast %broadcast_in_dim3A_376 : i32 to vector<16xi32>
            %add3A_378 = arith.addi %broadcast_in_dim3A_377, %iota3A : vector<16xi32>
            %gather3A_379 = tpu.vector_load_idx %arg9[%sub3A_335, %add3A_378] : memref<632x128xf32, #tpu.memory_space<vmem>>[vector<16xi32>, vector<16xi32>], vector<16xf32>,
            %get3A_380 = arith.index_cast %while3A_332 : i32 to index
            %get3A_381 = arith.constant 80 : index
            %get3A_382 = tpu.vector_load %arg8[%get3A_380, %get3A_381] {strides = array<i32>} : memref<320x128xf32, #tpu.memory_space<vmem>>, vector<16xf32>,
            %max3A_383 = arith.maximumf %gather3A_379, %get3A_382 : vector<16xf32>
            tpu.vector_store_idx %arg9[%sub3A_335, %add3A_378], %max3A_383 : memref<632x128xf32, #tpu.memory_space<vmem>>[vector<16xi32>, vector<16xi32>], vector<16xf32>,
            %broadcast_in_dim3A_384 = arith.constant 96 : i32
            %broadcast_in_dim3A_385 = vector.broadcast %broadcast_in_dim3A_384 : i32 to vector<16xi32>
            %add3A_386 = arith.addi %broadcast_in_dim3A_385, %iota3A : vector<16xi32>
            %gather3A_387 = tpu.vector_load_idx %arg9[%sub3A_335, %add3A_386] : memref<632x128xf32, #tpu.memory_space<vmem>>[vector<16xi32>, vector<16xi32>], vector<16xf32>,
            %get3A_388 = arith.index_cast %while3A_332 : i32 to index
            %get3A_389 = arith.constant 96 : index
            %get3A_390 = tpu.vector_load %arg8[%get3A_388, %get3A_389] {strides = array<i32>} : memref<320x128xf32, #tpu.memory_space<vmem>>, vector<16xf32>,
            %max3A_391 = arith.maximumf %gather3A_387, %get3A_390 : vector<16xf32>
            tpu.vector_store_idx %arg9[%sub3A_335, %add3A_386], %max3A_391 : memref<632x128xf32, #tpu.memory_space<vmem>>[vector<16xi32>, vector<16xi32>], vector<16xf32>,
            %broadcast_in_dim3A_392 = arith.constant 112 : i32
            %broadcast_in_dim3A_393 = vector.broadcast %broadcast_in_dim3A_392 : i32 to vector<16xi32>
            %add3A_394 = arith.addi %broadcast_in_dim3A_393, %iota3A : vector<16xi32>
            %gather3A_395 = tpu.vector_load_idx %arg9[%sub3A_335, %add3A_394] : memref<632x128xf32, #tpu.memory_space<vmem>>[vector<16xi32>, vector<16xi32>], vector<16xf32>,
            %get3A_396 = arith.index_cast %while3A_332 : i32 to index
            %get3A_397 = arith.constant 112 : index
            %get3A_398 = tpu.vector_load %arg8[%get3A_396, %get3A_397] {strides = array<i32>} : memref<320x128xf32, #tpu.memory_space<vmem>>, vector<16xf32>,
            %max3A_399 = arith.maximumf %gather3A_395, %get3A_398 : vector<16xf32>
            tpu.vector_store_idx %arg9[%sub3A_335, %add3A_394], %max3A_399 : memref<632x128xf32, #tpu.memory_space<vmem>>[vector<16xi32>, vector<16xi32>], vector<16xf32>,
          }
          %while3A_310 = arith.constant 1 : i32
          scf.for %while3A_332 = %while3A_308 to %while3A_304 step %while3A_310  : i32 {
            %broadcast_in_dim3A_333 = vector.broadcast %while3A_332 : i32 to vector<16xi32>
            %gather3A = tpu.vector_load_idx %arg7[%broadcast_in_dim3A_333] : memref<320xi32, #tpu.memory_space<vmem>>[vector<16xi32>], vector<16xi32>,
            %sub3A_334 = vector.broadcast %mul3A_0 : i32 to vector<16xi32>
            %sub3A_335 = arith.subi %gather3A, %sub3A_334 : vector<16xi32>
            %broadcast_in_dim3A_336 = arith.constant 0 : i32
            %broadcast_in_dim3A_337 = vector.broadcast %broadcast_in_dim3A_336 : i32 to vector<16xi32>
            %add3A_338 = arith.addi %broadcast_in_dim3A_337, %iota3A : vector<16xi32>
            %gather3A_339 = tpu.vector_load_idx %arg9[%sub3A_335, %add3A_338] : memref<632x128xf32, #tpu.memory_space<vmem>>[vector<16xi32>, vector<16xi32>], vector<16xf32>,
            %get3A_340 = arith.index_cast %while3A_332 : i32 to index
            %get3A_341 = arith.constant 0 : index
            %get3A_342 = tpu.vector_load %arg8[%get3A_340, %get3A_341] {strides = array<i32>} : memref<320x128xf32, #tpu.memory_space<vmem>>, vector<16xf32>,
            %max3A_343 = arith.maximumf %gather3A_339, %get3A_342 : vector<16xf32>
            tpu.vector_store_idx %arg9[%sub3A_335, %add3A_338], %max3A_343 : memref<632x128xf32, #tpu.memory_space<vmem>>[vector<16xi32>, vector<16xi32>], vector<16xf32>,
            %broadcast_in_dim3A_344 = arith.constant 16 : i32
            %broadcast_in_dim3A_345 = vector.broadcast %broadcast_in_dim3A_344 : i32 to vector<16xi32>
            %add3A_346 = arith.addi %broadcast_in_dim3A_345, %iota3A : vector<16xi32>
            %gather3A_347 = tpu.vector_load_idx %arg9[%sub3A_335, %add3A_346] : memref<632x128xf32, #tpu.memory_space<vmem>>[vector<16xi32>, vector<16xi32>], vector<16xf32>,
            %get3A_348 = arith.index_cast %while3A_332 : i32 to index
            %get3A_349 = arith.constant 16 : index
            %get3A_350 = tpu.vector_load %arg8[%get3A_348, %get3A_349] {strides = array<i32>} : memref<320x128xf32, #tpu.memory_space<vmem>>, vector<16xf32>,
            %max3A_351 = arith.maximumf %gather3A_347, %get3A_350 : vector<16xf32>
            tpu.vector_store_idx %arg9[%sub3A_335, %add3A_346], %max3A_351 : memref<632x128xf32, #tpu.memory_space<vmem>>[vector<16xi32>, vector<16xi32>], vector<16xf32>,
            %broadcast_in_dim3A_352 = arith.constant 32 : i32
            %broadcast_in_dim3A_353 = vector.broadcast %broadcast_in_dim3A_352 : i32 to vector<16xi32>
            %add3A_354 = arith.addi %broadcast_in_dim3A_353, %iota3A : vector<16xi32>
            %gather3A_355 = tpu.vector_load_idx %arg9[%sub3A_335, %add3A_354] : memref<632x128xf32, #tpu.memory_space<vmem>>[vector<16xi32>, vector<16xi32>], vector<16xf32>,
            %get3A_356 = arith.index_cast %while3A_332 : i32 to index
            %get3A_357 = arith.constant 32 : index
            %get3A_358 = tpu.vector_load %arg8[%get3A_356, %get3A_357] {strides = array<i32>} : memref<320x128xf32, #tpu.memory_space<vmem>>, vector<16xf32>,
            %max3A_359 = arith.maximumf %gather3A_355, %get3A_358 : vector<16xf32>
            tpu.vector_store_idx %arg9[%sub3A_335, %add3A_354], %max3A_359 : memref<632x128xf32, #tpu.memory_space<vmem>>[vector<16xi32>, vector<16xi32>], vector<16xf32>,
            %broadcast_in_dim3A_360 = arith.constant 48 : i32
            %broadcast_in_dim3A_361 = vector.broadcast %broadcast_in_dim3A_360 : i32 to vector<16xi32>
            %add3A_362 = arith.addi %broadcast_in_dim3A_361, %iota3A : vector<16xi32>
            %gather3A_363 = tpu.vector_load_idx %arg9[%sub3A_335, %add3A_362] : memref<632x128xf32, #tpu.memory_space<vmem>>[vector<16xi32>, vector<16xi32>], vector<16xf32>,
            %get3A_364 = arith.index_cast %while3A_332 : i32 to index
            %get3A_365 = arith.constant 48 : index
            %get3A_366 = tpu.vector_load %arg8[%get3A_364, %get3A_365] {strides = array<i32>} : memref<320x128xf32, #tpu.memory_space<vmem>>, vector<16xf32>,
            %max3A_367 = arith.maximumf %gather3A_363, %get3A_366 : vector<16xf32>
            tpu.vector_store_idx %arg9[%sub3A_335, %add3A_362], %max3A_367 : memref<632x128xf32, #tpu.memory_space<vmem>>[vector<16xi32>, vector<16xi32>], vector<16xf32>,
            %broadcast_in_dim3A_368 = arith.constant 64 : i32
            %broadcast_in_dim3A_369 = vector.broadcast %broadcast_in_dim3A_368 : i32 to vector<16xi32>
            %add3A_370 = arith.addi %broadcast_in_dim3A_369, %iota3A : vector<16xi32>
            %gather3A_371 = tpu.vector_load_idx %arg9[%sub3A_335, %add3A_370] : memref<632x128xf32, #tpu.memory_space<vmem>>[vector<16xi32>, vector<16xi32>], vector<16xf32>,
            %get3A_372 = arith.index_cast %while3A_332 : i32 to index
            %get3A_373 = arith.constant 64 : index
            %get3A_374 = tpu.vector_load %arg8[%get3A_372, %get3A_373] {strides = array<i32>} : memref<320x128xf32, #tpu.memory_space<vmem>>, vector<16xf32>,
            %max3A_375 = arith.maximumf %gather3A_371, %get3A_374 : vector<16xf32>
            tpu.vector_store_idx %arg9[%sub3A_335, %add3A_370], %max3A_375 : memref<632x128xf32, #tpu.memory_space<vmem>>[vector<16xi32>, vector<16xi32>], vector<16xf32>,
            %broadcast_in_dim3A_376 = arith.constant 80 : i32
            %broadcast_in_dim3A_377 = vector.broadcast %broadcast_in_dim3A_376 : i32 to vector<16xi32>
            %add3A_378 = arith.addi %broadcast_in_dim3A_377, %iota3A : vector<16xi32>
            %gather3A_379 = tpu.vector_load_idx %arg9[%sub3A_335, %add3A_378] : memref<632x128xf32, #tpu.memory_space<vmem>>[vector<16xi32>, vector<16xi32>], vector<16xf32>,
            %get3A_380 = arith.index_cast %while3A_332 : i32 to index
            %get3A_381 = arith.constant 80 : index
            %get3A_382 = tpu.vector_load %arg8[%get3A_380, %get3A_381] {strides = array<i32>} : memref<320x128xf32, #tpu.memory_space<vmem>>, vector<16xf32>,
            %max3A_383 = arith.maximumf %gather3A_379, %get3A_382 : vector<16xf32>
            tpu.vector_store_idx %arg9[%sub3A_335, %add3A_378], %max3A_383 : memref<632x128xf32, #tpu.memory_space<vmem>>[vector<16xi32>, vector<16xi32>], vector<16xf32>,
            %broadcast_in_dim3A_384 = arith.constant 96 : i32
            %broadcast_in_dim3A_385 = vector.broadcast %broadcast_in_dim3A_384 : i32 to vector<16xi32>
            %add3A_386 = arith.addi %broadcast_in_dim3A_385, %iota3A : vector<16xi32>
            %gather3A_387 = tpu.vector_load_idx %arg9[%sub3A_335, %add3A_386] : memref<632x128xf32, #tpu.memory_space<vmem>>[vector<16xi32>, vector<16xi32>], vector<16xf32>,
            %get3A_388 = arith.index_cast %while3A_332 : i32 to index
            %get3A_389 = arith.constant 96 : index
            %get3A_390 = tpu.vector_load %arg8[%get3A_388, %get3A_389] {strides = array<i32>} : memref<320x128xf32, #tpu.memory_space<vmem>>, vector<16xf32>,
            %max3A_391 = arith.maximumf %gather3A_387, %get3A_390 : vector<16xf32>
            tpu.vector_store_idx %arg9[%sub3A_335, %add3A_386], %max3A_391 : memref<632x128xf32, #tpu.memory_space<vmem>>[vector<16xi32>, vector<16xi32>], vector<16xf32>,
            %broadcast_in_dim3A_392 = arith.constant 112 : i32
            %broadcast_in_dim3A_393 = vector.broadcast %broadcast_in_dim3A_392 : i32 to vector<16xi32>
            %add3A_394 = arith.addi %broadcast_in_dim3A_393, %iota3A : vector<16xi32>
            %gather3A_395 = tpu.vector_load_idx %arg9[%sub3A_335, %add3A_394] : memref<632x128xf32, #tpu.memory_space<vmem>>[vector<16xi32>, vector<16xi32>], vector<16xf32>,
            %get3A_396 = arith.index_cast %while3A_332 : i32 to index
            %get3A_397 = arith.constant 112 : index
            %get3A_398 = tpu.vector_load %arg8[%get3A_396, %get3A_397] {strides = array<i32>} : memref<320x128xf32, #tpu.memory_space<vmem>>, vector<16xf32>,
            %max3A_399 = arith.maximumf %gather3A_395, %get3A_398 : vector<16xf32>
            tpu.vector_store_idx %arg9[%sub3A_335, %add3A_394], %max3A_399 : memref<632x128xf32, #tpu.memory_space<vmem>>[vector<16xi32>, vector<16xi32>], vector<16xf32>,
          }
          %dma_wait3A_311 = arith.constant 160 : i32
          %dma_wait3A_312 = arith.constant 0 : i32
          %dma_wait3A_313 = tpu.memref_slice %arg8[%dma_wait3A_311, %dma_wait3A_312] : memref<320x128xf32, #tpu.memory_space<vmem>> -> memref<160x128xf32, #tpu.memory_space<vmem>>
          %dma_wait3A_314 = arith.constant 160 : i32
          %dma_wait3A_315 = tpu.memref_slice %arg6[%dma_wait3A_314] : memref<320xi32, #tpu.memory_space<vmem>> -> memref<160xi32, #tpu.memory_space<vmem>>
          %dma_wait3A_316 = arith.constant 0 : i32
          %dma_wait3A_317 = arith.constant 0 : i32
          %dma_wait3A_318 = tpu.memref_slice %arg3[%dma_wait3A_316, %dma_wait3A_317] : memref<320000x128xf32, #tpu.memory_space<hbm>> -> memref<320000x128xf32, #tpu.memory_space<hbm>>
          tpu.wait_indirect_dma semaphore(%arg11 : memref<!tpu.dma_semaphore, #tpu.memory_space<semaphore_mem>>) src(%dma_wait3A_318 : memref<320000x128xf32, #tpu.memory_space<hbm>>) dst(%dma_wait3A_313 : memref<160x128xf32, #tpu.memory_space<vmem>>)
          %max3A_319 = arith.constant 160 : i32
          %max3A_320 = arith.maxsi %add3A_186, %max3A_319 : i32
          %while3A_321 = arith.constant 0 : i32
          %while3A_322 = arith.constant 160 : i32
          %while3A_323 = arith.subi %max3A_320, %while3A_322 : i32
          %while3A_324 = arith.addi %while3A_322, %while3A_323 : i32
          %while3A_325 = arith.constant 1 : i32
          %while3A_326 = arith.divsi %while3A_323, %while3A_325 : i32
          %while3A_327 = arith.muli %while3A_326, %while3A_325 : i32
          %while3A_328 = arith.addi %while3A_322, %while3A_327 : i32
          %while3A_329 = arith.constant 1 : i32
          scf.for %while3A_332 = %while3A_322 to %while3A_328 step %while3A_329  : i32 {
            %broadcast_in_dim3A_333 = vector.broadcast %while3A_332 : i32 to vector<16xi32>
            %gather3A = tpu.vector_load_idx %arg7[%broadcast_in_dim3A_333] : memref<320xi32, #tpu.memory_space<vmem>>[vector<16xi32>], vector<16xi32>,
            %sub3A_334 = vector.broadcast %mul3A_0 : i32 to vector<16xi32>
            %sub3A_335 = arith.subi %gather3A, %sub3A_334 : vector<16xi32>
            %broadcast_in_dim3A_336 = arith.constant 0 : i32
            %broadcast_in_dim3A_337 = vector.broadcast %broadcast_in_dim3A_336 : i32 to vector<16xi32>
            %add3A_338 = arith.addi %broadcast_in_dim3A_337, %iota3A : vector<16xi32>
            %gather3A_339 = tpu.vector_load_idx %arg9[%sub3A_335, %add3A_338] : memref<632x128xf32, #tpu.memory_space<vmem>>[vector<16xi32>, vector<16xi32>], vector<16xf32>,
            %get3A_340 = arith.index_cast %while3A_332 : i32 to index
            %get3A_341 = arith.constant 0 : index
            %get3A_342 = tpu.vector_load %arg8[%get3A_340, %get3A_341] {strides = array<i32>} : memref<320x128xf32, #tpu.memory_space<vmem>>, vector<16xf32>,
            %max3A_343 = arith.maximumf %gather3A_339, %get3A_342 : vector<16xf32>
            tpu.vector_store_idx %arg9[%sub3A_335, %add3A_338], %max3A_343 : memref<632x128xf32, #tpu.memory_space<vmem>>[vector<16xi32>, vector<16xi32>], vector<16xf32>,
            %broadcast_in_dim3A_344 = arith.constant 16 : i32
            %broadcast_in_dim3A_345 = vector.broadcast %broadcast_in_dim3A_344 : i32 to vector<16xi32>
            %add3A_346 = arith.addi %broadcast_in_dim3A_345, %iota3A : vector<16xi32>
            %gather3A_347 = tpu.vector_load_idx %arg9[%sub3A_335, %add3A_346] : memref<632x128xf32, #tpu.memory_space<vmem>>[vector<16xi32>, vector<16xi32>], vector<16xf32>,
            %get3A_348 = arith.index_cast %while3A_332 : i32 to index
            %get3A_349 = arith.constant 16 : index
            %get3A_350 = tpu.vector_load %arg8[%get3A_348, %get3A_349] {strides = array<i32>} : memref<320x128xf32, #tpu.memory_space<vmem>>, vector<16xf32>,
            %max3A_351 = arith.maximumf %gather3A_347, %get3A_350 : vector<16xf32>
            tpu.vector_store_idx %arg9[%sub3A_335, %add3A_346], %max3A_351 : memref<632x128xf32, #tpu.memory_space<vmem>>[vector<16xi32>, vector<16xi32>], vector<16xf32>,
            %broadcast_in_dim3A_352 = arith.constant 32 : i32
            %broadcast_in_dim3A_353 = vector.broadcast %broadcast_in_dim3A_352 : i32 to vector<16xi32>
            %add3A_354 = arith.addi %broadcast_in_dim3A_353, %iota3A : vector<16xi32>
            %gather3A_355 = tpu.vector_load_idx %arg9[%sub3A_335, %add3A_354] : memref<632x128xf32, #tpu.memory_space<vmem>>[vector<16xi32>, vector<16xi32>], vector<16xf32>,
            %get3A_356 = arith.index_cast %while3A_332 : i32 to index
            %get3A_357 = arith.constant 32 : index
            %get3A_358 = tpu.vector_load %arg8[%get3A_356, %get3A_357] {strides = array<i32>} : memref<320x128xf32, #tpu.memory_space<vmem>>, vector<16xf32>,
            %max3A_359 = arith.maximumf %gather3A_355, %get3A_358 : vector<16xf32>
            tpu.vector_store_idx %arg9[%sub3A_335, %add3A_354], %max3A_359 : memref<632x128xf32, #tpu.memory_space<vmem>>[vector<16xi32>, vector<16xi32>], vector<16xf32>,
            %broadcast_in_dim3A_360 = arith.constant 48 : i32
            %broadcast_in_dim3A_361 = vector.broadcast %broadcast_in_dim3A_360 : i32 to vector<16xi32>
            %add3A_362 = arith.addi %broadcast_in_dim3A_361, %iota3A : vector<16xi32>
            %gather3A_363 = tpu.vector_load_idx %arg9[%sub3A_335, %add3A_362] : memref<632x128xf32, #tpu.memory_space<vmem>>[vector<16xi32>, vector<16xi32>], vector<16xf32>,
            %get3A_364 = arith.index_cast %while3A_332 : i32 to index
            %get3A_365 = arith.constant 48 : index
            %get3A_366 = tpu.vector_load %arg8[%get3A_364, %get3A_365] {strides = array<i32>} : memref<320x128xf32, #tpu.memory_space<vmem>>, vector<16xf32>,
            %max3A_367 = arith.maximumf %gather3A_363, %get3A_366 : vector<16xf32>
            tpu.vector_store_idx %arg9[%sub3A_335, %add3A_362], %max3A_367 : memref<632x128xf32, #tpu.memory_space<vmem>>[vector<16xi32>, vector<16xi32>], vector<16xf32>,
            %broadcast_in_dim3A_368 = arith.constant 64 : i32
            %broadcast_in_dim3A_369 = vector.broadcast %broadcast_in_dim3A_368 : i32 to vector<16xi32>
            %add3A_370 = arith.addi %broadcast_in_dim3A_369, %iota3A : vector<16xi32>
            %gather3A_371 = tpu.vector_load_idx %arg9[%sub3A_335, %add3A_370] : memref<632x128xf32, #tpu.memory_space<vmem>>[vector<16xi32>, vector<16xi32>], vector<16xf32>,
            %get3A_372 = arith.index_cast %while3A_332 : i32 to index
            %get3A_373 = arith.constant 64 : index
            %get3A_374 = tpu.vector_load %arg8[%get3A_372, %get3A_373] {strides = array<i32>} : memref<320x128xf32, #tpu.memory_space<vmem>>, vector<16xf32>,
            %max3A_375 = arith.maximumf %gather3A_371, %get3A_374 : vector<16xf32>
            tpu.vector_store_idx %arg9[%sub3A_335, %add3A_370], %max3A_375 : memref<632x128xf32, #tpu.memory_space<vmem>>[vector<16xi32>, vector<16xi32>], vector<16xf32>,
            %broadcast_in_dim3A_376 = arith.constant 80 : i32
            %broadcast_in_dim3A_377 = vector.broadcast %broadcast_in_dim3A_376 : i32 to vector<16xi32>
            %add3A_378 = arith.addi %broadcast_in_dim3A_377, %iota3A : vector<16xi32>
            %gather3A_379 = tpu.vector_load_idx %arg9[%sub3A_335, %add3A_378] : memref<632x128xf32, #tpu.memory_space<vmem>>[vector<16xi32>, vector<16xi32>], vector<16xf32>,
            %get3A_380 = arith.index_cast %while3A_332 : i32 to index
            %get3A_381 = arith.constant 80 : index
            %get3A_382 = tpu.vector_load %arg8[%get3A_380, %get3A_381] {strides = array<i32>} : memref<320x128xf32, #tpu.memory_space<vmem>>, vector<16xf32>,
            %max3A_383 = arith.maximumf %gather3A_379, %get3A_382 : vector<16xf32>
            tpu.vector_store_idx %arg9[%sub3A_335, %add3A_378], %max3A_383 : memref<632x128xf32, #tpu.memory_space<vmem>>[vector<16xi32>, vector<16xi32>], vector<16xf32>,
            %broadcast_in_dim3A_384 = arith.constant 96 : i32
            %broadcast_in_dim3A_385 = vector.broadcast %broadcast_in_dim3A_384 : i32 to vector<16xi32>
            %add3A_386 = arith.addi %broadcast_in_dim3A_385, %iota3A : vector<16xi32>
            %gather3A_387 = tpu.vector_load_idx %arg9[%sub3A_335, %add3A_386] : memref<632x128xf32, #tpu.memory_space<vmem>>[vector<16xi32>, vector<16xi32>], vector<16xf32>,
            %get3A_388 = arith.index_cast %while3A_332 : i32 to index
            %get3A_389 = arith.constant 96 : index
            %get3A_390 = tpu.vector_load %arg8[%get3A_388, %get3A_389] {strides = array<i32>} : memref<320x128xf32, #tpu.memory_space<vmem>>, vector<16xf32>,
            %max3A_391 = arith.maximumf %gather3A_387, %get3A_390 : vector<16xf32>
            tpu.vector_store_idx %arg9[%sub3A_335, %add3A_386], %max3A_391 : memref<632x128xf32, #tpu.memory_space<vmem>>[vector<16xi32>, vector<16xi32>], vector<16xf32>,
            %broadcast_in_dim3A_392 = arith.constant 112 : i32
            %broadcast_in_dim3A_393 = vector.broadcast %broadcast_in_dim3A_392 : i32 to vector<16xi32>
            %add3A_394 = arith.addi %broadcast_in_dim3A_393, %iota3A : vector<16xi32>
            %gather3A_395 = tpu.vector_load_idx %arg9[%sub3A_335, %add3A_394] : memref<632x128xf32, #tpu.memory_space<vmem>>[vector<16xi32>, vector<16xi32>], vector<16xf32>,
            %get3A_396 = arith.index_cast %while3A_332 : i32 to index
            %get3A_397 = arith.constant 112 : index
            %get3A_398 = tpu.vector_load %arg8[%get3A_396, %get3A_397] {strides = array<i32>} : memref<320x128xf32, #tpu.memory_space<vmem>>, vector<16xf32>,
            %max3A_399 = arith.maximumf %gather3A_395, %get3A_398 : vector<16xf32>
            tpu.vector_store_idx %arg9[%sub3A_335, %add3A_394], %max3A_399 : memref<632x128xf32, #tpu.memory_space<vmem>>[vector<16xi32>, vector<16xi32>], vector<16xf32>,
          }
          %while3A_330 = arith.constant 1 : i32
          scf.for %while3A_332 = %while3A_328 to %while3A_324 step %while3A_330  : i32 {
            %broadcast_in_dim3A_333 = vector.broadcast %while3A_332 : i32 to vector<16xi32>
            %gather3A = tpu.vector_load_idx %arg7[%broadcast_in_dim3A_333] : memref<320xi32, #tpu.memory_space<vmem>>[vector<16xi32>], vector<16xi32>,
            %sub3A_334 = vector.broadcast %mul3A_0 : i32 to vector<16xi32>
            %sub3A_335 = arith.subi %gather3A, %sub3A_334 : vector<16xi32>
            %broadcast_in_dim3A_336 = arith.constant 0 : i32
            %broadcast_in_dim3A_337 = vector.broadcast %broadcast_in_dim3A_336 : i32 to vector<16xi32>
            %add3A_338 = arith.addi %broadcast_in_dim3A_337, %iota3A : vector<16xi32>
            %gather3A_339 = tpu.vector_load_idx %arg9[%sub3A_335, %add3A_338] : memref<632x128xf32, #tpu.memory_space<vmem>>[vector<16xi32>, vector<16xi32>], vector<16xf32>,
            %get3A_340 = arith.index_cast %while3A_332 : i32 to index
            %get3A_341 = arith.constant 0 : index
            %get3A_342 = tpu.vector_load %arg8[%get3A_340, %get3A_341] {strides = array<i32>} : memref<320x128xf32, #tpu.memory_space<vmem>>, vector<16xf32>,
            %max3A_343 = arith.maximumf %gather3A_339, %get3A_342 : vector<16xf32>
            tpu.vector_store_idx %arg9[%sub3A_335, %add3A_338], %max3A_343 : memref<632x128xf32, #tpu.memory_space<vmem>>[vector<16xi32>, vector<16xi32>], vector<16xf32>,
            %broadcast_in_dim3A_344 = arith.constant 16 : i32
            %broadcast_in_dim3A_345 = vector.broadcast %broadcast_in_dim3A_344 : i32 to vector<16xi32>
            %add3A_346 = arith.addi %broadcast_in_dim3A_345, %iota3A : vector<16xi32>
            %gather3A_347 = tpu.vector_load_idx %arg9[%sub3A_335, %add3A_346] : memref<632x128xf32, #tpu.memory_space<vmem>>[vector<16xi32>, vector<16xi32>], vector<16xf32>,
            %get3A_348 = arith.index_cast %while3A_332 : i32 to index
            %get3A_349 = arith.constant 16 : index
            %get3A_350 = tpu.vector_load %arg8[%get3A_348, %get3A_349] {strides = array<i32>} : memref<320x128xf32, #tpu.memory_space<vmem>>, vector<16xf32>,
            %max3A_351 = arith.maximumf %gather3A_347, %get3A_350 : vector<16xf32>
            tpu.vector_store_idx %arg9[%sub3A_335, %add3A_346], %max3A_351 : memref<632x128xf32, #tpu.memory_space<vmem>>[vector<16xi32>, vector<16xi32>], vector<16xf32>,
            %broadcast_in_dim3A_352 = arith.constant 32 : i32
            %broadcast_in_dim3A_353 = vector.broadcast %broadcast_in_dim3A_352 : i32 to vector<16xi32>
            %add3A_354 = arith.addi %broadcast_in_dim3A_353, %iota3A : vector<16xi32>
            %gather3A_355 = tpu.vector_load_idx %arg9[%sub3A_335, %add3A_354] : memref<632x128xf32, #tpu.memory_space<vmem>>[vector<16xi32>, vector<16xi32>], vector<16xf32>,
            %get3A_356 = arith.index_cast %while3A_332 : i32 to index
            %get3A_357 = arith.constant 32 : index
            %get3A_358 = tpu.vector_load %arg8[%get3A_356, %get3A_357] {strides = array<i32>} : memref<320x128xf32, #tpu.memory_space<vmem>>, vector<16xf32>,
            %max3A_359 = arith.maximumf %gather3A_355, %get3A_358 : vector<16xf32>
            tpu.vector_store_idx %arg9[%sub3A_335, %add3A_354], %max3A_359 : memref<632x128xf32, #tpu.memory_space<vmem>>[vector<16xi32>, vector<16xi32>], vector<16xf32>,
            %broadcast_in_dim3A_360 = arith.constant 48 : i32
            %broadcast_in_dim3A_361 = vector.broadcast %broadcast_in_dim3A_360 : i32 to vector<16xi32>
            %add3A_362 = arith.addi %broadcast_in_dim3A_361, %iota3A : vector<16xi32>
            %gather3A_363 = tpu.vector_load_idx %arg9[%sub3A_335, %add3A_362] : memref<632x128xf32, #tpu.memory_space<vmem>>[vector<16xi32>, vector<16xi32>], vector<16xf32>,
            %get3A_364 = arith.index_cast %while3A_332 : i32 to index
            %get3A_365 = arith.constant 48 : index
            %get3A_366 = tpu.vector_load %arg8[%get3A_364, %get3A_365] {strides = array<i32>} : memref<320x128xf32, #tpu.memory_space<vmem>>, vector<16xf32>,
            %max3A_367 = arith.maximumf %gather3A_363, %get3A_366 : vector<16xf32>
            tpu.vector_store_idx %arg9[%sub3A_335, %add3A_362], %max3A_367 : memref<632x128xf32, #tpu.memory_space<vmem>>[vector<16xi32>, vector<16xi32>], vector<16xf32>,
            %broadcast_in_dim3A_368 = arith.constant 64 : i32
            %broadcast_in_dim3A_369 = vector.broadcast %broadcast_in_dim3A_368 : i32 to vector<16xi32>
            %add3A_370 = arith.addi %broadcast_in_dim3A_369, %iota3A : vector<16xi32>
            %gather3A_371 = tpu.vector_load_idx %arg9[%sub3A_335, %add3A_370] : memref<632x128xf32, #tpu.memory_space<vmem>>[vector<16xi32>, vector<16xi32>], vector<16xf32>,
            %get3A_372 = arith.index_cast %while3A_332 : i32 to index
            %get3A_373 = arith.constant 64 : index
            %get3A_374 = tpu.vector_load %arg8[%get3A_372, %get3A_373] {strides = array<i32>} : memref<320x128xf32, #tpu.memory_space<vmem>>, vector<16xf32>,
            %max3A_375 = arith.maximumf %gather3A_371, %get3A_374 : vector<16xf32>
            tpu.vector_store_idx %arg9[%sub3A_335, %add3A_370], %max3A_375 : memref<632x128xf32, #tpu.memory_space<vmem>>[vector<16xi32>, vector<16xi32>], vector<16xf32>,
            %broadcast_in_dim3A_376 = arith.constant 80 : i32
            %broadcast_in_dim3A_377 = vector.broadcast %broadcast_in_dim3A_376 : i32 to vector<16xi32>
            %add3A_378 = arith.addi %broadcast_in_dim3A_377, %iota3A : vector<16xi32>
            %gather3A_379 = tpu.vector_load_idx %arg9[%sub3A_335, %add3A_378] : memref<632x128xf32, #tpu.memory_space<vmem>>[vector<16xi32>, vector<16xi32>], vector<16xf32>,
            %get3A_380 = arith.index_cast %while3A_332 : i32 to index
            %get3A_381 = arith.constant 80 : index
            %get3A_382 = tpu.vector_load %arg8[%get3A_380, %get3A_381] {strides = array<i32>} : memref<320x128xf32, #tpu.memory_space<vmem>>, vector<16xf32>,
            %max3A_383 = arith.maximumf %gather3A_379, %get3A_382 : vector<16xf32>
            tpu.vector_store_idx %arg9[%sub3A_335, %add3A_378], %max3A_383 : memref<632x128xf32, #tpu.memory_space<vmem>>[vector<16xi32>, vector<16xi32>], vector<16xf32>,
            %broadcast_in_dim3A_384 = arith.constant 96 : i32
            %broadcast_in_dim3A_385 = vector.broadcast %broadcast_in_dim3A_384 : i32 to vector<16xi32>
            %add3A_386 = arith.addi %broadcast_in_dim3A_385, %iota3A : vector<16xi32>
            %gather3A_387 = tpu.vector_load_idx %arg9[%sub3A_335, %add3A_386] : memref<632x128xf32, #tpu.memory_space<vmem>>[vector<16xi32>, vector<16xi32>], vector<16xf32>,
            %get3A_388 = arith.index_cast %while3A_332 : i32 to index
            %get3A_389 = arith.constant 96 : index
            %get3A_390 = tpu.vector_load %arg8[%get3A_388, %get3A_389] {strides = array<i32>} : memref<320x128xf32, #tpu.memory_space<vmem>>, vector<16xf32>,
            %max3A_391 = arith.maximumf %gather3A_387, %get3A_390 : vector<16xf32>
            tpu.vector_store_idx %arg9[%sub3A_335, %add3A_386], %max3A_391 : memref<632x128xf32, #tpu.memory_space<vmem>>[vector<16xi32>, vector<16xi32>], vector<16xf32>,
            %broadcast_in_dim3A_392 = arith.constant 112 : i32
            %broadcast_in_dim3A_393 = vector.broadcast %broadcast_in_dim3A_392 : i32 to vector<16xi32>
            %add3A_394 = arith.addi %broadcast_in_dim3A_393, %iota3A : vector<16xi32>
            %gather3A_395 = tpu.vector_load_idx %arg9[%sub3A_335, %add3A_394] : memref<632x128xf32, #tpu.memory_space<vmem>>[vector<16xi32>, vector<16xi32>], vector<16xf32>,
            %get3A_396 = arith.index_cast %while3A_332 : i32 to index
            %get3A_397 = arith.constant 112 : index
            %get3A_398 = tpu.vector_load %arg8[%get3A_396, %get3A_397] {strides = array<i32>} : memref<320x128xf32, #tpu.memory_space<vmem>>, vector<16xf32>,
            %max3A_399 = arith.maximumf %gather3A_395, %get3A_398 : vector<16xf32>
            tpu.vector_store_idx %arg9[%sub3A_335, %add3A_394], %max3A_399 : memref<632x128xf32, #tpu.memory_space<vmem>>[vector<16xi32>, vector<16xi32>], vector<16xf32>,
          }
          %cond3A_331 = arith.constant 0 : i32
          scf.yield %cond3A_331 : i32
        } else {
          scf.yield %add3A_186 : i32
        }
        %scan3A_193 = arith.constant 3 : i32
        %scan3A_194 = arith.addi %scan3A_83, %scan3A_193 : i32
        %mul3A_195 = arith.constant 16 : i32
        %mul3A_196 = arith.muli %scan3A_194, %mul3A_195 : i32
        %get3A_197 = arith.index_cast %mul3A_196 : i32 to index
        %get3A_198 = tpu.vector_load %arg5[%get3A_197] {strides = array<i32>} : memref<2000xi32, #tpu.memory_space<vmem>>, vector<16xi32>,
        %ge3A_199 = vector.broadcast %mul3A_0 : i32 to vector<16xi32>
        %ge3A_200 = arith.cmpi sge, %get3A_198, %ge3A_199 : vector<16xi32>
        %add3A_201 = arith.constant 632 : i32
        %add3A_202 = arith.addi %mul3A_0, %add3A_201 : i32
        %lt3A_203 = vector.broadcast %add3A_202 : i32 to vector<16xi32>
        %lt3A_204 = arith.cmpi slt, %get3A_198, %lt3A_203 : vector<16xi32>
        %and3A_205 = arith.andi %ge3A_200, %lt3A_204 : vector<16xi1>
        %jit3A_206 = arith.constant 1 : i32
        %jit3A_207 = arith.constant 0 : i32
        %broadcast_in_dim3A_208 = vector.broadcast %jit3A_206 : i32 to vector<16xi32>
        %broadcast_in_dim3A_209 = vector.broadcast %jit3A_207 : i32 to vector<16xi32>
        %select_n3A_210 = arith.select %and3A_205, %broadcast_in_dim3A_208, %broadcast_in_dim3A_209 : vector<16xi1>, vector<16xi32>
        %broadcast_in_dim3A_211 = arith.constant true
        %broadcast_in_dim3A_212 = vector.broadcast %broadcast_in_dim3A_211 : i1 to vector<16xi1>
        %masked_cumsum3A_213 = tpu.scan <sum>, %select_n3A_210 masked %broadcast_in_dim3A_212 : vector<16xi32>, vector<16xi1> -> vector<16xi32>
        %sub3A_214 = arith.constant 1 : i32
        %sub3A_215 = vector.broadcast %sub3A_214 : i32 to vector<16xi32>
        %sub3A_216 = arith.subi %masked_cumsum3A_213, %sub3A_215 : vector<16xi32>
        %add3A_217 = vector.broadcast %cond3A_192 : i32 to vector<16xi32>
        %add3A_218 = arith.addi %sub3A_216, %add3A_217 : vector<16xi32>
        %mul3A_219 = arith.constant 16 : i32
        %mul3A_220 = arith.muli %scan3A_194, %mul3A_219 : i32
        %add3A_221 = arith.addi %add3A, %mul3A_220 : i32
        %add3A_222 = vector.broadcast %add3A_221 : i32 to vector<16xi32>
        %add3A_223 = arith.addi %add3A_222, %iota3A : vector<16xi32>
        tpu.vector_store_idx %arg6[%add3A_218], %add3A_223 masked %and3A_205 : memref<320xi32, #tpu.memory_space<vmem>>[vector<16xi32>], vector<16xi32>, vector<16xi1>
        tpu.vector_store_idx %arg7[%add3A_218], %get3A_198 masked %and3A_205 : memref<320xi32, #tpu.memory_space<vmem>>[vector<16xi32>], vector<16xi32>, vector<16xi1>
        %all_reduce_population_count3A_224 = tpu.all_reduce %and3A_205 {dim = 0 : i64, kind = #tpu.reduction_kind<sum>} : vector<16xi1> -> vector<16xi32>
        %slice3A_225 = vector.extract_strided_slice %all_reduce_population_count3A_224 {offsets = [0], sizes = [1], strides = [1]} : vector<16xi32> to vector<1xi32>
        %squeeze3A_226 = vector.extract %slice3A_225[0] : i32 from vector<1xi32>
        %add3A_227 = arith.addi %cond3A_192, %squeeze3A_226 : i32
        %ge3A_228 = arith.constant 304 : i32
        %ge3A_229 = arith.cmpi sge, %add3A_227, %ge3A_228 : i32
        %convert_element_type3A_230 = arith.extui %ge3A_229 : i1 to i32
        %cond3A_231 = arith.constant 0 : i32
        %cond3A_232 = arith.cmpi ne, %convert_element_type3A_230, %cond3A_231 : i32
        %cond3A_233 = scf.if %cond3A_232 -> (i32) {
          %dma_start3A_275 = arith.constant 0 : i32
          %dma_start3A_276 = arith.constant 0 : i32
          %dma_start3A_277 = tpu.memref_slice %arg8[%dma_start3A_275, %dma_start3A_276] : memref<320x128xf32, #tpu.memory_space<vmem>> -> memref<160x128xf32, #tpu.memory_space<vmem>>
          %dma_start3A_278 = arith.constant 0 : i32
          %dma_start3A_279 = tpu.memref_slice %arg6[%dma_start3A_278] : memref<320xi32, #tpu.memory_space<vmem>> -> memref<160xi32, #tpu.memory_space<vmem>>
          %dma_start3A_280 = arith.constant 0 : i32
          %dma_start3A_281 = arith.constant 0 : i32
          %dma_start3A_282 = tpu.memref_slice %arg3[%dma_start3A_280, %dma_start3A_281] : memref<320000x128xf32, #tpu.memory_space<hbm>> -> memref<320000x128xf32, #tpu.memory_space<hbm>>
          tpu.enqueue_indirect_dma source(%dma_start3A_282 : memref<320000x128xf32, #tpu.memory_space<hbm>>) target(%dma_start3A_277 : memref<160x128xf32, #tpu.memory_space<vmem>>) offsets(%dma_start3A_279 : memref<160xi32, #tpu.memory_space<vmem>>) semaphore(%arg10 : memref<!tpu.dma_semaphore, #tpu.memory_space<semaphore_mem>>)
          %dma_start3A_283 = arith.constant 160 : i32
          %dma_start3A_284 = arith.constant 0 : i32
          %dma_start3A_285 = tpu.memref_slice %arg8[%dma_start3A_283, %dma_start3A_284] : memref<320x128xf32, #tpu.memory_space<vmem>> -> memref<160x128xf32, #tpu.memory_space<vmem>>
          %dma_start3A_286 = arith.constant 160 : i32
          %dma_start3A_287 = tpu.memref_slice %arg6[%dma_start3A_286] : memref<320xi32, #tpu.memory_space<vmem>> -> memref<160xi32, #tpu.memory_space<vmem>>
          %dma_start3A_288 = arith.constant 0 : i32
          %dma_start3A_289 = arith.constant 0 : i32
          %dma_start3A_290 = tpu.memref_slice %arg3[%dma_start3A_288, %dma_start3A_289] : memref<320000x128xf32, #tpu.memory_space<hbm>> -> memref<320000x128xf32, #tpu.memory_space<hbm>>
          tpu.enqueue_indirect_dma source(%dma_start3A_290 : memref<320000x128xf32, #tpu.memory_space<hbm>>) target(%dma_start3A_285 : memref<160x128xf32, #tpu.memory_space<vmem>>) offsets(%dma_start3A_287 : memref<160xi32, #tpu.memory_space<vmem>>) semaphore(%arg11 : memref<!tpu.dma_semaphore, #tpu.memory_space<semaphore_mem>>)
          %dma_wait3A_291 = arith.constant 0 : i32
          %dma_wait3A_292 = arith.constant 0 : i32
          %dma_wait3A_293 = tpu.memref_slice %arg8[%dma_wait3A_291, %dma_wait3A_292] : memref<320x128xf32, #tpu.memory_space<vmem>> -> memref<160x128xf32, #tpu.memory_space<vmem>>
          %dma_wait3A_294 = arith.constant 0 : i32
          %dma_wait3A_295 = tpu.memref_slice %arg6[%dma_wait3A_294] : memref<320xi32, #tpu.memory_space<vmem>> -> memref<160xi32, #tpu.memory_space<vmem>>
          %dma_wait3A_296 = arith.constant 0 : i32
          %dma_wait3A_297 = arith.constant 0 : i32
          %dma_wait3A_298 = tpu.memref_slice %arg3[%dma_wait3A_296, %dma_wait3A_297] : memref<320000x128xf32, #tpu.memory_space<hbm>> -> memref<320000x128xf32, #tpu.memory_space<hbm>>
          tpu.wait_indirect_dma semaphore(%arg10 : memref<!tpu.dma_semaphore, #tpu.memory_space<semaphore_mem>>) src(%dma_wait3A_298 : memref<320000x128xf32, #tpu.memory_space<hbm>>) dst(%dma_wait3A_293 : memref<160x128xf32, #tpu.memory_space<vmem>>)
          %min3A_299 = arith.constant 160 : i32
          %min3A_300 = arith.minsi %add3A_227, %min3A_299 : i32
          %while3A_301 = arith.constant 0 : i32
          %while3A_302 = arith.constant 0 : i32
          %while3A_303 = arith.subi %min3A_300, %while3A_302 : i32
          %while3A_304 = arith.addi %while3A_302, %while3A_303 : i32
          %while3A_305 = arith.constant 1 : i32
          %while3A_306 = arith.divsi %while3A_303, %while3A_305 : i32
          %while3A_307 = arith.muli %while3A_306, %while3A_305 : i32
          %while3A_308 = arith.addi %while3A_302, %while3A_307 : i32
          %while3A_309 = arith.constant 1 : i32
          scf.for %while3A_332 = %while3A_302 to %while3A_308 step %while3A_309  : i32 {
            %broadcast_in_dim3A_333 = vector.broadcast %while3A_332 : i32 to vector<16xi32>
            %gather3A = tpu.vector_load_idx %arg7[%broadcast_in_dim3A_333] : memref<320xi32, #tpu.memory_space<vmem>>[vector<16xi32>], vector<16xi32>,
            %sub3A_334 = vector.broadcast %mul3A_0 : i32 to vector<16xi32>
            %sub3A_335 = arith.subi %gather3A, %sub3A_334 : vector<16xi32>
            %broadcast_in_dim3A_336 = arith.constant 0 : i32
            %broadcast_in_dim3A_337 = vector.broadcast %broadcast_in_dim3A_336 : i32 to vector<16xi32>
            %add3A_338 = arith.addi %broadcast_in_dim3A_337, %iota3A : vector<16xi32>
            %gather3A_339 = tpu.vector_load_idx %arg9[%sub3A_335, %add3A_338] : memref<632x128xf32, #tpu.memory_space<vmem>>[vector<16xi32>, vector<16xi32>], vector<16xf32>,
            %get3A_340 = arith.index_cast %while3A_332 : i32 to index
            %get3A_341 = arith.constant 0 : index
            %get3A_342 = tpu.vector_load %arg8[%get3A_340, %get3A_341] {strides = array<i32>} : memref<320x128xf32, #tpu.memory_space<vmem>>, vector<16xf32>,
            %max3A_343 = arith.maximumf %gather3A_339, %get3A_342 : vector<16xf32>
            tpu.vector_store_idx %arg9[%sub3A_335, %add3A_338], %max3A_343 : memref<632x128xf32, #tpu.memory_space<vmem>>[vector<16xi32>, vector<16xi32>], vector<16xf32>,
            %broadcast_in_dim3A_344 = arith.constant 16 : i32
            %broadcast_in_dim3A_345 = vector.broadcast %broadcast_in_dim3A_344 : i32 to vector<16xi32>
            %add3A_346 = arith.addi %broadcast_in_dim3A_345, %iota3A : vector<16xi32>
            %gather3A_347 = tpu.vector_load_idx %arg9[%sub3A_335, %add3A_346] : memref<632x128xf32, #tpu.memory_space<vmem>>[vector<16xi32>, vector<16xi32>], vector<16xf32>,
            %get3A_348 = arith.index_cast %while3A_332 : i32 to index
            %get3A_349 = arith.constant 16 : index
            %get3A_350 = tpu.vector_load %arg8[%get3A_348, %get3A_349] {strides = array<i32>} : memref<320x128xf32, #tpu.memory_space<vmem>>, vector<16xf32>,
            %max3A_351 = arith.maximumf %gather3A_347, %get3A_350 : vector<16xf32>
            tpu.vector_store_idx %arg9[%sub3A_335, %add3A_346], %max3A_351 : memref<632x128xf32, #tpu.memory_space<vmem>>[vector<16xi32>, vector<16xi32>], vector<16xf32>,
            %broadcast_in_dim3A_352 = arith.constant 32 : i32
            %broadcast_in_dim3A_353 = vector.broadcast %broadcast_in_dim3A_352 : i32 to vector<16xi32>
            %add3A_354 = arith.addi %broadcast_in_dim3A_353, %iota3A : vector<16xi32>
            %gather3A_355 = tpu.vector_load_idx %arg9[%sub3A_335, %add3A_354] : memref<632x128xf32, #tpu.memory_space<vmem>>[vector<16xi32>, vector<16xi32>], vector<16xf32>,
            %get3A_356 = arith.index_cast %while3A_332 : i32 to index
            %get3A_357 = arith.constant 32 : index
            %get3A_358 = tpu.vector_load %arg8[%get3A_356, %get3A_357] {strides = array<i32>} : memref<320x128xf32, #tpu.memory_space<vmem>>, vector<16xf32>,
            %max3A_359 = arith.maximumf %gather3A_355, %get3A_358 : vector<16xf32>
            tpu.vector_store_idx %arg9[%sub3A_335, %add3A_354], %max3A_359 : memref<632x128xf32, #tpu.memory_space<vmem>>[vector<16xi32>, vector<16xi32>], vector<16xf32>,
            %broadcast_in_dim3A_360 = arith.constant 48 : i32
            %broadcast_in_dim3A_361 = vector.broadcast %broadcast_in_dim3A_360 : i32 to vector<16xi32>
            %add3A_362 = arith.addi %broadcast_in_dim3A_361, %iota3A : vector<16xi32>
            %gather3A_363 = tpu.vector_load_idx %arg9[%sub3A_335, %add3A_362] : memref<632x128xf32, #tpu.memory_space<vmem>>[vector<16xi32>, vector<16xi32>], vector<16xf32>,
            %get3A_364 = arith.index_cast %while3A_332 : i32 to index
            %get3A_365 = arith.constant 48 : index
            %get3A_366 = tpu.vector_load %arg8[%get3A_364, %get3A_365] {strides = array<i32>} : memref<320x128xf32, #tpu.memory_space<vmem>>, vector<16xf32>,
            %max3A_367 = arith.maximumf %gather3A_363, %get3A_366 : vector<16xf32>
            tpu.vector_store_idx %arg9[%sub3A_335, %add3A_362], %max3A_367 : memref<632x128xf32, #tpu.memory_space<vmem>>[vector<16xi32>, vector<16xi32>], vector<16xf32>,
            %broadcast_in_dim3A_368 = arith.constant 64 : i32
            %broadcast_in_dim3A_369 = vector.broadcast %broadcast_in_dim3A_368 : i32 to vector<16xi32>
            %add3A_370 = arith.addi %broadcast_in_dim3A_369, %iota3A : vector<16xi32>
            %gather3A_371 = tpu.vector_load_idx %arg9[%sub3A_335, %add3A_370] : memref<632x128xf32, #tpu.memory_space<vmem>>[vector<16xi32>, vector<16xi32>], vector<16xf32>,
            %get3A_372 = arith.index_cast %while3A_332 : i32 to index
            %get3A_373 = arith.constant 64 : index
            %get3A_374 = tpu.vector_load %arg8[%get3A_372, %get3A_373] {strides = array<i32>} : memref<320x128xf32, #tpu.memory_space<vmem>>, vector<16xf32>,
            %max3A_375 = arith.maximumf %gather3A_371, %get3A_374 : vector<16xf32>
            tpu.vector_store_idx %arg9[%sub3A_335, %add3A_370], %max3A_375 : memref<632x128xf32, #tpu.memory_space<vmem>>[vector<16xi32>, vector<16xi32>], vector<16xf32>,
            %broadcast_in_dim3A_376 = arith.constant 80 : i32
            %broadcast_in_dim3A_377 = vector.broadcast %broadcast_in_dim3A_376 : i32 to vector<16xi32>
            %add3A_378 = arith.addi %broadcast_in_dim3A_377, %iota3A : vector<16xi32>
            %gather3A_379 = tpu.vector_load_idx %arg9[%sub3A_335, %add3A_378] : memref<632x128xf32, #tpu.memory_space<vmem>>[vector<16xi32>, vector<16xi32>], vector<16xf32>,
            %get3A_380 = arith.index_cast %while3A_332 : i32 to index
            %get3A_381 = arith.constant 80 : index
            %get3A_382 = tpu.vector_load %arg8[%get3A_380, %get3A_381] {strides = array<i32>} : memref<320x128xf32, #tpu.memory_space<vmem>>, vector<16xf32>,
            %max3A_383 = arith.maximumf %gather3A_379, %get3A_382 : vector<16xf32>
            tpu.vector_store_idx %arg9[%sub3A_335, %add3A_378], %max3A_383 : memref<632x128xf32, #tpu.memory_space<vmem>>[vector<16xi32>, vector<16xi32>], vector<16xf32>,
            %broadcast_in_dim3A_384 = arith.constant 96 : i32
            %broadcast_in_dim3A_385 = vector.broadcast %broadcast_in_dim3A_384 : i32 to vector<16xi32>
            %add3A_386 = arith.addi %broadcast_in_dim3A_385, %iota3A : vector<16xi32>
            %gather3A_387 = tpu.vector_load_idx %arg9[%sub3A_335, %add3A_386] : memref<632x128xf32, #tpu.memory_space<vmem>>[vector<16xi32>, vector<16xi32>], vector<16xf32>,
            %get3A_388 = arith.index_cast %while3A_332 : i32 to index
            %get3A_389 = arith.constant 96 : index
            %get3A_390 = tpu.vector_load %arg8[%get3A_388, %get3A_389] {strides = array<i32>} : memref<320x128xf32, #tpu.memory_space<vmem>>, vector<16xf32>,
            %max3A_391 = arith.maximumf %gather3A_387, %get3A_390 : vector<16xf32>
            tpu.vector_store_idx %arg9[%sub3A_335, %add3A_386], %max3A_391 : memref<632x128xf32, #tpu.memory_space<vmem>>[vector<16xi32>, vector<16xi32>], vector<16xf32>,
            %broadcast_in_dim3A_392 = arith.constant 112 : i32
            %broadcast_in_dim3A_393 = vector.broadcast %broadcast_in_dim3A_392 : i32 to vector<16xi32>
            %add3A_394 = arith.addi %broadcast_in_dim3A_393, %iota3A : vector<16xi32>
            %gather3A_395 = tpu.vector_load_idx %arg9[%sub3A_335, %add3A_394] : memref<632x128xf32, #tpu.memory_space<vmem>>[vector<16xi32>, vector<16xi32>], vector<16xf32>,
            %get3A_396 = arith.index_cast %while3A_332 : i32 to index
            %get3A_397 = arith.constant 112 : index
            %get3A_398 = tpu.vector_load %arg8[%get3A_396, %get3A_397] {strides = array<i32>} : memref<320x128xf32, #tpu.memory_space<vmem>>, vector<16xf32>,
            %max3A_399 = arith.maximumf %gather3A_395, %get3A_398 : vector<16xf32>
            tpu.vector_store_idx %arg9[%sub3A_335, %add3A_394], %max3A_399 : memref<632x128xf32, #tpu.memory_space<vmem>>[vector<16xi32>, vector<16xi32>], vector<16xf32>,
          }
          %while3A_310 = arith.constant 1 : i32
          scf.for %while3A_332 = %while3A_308 to %while3A_304 step %while3A_310  : i32 {
            %broadcast_in_dim3A_333 = vector.broadcast %while3A_332 : i32 to vector<16xi32>
            %gather3A = tpu.vector_load_idx %arg7[%broadcast_in_dim3A_333] : memref<320xi32, #tpu.memory_space<vmem>>[vector<16xi32>], vector<16xi32>,
            %sub3A_334 = vector.broadcast %mul3A_0 : i32 to vector<16xi32>
            %sub3A_335 = arith.subi %gather3A, %sub3A_334 : vector<16xi32>
            %broadcast_in_dim3A_336 = arith.constant 0 : i32
            %broadcast_in_dim3A_337 = vector.broadcast %broadcast_in_dim3A_336 : i32 to vector<16xi32>
            %add3A_338 = arith.addi %broadcast_in_dim3A_337, %iota3A : vector<16xi32>
            %gather3A_339 = tpu.vector_load_idx %arg9[%sub3A_335, %add3A_338] : memref<632x128xf32, #tpu.memory_space<vmem>>[vector<16xi32>, vector<16xi32>], vector<16xf32>,
            %get3A_340 = arith.index_cast %while3A_332 : i32 to index
            %get3A_341 = arith.constant 0 : index
            %get3A_342 = tpu.vector_load %arg8[%get3A_340, %get3A_341] {strides = array<i32>} : memref<320x128xf32, #tpu.memory_space<vmem>>, vector<16xf32>,
            %max3A_343 = arith.maximumf %gather3A_339, %get3A_342 : vector<16xf32>
            tpu.vector_store_idx %arg9[%sub3A_335, %add3A_338], %max3A_343 : memref<632x128xf32, #tpu.memory_space<vmem>>[vector<16xi32>, vector<16xi32>], vector<16xf32>,
            %broadcast_in_dim3A_344 = arith.constant 16 : i32
            %broadcast_in_dim3A_345 = vector.broadcast %broadcast_in_dim3A_344 : i32 to vector<16xi32>
            %add3A_346 = arith.addi %broadcast_in_dim3A_345, %iota3A : vector<16xi32>
            %gather3A_347 = tpu.vector_load_idx %arg9[%sub3A_335, %add3A_346] : memref<632x128xf32, #tpu.memory_space<vmem>>[vector<16xi32>, vector<16xi32>], vector<16xf32>,
            %get3A_348 = arith.index_cast %while3A_332 : i32 to index
            %get3A_349 = arith.constant 16 : index
            %get3A_350 = tpu.vector_load %arg8[%get3A_348, %get3A_349] {strides = array<i32>} : memref<320x128xf32, #tpu.memory_space<vmem>>, vector<16xf32>,
            %max3A_351 = arith.maximumf %gather3A_347, %get3A_350 : vector<16xf32>
            tpu.vector_store_idx %arg9[%sub3A_335, %add3A_346], %max3A_351 : memref<632x128xf32, #tpu.memory_space<vmem>>[vector<16xi32>, vector<16xi32>], vector<16xf32>,
            %broadcast_in_dim3A_352 = arith.constant 32 : i32
            %broadcast_in_dim3A_353 = vector.broadcast %broadcast_in_dim3A_352 : i32 to vector<16xi32>
            %add3A_354 = arith.addi %broadcast_in_dim3A_353, %iota3A : vector<16xi32>
            %gather3A_355 = tpu.vector_load_idx %arg9[%sub3A_335, %add3A_354] : memref<632x128xf32, #tpu.memory_space<vmem>>[vector<16xi32>, vector<16xi32>], vector<16xf32>,
            %get3A_356 = arith.index_cast %while3A_332 : i32 to index
            %get3A_357 = arith.constant 32 : index
            %get3A_358 = tpu.vector_load %arg8[%get3A_356, %get3A_357] {strides = array<i32>} : memref<320x128xf32, #tpu.memory_space<vmem>>, vector<16xf32>,
            %max3A_359 = arith.maximumf %gather3A_355, %get3A_358 : vector<16xf32>
            tpu.vector_store_idx %arg9[%sub3A_335, %add3A_354], %max3A_359 : memref<632x128xf32, #tpu.memory_space<vmem>>[vector<16xi32>, vector<16xi32>], vector<16xf32>,
            %broadcast_in_dim3A_360 = arith.constant 48 : i32
            %broadcast_in_dim3A_361 = vector.broadcast %broadcast_in_dim3A_360 : i32 to vector<16xi32>
            %add3A_362 = arith.addi %broadcast_in_dim3A_361, %iota3A : vector<16xi32>
            %gather3A_363 = tpu.vector_load_idx %arg9[%sub3A_335, %add3A_362] : memref<632x128xf32, #tpu.memory_space<vmem>>[vector<16xi32>, vector<16xi32>], vector<16xf32>,
            %get3A_364 = arith.index_cast %while3A_332 : i32 to index
            %get3A_365 = arith.constant 48 : index
            %get3A_366 = tpu.vector_load %arg8[%get3A_364, %get3A_365] {strides = array<i32>} : memref<320x128xf32, #tpu.memory_space<vmem>>, vector<16xf32>,
            %max3A_367 = arith.maximumf %gather3A_363, %get3A_366 : vector<16xf32>
            tpu.vector_store_idx %arg9[%sub3A_335, %add3A_362], %max3A_367 : memref<632x128xf32, #tpu.memory_space<vmem>>[vector<16xi32>, vector<16xi32>], vector<16xf32>,
            %broadcast_in_dim3A_368 = arith.constant 64 : i32
            %broadcast_in_dim3A_369 = vector.broadcast %broadcast_in_dim3A_368 : i32 to vector<16xi32>
            %add3A_370 = arith.addi %broadcast_in_dim3A_369, %iota3A : vector<16xi32>
            %gather3A_371 = tpu.vector_load_idx %arg9[%sub3A_335, %add3A_370] : memref<632x128xf32, #tpu.memory_space<vmem>>[vector<16xi32>, vector<16xi32>], vector<16xf32>,
            %get3A_372 = arith.index_cast %while3A_332 : i32 to index
            %get3A_373 = arith.constant 64 : index
            %get3A_374 = tpu.vector_load %arg8[%get3A_372, %get3A_373] {strides = array<i32>} : memref<320x128xf32, #tpu.memory_space<vmem>>, vector<16xf32>,
            %max3A_375 = arith.maximumf %gather3A_371, %get3A_374 : vector<16xf32>
            tpu.vector_store_idx %arg9[%sub3A_335, %add3A_370], %max3A_375 : memref<632x128xf32, #tpu.memory_space<vmem>>[vector<16xi32>, vector<16xi32>], vector<16xf32>,
            %broadcast_in_dim3A_376 = arith.constant 80 : i32
            %broadcast_in_dim3A_377 = vector.broadcast %broadcast_in_dim3A_376 : i32 to vector<16xi32>
            %add3A_378 = arith.addi %broadcast_in_dim3A_377, %iota3A : vector<16xi32>
            %gather3A_379 = tpu.vector_load_idx %arg9[%sub3A_335, %add3A_378] : memref<632x128xf32, #tpu.memory_space<vmem>>[vector<16xi32>, vector<16xi32>], vector<16xf32>,
            %get3A_380 = arith.index_cast %while3A_332 : i32 to index
            %get3A_381 = arith.constant 80 : index
            %get3A_382 = tpu.vector_load %arg8[%get3A_380, %get3A_381] {strides = array<i32>} : memref<320x128xf32, #tpu.memory_space<vmem>>, vector<16xf32>,
            %max3A_383 = arith.maximumf %gather3A_379, %get3A_382 : vector<16xf32>
            tpu.vector_store_idx %arg9[%sub3A_335, %add3A_378], %max3A_383 : memref<632x128xf32, #tpu.memory_space<vmem>>[vector<16xi32>, vector<16xi32>], vector<16xf32>,
            %broadcast_in_dim3A_384 = arith.constant 96 : i32
            %broadcast_in_dim3A_385 = vector.broadcast %broadcast_in_dim3A_384 : i32 to vector<16xi32>
            %add3A_386 = arith.addi %broadcast_in_dim3A_385, %iota3A : vector<16xi32>
            %gather3A_387 = tpu.vector_load_idx %arg9[%sub3A_335, %add3A_386] : memref<632x128xf32, #tpu.memory_space<vmem>>[vector<16xi32>, vector<16xi32>], vector<16xf32>,
            %get3A_388 = arith.index_cast %while3A_332 : i32 to index
            %get3A_389 = arith.constant 96 : index
            %get3A_390 = tpu.vector_load %arg8[%get3A_388, %get3A_389] {strides = array<i32>} : memref<320x128xf32, #tpu.memory_space<vmem>>, vector<16xf32>,
            %max3A_391 = arith.maximumf %gather3A_387, %get3A_390 : vector<16xf32>
            tpu.vector_store_idx %arg9[%sub3A_335, %add3A_386], %max3A_391 : memref<632x128xf32, #tpu.memory_space<vmem>>[vector<16xi32>, vector<16xi32>], vector<16xf32>,
            %broadcast_in_dim3A_392 = arith.constant 112 : i32
            %broadcast_in_dim3A_393 = vector.broadcast %broadcast_in_dim3A_392 : i32 to vector<16xi32>
            %add3A_394 = arith.addi %broadcast_in_dim3A_393, %iota3A : vector<16xi32>
            %gather3A_395 = tpu.vector_load_idx %arg9[%sub3A_335, %add3A_394] : memref<632x128xf32, #tpu.memory_space<vmem>>[vector<16xi32>, vector<16xi32>], vector<16xf32>,
            %get3A_396 = arith.index_cast %while3A_332 : i32 to index
            %get3A_397 = arith.constant 112 : index
            %get3A_398 = tpu.vector_load %arg8[%get3A_396, %get3A_397] {strides = array<i32>} : memref<320x128xf32, #tpu.memory_space<vmem>>, vector<16xf32>,
            %max3A_399 = arith.maximumf %gather3A_395, %get3A_398 : vector<16xf32>
            tpu.vector_store_idx %arg9[%sub3A_335, %add3A_394], %max3A_399 : memref<632x128xf32, #tpu.memory_space<vmem>>[vector<16xi32>, vector<16xi32>], vector<16xf32>,
          }
          %dma_wait3A_311 = arith.constant 160 : i32
          %dma_wait3A_312 = arith.constant 0 : i32
          %dma_wait3A_313 = tpu.memref_slice %arg8[%dma_wait3A_311, %dma_wait3A_312] : memref<320x128xf32, #tpu.memory_space<vmem>> -> memref<160x128xf32, #tpu.memory_space<vmem>>
          %dma_wait3A_314 = arith.constant 160 : i32
          %dma_wait3A_315 = tpu.memref_slice %arg6[%dma_wait3A_314] : memref<320xi32, #tpu.memory_space<vmem>> -> memref<160xi32, #tpu.memory_space<vmem>>
          %dma_wait3A_316 = arith.constant 0 : i32
          %dma_wait3A_317 = arith.constant 0 : i32
          %dma_wait3A_318 = tpu.memref_slice %arg3[%dma_wait3A_316, %dma_wait3A_317] : memref<320000x128xf32, #tpu.memory_space<hbm>> -> memref<320000x128xf32, #tpu.memory_space<hbm>>
          tpu.wait_indirect_dma semaphore(%arg11 : memref<!tpu.dma_semaphore, #tpu.memory_space<semaphore_mem>>) src(%dma_wait3A_318 : memref<320000x128xf32, #tpu.memory_space<hbm>>) dst(%dma_wait3A_313 : memref<160x128xf32, #tpu.memory_space<vmem>>)
          %max3A_319 = arith.constant 160 : i32
          %max3A_320 = arith.maxsi %add3A_227, %max3A_319 : i32
          %while3A_321 = arith.constant 0 : i32
          %while3A_322 = arith.constant 160 : i32
          %while3A_323 = arith.subi %max3A_320, %while3A_322 : i32
          %while3A_324 = arith.addi %while3A_322, %while3A_323 : i32
          %while3A_325 = arith.constant 1 : i32
          %while3A_326 = arith.divsi %while3A_323, %while3A_325 : i32
          %while3A_327 = arith.muli %while3A_326, %while3A_325 : i32
          %while3A_328 = arith.addi %while3A_322, %while3A_327 : i32
          %while3A_329 = arith.constant 1 : i32
          scf.for %while3A_332 = %while3A_322 to %while3A_328 step %while3A_329  : i32 {
            %broadcast_in_dim3A_333 = vector.broadcast %while3A_332 : i32 to vector<16xi32>
            %gather3A = tpu.vector_load_idx %arg7[%broadcast_in_dim3A_333] : memref<320xi32, #tpu.memory_space<vmem>>[vector<16xi32>], vector<16xi32>,
            %sub3A_334 = vector.broadcast %mul3A_0 : i32 to vector<16xi32>
            %sub3A_335 = arith.subi %gather3A, %sub3A_334 : vector<16xi32>
            %broadcast_in_dim3A_336 = arith.constant 0 : i32
            %broadcast_in_dim3A_337 = vector.broadcast %broadcast_in_dim3A_336 : i32 to vector<16xi32>
            %add3A_338 = arith.addi %broadcast_in_dim3A_337, %iota3A : vector<16xi32>
            %gather3A_339 = tpu.vector_load_idx %arg9[%sub3A_335, %add3A_338] : memref<632x128xf32, #tpu.memory_space<vmem>>[vector<16xi32>, vector<16xi32>], vector<16xf32>,
            %get3A_340 = arith.index_cast %while3A_332 : i32 to index
            %get3A_341 = arith.constant 0 : index
            %get3A_342 = tpu.vector_load %arg8[%get3A_340, %get3A_341] {strides = array<i32>} : memref<320x128xf32, #tpu.memory_space<vmem>>, vector<16xf32>,
            %max3A_343 = arith.maximumf %gather3A_339, %get3A_342 : vector<16xf32>
            tpu.vector_store_idx %arg9[%sub3A_335, %add3A_338], %max3A_343 : memref<632x128xf32, #tpu.memory_space<vmem>>[vector<16xi32>, vector<16xi32>], vector<16xf32>,
            %broadcast_in_dim3A_344 = arith.constant 16 : i32
            %broadcast_in_dim3A_345 = vector.broadcast %broadcast_in_dim3A_344 : i32 to vector<16xi32>
            %add3A_346 = arith.addi %broadcast_in_dim3A_345, %iota3A : vector<16xi32>
            %gather3A_347 = tpu.vector_load_idx %arg9[%sub3A_335, %add3A_346] : memref<632x128xf32, #tpu.memory_space<vmem>>[vector<16xi32>, vector<16xi32>], vector<16xf32>,
            %get3A_348 = arith.index_cast %while3A_332 : i32 to index
            %get3A_349 = arith.constant 16 : index
            %get3A_350 = tpu.vector_load %arg8[%get3A_348, %get3A_349] {strides = array<i32>} : memref<320x128xf32, #tpu.memory_space<vmem>>, vector<16xf32>,
            %max3A_351 = arith.maximumf %gather3A_347, %get3A_350 : vector<16xf32>
            tpu.vector_store_idx %arg9[%sub3A_335, %add3A_346], %max3A_351 : memref<632x128xf32, #tpu.memory_space<vmem>>[vector<16xi32>, vector<16xi32>], vector<16xf32>,
            %broadcast_in_dim3A_352 = arith.constant 32 : i32
            %broadcast_in_dim3A_353 = vector.broadcast %broadcast_in_dim3A_352 : i32 to vector<16xi32>
            %add3A_354 = arith.addi %broadcast_in_dim3A_353, %iota3A : vector<16xi32>
            %gather3A_355 = tpu.vector_load_idx %arg9[%sub3A_335, %add3A_354] : memref<632x128xf32, #tpu.memory_space<vmem>>[vector<16xi32>, vector<16xi32>], vector<16xf32>,
            %get3A_356 = arith.index_cast %while3A_332 : i32 to index
            %get3A_357 = arith.constant 32 : index
            %get3A_358 = tpu.vector_load %arg8[%get3A_356, %get3A_357] {strides = array<i32>} : memref<320x128xf32, #tpu.memory_space<vmem>>, vector<16xf32>,
            %max3A_359 = arith.maximumf %gather3A_355, %get3A_358 : vector<16xf32>
            tpu.vector_store_idx %arg9[%sub3A_335, %add3A_354], %max3A_359 : memref<632x128xf32, #tpu.memory_space<vmem>>[vector<16xi32>, vector<16xi32>], vector<16xf32>,
            %broadcast_in_dim3A_360 = arith.constant 48 : i32
            %broadcast_in_dim3A_361 = vector.broadcast %broadcast_in_dim3A_360 : i32 to vector<16xi32>
            %add3A_362 = arith.addi %broadcast_in_dim3A_361, %iota3A : vector<16xi32>
            %gather3A_363 = tpu.vector_load_idx %arg9[%sub3A_335, %add3A_362] : memref<632x128xf32, #tpu.memory_space<vmem>>[vector<16xi32>, vector<16xi32>], vector<16xf32>,
            %get3A_364 = arith.index_cast %while3A_332 : i32 to index
            %get3A_365 = arith.constant 48 : index
            %get3A_366 = tpu.vector_load %arg8[%get3A_364, %get3A_365] {strides = array<i32>} : memref<320x128xf32, #tpu.memory_space<vmem>>, vector<16xf32>,
            %max3A_367 = arith.maximumf %gather3A_363, %get3A_366 : vector<16xf32>
            tpu.vector_store_idx %arg9[%sub3A_335, %add3A_362], %max3A_367 : memref<632x128xf32, #tpu.memory_space<vmem>>[vector<16xi32>, vector<16xi32>], vector<16xf32>,
            %broadcast_in_dim3A_368 = arith.constant 64 : i32
            %broadcast_in_dim3A_369 = vector.broadcast %broadcast_in_dim3A_368 : i32 to vector<16xi32>
            %add3A_370 = arith.addi %broadcast_in_dim3A_369, %iota3A : vector<16xi32>
            %gather3A_371 = tpu.vector_load_idx %arg9[%sub3A_335, %add3A_370] : memref<632x128xf32, #tpu.memory_space<vmem>>[vector<16xi32>, vector<16xi32>], vector<16xf32>,
            %get3A_372 = arith.index_cast %while3A_332 : i32 to index
            %get3A_373 = arith.constant 64 : index
            %get3A_374 = tpu.vector_load %arg8[%get3A_372, %get3A_373] {strides = array<i32>} : memref<320x128xf32, #tpu.memory_space<vmem>>, vector<16xf32>,
            %max3A_375 = arith.maximumf %gather3A_371, %get3A_374 : vector<16xf32>
            tpu.vector_store_idx %arg9[%sub3A_335, %add3A_370], %max3A_375 : memref<632x128xf32, #tpu.memory_space<vmem>>[vector<16xi32>, vector<16xi32>], vector<16xf32>,
            %broadcast_in_dim3A_376 = arith.constant 80 : i32
            %broadcast_in_dim3A_377 = vector.broadcast %broadcast_in_dim3A_376 : i32 to vector<16xi32>
            %add3A_378 = arith.addi %broadcast_in_dim3A_377, %iota3A : vector<16xi32>
            %gather3A_379 = tpu.vector_load_idx %arg9[%sub3A_335, %add3A_378] : memref<632x128xf32, #tpu.memory_space<vmem>>[vector<16xi32>, vector<16xi32>], vector<16xf32>,
            %get3A_380 = arith.index_cast %while3A_332 : i32 to index
            %get3A_381 = arith.constant 80 : index
            %get3A_382 = tpu.vector_load %arg8[%get3A_380, %get3A_381] {strides = array<i32>} : memref<320x128xf32, #tpu.memory_space<vmem>>, vector<16xf32>,
            %max3A_383 = arith.maximumf %gather3A_379, %get3A_382 : vector<16xf32>
            tpu.vector_store_idx %arg9[%sub3A_335, %add3A_378], %max3A_383 : memref<632x128xf32, #tpu.memory_space<vmem>>[vector<16xi32>, vector<16xi32>], vector<16xf32>,
            %broadcast_in_dim3A_384 = arith.constant 96 : i32
            %broadcast_in_dim3A_385 = vector.broadcast %broadcast_in_dim3A_384 : i32 to vector<16xi32>
            %add3A_386 = arith.addi %broadcast_in_dim3A_385, %iota3A : vector<16xi32>
            %gather3A_387 = tpu.vector_load_idx %arg9[%sub3A_335, %add3A_386] : memref<632x128xf32, #tpu.memory_space<vmem>>[vector<16xi32>, vector<16xi32>], vector<16xf32>,
            %get3A_388 = arith.index_cast %while3A_332 : i32 to index
            %get3A_389 = arith.constant 96 : index
            %get3A_390 = tpu.vector_load %arg8[%get3A_388, %get3A_389] {strides = array<i32>} : memref<320x128xf32, #tpu.memory_space<vmem>>, vector<16xf32>,
            %max3A_391 = arith.maximumf %gather3A_387, %get3A_390 : vector<16xf32>
            tpu.vector_store_idx %arg9[%sub3A_335, %add3A_386], %max3A_391 : memref<632x128xf32, #tpu.memory_space<vmem>>[vector<16xi32>, vector<16xi32>], vector<16xf32>,
            %broadcast_in_dim3A_392 = arith.constant 112 : i32
            %broadcast_in_dim3A_393 = vector.broadcast %broadcast_in_dim3A_392 : i32 to vector<16xi32>
            %add3A_394 = arith.addi %broadcast_in_dim3A_393, %iota3A : vector<16xi32>
            %gather3A_395 = tpu.vector_load_idx %arg9[%sub3A_335, %add3A_394] : memref<632x128xf32, #tpu.memory_space<vmem>>[vector<16xi32>, vector<16xi32>], vector<16xf32>,
            %get3A_396 = arith.index_cast %while3A_332 : i32 to index
            %get3A_397 = arith.constant 112 : index
            %get3A_398 = tpu.vector_load %arg8[%get3A_396, %get3A_397] {strides = array<i32>} : memref<320x128xf32, #tpu.memory_space<vmem>>, vector<16xf32>,
            %max3A_399 = arith.maximumf %gather3A_395, %get3A_398 : vector<16xf32>
            tpu.vector_store_idx %arg9[%sub3A_335, %add3A_394], %max3A_399 : memref<632x128xf32, #tpu.memory_space<vmem>>[vector<16xi32>, vector<16xi32>], vector<16xf32>,
          }
          %while3A_330 = arith.constant 1 : i32
          scf.for %while3A_332 = %while3A_328 to %while3A_324 step %while3A_330  : i32 {
            %broadcast_in_dim3A_333 = vector.broadcast %while3A_332 : i32 to vector<16xi32>
            %gather3A = tpu.vector_load_idx %arg7[%broadcast_in_dim3A_333] : memref<320xi32, #tpu.memory_space<vmem>>[vector<16xi32>], vector<16xi32>,
            %sub3A_334 = vector.broadcast %mul3A_0 : i32 to vector<16xi32>
            %sub3A_335 = arith.subi %gather3A, %sub3A_334 : vector<16xi32>
            %broadcast_in_dim3A_336 = arith.constant 0 : i32
            %broadcast_in_dim3A_337 = vector.broadcast %broadcast_in_dim3A_336 : i32 to vector<16xi32>
            %add3A_338 = arith.addi %broadcast_in_dim3A_337, %iota3A : vector<16xi32>
            %gather3A_339 = tpu.vector_load_idx %arg9[%sub3A_335, %add3A_338] : memref<632x128xf32, #tpu.memory_space<vmem>>[vector<16xi32>, vector<16xi32>], vector<16xf32>,
            %get3A_340 = arith.index_cast %while3A_332 : i32 to index
            %get3A_341 = arith.constant 0 : index
            %get3A_342 = tpu.vector_load %arg8[%get3A_340, %get3A_341] {strides = array<i32>} : memref<320x128xf32, #tpu.memory_space<vmem>>, vector<16xf32>,
            %max3A_343 = arith.maximumf %gather3A_339, %get3A_342 : vector<16xf32>
            tpu.vector_store_idx %arg9[%sub3A_335, %add3A_338], %max3A_343 : memref<632x128xf32, #tpu.memory_space<vmem>>[vector<16xi32>, vector<16xi32>], vector<16xf32>,
            %broadcast_in_dim3A_344 = arith.constant 16 : i32
            %broadcast_in_dim3A_345 = vector.broadcast %broadcast_in_dim3A_344 : i32 to vector<16xi32>
            %add3A_346 = arith.addi %broadcast_in_dim3A_345, %iota3A : vector<16xi32>
            %gather3A_347 = tpu.vector_load_idx %arg9[%sub3A_335, %add3A_346] : memref<632x128xf32, #tpu.memory_space<vmem>>[vector<16xi32>, vector<16xi32>], vector<16xf32>,
            %get3A_348 = arith.index_cast %while3A_332 : i32 to index
            %get3A_349 = arith.constant 16 : index
            %get3A_350 = tpu.vector_load %arg8[%get3A_348, %get3A_349] {strides = array<i32>} : memref<320x128xf32, #tpu.memory_space<vmem>>, vector<16xf32>,
            %max3A_351 = arith.maximumf %gather3A_347, %get3A_350 : vector<16xf32>
            tpu.vector_store_idx %arg9[%sub3A_335, %add3A_346], %max3A_351 : memref<632x128xf32, #tpu.memory_space<vmem>>[vector<16xi32>, vector<16xi32>], vector<16xf32>,
            %broadcast_in_dim3A_352 = arith.constant 32 : i32
            %broadcast_in_dim3A_353 = vector.broadcast %broadcast_in_dim3A_352 : i32 to vector<16xi32>
            %add3A_354 = arith.addi %broadcast_in_dim3A_353, %iota3A : vector<16xi32>
            %gather3A_355 = tpu.vector_load_idx %arg9[%sub3A_335, %add3A_354] : memref<632x128xf32, #tpu.memory_space<vmem>>[vector<16xi32>, vector<16xi32>], vector<16xf32>,
            %get3A_356 = arith.index_cast %while3A_332 : i32 to index
            %get3A_357 = arith.constant 32 : index
            %get3A_358 = tpu.vector_load %arg8[%get3A_356, %get3A_357] {strides = array<i32>} : memref<320x128xf32, #tpu.memory_space<vmem>>, vector<16xf32>,
            %max3A_359 = arith.maximumf %gather3A_355, %get3A_358 : vector<16xf32>
            tpu.vector_store_idx %arg9[%sub3A_335, %add3A_354], %max3A_359 : memref<632x128xf32, #tpu.memory_space<vmem>>[vector<16xi32>, vector<16xi32>], vector<16xf32>,
            %broadcast_in_dim3A_360 = arith.constant 48 : i32
            %broadcast_in_dim3A_361 = vector.broadcast %broadcast_in_dim3A_360 : i32 to vector<16xi32>
            %add3A_362 = arith.addi %broadcast_in_dim3A_361, %iota3A : vector<16xi32>
            %gather3A_363 = tpu.vector_load_idx %arg9[%sub3A_335, %add3A_362] : memref<632x128xf32, #tpu.memory_space<vmem>>[vector<16xi32>, vector<16xi32>], vector<16xf32>,
            %get3A_364 = arith.index_cast %while3A_332 : i32 to index
            %get3A_365 = arith.constant 48 : index
            %get3A_366 = tpu.vector_load %arg8[%get3A_364, %get3A_365] {strides = array<i32>} : memref<320x128xf32, #tpu.memory_space<vmem>>, vector<16xf32>,
            %max3A_367 = arith.maximumf %gather3A_363, %get3A_366 : vector<16xf32>
            tpu.vector_store_idx %arg9[%sub3A_335, %add3A_362], %max3A_367 : memref<632x128xf32, #tpu.memory_space<vmem>>[vector<16xi32>, vector<16xi32>], vector<16xf32>,
            %broadcast_in_dim3A_368 = arith.constant 64 : i32
            %broadcast_in_dim3A_369 = vector.broadcast %broadcast_in_dim3A_368 : i32 to vector<16xi32>
            %add3A_370 = arith.addi %broadcast_in_dim3A_369, %iota3A : vector<16xi32>
            %gather3A_371 = tpu.vector_load_idx %arg9[%sub3A_335, %add3A_370] : memref<632x128xf32, #tpu.memory_space<vmem>>[vector<16xi32>, vector<16xi32>], vector<16xf32>,
            %get3A_372 = arith.index_cast %while3A_332 : i32 to index
            %get3A_373 = arith.constant 64 : index
            %get3A_374 = tpu.vector_load %arg8[%get3A_372, %get3A_373] {strides = array<i32>} : memref<320x128xf32, #tpu.memory_space<vmem>>, vector<16xf32>,
            %max3A_375 = arith.maximumf %gather3A_371, %get3A_374 : vector<16xf32>
            tpu.vector_store_idx %arg9[%sub3A_335, %add3A_370], %max3A_375 : memref<632x128xf32, #tpu.memory_space<vmem>>[vector<16xi32>, vector<16xi32>], vector<16xf32>,
            %broadcast_in_dim3A_376 = arith.constant 80 : i32
            %broadcast_in_dim3A_377 = vector.broadcast %broadcast_in_dim3A_376 : i32 to vector<16xi32>
            %add3A_378 = arith.addi %broadcast_in_dim3A_377, %iota3A : vector<16xi32>
            %gather3A_379 = tpu.vector_load_idx %arg9[%sub3A_335, %add3A_378] : memref<632x128xf32, #tpu.memory_space<vmem>>[vector<16xi32>, vector<16xi32>], vector<16xf32>,
            %get3A_380 = arith.index_cast %while3A_332 : i32 to index
            %get3A_381 = arith.constant 80 : index
            %get3A_382 = tpu.vector_load %arg8[%get3A_380, %get3A_381] {strides = array<i32>} : memref<320x128xf32, #tpu.memory_space<vmem>>, vector<16xf32>,
            %max3A_383 = arith.maximumf %gather3A_379, %get3A_382 : vector<16xf32>
            tpu.vector_store_idx %arg9[%sub3A_335, %add3A_378], %max3A_383 : memref<632x128xf32, #tpu.memory_space<vmem>>[vector<16xi32>, vector<16xi32>], vector<16xf32>,
            %broadcast_in_dim3A_384 = arith.constant 96 : i32
            %broadcast_in_dim3A_385 = vector.broadcast %broadcast_in_dim3A_384 : i32 to vector<16xi32>
            %add3A_386 = arith.addi %broadcast_in_dim3A_385, %iota3A : vector<16xi32>
            %gather3A_387 = tpu.vector_load_idx %arg9[%sub3A_335, %add3A_386] : memref<632x128xf32, #tpu.memory_space<vmem>>[vector<16xi32>, vector<16xi32>], vector<16xf32>,
            %get3A_388 = arith.index_cast %while3A_332 : i32 to index
            %get3A_389 = arith.constant 96 : index
            %get3A_390 = tpu.vector_load %arg8[%get3A_388, %get3A_389] {strides = array<i32>} : memref<320x128xf32, #tpu.memory_space<vmem>>, vector<16xf32>,
            %max3A_391 = arith.maximumf %gather3A_387, %get3A_390 : vector<16xf32>
            tpu.vector_store_idx %arg9[%sub3A_335, %add3A_386], %max3A_391 : memref<632x128xf32, #tpu.memory_space<vmem>>[vector<16xi32>, vector<16xi32>], vector<16xf32>,
            %broadcast_in_dim3A_392 = arith.constant 112 : i32
            %broadcast_in_dim3A_393 = vector.broadcast %broadcast_in_dim3A_392 : i32 to vector<16xi32>
            %add3A_394 = arith.addi %broadcast_in_dim3A_393, %iota3A : vector<16xi32>
            %gather3A_395 = tpu.vector_load_idx %arg9[%sub3A_335, %add3A_394] : memref<632x128xf32, #tpu.memory_space<vmem>>[vector<16xi32>, vector<16xi32>], vector<16xf32>,
            %get3A_396 = arith.index_cast %while3A_332 : i32 to index
            %get3A_397 = arith.constant 112 : index
            %get3A_398 = tpu.vector_load %arg8[%get3A_396, %get3A_397] {strides = array<i32>} : memref<320x128xf32, #tpu.memory_space<vmem>>, vector<16xf32>,
            %max3A_399 = arith.maximumf %gather3A_395, %get3A_398 : vector<16xf32>
            tpu.vector_store_idx %arg9[%sub3A_335, %add3A_394], %max3A_399 : memref<632x128xf32, #tpu.memory_space<vmem>>[vector<16xi32>, vector<16xi32>], vector<16xf32>,
          }
          %cond3A_331 = arith.constant 0 : i32
          scf.yield %cond3A_331 : i32
        } else {
          scf.yield %add3A_227 : i32
        }
        %scan3A_234 = arith.constant 4 : i32
        %scan3A_235 = arith.addi %scan3A_83, %scan3A_234 : i32
        %mul3A_236 = arith.constant 16 : i32
        %mul3A_237 = arith.muli %scan3A_235, %mul3A_236 : i32
        %get3A_238 = arith.index_cast %mul3A_237 : i32 to index
        %get3A_239 = tpu.vector_load %arg5[%get3A_238] {strides = array<i32>} : memref<2000xi32, #tpu.memory_space<vmem>>, vector<16xi32>,
        %ge3A_240 = vector.broadcast %mul3A_0 : i32 to vector<16xi32>
        %ge3A_241 = arith.cmpi sge, %get3A_239, %ge3A_240 : vector<16xi32>
        %add3A_242 = arith.constant 632 : i32
        %add3A_243 = arith.addi %mul3A_0, %add3A_242 : i32
        %lt3A_244 = vector.broadcast %add3A_243 : i32 to vector<16xi32>
        %lt3A_245 = arith.cmpi slt, %get3A_239, %lt3A_244 : vector<16xi32>
        %and3A_246 = arith.andi %ge3A_241, %lt3A_245 : vector<16xi1>
        %jit3A_247 = arith.constant 1 : i32
        %jit3A_248 = arith.constant 0 : i32
        %broadcast_in_dim3A_249 = vector.broadcast %jit3A_247 : i32 to vector<16xi32>
        %broadcast_in_dim3A_250 = vector.broadcast %jit3A_248 : i32 to vector<16xi32>
        %select_n3A_251 = arith.select %and3A_246, %broadcast_in_dim3A_249, %broadcast_in_dim3A_250 : vector<16xi1>, vector<16xi32>
        %broadcast_in_dim3A_252 = arith.constant true
        %broadcast_in_dim3A_253 = vector.broadcast %broadcast_in_dim3A_252 : i1 to vector<16xi1>
        %masked_cumsum3A_254 = tpu.scan <sum>, %select_n3A_251 masked %broadcast_in_dim3A_253 : vector<16xi32>, vector<16xi1> -> vector<16xi32>
        %sub3A_255 = arith.constant 1 : i32
        %sub3A_256 = vector.broadcast %sub3A_255 : i32 to vector<16xi32>
        %sub3A_257 = arith.subi %masked_cumsum3A_254, %sub3A_256 : vector<16xi32>
        %add3A_258 = vector.broadcast %cond3A_233 : i32 to vector<16xi32>
        %add3A_259 = arith.addi %sub3A_257, %add3A_258 : vector<16xi32>
        %mul3A_260 = arith.constant 16 : i32
        %mul3A_261 = arith.muli %scan3A_235, %mul3A_260 : i32
        %add3A_262 = arith.addi %add3A, %mul3A_261 : i32
        %add3A_263 = vector.broadcast %add3A_262 : i32 to vector<16xi32>
        %add3A_264 = arith.addi %add3A_263, %iota3A : vector<16xi32>
        tpu.vector_store_idx %arg6[%add3A_259], %add3A_264 masked %and3A_246 : memref<320xi32, #tpu.memory_space<vmem>>[vector<16xi32>], vector<16xi32>, vector<16xi1>
        tpu.vector_store_idx %arg7[%add3A_259], %get3A_239 masked %and3A_246 : memref<320xi32, #tpu.memory_space<vmem>>[vector<16xi32>], vector<16xi32>, vector<16xi1>
        %all_reduce_population_count3A_265 = tpu.all_reduce %and3A_246 {dim = 0 : i64, kind = #tpu.reduction_kind<sum>} : vector<16xi1> -> vector<16xi32>
        %slice3A_266 = vector.extract_strided_slice %all_reduce_population_count3A_265 {offsets = [0], sizes = [1], strides = [1]} : vector<16xi32> to vector<1xi32>
        %squeeze3A_267 = vector.extract %slice3A_266[0] : i32 from vector<1xi32>
        %add3A_268 = arith.addi %cond3A_233, %squeeze3A_267 : i32
        %ge3A_269 = arith.constant 304 : i32
        %ge3A_270 = arith.cmpi sge, %add3A_268, %ge3A_269 : i32
        %convert_element_type3A_271 = arith.extui %ge3A_270 : i1 to i32
        %cond3A_272 = arith.constant 0 : i32
        %cond3A_273 = arith.cmpi ne, %convert_element_type3A_271, %cond3A_272 : i32
        %cond3A_274 = scf.if %cond3A_273 -> (i32) {
          %dma_start3A_275 = arith.constant 0 : i32
          %dma_start3A_276 = arith.constant 0 : i32
          %dma_start3A_277 = tpu.memref_slice %arg8[%dma_start3A_275, %dma_start3A_276] : memref<320x128xf32, #tpu.memory_space<vmem>> -> memref<160x128xf32, #tpu.memory_space<vmem>>
          %dma_start3A_278 = arith.constant 0 : i32
          %dma_start3A_279 = tpu.memref_slice %arg6[%dma_start3A_278] : memref<320xi32, #tpu.memory_space<vmem>> -> memref<160xi32, #tpu.memory_space<vmem>>
          %dma_start3A_280 = arith.constant 0 : i32
          %dma_start3A_281 = arith.constant 0 : i32
          %dma_start3A_282 = tpu.memref_slice %arg3[%dma_start3A_280, %dma_start3A_281] : memref<320000x128xf32, #tpu.memory_space<hbm>> -> memref<320000x128xf32, #tpu.memory_space<hbm>>
          tpu.enqueue_indirect_dma source(%dma_start3A_282 : memref<320000x128xf32, #tpu.memory_space<hbm>>) target(%dma_start3A_277 : memref<160x128xf32, #tpu.memory_space<vmem>>) offsets(%dma_start3A_279 : memref<160xi32, #tpu.memory_space<vmem>>) semaphore(%arg10 : memref<!tpu.dma_semaphore, #tpu.memory_space<semaphore_mem>>)
          %dma_start3A_283 = arith.constant 160 : i32
          %dma_start3A_284 = arith.constant 0 : i32
          %dma_start3A_285 = tpu.memref_slice %arg8[%dma_start3A_283, %dma_start3A_284] : memref<320x128xf32, #tpu.memory_space<vmem>> -> memref<160x128xf32, #tpu.memory_space<vmem>>
          %dma_start3A_286 = arith.constant 160 : i32
          %dma_start3A_287 = tpu.memref_slice %arg6[%dma_start3A_286] : memref<320xi32, #tpu.memory_space<vmem>> -> memref<160xi32, #tpu.memory_space<vmem>>
          %dma_start3A_288 = arith.constant 0 : i32
          %dma_start3A_289 = arith.constant 0 : i32
          %dma_start3A_290 = tpu.memref_slice %arg3[%dma_start3A_288, %dma_start3A_289] : memref<320000x128xf32, #tpu.memory_space<hbm>> -> memref<320000x128xf32, #tpu.memory_space<hbm>>
          tpu.enqueue_indirect_dma source(%dma_start3A_290 : memref<320000x128xf32, #tpu.memory_space<hbm>>) target(%dma_start3A_285 : memref<160x128xf32, #tpu.memory_space<vmem>>) offsets(%dma_start3A_287 : memref<160xi32, #tpu.memory_space<vmem>>) semaphore(%arg11 : memref<!tpu.dma_semaphore, #tpu.memory_space<semaphore_mem>>)
          %dma_wait3A_291 = arith.constant 0 : i32
          %dma_wait3A_292 = arith.constant 0 : i32
          %dma_wait3A_293 = tpu.memref_slice %arg8[%dma_wait3A_291, %dma_wait3A_292] : memref<320x128xf32, #tpu.memory_space<vmem>> -> memref<160x128xf32, #tpu.memory_space<vmem>>
          %dma_wait3A_294 = arith.constant 0 : i32
          %dma_wait3A_295 = tpu.memref_slice %arg6[%dma_wait3A_294] : memref<320xi32, #tpu.memory_space<vmem>> -> memref<160xi32, #tpu.memory_space<vmem>>
          %dma_wait3A_296 = arith.constant 0 : i32
          %dma_wait3A_297 = arith.constant 0 : i32
          %dma_wait3A_298 = tpu.memref_slice %arg3[%dma_wait3A_296, %dma_wait3A_297] : memref<320000x128xf32, #tpu.memory_space<hbm>> -> memref<320000x128xf32, #tpu.memory_space<hbm>>
          tpu.wait_indirect_dma semaphore(%arg10 : memref<!tpu.dma_semaphore, #tpu.memory_space<semaphore_mem>>) src(%dma_wait3A_298 : memref<320000x128xf32, #tpu.memory_space<hbm>>) dst(%dma_wait3A_293 : memref<160x128xf32, #tpu.memory_space<vmem>>)
          %min3A_299 = arith.constant 160 : i32
          %min3A_300 = arith.minsi %add3A_268, %min3A_299 : i32
          %while3A_301 = arith.constant 0 : i32
          %while3A_302 = arith.constant 0 : i32
          %while3A_303 = arith.subi %min3A_300, %while3A_302 : i32
          %while3A_304 = arith.addi %while3A_302, %while3A_303 : i32
          %while3A_305 = arith.constant 1 : i32
          %while3A_306 = arith.divsi %while3A_303, %while3A_305 : i32
          %while3A_307 = arith.muli %while3A_306, %while3A_305 : i32
          %while3A_308 = arith.addi %while3A_302, %while3A_307 : i32
          %while3A_309 = arith.constant 1 : i32
          scf.for %while3A_332 = %while3A_302 to %while3A_308 step %while3A_309  : i32 {
            %broadcast_in_dim3A_333 = vector.broadcast %while3A_332 : i32 to vector<16xi32>
            %gather3A = tpu.vector_load_idx %arg7[%broadcast_in_dim3A_333] : memref<320xi32, #tpu.memory_space<vmem>>[vector<16xi32>], vector<16xi32>,
            %sub3A_334 = vector.broadcast %mul3A_0 : i32 to vector<16xi32>
            %sub3A_335 = arith.subi %gather3A, %sub3A_334 : vector<16xi32>
            %broadcast_in_dim3A_336 = arith.constant 0 : i32
            %broadcast_in_dim3A_337 = vector.broadcast %broadcast_in_dim3A_336 : i32 to vector<16xi32>
            %add3A_338 = arith.addi %broadcast_in_dim3A_337, %iota3A : vector<16xi32>
            %gather3A_339 = tpu.vector_load_idx %arg9[%sub3A_335, %add3A_338] : memref<632x128xf32, #tpu.memory_space<vmem>>[vector<16xi32>, vector<16xi32>], vector<16xf32>,
            %get3A_340 = arith.index_cast %while3A_332 : i32 to index
            %get3A_341 = arith.constant 0 : index
            %get3A_342 = tpu.vector_load %arg8[%get3A_340, %get3A_341] {strides = array<i32>} : memref<320x128xf32, #tpu.memory_space<vmem>>, vector<16xf32>,
            %max3A_343 = arith.maximumf %gather3A_339, %get3A_342 : vector<16xf32>
            tpu.vector_store_idx %arg9[%sub3A_335, %add3A_338], %max3A_343 : memref<632x128xf32, #tpu.memory_space<vmem>>[vector<16xi32>, vector<16xi32>], vector<16xf32>,
            %broadcast_in_dim3A_344 = arith.constant 16 : i32
            %broadcast_in_dim3A_345 = vector.broadcast %broadcast_in_dim3A_344 : i32 to vector<16xi32>
            %add3A_346 = arith.addi %broadcast_in_dim3A_345, %iota3A : vector<16xi32>
            %gather3A_347 = tpu.vector_load_idx %arg9[%sub3A_335, %add3A_346] : memref<632x128xf32, #tpu.memory_space<vmem>>[vector<16xi32>, vector<16xi32>], vector<16xf32>,
            %get3A_348 = arith.index_cast %while3A_332 : i32 to index
            %get3A_349 = arith.constant 16 : index
            %get3A_350 = tpu.vector_load %arg8[%get3A_348, %get3A_349] {strides = array<i32>} : memref<320x128xf32, #tpu.memory_space<vmem>>, vector<16xf32>,
            %max3A_351 = arith.maximumf %gather3A_347, %get3A_350 : vector<16xf32>
            tpu.vector_store_idx %arg9[%sub3A_335, %add3A_346], %max3A_351 : memref<632x128xf32, #tpu.memory_space<vmem>>[vector<16xi32>, vector<16xi32>], vector<16xf32>,
            %broadcast_in_dim3A_352 = arith.constant 32 : i32
            %broadcast_in_dim3A_353 = vector.broadcast %broadcast_in_dim3A_352 : i32 to vector<16xi32>
            %add3A_354 = arith.addi %broadcast_in_dim3A_353, %iota3A : vector<16xi32>
            %gather3A_355 = tpu.vector_load_idx %arg9[%sub3A_335, %add3A_354] : memref<632x128xf32, #tpu.memory_space<vmem>>[vector<16xi32>, vector<16xi32>], vector<16xf32>,
            %get3A_356 = arith.index_cast %while3A_332 : i32 to index
            %get3A_357 = arith.constant 32 : index
            %get3A_358 = tpu.vector_load %arg8[%get3A_356, %get3A_357] {strides = array<i32>} : memref<320x128xf32, #tpu.memory_space<vmem>>, vector<16xf32>,
            %max3A_359 = arith.maximumf %gather3A_355, %get3A_358 : vector<16xf32>
            tpu.vector_store_idx %arg9[%sub3A_335, %add3A_354], %max3A_359 : memref<632x128xf32, #tpu.memory_space<vmem>>[vector<16xi32>, vector<16xi32>], vector<16xf32>,
            %broadcast_in_dim3A_360 = arith.constant 48 : i32
            %broadcast_in_dim3A_361 = vector.broadcast %broadcast_in_dim3A_360 : i32 to vector<16xi32>
            %add3A_362 = arith.addi %broadcast_in_dim3A_361, %iota3A : vector<16xi32>
            %gather3A_363 = tpu.vector_load_idx %arg9[%sub3A_335, %add3A_362] : memref<632x128xf32, #tpu.memory_space<vmem>>[vector<16xi32>, vector<16xi32>], vector<16xf32>,
            %get3A_364 = arith.index_cast %while3A_332 : i32 to index
            %get3A_365 = arith.constant 48 : index
            %get3A_366 = tpu.vector_load %arg8[%get3A_364, %get3A_365] {strides = array<i32>} : memref<320x128xf32, #tpu.memory_space<vmem>>, vector<16xf32>,
            %max3A_367 = arith.maximumf %gather3A_363, %get3A_366 : vector<16xf32>
            tpu.vector_store_idx %arg9[%sub3A_335, %add3A_362], %max3A_367 : memref<632x128xf32, #tpu.memory_space<vmem>>[vector<16xi32>, vector<16xi32>], vector<16xf32>,
            %broadcast_in_dim3A_368 = arith.constant 64 : i32
            %broadcast_in_dim3A_369 = vector.broadcast %broadcast_in_dim3A_368 : i32 to vector<16xi32>
            %add3A_370 = arith.addi %broadcast_in_dim3A_369, %iota3A : vector<16xi32>
            %gather3A_371 = tpu.vector_load_idx %arg9[%sub3A_335, %add3A_370] : memref<632x128xf32, #tpu.memory_space<vmem>>[vector<16xi32>, vector<16xi32>], vector<16xf32>,
            %get3A_372 = arith.index_cast %while3A_332 : i32 to index
            %get3A_373 = arith.constant 64 : index
            %get3A_374 = tpu.vector_load %arg8[%get3A_372, %get3A_373] {strides = array<i32>} : memref<320x128xf32, #tpu.memory_space<vmem>>, vector<16xf32>,
            %max3A_375 = arith.maximumf %gather3A_371, %get3A_374 : vector<16xf32>
            tpu.vector_store_idx %arg9[%sub3A_335, %add3A_370], %max3A_375 : memref<632x128xf32, #tpu.memory_space<vmem>>[vector<16xi32>, vector<16xi32>], vector<16xf32>,
            %broadcast_in_dim3A_376 = arith.constant 80 : i32
            %broadcast_in_dim3A_377 = vector.broadcast %broadcast_in_dim3A_376 : i32 to vector<16xi32>
            %add3A_378 = arith.addi %broadcast_in_dim3A_377, %iota3A : vector<16xi32>
            %gather3A_379 = tpu.vector_load_idx %arg9[%sub3A_335, %add3A_378] : memref<632x128xf32, #tpu.memory_space<vmem>>[vector<16xi32>, vector<16xi32>], vector<16xf32>,
            %get3A_380 = arith.index_cast %while3A_332 : i32 to index
            %get3A_381 = arith.constant 80 : index
            %get3A_382 = tpu.vector_load %arg8[%get3A_380, %get3A_381] {strides = array<i32>} : memref<320x128xf32, #tpu.memory_space<vmem>>, vector<16xf32>,
            %max3A_383 = arith.maximumf %gather3A_379, %get3A_382 : vector<16xf32>
            tpu.vector_store_idx %arg9[%sub3A_335, %add3A_378], %max3A_383 : memref<632x128xf32, #tpu.memory_space<vmem>>[vector<16xi32>, vector<16xi32>], vector<16xf32>,
            %broadcast_in_dim3A_384 = arith.constant 96 : i32
            %broadcast_in_dim3A_385 = vector.broadcast %broadcast_in_dim3A_384 : i32 to vector<16xi32>
            %add3A_386 = arith.addi %broadcast_in_dim3A_385, %iota3A : vector<16xi32>
            %gather3A_387 = tpu.vector_load_idx %arg9[%sub3A_335, %add3A_386] : memref<632x128xf32, #tpu.memory_space<vmem>>[vector<16xi32>, vector<16xi32>], vector<16xf32>,
            %get3A_388 = arith.index_cast %while3A_332 : i32 to index
            %get3A_389 = arith.constant 96 : index
            %get3A_390 = tpu.vector_load %arg8[%get3A_388, %get3A_389] {strides = array<i32>} : memref<320x128xf32, #tpu.memory_space<vmem>>, vector<16xf32>,
            %max3A_391 = arith.maximumf %gather3A_387, %get3A_390 : vector<16xf32>
            tpu.vector_store_idx %arg9[%sub3A_335, %add3A_386], %max3A_391 : memref<632x128xf32, #tpu.memory_space<vmem>>[vector<16xi32>, vector<16xi32>], vector<16xf32>,
            %broadcast_in_dim3A_392 = arith.constant 112 : i32
            %broadcast_in_dim3A_393 = vector.broadcast %broadcast_in_dim3A_392 : i32 to vector<16xi32>
            %add3A_394 = arith.addi %broadcast_in_dim3A_393, %iota3A : vector<16xi32>
            %gather3A_395 = tpu.vector_load_idx %arg9[%sub3A_335, %add3A_394] : memref<632x128xf32, #tpu.memory_space<vmem>>[vector<16xi32>, vector<16xi32>], vector<16xf32>,
            %get3A_396 = arith.index_cast %while3A_332 : i32 to index
            %get3A_397 = arith.constant 112 : index
            %get3A_398 = tpu.vector_load %arg8[%get3A_396, %get3A_397] {strides = array<i32>} : memref<320x128xf32, #tpu.memory_space<vmem>>, vector<16xf32>,
            %max3A_399 = arith.maximumf %gather3A_395, %get3A_398 : vector<16xf32>
            tpu.vector_store_idx %arg9[%sub3A_335, %add3A_394], %max3A_399 : memref<632x128xf32, #tpu.memory_space<vmem>>[vector<16xi32>, vector<16xi32>], vector<16xf32>,
          }
          %while3A_310 = arith.constant 1 : i32
          scf.for %while3A_332 = %while3A_308 to %while3A_304 step %while3A_310  : i32 {
            %broadcast_in_dim3A_333 = vector.broadcast %while3A_332 : i32 to vector<16xi32>
            %gather3A = tpu.vector_load_idx %arg7[%broadcast_in_dim3A_333] : memref<320xi32, #tpu.memory_space<vmem>>[vector<16xi32>], vector<16xi32>,
            %sub3A_334 = vector.broadcast %mul3A_0 : i32 to vector<16xi32>
            %sub3A_335 = arith.subi %gather3A, %sub3A_334 : vector<16xi32>
            %broadcast_in_dim3A_336 = arith.constant 0 : i32
            %broadcast_in_dim3A_337 = vector.broadcast %broadcast_in_dim3A_336 : i32 to vector<16xi32>
            %add3A_338 = arith.addi %broadcast_in_dim3A_337, %iota3A : vector<16xi32>
            %gather3A_339 = tpu.vector_load_idx %arg9[%sub3A_335, %add3A_338] : memref<632x128xf32, #tpu.memory_space<vmem>>[vector<16xi32>, vector<16xi32>], vector<16xf32>,
            %get3A_340 = arith.index_cast %while3A_332 : i32 to index
            %get3A_341 = arith.constant 0 : index
            %get3A_342 = tpu.vector_load %arg8[%get3A_340, %get3A_341] {strides = array<i32>} : memref<320x128xf32, #tpu.memory_space<vmem>>, vector<16xf32>,
            %max3A_343 = arith.maximumf %gather3A_339, %get3A_342 : vector<16xf32>
            tpu.vector_store_idx %arg9[%sub3A_335, %add3A_338], %max3A_343 : memref<632x128xf32, #tpu.memory_space<vmem>>[vector<16xi32>, vector<16xi32>], vector<16xf32>,
            %broadcast_in_dim3A_344 = arith.constant 16 : i32
            %broadcast_in_dim3A_345 = vector.broadcast %broadcast_in_dim3A_344 : i32 to vector<16xi32>
            %add3A_346 = arith.addi %broadcast_in_dim3A_345, %iota3A : vector<16xi32>
            %gather3A_347 = tpu.vector_load_idx %arg9[%sub3A_335, %add3A_346] : memref<632x128xf32, #tpu.memory_space<vmem>>[vector<16xi32>, vector<16xi32>], vector<16xf32>,
            %get3A_348 = arith.index_cast %while3A_332 : i32 to index
            %get3A_349 = arith.constant 16 : index
            %get3A_350 = tpu.vector_load %arg8[%get3A_348, %get3A_349] {strides = array<i32>} : memref<320x128xf32, #tpu.memory_space<vmem>>, vector<16xf32>,
            %max3A_351 = arith.maximumf %gather3A_347, %get3A_350 : vector<16xf32>
            tpu.vector_store_idx %arg9[%sub3A_335, %add3A_346], %max3A_351 : memref<632x128xf32, #tpu.memory_space<vmem>>[vector<16xi32>, vector<16xi32>], vector<16xf32>,
            %broadcast_in_dim3A_352 = arith.constant 32 : i32
            %broadcast_in_dim3A_353 = vector.broadcast %broadcast_in_dim3A_352 : i32 to vector<16xi32>
            %add3A_354 = arith.addi %broadcast_in_dim3A_353, %iota3A : vector<16xi32>
            %gather3A_355 = tpu.vector_load_idx %arg9[%sub3A_335, %add3A_354] : memref<632x128xf32, #tpu.memory_space<vmem>>[vector<16xi32>, vector<16xi32>], vector<16xf32>,
            %get3A_356 = arith.index_cast %while3A_332 : i32 to index
            %get3A_357 = arith.constant 32 : index
            %get3A_358 = tpu.vector_load %arg8[%get3A_356, %get3A_357] {strides = array<i32>} : memref<320x128xf32, #tpu.memory_space<vmem>>, vector<16xf32>,
            %max3A_359 = arith.maximumf %gather3A_355, %get3A_358 : vector<16xf32>
            tpu.vector_store_idx %arg9[%sub3A_335, %add3A_354], %max3A_359 : memref<632x128xf32, #tpu.memory_space<vmem>>[vector<16xi32>, vector<16xi32>], vector<16xf32>,
            %broadcast_in_dim3A_360 = arith.constant 48 : i32
            %broadcast_in_dim3A_361 = vector.broadcast %broadcast_in_dim3A_360 : i32 to vector<16xi32>
            %add3A_362 = arith.addi %broadcast_in_dim3A_361, %iota3A : vector<16xi32>
            %gather3A_363 = tpu.vector_load_idx %arg9[%sub3A_335, %add3A_362] : memref<632x128xf32, #tpu.memory_space<vmem>>[vector<16xi32>, vector<16xi32>], vector<16xf32>,
            %get3A_364 = arith.index_cast %while3A_332 : i32 to index
            %get3A_365 = arith.constant 48 : index
            %get3A_366 = tpu.vector_load %arg8[%get3A_364, %get3A_365] {strides = array<i32>} : memref<320x128xf32, #tpu.memory_space<vmem>>, vector<16xf32>,
            %max3A_367 = arith.maximumf %gather3A_363, %get3A_366 : vector<16xf32>
            tpu.vector_store_idx %arg9[%sub3A_335, %add3A_362], %max3A_367 : memref<632x128xf32, #tpu.memory_space<vmem>>[vector<16xi32>, vector<16xi32>], vector<16xf32>,
            %broadcast_in_dim3A_368 = arith.constant 64 : i32
            %broadcast_in_dim3A_369 = vector.broadcast %broadcast_in_dim3A_368 : i32 to vector<16xi32>
            %add3A_370 = arith.addi %broadcast_in_dim3A_369, %iota3A : vector<16xi32>
            %gather3A_371 = tpu.vector_load_idx %arg9[%sub3A_335, %add3A_370] : memref<632x128xf32, #tpu.memory_space<vmem>>[vector<16xi32>, vector<16xi32>], vector<16xf32>,
            %get3A_372 = arith.index_cast %while3A_332 : i32 to index
            %get3A_373 = arith.constant 64 : index
            %get3A_374 = tpu.vector_load %arg8[%get3A_372, %get3A_373] {strides = array<i32>} : memref<320x128xf32, #tpu.memory_space<vmem>>, vector<16xf32>,
            %max3A_375 = arith.maximumf %gather3A_371, %get3A_374 : vector<16xf32>
            tpu.vector_store_idx %arg9[%sub3A_335, %add3A_370], %max3A_375 : memref<632x128xf32, #tpu.memory_space<vmem>>[vector<16xi32>, vector<16xi32>], vector<16xf32>,
            %broadcast_in_dim3A_376 = arith.constant 80 : i32
            %broadcast_in_dim3A_377 = vector.broadcast %broadcast_in_dim3A_376 : i32 to vector<16xi32>
            %add3A_378 = arith.addi %broadcast_in_dim3A_377, %iota3A : vector<16xi32>
            %gather3A_379 = tpu.vector_load_idx %arg9[%sub3A_335, %add3A_378] : memref<632x128xf32, #tpu.memory_space<vmem>>[vector<16xi32>, vector<16xi32>], vector<16xf32>,
            %get3A_380 = arith.index_cast %while3A_332 : i32 to index
            %get3A_381 = arith.constant 80 : index
            %get3A_382 = tpu.vector_load %arg8[%get3A_380, %get3A_381] {strides = array<i32>} : memref<320x128xf32, #tpu.memory_space<vmem>>, vector<16xf32>,
            %max3A_383 = arith.maximumf %gather3A_379, %get3A_382 : vector<16xf32>
            tpu.vector_store_idx %arg9[%sub3A_335, %add3A_378], %max3A_383 : memref<632x128xf32, #tpu.memory_space<vmem>>[vector<16xi32>, vector<16xi32>], vector<16xf32>,
            %broadcast_in_dim3A_384 = arith.constant 96 : i32
            %broadcast_in_dim3A_385 = vector.broadcast %broadcast_in_dim3A_384 : i32 to vector<16xi32>
            %add3A_386 = arith.addi %broadcast_in_dim3A_385, %iota3A : vector<16xi32>
            %gather3A_387 = tpu.vector_load_idx %arg9[%sub3A_335, %add3A_386] : memref<632x128xf32, #tpu.memory_space<vmem>>[vector<16xi32>, vector<16xi32>], vector<16xf32>,
            %get3A_388 = arith.index_cast %while3A_332 : i32 to index
            %get3A_389 = arith.constant 96 : index
            %get3A_390 = tpu.vector_load %arg8[%get3A_388, %get3A_389] {strides = array<i32>} : memref<320x128xf32, #tpu.memory_space<vmem>>, vector<16xf32>,
            %max3A_391 = arith.maximumf %gather3A_387, %get3A_390 : vector<16xf32>
            tpu.vector_store_idx %arg9[%sub3A_335, %add3A_386], %max3A_391 : memref<632x128xf32, #tpu.memory_space<vmem>>[vector<16xi32>, vector<16xi32>], vector<16xf32>,
            %broadcast_in_dim3A_392 = arith.constant 112 : i32
            %broadcast_in_dim3A_393 = vector.broadcast %broadcast_in_dim3A_392 : i32 to vector<16xi32>
            %add3A_394 = arith.addi %broadcast_in_dim3A_393, %iota3A : vector<16xi32>
            %gather3A_395 = tpu.vector_load_idx %arg9[%sub3A_335, %add3A_394] : memref<632x128xf32, #tpu.memory_space<vmem>>[vector<16xi32>, vector<16xi32>], vector<16xf32>,
            %get3A_396 = arith.index_cast %while3A_332 : i32 to index
            %get3A_397 = arith.constant 112 : index
            %get3A_398 = tpu.vector_load %arg8[%get3A_396, %get3A_397] {strides = array<i32>} : memref<320x128xf32, #tpu.memory_space<vmem>>, vector<16xf32>,
            %max3A_399 = arith.maximumf %gather3A_395, %get3A_398 : vector<16xf32>
            tpu.vector_store_idx %arg9[%sub3A_335, %add3A_394], %max3A_399 : memref<632x128xf32, #tpu.memory_space<vmem>>[vector<16xi32>, vector<16xi32>], vector<16xf32>,
          }
          %dma_wait3A_311 = arith.constant 160 : i32
          %dma_wait3A_312 = arith.constant 0 : i32
          %dma_wait3A_313 = tpu.memref_slice %arg8[%dma_wait3A_311, %dma_wait3A_312] : memref<320x128xf32, #tpu.memory_space<vmem>> -> memref<160x128xf32, #tpu.memory_space<vmem>>
          %dma_wait3A_314 = arith.constant 160 : i32
          %dma_wait3A_315 = tpu.memref_slice %arg6[%dma_wait3A_314] : memref<320xi32, #tpu.memory_space<vmem>> -> memref<160xi32, #tpu.memory_space<vmem>>
          %dma_wait3A_316 = arith.constant 0 : i32
          %dma_wait3A_317 = arith.constant 0 : i32
          %dma_wait3A_318 = tpu.memref_slice %arg3[%dma_wait3A_316, %dma_wait3A_317] : memref<320000x128xf32, #tpu.memory_space<hbm>> -> memref<320000x128xf32, #tpu.memory_space<hbm>>
          tpu.wait_indirect_dma semaphore(%arg11 : memref<!tpu.dma_semaphore, #tpu.memory_space<semaphore_mem>>) src(%dma_wait3A_318 : memref<320000x128xf32, #tpu.memory_space<hbm>>) dst(%dma_wait3A_313 : memref<160x128xf32, #tpu.memory_space<vmem>>)
          %max3A_319 = arith.constant 160 : i32
          %max3A_320 = arith.maxsi %add3A_268, %max3A_319 : i32
          %while3A_321 = arith.constant 0 : i32
          %while3A_322 = arith.constant 160 : i32
          %while3A_323 = arith.subi %max3A_320, %while3A_322 : i32
          %while3A_324 = arith.addi %while3A_322, %while3A_323 : i32
          %while3A_325 = arith.constant 1 : i32
          %while3A_326 = arith.divsi %while3A_323, %while3A_325 : i32
          %while3A_327 = arith.muli %while3A_326, %while3A_325 : i32
          %while3A_328 = arith.addi %while3A_322, %while3A_327 : i32
          %while3A_329 = arith.constant 1 : i32
          scf.for %while3A_332 = %while3A_322 to %while3A_328 step %while3A_329  : i32 {
            %broadcast_in_dim3A_333 = vector.broadcast %while3A_332 : i32 to vector<16xi32>
            %gather3A = tpu.vector_load_idx %arg7[%broadcast_in_dim3A_333] : memref<320xi32, #tpu.memory_space<vmem>>[vector<16xi32>], vector<16xi32>,
            %sub3A_334 = vector.broadcast %mul3A_0 : i32 to vector<16xi32>
            %sub3A_335 = arith.subi %gather3A, %sub3A_334 : vector<16xi32>
            %broadcast_in_dim3A_336 = arith.constant 0 : i32
            %broadcast_in_dim3A_337 = vector.broadcast %broadcast_in_dim3A_336 : i32 to vector<16xi32>
            %add3A_338 = arith.addi %broadcast_in_dim3A_337, %iota3A : vector<16xi32>
            %gather3A_339 = tpu.vector_load_idx %arg9[%sub3A_335, %add3A_338] : memref<632x128xf32, #tpu.memory_space<vmem>>[vector<16xi32>, vector<16xi32>], vector<16xf32>,
            %get3A_340 = arith.index_cast %while3A_332 : i32 to index
            %get3A_341 = arith.constant 0 : index
            %get3A_342 = tpu.vector_load %arg8[%get3A_340, %get3A_341] {strides = array<i32>} : memref<320x128xf32, #tpu.memory_space<vmem>>, vector<16xf32>,
            %max3A_343 = arith.maximumf %gather3A_339, %get3A_342 : vector<16xf32>
            tpu.vector_store_idx %arg9[%sub3A_335, %add3A_338], %max3A_343 : memref<632x128xf32, #tpu.memory_space<vmem>>[vector<16xi32>, vector<16xi32>], vector<16xf32>,
            %broadcast_in_dim3A_344 = arith.constant 16 : i32
            %broadcast_in_dim3A_345 = vector.broadcast %broadcast_in_dim3A_344 : i32 to vector<16xi32>
            %add3A_346 = arith.addi %broadcast_in_dim3A_345, %iota3A : vector<16xi32>
            %gather3A_347 = tpu.vector_load_idx %arg9[%sub3A_335, %add3A_346] : memref<632x128xf32, #tpu.memory_space<vmem>>[vector<16xi32>, vector<16xi32>], vector<16xf32>,
            %get3A_348 = arith.index_cast %while3A_332 : i32 to index
            %get3A_349 = arith.constant 16 : index
            %get3A_350 = tpu.vector_load %arg8[%get3A_348, %get3A_349] {strides = array<i32>} : memref<320x128xf32, #tpu.memory_space<vmem>>, vector<16xf32>,
            %max3A_351 = arith.maximumf %gather3A_347, %get3A_350 : vector<16xf32>
            tpu.vector_store_idx %arg9[%sub3A_335, %add3A_346], %max3A_351 : memref<632x128xf32, #tpu.memory_space<vmem>>[vector<16xi32>, vector<16xi32>], vector<16xf32>,
            %broadcast_in_dim3A_352 = arith.constant 32 : i32
            %broadcast_in_dim3A_353 = vector.broadcast %broadcast_in_dim3A_352 : i32 to vector<16xi32>
            %add3A_354 = arith.addi %broadcast_in_dim3A_353, %iota3A : vector<16xi32>
            %gather3A_355 = tpu.vector_load_idx %arg9[%sub3A_335, %add3A_354] : memref<632x128xf32, #tpu.memory_space<vmem>>[vector<16xi32>, vector<16xi32>], vector<16xf32>,
            %get3A_356 = arith.index_cast %while3A_332 : i32 to index
            %get3A_357 = arith.constant 32 : index
            %get3A_358 = tpu.vector_load %arg8[%get3A_356, %get3A_357] {strides = array<i32>} : memref<320x128xf32, #tpu.memory_space<vmem>>, vector<16xf32>,
            %max3A_359 = arith.maximumf %gather3A_355, %get3A_358 : vector<16xf32>
            tpu.vector_store_idx %arg9[%sub3A_335, %add3A_354], %max3A_359 : memref<632x128xf32, #tpu.memory_space<vmem>>[vector<16xi32>, vector<16xi32>], vector<16xf32>,
            %broadcast_in_dim3A_360 = arith.constant 48 : i32
            %broadcast_in_dim3A_361 = vector.broadcast %broadcast_in_dim3A_360 : i32 to vector<16xi32>
            %add3A_362 = arith.addi %broadcast_in_dim3A_361, %iota3A : vector<16xi32>
            %gather3A_363 = tpu.vector_load_idx %arg9[%sub3A_335, %add3A_362] : memref<632x128xf32, #tpu.memory_space<vmem>>[vector<16xi32>, vector<16xi32>], vector<16xf32>,
            %get3A_364 = arith.index_cast %while3A_332 : i32 to index
            %get3A_365 = arith.constant 48 : index
            %get3A_366 = tpu.vector_load %arg8[%get3A_364, %get3A_365] {strides = array<i32>} : memref<320x128xf32, #tpu.memory_space<vmem>>, vector<16xf32>,
            %max3A_367 = arith.maximumf %gather3A_363, %get3A_366 : vector<16xf32>
            tpu.vector_store_idx %arg9[%sub3A_335, %add3A_362], %max3A_367 : memref<632x128xf32, #tpu.memory_space<vmem>>[vector<16xi32>, vector<16xi32>], vector<16xf32>,
            %broadcast_in_dim3A_368 = arith.constant 64 : i32
            %broadcast_in_dim3A_369 = vector.broadcast %broadcast_in_dim3A_368 : i32 to vector<16xi32>
            %add3A_370 = arith.addi %broadcast_in_dim3A_369, %iota3A : vector<16xi32>
            %gather3A_371 = tpu.vector_load_idx %arg9[%sub3A_335, %add3A_370] : memref<632x128xf32, #tpu.memory_space<vmem>>[vector<16xi32>, vector<16xi32>], vector<16xf32>,
            %get3A_372 = arith.index_cast %while3A_332 : i32 to index
            %get3A_373 = arith.constant 64 : index
            %get3A_374 = tpu.vector_load %arg8[%get3A_372, %get3A_373] {strides = array<i32>} : memref<320x128xf32, #tpu.memory_space<vmem>>, vector<16xf32>,
            %max3A_375 = arith.maximumf %gather3A_371, %get3A_374 : vector<16xf32>
            tpu.vector_store_idx %arg9[%sub3A_335, %add3A_370], %max3A_375 : memref<632x128xf32, #tpu.memory_space<vmem>>[vector<16xi32>, vector<16xi32>], vector<16xf32>,
            %broadcast_in_dim3A_376 = arith.constant 80 : i32
            %broadcast_in_dim3A_377 = vector.broadcast %broadcast_in_dim3A_376 : i32 to vector<16xi32>
            %add3A_378 = arith.addi %broadcast_in_dim3A_377, %iota3A : vector<16xi32>
            %gather3A_379 = tpu.vector_load_idx %arg9[%sub3A_335, %add3A_378] : memref<632x128xf32, #tpu.memory_space<vmem>>[vector<16xi32>, vector<16xi32>], vector<16xf32>,
            %get3A_380 = arith.index_cast %while3A_332 : i32 to index
            %get3A_381 = arith.constant 80 : index
            %get3A_382 = tpu.vector_load %arg8[%get3A_380, %get3A_381] {strides = array<i32>} : memref<320x128xf32, #tpu.memory_space<vmem>>, vector<16xf32>,
            %max3A_383 = arith.maximumf %gather3A_379, %get3A_382 : vector<16xf32>
            tpu.vector_store_idx %arg9[%sub3A_335, %add3A_378], %max3A_383 : memref<632x128xf32, #tpu.memory_space<vmem>>[vector<16xi32>, vector<16xi32>], vector<16xf32>,
            %broadcast_in_dim3A_384 = arith.constant 96 : i32
            %broadcast_in_dim3A_385 = vector.broadcast %broadcast_in_dim3A_384 : i32 to vector<16xi32>
            %add3A_386 = arith.addi %broadcast_in_dim3A_385, %iota3A : vector<16xi32>
            %gather3A_387 = tpu.vector_load_idx %arg9[%sub3A_335, %add3A_386] : memref<632x128xf32, #tpu.memory_space<vmem>>[vector<16xi32>, vector<16xi32>], vector<16xf32>,
            %get3A_388 = arith.index_cast %while3A_332 : i32 to index
            %get3A_389 = arith.constant 96 : index
            %get3A_390 = tpu.vector_load %arg8[%get3A_388, %get3A_389] {strides = array<i32>} : memref<320x128xf32, #tpu.memory_space<vmem>>, vector<16xf32>,
            %max3A_391 = arith.maximumf %gather3A_387, %get3A_390 : vector<16xf32>
            tpu.vector_store_idx %arg9[%sub3A_335, %add3A_386], %max3A_391 : memref<632x128xf32, #tpu.memory_space<vmem>>[vector<16xi32>, vector<16xi32>], vector<16xf32>,
            %broadcast_in_dim3A_392 = arith.constant 112 : i32
            %broadcast_in_dim3A_393 = vector.broadcast %broadcast_in_dim3A_392 : i32 to vector<16xi32>
            %add3A_394 = arith.addi %broadcast_in_dim3A_393, %iota3A : vector<16xi32>
            %gather3A_395 = tpu.vector_load_idx %arg9[%sub3A_335, %add3A_394] : memref<632x128xf32, #tpu.memory_space<vmem>>[vector<16xi32>, vector<16xi32>], vector<16xf32>,
            %get3A_396 = arith.index_cast %while3A_332 : i32 to index
            %get3A_397 = arith.constant 112 : index
            %get3A_398 = tpu.vector_load %arg8[%get3A_396, %get3A_397] {strides = array<i32>} : memref<320x128xf32, #tpu.memory_space<vmem>>, vector<16xf32>,
            %max3A_399 = arith.maximumf %gather3A_395, %get3A_398 : vector<16xf32>
            tpu.vector_store_idx %arg9[%sub3A_335, %add3A_394], %max3A_399 : memref<632x128xf32, #tpu.memory_space<vmem>>[vector<16xi32>, vector<16xi32>], vector<16xf32>,
          }
          %while3A_330 = arith.constant 1 : i32
          scf.for %while3A_332 = %while3A_328 to %while3A_324 step %while3A_330  : i32 {
            %broadcast_in_dim3A_333 = vector.broadcast %while3A_332 : i32 to vector<16xi32>
            %gather3A = tpu.vector_load_idx %arg7[%broadcast_in_dim3A_333] : memref<320xi32, #tpu.memory_space<vmem>>[vector<16xi32>], vector<16xi32>,
            %sub3A_334 = vector.broadcast %mul3A_0 : i32 to vector<16xi32>
            %sub3A_335 = arith.subi %gather3A, %sub3A_334 : vector<16xi32>
            %broadcast_in_dim3A_336 = arith.constant 0 : i32
            %broadcast_in_dim3A_337 = vector.broadcast %broadcast_in_dim3A_336 : i32 to vector<16xi32>
            %add3A_338 = arith.addi %broadcast_in_dim3A_337, %iota3A : vector<16xi32>
            %gather3A_339 = tpu.vector_load_idx %arg9[%sub3A_335, %add3A_338] : memref<632x128xf32, #tpu.memory_space<vmem>>[vector<16xi32>, vector<16xi32>], vector<16xf32>,
            %get3A_340 = arith.index_cast %while3A_332 : i32 to index
            %get3A_341 = arith.constant 0 : index
            %get3A_342 = tpu.vector_load %arg8[%get3A_340, %get3A_341] {strides = array<i32>} : memref<320x128xf32, #tpu.memory_space<vmem>>, vector<16xf32>,
            %max3A_343 = arith.maximumf %gather3A_339, %get3A_342 : vector<16xf32>
            tpu.vector_store_idx %arg9[%sub3A_335, %add3A_338], %max3A_343 : memref<632x128xf32, #tpu.memory_space<vmem>>[vector<16xi32>, vector<16xi32>], vector<16xf32>,
            %broadcast_in_dim3A_344 = arith.constant 16 : i32
            %broadcast_in_dim3A_345 = vector.broadcast %broadcast_in_dim3A_344 : i32 to vector<16xi32>
            %add3A_346 = arith.addi %broadcast_in_dim3A_345, %iota3A : vector<16xi32>
            %gather3A_347 = tpu.vector_load_idx %arg9[%sub3A_335, %add3A_346] : memref<632x128xf32, #tpu.memory_space<vmem>>[vector<16xi32>, vector<16xi32>], vector<16xf32>,
            %get3A_348 = arith.index_cast %while3A_332 : i32 to index
            %get3A_349 = arith.constant 16 : index
            %get3A_350 = tpu.vector_load %arg8[%get3A_348, %get3A_349] {strides = array<i32>} : memref<320x128xf32, #tpu.memory_space<vmem>>, vector<16xf32>,
            %max3A_351 = arith.maximumf %gather3A_347, %get3A_350 : vector<16xf32>
            tpu.vector_store_idx %arg9[%sub3A_335, %add3A_346], %max3A_351 : memref<632x128xf32, #tpu.memory_space<vmem>>[vector<16xi32>, vector<16xi32>], vector<16xf32>,
            %broadcast_in_dim3A_352 = arith.constant 32 : i32
            %broadcast_in_dim3A_353 = vector.broadcast %broadcast_in_dim3A_352 : i32 to vector<16xi32>
            %add3A_354 = arith.addi %broadcast_in_dim3A_353, %iota3A : vector<16xi32>
            %gather3A_355 = tpu.vector_load_idx %arg9[%sub3A_335, %add3A_354] : memref<632x128xf32, #tpu.memory_space<vmem>>[vector<16xi32>, vector<16xi32>], vector<16xf32>,
            %get3A_356 = arith.index_cast %while3A_332 : i32 to index
            %get3A_357 = arith.constant 32 : index
            %get3A_358 = tpu.vector_load %arg8[%get3A_356, %get3A_357] {strides = array<i32>} : memref<320x128xf32, #tpu.memory_space<vmem>>, vector<16xf32>,
            %max3A_359 = arith.maximumf %gather3A_355, %get3A_358 : vector<16xf32>
            tpu.vector_store_idx %arg9[%sub3A_335, %add3A_354], %max3A_359 : memref<632x128xf32, #tpu.memory_space<vmem>>[vector<16xi32>, vector<16xi32>], vector<16xf32>,
            %broadcast_in_dim3A_360 = arith.constant 48 : i32
            %broadcast_in_dim3A_361 = vector.broadcast %broadcast_in_dim3A_360 : i32 to vector<16xi32>
            %add3A_362 = arith.addi %broadcast_in_dim3A_361, %iota3A : vector<16xi32>
            %gather3A_363 = tpu.vector_load_idx %arg9[%sub3A_335, %add3A_362] : memref<632x128xf32, #tpu.memory_space<vmem>>[vector<16xi32>, vector<16xi32>], vector<16xf32>,
            %get3A_364 = arith.index_cast %while3A_332 : i32 to index
            %get3A_365 = arith.constant 48 : index
            %get3A_366 = tpu.vector_load %arg8[%get3A_364, %get3A_365] {strides = array<i32>} : memref<320x128xf32, #tpu.memory_space<vmem>>, vector<16xf32>,
            %max3A_367 = arith.maximumf %gather3A_363, %get3A_366 : vector<16xf32>
            tpu.vector_store_idx %arg9[%sub3A_335, %add3A_362], %max3A_367 : memref<632x128xf32, #tpu.memory_space<vmem>>[vector<16xi32>, vector<16xi32>], vector<16xf32>,
            %broadcast_in_dim3A_368 = arith.constant 64 : i32
            %broadcast_in_dim3A_369 = vector.broadcast %broadcast_in_dim3A_368 : i32 to vector<16xi32>
            %add3A_370 = arith.addi %broadcast_in_dim3A_369, %iota3A : vector<16xi32>
            %gather3A_371 = tpu.vector_load_idx %arg9[%sub3A_335, %add3A_370] : memref<632x128xf32, #tpu.memory_space<vmem>>[vector<16xi32>, vector<16xi32>], vector<16xf32>,
            %get3A_372 = arith.index_cast %while3A_332 : i32 to index
            %get3A_373 = arith.constant 64 : index
            %get3A_374 = tpu.vector_load %arg8[%get3A_372, %get3A_373] {strides = array<i32>} : memref<320x128xf32, #tpu.memory_space<vmem>>, vector<16xf32>,
            %max3A_375 = arith.maximumf %gather3A_371, %get3A_374 : vector<16xf32>
            tpu.vector_store_idx %arg9[%sub3A_335, %add3A_370], %max3A_375 : memref<632x128xf32, #tpu.memory_space<vmem>>[vector<16xi32>, vector<16xi32>], vector<16xf32>,
            %broadcast_in_dim3A_376 = arith.constant 80 : i32
            %broadcast_in_dim3A_377 = vector.broadcast %broadcast_in_dim3A_376 : i32 to vector<16xi32>
            %add3A_378 = arith.addi %broadcast_in_dim3A_377, %iota3A : vector<16xi32>
            %gather3A_379 = tpu.vector_load_idx %arg9[%sub3A_335, %add3A_378] : memref<632x128xf32, #tpu.memory_space<vmem>>[vector<16xi32>, vector<16xi32>], vector<16xf32>,
            %get3A_380 = arith.index_cast %while3A_332 : i32 to index
            %get3A_381 = arith.constant 80 : index
            %get3A_382 = tpu.vector_load %arg8[%get3A_380, %get3A_381] {strides = array<i32>} : memref<320x128xf32, #tpu.memory_space<vmem>>, vector<16xf32>,
            %max3A_383 = arith.maximumf %gather3A_379, %get3A_382 : vector<16xf32>
            tpu.vector_store_idx %arg9[%sub3A_335, %add3A_378], %max3A_383 : memref<632x128xf32, #tpu.memory_space<vmem>>[vector<16xi32>, vector<16xi32>], vector<16xf32>,
            %broadcast_in_dim3A_384 = arith.constant 96 : i32
            %broadcast_in_dim3A_385 = vector.broadcast %broadcast_in_dim3A_384 : i32 to vector<16xi32>
            %add3A_386 = arith.addi %broadcast_in_dim3A_385, %iota3A : vector<16xi32>
            %gather3A_387 = tpu.vector_load_idx %arg9[%sub3A_335, %add3A_386] : memref<632x128xf32, #tpu.memory_space<vmem>>[vector<16xi32>, vector<16xi32>], vector<16xf32>,
            %get3A_388 = arith.index_cast %while3A_332 : i32 to index
            %get3A_389 = arith.constant 96 : index
            %get3A_390 = tpu.vector_load %arg8[%get3A_388, %get3A_389] {strides = array<i32>} : memref<320x128xf32, #tpu.memory_space<vmem>>, vector<16xf32>,
            %max3A_391 = arith.maximumf %gather3A_387, %get3A_390 : vector<16xf32>
            tpu.vector_store_idx %arg9[%sub3A_335, %add3A_386], %max3A_391 : memref<632x128xf32, #tpu.memory_space<vmem>>[vector<16xi32>, vector<16xi32>], vector<16xf32>,
            %broadcast_in_dim3A_392 = arith.constant 112 : i32
            %broadcast_in_dim3A_393 = vector.broadcast %broadcast_in_dim3A_392 : i32 to vector<16xi32>
            %add3A_394 = arith.addi %broadcast_in_dim3A_393, %iota3A : vector<16xi32>
            %gather3A_395 = tpu.vector_load_idx %arg9[%sub3A_335, %add3A_394] : memref<632x128xf32, #tpu.memory_space<vmem>>[vector<16xi32>, vector<16xi32>], vector<16xf32>,
            %get3A_396 = arith.index_cast %while3A_332 : i32 to index
            %get3A_397 = arith.constant 112 : index
            %get3A_398 = tpu.vector_load %arg8[%get3A_396, %get3A_397] {strides = array<i32>} : memref<320x128xf32, #tpu.memory_space<vmem>>, vector<16xf32>,
            %max3A_399 = arith.maximumf %gather3A_395, %get3A_398 : vector<16xf32>
            tpu.vector_store_idx %arg9[%sub3A_335, %add3A_394], %max3A_399 : memref<632x128xf32, #tpu.memory_space<vmem>>[vector<16xi32>, vector<16xi32>], vector<16xf32>,
          }
          %cond3A_331 = arith.constant 0 : i32
          scf.yield %cond3A_331 : i32
        } else {
          scf.yield %add3A_268 : i32
        }
        scf.yield %cond3A_274 : i32
      }
      %scan3A_82 = arith.constant 125 : i32
      scf.yield %scan3A_81 : i32
    }
    %scan3A_21 = arith.constant 80 : i32
    %dma_start3A = arith.constant 0 : i32
    %dma_start3A_22 = arith.constant 0 : i32
    %dma_start3A_23 = tpu.memref_slice %arg8[%dma_start3A, %dma_start3A_22] : memref<320x128xf32, #tpu.memory_space<vmem>> -> memref<160x128xf32, #tpu.memory_space<vmem>>
    %dma_start3A_24 = arith.constant 0 : i32
    %dma_start3A_25 = tpu.memref_slice %arg6[%dma_start3A_24] : memref<320xi32, #tpu.memory_space<vmem>> -> memref<160xi32, #tpu.memory_space<vmem>>
    %dma_start3A_26 = arith.constant 0 : i32
    %dma_start3A_27 = arith.constant 0 : i32
    %dma_start3A_28 = tpu.memref_slice %arg3[%dma_start3A_26, %dma_start3A_27] : memref<320000x128xf32, #tpu.memory_space<hbm>> -> memref<320000x128xf32, #tpu.memory_space<hbm>>
    tpu.enqueue_indirect_dma source(%dma_start3A_28 : memref<320000x128xf32, #tpu.memory_space<hbm>>) target(%dma_start3A_23 : memref<160x128xf32, #tpu.memory_space<vmem>>) offsets(%dma_start3A_25 : memref<160xi32, #tpu.memory_space<vmem>>) semaphore(%arg10 : memref<!tpu.dma_semaphore, #tpu.memory_space<semaphore_mem>>)
    %dma_start3A_29 = arith.constant 160 : i32
    %dma_start3A_30 = arith.constant 0 : i32
    %dma_start3A_31 = tpu.memref_slice %arg8[%dma_start3A_29, %dma_start3A_30] : memref<320x128xf32, #tpu.memory_space<vmem>> -> memref<160x128xf32, #tpu.memory_space<vmem>>
    %dma_start3A_32 = arith.constant 160 : i32
    %dma_start3A_33 = tpu.memref_slice %arg6[%dma_start3A_32] : memref<320xi32, #tpu.memory_space<vmem>> -> memref<160xi32, #tpu.memory_space<vmem>>
    %dma_start3A_34 = arith.constant 0 : i32
    %dma_start3A_35 = arith.constant 0 : i32
    %dma_start3A_36 = tpu.memref_slice %arg3[%dma_start3A_34, %dma_start3A_35] : memref<320000x128xf32, #tpu.memory_space<hbm>> -> memref<320000x128xf32, #tpu.memory_space<hbm>>
    tpu.enqueue_indirect_dma source(%dma_start3A_36 : memref<320000x128xf32, #tpu.memory_space<hbm>>) target(%dma_start3A_31 : memref<160x128xf32, #tpu.memory_space<vmem>>) offsets(%dma_start3A_33 : memref<160xi32, #tpu.memory_space<vmem>>) semaphore(%arg11 : memref<!tpu.dma_semaphore, #tpu.memory_space<semaphore_mem>>)
    %dma_wait3A = arith.constant 0 : i32
    %dma_wait3A_37 = arith.constant 0 : i32
    %dma_wait3A_38 = tpu.memref_slice %arg8[%dma_wait3A, %dma_wait3A_37] : memref<320x128xf32, #tpu.memory_space<vmem>> -> memref<160x128xf32, #tpu.memory_space<vmem>>
    %dma_wait3A_39 = arith.constant 0 : i32
    %dma_wait3A_40 = tpu.memref_slice %arg6[%dma_wait3A_39] : memref<320xi32, #tpu.memory_space<vmem>> -> memref<160xi32, #tpu.memory_space<vmem>>
    %dma_wait3A_41 = arith.constant 0 : i32
    %dma_wait3A_42 = arith.constant 0 : i32
    %dma_wait3A_43 = tpu.memref_slice %arg3[%dma_wait3A_41, %dma_wait3A_42] : memref<320000x128xf32, #tpu.memory_space<hbm>> -> memref<320000x128xf32, #tpu.memory_space<hbm>>
    tpu.wait_indirect_dma semaphore(%arg10 : memref<!tpu.dma_semaphore, #tpu.memory_space<semaphore_mem>>) src(%dma_wait3A_43 : memref<320000x128xf32, #tpu.memory_space<hbm>>) dst(%dma_wait3A_38 : memref<160x128xf32, #tpu.memory_space<vmem>>)
    %min3A = arith.constant 160 : i32
    %min3A_44 = arith.minsi %scan3A_20, %min3A : i32
    %while3A = arith.constant 0 : i32
    %while3A_45 = arith.constant 0 : i32
    %while3A_46 = arith.subi %min3A_44, %while3A_45 : i32
    %while3A_47 = arith.addi %while3A_45, %while3A_46 : i32
    %while3A_48 = arith.constant 1 : i32
    %while3A_49 = arith.divsi %while3A_46, %while3A_48 : i32
    %while3A_50 = arith.muli %while3A_49, %while3A_48 : i32
    %while3A_51 = arith.addi %while3A_45, %while3A_50 : i32
    %while3A_52 = arith.constant 1 : i32
    scf.for %while3A_73 = %while3A_45 to %while3A_51 step %while3A_52  : i32 {
      %broadcast_in_dim3A_74 = vector.broadcast %while3A_73 : i32 to vector<16xi32>
      %gather3A = tpu.vector_load_idx %arg7[%broadcast_in_dim3A_74] : memref<320xi32, #tpu.memory_space<vmem>>[vector<16xi32>], vector<16xi32>,
      %sub3A = vector.broadcast %mul3A_0 : i32 to vector<16xi32>
      %sub3A_75 = arith.subi %gather3A, %sub3A : vector<16xi32>
      %broadcast_in_dim3A_76 = arith.constant 0 : i32
      %broadcast_in_dim3A_77 = vector.broadcast %broadcast_in_dim3A_76 : i32 to vector<16xi32>
      %add3A = arith.addi %broadcast_in_dim3A_77, %iota3A : vector<16xi32>
      %gather3A_78 = tpu.vector_load_idx %arg9[%sub3A_75, %add3A] : memref<632x128xf32, #tpu.memory_space<vmem>>[vector<16xi32>, vector<16xi32>], vector<16xf32>,
      %get3A = arith.index_cast %while3A_73 : i32 to index
      %get3A_79 = arith.constant 0 : index
      %get3A_80 = tpu.vector_load %arg8[%get3A, %get3A_79] {strides = array<i32>} : memref<320x128xf32, #tpu.memory_space<vmem>>, vector<16xf32>,
      %max3A_81 = arith.maximumf %gather3A_78, %get3A_80 : vector<16xf32>
      tpu.vector_store_idx %arg9[%sub3A_75, %add3A], %max3A_81 : memref<632x128xf32, #tpu.memory_space<vmem>>[vector<16xi32>, vector<16xi32>], vector<16xf32>,
      %broadcast_in_dim3A_82 = arith.constant 16 : i32
      %broadcast_in_dim3A_83 = vector.broadcast %broadcast_in_dim3A_82 : i32 to vector<16xi32>
      %add3A_84 = arith.addi %broadcast_in_dim3A_83, %iota3A : vector<16xi32>
      %gather3A_85 = tpu.vector_load_idx %arg9[%sub3A_75, %add3A_84] : memref<632x128xf32, #tpu.memory_space<vmem>>[vector<16xi32>, vector<16xi32>], vector<16xf32>,
      %get3A_86 = arith.index_cast %while3A_73 : i32 to index
      %get3A_87 = arith.constant 16 : index
      %get3A_88 = tpu.vector_load %arg8[%get3A_86, %get3A_87] {strides = array<i32>} : memref<320x128xf32, #tpu.memory_space<vmem>>, vector<16xf32>,
      %max3A_89 = arith.maximumf %gather3A_85, %get3A_88 : vector<16xf32>
      tpu.vector_store_idx %arg9[%sub3A_75, %add3A_84], %max3A_89 : memref<632x128xf32, #tpu.memory_space<vmem>>[vector<16xi32>, vector<16xi32>], vector<16xf32>,
      %broadcast_in_dim3A_90 = arith.constant 32 : i32
      %broadcast_in_dim3A_91 = vector.broadcast %broadcast_in_dim3A_90 : i32 to vector<16xi32>
      %add3A_92 = arith.addi %broadcast_in_dim3A_91, %iota3A : vector<16xi32>
      %gather3A_93 = tpu.vector_load_idx %arg9[%sub3A_75, %add3A_92] : memref<632x128xf32, #tpu.memory_space<vmem>>[vector<16xi32>, vector<16xi32>], vector<16xf32>,
      %get3A_94 = arith.index_cast %while3A_73 : i32 to index
      %get3A_95 = arith.constant 32 : index
      %get3A_96 = tpu.vector_load %arg8[%get3A_94, %get3A_95] {strides = array<i32>} : memref<320x128xf32, #tpu.memory_space<vmem>>, vector<16xf32>,
      %max3A_97 = arith.maximumf %gather3A_93, %get3A_96 : vector<16xf32>
      tpu.vector_store_idx %arg9[%sub3A_75, %add3A_92], %max3A_97 : memref<632x128xf32, #tpu.memory_space<vmem>>[vector<16xi32>, vector<16xi32>], vector<16xf32>,
      %broadcast_in_dim3A_98 = arith.constant 48 : i32
      %broadcast_in_dim3A_99 = vector.broadcast %broadcast_in_dim3A_98 : i32 to vector<16xi32>
      %add3A_100 = arith.addi %broadcast_in_dim3A_99, %iota3A : vector<16xi32>
      %gather3A_101 = tpu.vector_load_idx %arg9[%sub3A_75, %add3A_100] : memref<632x128xf32, #tpu.memory_space<vmem>>[vector<16xi32>, vector<16xi32>], vector<16xf32>,
      %get3A_102 = arith.index_cast %while3A_73 : i32 to index
      %get3A_103 = arith.constant 48 : index
      %get3A_104 = tpu.vector_load %arg8[%get3A_102, %get3A_103] {strides = array<i32>} : memref<320x128xf32, #tpu.memory_space<vmem>>, vector<16xf32>,
      %max3A_105 = arith.maximumf %gather3A_101, %get3A_104 : vector<16xf32>
      tpu.vector_store_idx %arg9[%sub3A_75, %add3A_100], %max3A_105 : memref<632x128xf32, #tpu.memory_space<vmem>>[vector<16xi32>, vector<16xi32>], vector<16xf32>,
      %broadcast_in_dim3A_106 = arith.constant 64 : i32
      %broadcast_in_dim3A_107 = vector.broadcast %broadcast_in_dim3A_106 : i32 to vector<16xi32>
      %add3A_108 = arith.addi %broadcast_in_dim3A_107, %iota3A : vector<16xi32>
      %gather3A_109 = tpu.vector_load_idx %arg9[%sub3A_75, %add3A_108] : memref<632x128xf32, #tpu.memory_space<vmem>>[vector<16xi32>, vector<16xi32>], vector<16xf32>,
      %get3A_110 = arith.index_cast %while3A_73 : i32 to index
      %get3A_111 = arith.constant 64 : index
      %get3A_112 = tpu.vector_load %arg8[%get3A_110, %get3A_111] {strides = array<i32>} : memref<320x128xf32, #tpu.memory_space<vmem>>, vector<16xf32>,
      %max3A_113 = arith.maximumf %gather3A_109, %get3A_112 : vector<16xf32>
      tpu.vector_store_idx %arg9[%sub3A_75, %add3A_108], %max3A_113 : memref<632x128xf32, #tpu.memory_space<vmem>>[vector<16xi32>, vector<16xi32>], vector<16xf32>,
      %broadcast_in_dim3A_114 = arith.constant 80 : i32
      %broadcast_in_dim3A_115 = vector.broadcast %broadcast_in_dim3A_114 : i32 to vector<16xi32>
      %add3A_116 = arith.addi %broadcast_in_dim3A_115, %iota3A : vector<16xi32>
      %gather3A_117 = tpu.vector_load_idx %arg9[%sub3A_75, %add3A_116] : memref<632x128xf32, #tpu.memory_space<vmem>>[vector<16xi32>, vector<16xi32>], vector<16xf32>,
      %get3A_118 = arith.index_cast %while3A_73 : i32 to index
      %get3A_119 = arith.constant 80 : index
      %get3A_120 = tpu.vector_load %arg8[%get3A_118, %get3A_119] {strides = array<i32>} : memref<320x128xf32, #tpu.memory_space<vmem>>, vector<16xf32>,
      %max3A_121 = arith.maximumf %gather3A_117, %get3A_120 : vector<16xf32>
      tpu.vector_store_idx %arg9[%sub3A_75, %add3A_116], %max3A_121 : memref<632x128xf32, #tpu.memory_space<vmem>>[vector<16xi32>, vector<16xi32>], vector<16xf32>,
      %broadcast_in_dim3A_122 = arith.constant 96 : i32
      %broadcast_in_dim3A_123 = vector.broadcast %broadcast_in_dim3A_122 : i32 to vector<16xi32>
      %add3A_124 = arith.addi %broadcast_in_dim3A_123, %iota3A : vector<16xi32>
      %gather3A_125 = tpu.vector_load_idx %arg9[%sub3A_75, %add3A_124] : memref<632x128xf32, #tpu.memory_space<vmem>>[vector<16xi32>, vector<16xi32>], vector<16xf32>,
      %get3A_126 = arith.index_cast %while3A_73 : i32 to index
      %get3A_127 = arith.constant 96 : index
      %get3A_128 = tpu.vector_load %arg8[%get3A_126, %get3A_127] {strides = array<i32>} : memref<320x128xf32, #tpu.memory_space<vmem>>, vector<16xf32>,
      %max3A_129 = arith.maximumf %gather3A_125, %get3A_128 : vector<16xf32>
      tpu.vector_store_idx %arg9[%sub3A_75, %add3A_124], %max3A_129 : memref<632x128xf32, #tpu.memory_space<vmem>>[vector<16xi32>, vector<16xi32>], vector<16xf32>,
      %broadcast_in_dim3A_130 = arith.constant 112 : i32
      %broadcast_in_dim3A_131 = vector.broadcast %broadcast_in_dim3A_130 : i32 to vector<16xi32>
      %add3A_132 = arith.addi %broadcast_in_dim3A_131, %iota3A : vector<16xi32>
      %gather3A_133 = tpu.vector_load_idx %arg9[%sub3A_75, %add3A_132] : memref<632x128xf32, #tpu.memory_space<vmem>>[vector<16xi32>, vector<16xi32>], vector<16xf32>,
      %get3A_134 = arith.index_cast %while3A_73 : i32 to index
      %get3A_135 = arith.constant 112 : index
      %get3A_136 = tpu.vector_load %arg8[%get3A_134, %get3A_135] {strides = array<i32>} : memref<320x128xf32, #tpu.memory_space<vmem>>, vector<16xf32>,
      %max3A_137 = arith.maximumf %gather3A_133, %get3A_136 : vector<16xf32>
      tpu.vector_store_idx %arg9[%sub3A_75, %add3A_132], %max3A_137 : memref<632x128xf32, #tpu.memory_space<vmem>>[vector<16xi32>, vector<16xi32>], vector<16xf32>,
    }
    %while3A_53 = arith.constant 1 : i32
    scf.for %while3A_73 = %while3A_51 to %while3A_47 step %while3A_53  : i32 {
      %broadcast_in_dim3A_74 = vector.broadcast %while3A_73 : i32 to vector<16xi32>
      %gather3A = tpu.vector_load_idx %arg7[%broadcast_in_dim3A_74] : memref<320xi32, #tpu.memory_space<vmem>>[vector<16xi32>], vector<16xi32>,
      %sub3A = vector.broadcast %mul3A_0 : i32 to vector<16xi32>
      %sub3A_75 = arith.subi %gather3A, %sub3A : vector<16xi32>
      %broadcast_in_dim3A_76 = arith.constant 0 : i32
      %broadcast_in_dim3A_77 = vector.broadcast %broadcast_in_dim3A_76 : i32 to vector<16xi32>
      %add3A = arith.addi %broadcast_in_dim3A_77, %iota3A : vector<16xi32>
      %gather3A_78 = tpu.vector_load_idx %arg9[%sub3A_75, %add3A] : memref<632x128xf32, #tpu.memory_space<vmem>>[vector<16xi32>, vector<16xi32>], vector<16xf32>,
      %get3A = arith.index_cast %while3A_73 : i32 to index
      %get3A_79 = arith.constant 0 : index
      %get3A_80 = tpu.vector_load %arg8[%get3A, %get3A_79] {strides = array<i32>} : memref<320x128xf32, #tpu.memory_space<vmem>>, vector<16xf32>,
      %max3A_81 = arith.maximumf %gather3A_78, %get3A_80 : vector<16xf32>
      tpu.vector_store_idx %arg9[%sub3A_75, %add3A], %max3A_81 : memref<632x128xf32, #tpu.memory_space<vmem>>[vector<16xi32>, vector<16xi32>], vector<16xf32>,
      %broadcast_in_dim3A_82 = arith.constant 16 : i32
      %broadcast_in_dim3A_83 = vector.broadcast %broadcast_in_dim3A_82 : i32 to vector<16xi32>
      %add3A_84 = arith.addi %broadcast_in_dim3A_83, %iota3A : vector<16xi32>
      %gather3A_85 = tpu.vector_load_idx %arg9[%sub3A_75, %add3A_84] : memref<632x128xf32, #tpu.memory_space<vmem>>[vector<16xi32>, vector<16xi32>], vector<16xf32>,
      %get3A_86 = arith.index_cast %while3A_73 : i32 to index
      %get3A_87 = arith.constant 16 : index
      %get3A_88 = tpu.vector_load %arg8[%get3A_86, %get3A_87] {strides = array<i32>} : memref<320x128xf32, #tpu.memory_space<vmem>>, vector<16xf32>,
      %max3A_89 = arith.maximumf %gather3A_85, %get3A_88 : vector<16xf32>
      tpu.vector_store_idx %arg9[%sub3A_75, %add3A_84], %max3A_89 : memref<632x128xf32, #tpu.memory_space<vmem>>[vector<16xi32>, vector<16xi32>], vector<16xf32>,
      %broadcast_in_dim3A_90 = arith.constant 32 : i32
      %broadcast_in_dim3A_91 = vector.broadcast %broadcast_in_dim3A_90 : i32 to vector<16xi32>
      %add3A_92 = arith.addi %broadcast_in_dim3A_91, %iota3A : vector<16xi32>
      %gather3A_93 = tpu.vector_load_idx %arg9[%sub3A_75, %add3A_92] : memref<632x128xf32, #tpu.memory_space<vmem>>[vector<16xi32>, vector<16xi32>], vector<16xf32>,
      %get3A_94 = arith.index_cast %while3A_73 : i32 to index
      %get3A_95 = arith.constant 32 : index
      %get3A_96 = tpu.vector_load %arg8[%get3A_94, %get3A_95] {strides = array<i32>} : memref<320x128xf32, #tpu.memory_space<vmem>>, vector<16xf32>,
      %max3A_97 = arith.maximumf %gather3A_93, %get3A_96 : vector<16xf32>
      tpu.vector_store_idx %arg9[%sub3A_75, %add3A_92], %max3A_97 : memref<632x128xf32, #tpu.memory_space<vmem>>[vector<16xi32>, vector<16xi32>], vector<16xf32>,
      %broadcast_in_dim3A_98 = arith.constant 48 : i32
      %broadcast_in_dim3A_99 = vector.broadcast %broadcast_in_dim3A_98 : i32 to vector<16xi32>
      %add3A_100 = arith.addi %broadcast_in_dim3A_99, %iota3A : vector<16xi32>
      %gather3A_101 = tpu.vector_load_idx %arg9[%sub3A_75, %add3A_100] : memref<632x128xf32, #tpu.memory_space<vmem>>[vector<16xi32>, vector<16xi32>], vector<16xf32>,
      %get3A_102 = arith.index_cast %while3A_73 : i32 to index
      %get3A_103 = arith.constant 48 : index
      %get3A_104 = tpu.vector_load %arg8[%get3A_102, %get3A_103] {strides = array<i32>} : memref<320x128xf32, #tpu.memory_space<vmem>>, vector<16xf32>,
      %max3A_105 = arith.maximumf %gather3A_101, %get3A_104 : vector<16xf32>
      tpu.vector_store_idx %arg9[%sub3A_75, %add3A_100], %max3A_105 : memref<632x128xf32, #tpu.memory_space<vmem>>[vector<16xi32>, vector<16xi32>], vector<16xf32>,
      %broadcast_in_dim3A_106 = arith.constant 64 : i32
      %broadcast_in_dim3A_107 = vector.broadcast %broadcast_in_dim3A_106 : i32 to vector<16xi32>
      %add3A_108 = arith.addi %broadcast_in_dim3A_107, %iota3A : vector<16xi32>
      %gather3A_109 = tpu.vector_load_idx %arg9[%sub3A_75, %add3A_108] : memref<632x128xf32, #tpu.memory_space<vmem>>[vector<16xi32>, vector<16xi32>], vector<16xf32>,
      %get3A_110 = arith.index_cast %while3A_73 : i32 to index
      %get3A_111 = arith.constant 64 : index
      %get3A_112 = tpu.vector_load %arg8[%get3A_110, %get3A_111] {strides = array<i32>} : memref<320x128xf32, #tpu.memory_space<vmem>>, vector<16xf32>,
      %max3A_113 = arith.maximumf %gather3A_109, %get3A_112 : vector<16xf32>
      tpu.vector_store_idx %arg9[%sub3A_75, %add3A_108], %max3A_113 : memref<632x128xf32, #tpu.memory_space<vmem>>[vector<16xi32>, vector<16xi32>], vector<16xf32>,
      %broadcast_in_dim3A_114 = arith.constant 80 : i32
      %broadcast_in_dim3A_115 = vector.broadcast %broadcast_in_dim3A_114 : i32 to vector<16xi32>
      %add3A_116 = arith.addi %broadcast_in_dim3A_115, %iota3A : vector<16xi32>
      %gather3A_117 = tpu.vector_load_idx %arg9[%sub3A_75, %add3A_116] : memref<632x128xf32, #tpu.memory_space<vmem>>[vector<16xi32>, vector<16xi32>], vector<16xf32>,
      %get3A_118 = arith.index_cast %while3A_73 : i32 to index
      %get3A_119 = arith.constant 80 : index
      %get3A_120 = tpu.vector_load %arg8[%get3A_118, %get3A_119] {strides = array<i32>} : memref<320x128xf32, #tpu.memory_space<vmem>>, vector<16xf32>,
      %max3A_121 = arith.maximumf %gather3A_117, %get3A_120 : vector<16xf32>
      tpu.vector_store_idx %arg9[%sub3A_75, %add3A_116], %max3A_121 : memref<632x128xf32, #tpu.memory_space<vmem>>[vector<16xi32>, vector<16xi32>], vector<16xf32>,
      %broadcast_in_dim3A_122 = arith.constant 96 : i32
      %broadcast_in_dim3A_123 = vector.broadcast %broadcast_in_dim3A_122 : i32 to vector<16xi32>
      %add3A_124 = arith.addi %broadcast_in_dim3A_123, %iota3A : vector<16xi32>
      %gather3A_125 = tpu.vector_load_idx %arg9[%sub3A_75, %add3A_124] : memref<632x128xf32, #tpu.memory_space<vmem>>[vector<16xi32>, vector<16xi32>], vector<16xf32>,
      %get3A_126 = arith.index_cast %while3A_73 : i32 to index
      %get3A_127 = arith.constant 96 : index
      %get3A_128 = tpu.vector_load %arg8[%get3A_126, %get3A_127] {strides = array<i32>} : memref<320x128xf32, #tpu.memory_space<vmem>>, vector<16xf32>,
      %max3A_129 = arith.maximumf %gather3A_125, %get3A_128 : vector<16xf32>
      tpu.vector_store_idx %arg9[%sub3A_75, %add3A_124], %max3A_129 : memref<632x128xf32, #tpu.memory_space<vmem>>[vector<16xi32>, vector<16xi32>], vector<16xf32>,
      %broadcast_in_dim3A_130 = arith.constant 112 : i32
      %broadcast_in_dim3A_131 = vector.broadcast %broadcast_in_dim3A_130 : i32 to vector<16xi32>
      %add3A_132 = arith.addi %broadcast_in_dim3A_131, %iota3A : vector<16xi32>
      %gather3A_133 = tpu.vector_load_idx %arg9[%sub3A_75, %add3A_132] : memref<632x128xf32, #tpu.memory_space<vmem>>[vector<16xi32>, vector<16xi32>], vector<16xf32>,
      %get3A_134 = arith.index_cast %while3A_73 : i32 to index
      %get3A_135 = arith.constant 112 : index
      %get3A_136 = tpu.vector_load %arg8[%get3A_134, %get3A_135] {strides = array<i32>} : memref<320x128xf32, #tpu.memory_space<vmem>>, vector<16xf32>,
      %max3A_137 = arith.maximumf %gather3A_133, %get3A_136 : vector<16xf32>
      tpu.vector_store_idx %arg9[%sub3A_75, %add3A_132], %max3A_137 : memref<632x128xf32, #tpu.memory_space<vmem>>[vector<16xi32>, vector<16xi32>], vector<16xf32>,
    }
    %dma_wait3A_54 = arith.constant 160 : i32
    %dma_wait3A_55 = arith.constant 0 : i32
    %dma_wait3A_56 = tpu.memref_slice %arg8[%dma_wait3A_54, %dma_wait3A_55] : memref<320x128xf32, #tpu.memory_space<vmem>> -> memref<160x128xf32, #tpu.memory_space<vmem>>
    %dma_wait3A_57 = arith.constant 160 : i32
    %dma_wait3A_58 = tpu.memref_slice %arg6[%dma_wait3A_57] : memref<320xi32, #tpu.memory_space<vmem>> -> memref<160xi32, #tpu.memory_space<vmem>>
    %dma_wait3A_59 = arith.constant 0 : i32
    %dma_wait3A_60 = arith.constant 0 : i32
    %dma_wait3A_61 = tpu.memref_slice %arg3[%dma_wait3A_59, %dma_wait3A_60] : memref<320000x128xf32, #tpu.memory_space<hbm>> -> memref<320000x128xf32, #tpu.memory_space<hbm>>
    tpu.wait_indirect_dma semaphore(%arg11 : memref<!tpu.dma_semaphore, #tpu.memory_space<semaphore_mem>>) src(%dma_wait3A_61 : memref<320000x128xf32, #tpu.memory_space<hbm>>) dst(%dma_wait3A_56 : memref<160x128xf32, #tpu.memory_space<vmem>>)
    %max3A = arith.constant 160 : i32
    %max3A_62 = arith.maxsi %scan3A_20, %max3A : i32
    %while3A_63 = arith.constant 0 : i32
    %while3A_64 = arith.constant 160 : i32
    %while3A_65 = arith.subi %max3A_62, %while3A_64 : i32
    %while3A_66 = arith.addi %while3A_64, %while3A_65 : i32
    %while3A_67 = arith.constant 1 : i32
    %while3A_68 = arith.divsi %while3A_65, %while3A_67 : i32
    %while3A_69 = arith.muli %while3A_68, %while3A_67 : i32
    %while3A_70 = arith.addi %while3A_64, %while3A_69 : i32
    %while3A_71 = arith.constant 1 : i32
    scf.for %while3A_73 = %while3A_64 to %while3A_70 step %while3A_71  : i32 {
      %broadcast_in_dim3A_74 = vector.broadcast %while3A_73 : i32 to vector<16xi32>
      %gather3A = tpu.vector_load_idx %arg7[%broadcast_in_dim3A_74] : memref<320xi32, #tpu.memory_space<vmem>>[vector<16xi32>], vector<16xi32>,
      %sub3A = vector.broadcast %mul3A_0 : i32 to vector<16xi32>
      %sub3A_75 = arith.subi %gather3A, %sub3A : vector<16xi32>
      %broadcast_in_dim3A_76 = arith.constant 0 : i32
      %broadcast_in_dim3A_77 = vector.broadcast %broadcast_in_dim3A_76 : i32 to vector<16xi32>
      %add3A = arith.addi %broadcast_in_dim3A_77, %iota3A : vector<16xi32>
      %gather3A_78 = tpu.vector_load_idx %arg9[%sub3A_75, %add3A] : memref<632x128xf32, #tpu.memory_space<vmem>>[vector<16xi32>, vector<16xi32>], vector<16xf32>,
      %get3A = arith.index_cast %while3A_73 : i32 to index
      %get3A_79 = arith.constant 0 : index
      %get3A_80 = tpu.vector_load %arg8[%get3A, %get3A_79] {strides = array<i32>} : memref<320x128xf32, #tpu.memory_space<vmem>>, vector<16xf32>,
      %max3A_81 = arith.maximumf %gather3A_78, %get3A_80 : vector<16xf32>
      tpu.vector_store_idx %arg9[%sub3A_75, %add3A], %max3A_81 : memref<632x128xf32, #tpu.memory_space<vmem>>[vector<16xi32>, vector<16xi32>], vector<16xf32>,
      %broadcast_in_dim3A_82 = arith.constant 16 : i32
      %broadcast_in_dim3A_83 = vector.broadcast %broadcast_in_dim3A_82 : i32 to vector<16xi32>
      %add3A_84 = arith.addi %broadcast_in_dim3A_83, %iota3A : vector<16xi32>
      %gather3A_85 = tpu.vector_load_idx %arg9[%sub3A_75, %add3A_84] : memref<632x128xf32, #tpu.memory_space<vmem>>[vector<16xi32>, vector<16xi32>], vector<16xf32>,
      %get3A_86 = arith.index_cast %while3A_73 : i32 to index
      %get3A_87 = arith.constant 16 : index
      %get3A_88 = tpu.vector_load %arg8[%get3A_86, %get3A_87] {strides = array<i32>} : memref<320x128xf32, #tpu.memory_space<vmem>>, vector<16xf32>,
      %max3A_89 = arith.maximumf %gather3A_85, %get3A_88 : vector<16xf32>
      tpu.vector_store_idx %arg9[%sub3A_75, %add3A_84], %max3A_89 : memref<632x128xf32, #tpu.memory_space<vmem>>[vector<16xi32>, vector<16xi32>], vector<16xf32>,
      %broadcast_in_dim3A_90 = arith.constant 32 : i32
      %broadcast_in_dim3A_91 = vector.broadcast %broadcast_in_dim3A_90 : i32 to vector<16xi32>
      %add3A_92 = arith.addi %broadcast_in_dim3A_91, %iota3A : vector<16xi32>
      %gather3A_93 = tpu.vector_load_idx %arg9[%sub3A_75, %add3A_92] : memref<632x128xf32, #tpu.memory_space<vmem>>[vector<16xi32>, vector<16xi32>], vector<16xf32>,
      %get3A_94 = arith.index_cast %while3A_73 : i32 to index
      %get3A_95 = arith.constant 32 : index
      %get3A_96 = tpu.vector_load %arg8[%get3A_94, %get3A_95] {strides = array<i32>} : memref<320x128xf32, #tpu.memory_space<vmem>>, vector<16xf32>,
      %max3A_97 = arith.maximumf %gather3A_93, %get3A_96 : vector<16xf32>
      tpu.vector_store_idx %arg9[%sub3A_75, %add3A_92], %max3A_97 : memref<632x128xf32, #tpu.memory_space<vmem>>[vector<16xi32>, vector<16xi32>], vector<16xf32>,
      %broadcast_in_dim3A_98 = arith.constant 48 : i32
      %broadcast_in_dim3A_99 = vector.broadcast %broadcast_in_dim3A_98 : i32 to vector<16xi32>
      %add3A_100 = arith.addi %broadcast_in_dim3A_99, %iota3A : vector<16xi32>
      %gather3A_101 = tpu.vector_load_idx %arg9[%sub3A_75, %add3A_100] : memref<632x128xf32, #tpu.memory_space<vmem>>[vector<16xi32>, vector<16xi32>], vector<16xf32>,
      %get3A_102 = arith.index_cast %while3A_73 : i32 to index
      %get3A_103 = arith.constant 48 : index
      %get3A_104 = tpu.vector_load %arg8[%get3A_102, %get3A_103] {strides = array<i32>} : memref<320x128xf32, #tpu.memory_space<vmem>>, vector<16xf32>,
      %max3A_105 = arith.maximumf %gather3A_101, %get3A_104 : vector<16xf32>
      tpu.vector_store_idx %arg9[%sub3A_75, %add3A_100], %max3A_105 : memref<632x128xf32, #tpu.memory_space<vmem>>[vector<16xi32>, vector<16xi32>], vector<16xf32>,
      %broadcast_in_dim3A_106 = arith.constant 64 : i32
      %broadcast_in_dim3A_107 = vector.broadcast %broadcast_in_dim3A_106 : i32 to vector<16xi32>
      %add3A_108 = arith.addi %broadcast_in_dim3A_107, %iota3A : vector<16xi32>
      %gather3A_109 = tpu.vector_load_idx %arg9[%sub3A_75, %add3A_108] : memref<632x128xf32, #tpu.memory_space<vmem>>[vector<16xi32>, vector<16xi32>], vector<16xf32>,
      %get3A_110 = arith.index_cast %while3A_73 : i32 to index
      %get3A_111 = arith.constant 64 : index
      %get3A_112 = tpu.vector_load %arg8[%get3A_110, %get3A_111] {strides = array<i32>} : memref<320x128xf32, #tpu.memory_space<vmem>>, vector<16xf32>,
      %max3A_113 = arith.maximumf %gather3A_109, %get3A_112 : vector<16xf32>
      tpu.vector_store_idx %arg9[%sub3A_75, %add3A_108], %max3A_113 : memref<632x128xf32, #tpu.memory_space<vmem>>[vector<16xi32>, vector<16xi32>], vector<16xf32>,
      %broadcast_in_dim3A_114 = arith.constant 80 : i32
      %broadcast_in_dim3A_115 = vector.broadcast %broadcast_in_dim3A_114 : i32 to vector<16xi32>
      %add3A_116 = arith.addi %broadcast_in_dim3A_115, %iota3A : vector<16xi32>
      %gather3A_117 = tpu.vector_load_idx %arg9[%sub3A_75, %add3A_116] : memref<632x128xf32, #tpu.memory_space<vmem>>[vector<16xi32>, vector<16xi32>], vector<16xf32>,
      %get3A_118 = arith.index_cast %while3A_73 : i32 to index
      %get3A_119 = arith.constant 80 : index
      %get3A_120 = tpu.vector_load %arg8[%get3A_118, %get3A_119] {strides = array<i32>} : memref<320x128xf32, #tpu.memory_space<vmem>>, vector<16xf32>,
      %max3A_121 = arith.maximumf %gather3A_117, %get3A_120 : vector<16xf32>
      tpu.vector_store_idx %arg9[%sub3A_75, %add3A_116], %max3A_121 : memref<632x128xf32, #tpu.memory_space<vmem>>[vector<16xi32>, vector<16xi32>], vector<16xf32>,
      %broadcast_in_dim3A_122 = arith.constant 96 : i32
      %broadcast_in_dim3A_123 = vector.broadcast %broadcast_in_dim3A_122 : i32 to vector<16xi32>
      %add3A_124 = arith.addi %broadcast_in_dim3A_123, %iota3A : vector<16xi32>
      %gather3A_125 = tpu.vector_load_idx %arg9[%sub3A_75, %add3A_124] : memref<632x128xf32, #tpu.memory_space<vmem>>[vector<16xi32>, vector<16xi32>], vector<16xf32>,
      %get3A_126 = arith.index_cast %while3A_73 : i32 to index
      %get3A_127 = arith.constant 96 : index
      %get3A_128 = tpu.vector_load %arg8[%get3A_126, %get3A_127] {strides = array<i32>} : memref<320x128xf32, #tpu.memory_space<vmem>>, vector<16xf32>,
      %max3A_129 = arith.maximumf %gather3A_125, %get3A_128 : vector<16xf32>
      tpu.vector_store_idx %arg9[%sub3A_75, %add3A_124], %max3A_129 : memref<632x128xf32, #tpu.memory_space<vmem>>[vector<16xi32>, vector<16xi32>], vector<16xf32>,
      %broadcast_in_dim3A_130 = arith.constant 112 : i32
      %broadcast_in_dim3A_131 = vector.broadcast %broadcast_in_dim3A_130 : i32 to vector<16xi32>
      %add3A_132 = arith.addi %broadcast_in_dim3A_131, %iota3A : vector<16xi32>
      %gather3A_133 = tpu.vector_load_idx %arg9[%sub3A_75, %add3A_132] : memref<632x128xf32, #tpu.memory_space<vmem>>[vector<16xi32>, vector<16xi32>], vector<16xf32>,
      %get3A_134 = arith.index_cast %while3A_73 : i32 to index
      %get3A_135 = arith.constant 112 : index
      %get3A_136 = tpu.vector_load %arg8[%get3A_134, %get3A_135] {strides = array<i32>} : memref<320x128xf32, #tpu.memory_space<vmem>>, vector<16xf32>,
      %max3A_137 = arith.maximumf %gather3A_133, %get3A_136 : vector<16xf32>
      tpu.vector_store_idx %arg9[%sub3A_75, %add3A_132], %max3A_137 : memref<632x128xf32, #tpu.memory_space<vmem>>[vector<16xi32>, vector<16xi32>], vector<16xf32>,
    }
    %while3A_72 = arith.constant 1 : i32
    scf.for %while3A_73 = %while3A_70 to %while3A_66 step %while3A_72  : i32 {
      %broadcast_in_dim3A_74 = vector.broadcast %while3A_73 : i32 to vector<16xi32>
      %gather3A = tpu.vector_load_idx %arg7[%broadcast_in_dim3A_74] : memref<320xi32, #tpu.memory_space<vmem>>[vector<16xi32>], vector<16xi32>,
      %sub3A = vector.broadcast %mul3A_0 : i32 to vector<16xi32>
      %sub3A_75 = arith.subi %gather3A, %sub3A : vector<16xi32>
      %broadcast_in_dim3A_76 = arith.constant 0 : i32
      %broadcast_in_dim3A_77 = vector.broadcast %broadcast_in_dim3A_76 : i32 to vector<16xi32>
      %add3A = arith.addi %broadcast_in_dim3A_77, %iota3A : vector<16xi32>
      %gather3A_78 = tpu.vector_load_idx %arg9[%sub3A_75, %add3A] : memref<632x128xf32, #tpu.memory_space<vmem>>[vector<16xi32>, vector<16xi32>], vector<16xf32>,
      %get3A = arith.index_cast %while3A_73 : i32 to index
      %get3A_79 = arith.constant 0 : index
      %get3A_80 = tpu.vector_load %arg8[%get3A, %get3A_79] {strides = array<i32>} : memref<320x128xf32, #tpu.memory_space<vmem>>, vector<16xf32>,
      %max3A_81 = arith.maximumf %gather3A_78, %get3A_80 : vector<16xf32>
      tpu.vector_store_idx %arg9[%sub3A_75, %add3A], %max3A_81 : memref<632x128xf32, #tpu.memory_space<vmem>>[vector<16xi32>, vector<16xi32>], vector<16xf32>,
      %broadcast_in_dim3A_82 = arith.constant 16 : i32
      %broadcast_in_dim3A_83 = vector.broadcast %broadcast_in_dim3A_82 : i32 to vector<16xi32>
      %add3A_84 = arith.addi %broadcast_in_dim3A_83, %iota3A : vector<16xi32>
      %gather3A_85 = tpu.vector_load_idx %arg9[%sub3A_75, %add3A_84] : memref<632x128xf32, #tpu.memory_space<vmem>>[vector<16xi32>, vector<16xi32>], vector<16xf32>,
      %get3A_86 = arith.index_cast %while3A_73 : i32 to index
      %get3A_87 = arith.constant 16 : index
      %get3A_88 = tpu.vector_load %arg8[%get3A_86, %get3A_87] {strides = array<i32>} : memref<320x128xf32, #tpu.memory_space<vmem>>, vector<16xf32>,
      %max3A_89 = arith.maximumf %gather3A_85, %get3A_88 : vector<16xf32>
      tpu.vector_store_idx %arg9[%sub3A_75, %add3A_84], %max3A_89 : memref<632x128xf32, #tpu.memory_space<vmem>>[vector<16xi32>, vector<16xi32>], vector<16xf32>,
      %broadcast_in_dim3A_90 = arith.constant 32 : i32
      %broadcast_in_dim3A_91 = vector.broadcast %broadcast_in_dim3A_90 : i32 to vector<16xi32>
      %add3A_92 = arith.addi %broadcast_in_dim3A_91, %iota3A : vector<16xi32>
      %gather3A_93 = tpu.vector_load_idx %arg9[%sub3A_75, %add3A_92] : memref<632x128xf32, #tpu.memory_space<vmem>>[vector<16xi32>, vector<16xi32>], vector<16xf32>,
      %get3A_94 = arith.index_cast %while3A_73 : i32 to index
      %get3A_95 = arith.constant 32 : index
      %get3A_96 = tpu.vector_load %arg8[%get3A_94, %get3A_95] {strides = array<i32>} : memref<320x128xf32, #tpu.memory_space<vmem>>, vector<16xf32>,
      %max3A_97 = arith.maximumf %gather3A_93, %get3A_96 : vector<16xf32>
      tpu.vector_store_idx %arg9[%sub3A_75, %add3A_92], %max3A_97 : memref<632x128xf32, #tpu.memory_space<vmem>>[vector<16xi32>, vector<16xi32>], vector<16xf32>,
      %broadcast_in_dim3A_98 = arith.constant 48 : i32
      %broadcast_in_dim3A_99 = vector.broadcast %broadcast_in_dim3A_98 : i32 to vector<16xi32>
      %add3A_100 = arith.addi %broadcast_in_dim3A_99, %iota3A : vector<16xi32>
      %gather3A_101 = tpu.vector_load_idx %arg9[%sub3A_75, %add3A_100] : memref<632x128xf32, #tpu.memory_space<vmem>>[vector<16xi32>, vector<16xi32>], vector<16xf32>,
      %get3A_102 = arith.index_cast %while3A_73 : i32 to index
      %get3A_103 = arith.constant 48 : index
      %get3A_104 = tpu.vector_load %arg8[%get3A_102, %get3A_103] {strides = array<i32>} : memref<320x128xf32, #tpu.memory_space<vmem>>, vector<16xf32>,
      %max3A_105 = arith.maximumf %gather3A_101, %get3A_104 : vector<16xf32>
      tpu.vector_store_idx %arg9[%sub3A_75, %add3A_100], %max3A_105 : memref<632x128xf32, #tpu.memory_space<vmem>>[vector<16xi32>, vector<16xi32>], vector<16xf32>,
      %broadcast_in_dim3A_106 = arith.constant 64 : i32
      %broadcast_in_dim3A_107 = vector.broadcast %broadcast_in_dim3A_106 : i32 to vector<16xi32>
      %add3A_108 = arith.addi %broadcast_in_dim3A_107, %iota3A : vector<16xi32>
      %gather3A_109 = tpu.vector_load_idx %arg9[%sub3A_75, %add3A_108] : memref<632x128xf32, #tpu.memory_space<vmem>>[vector<16xi32>, vector<16xi32>], vector<16xf32>,
      %get3A_110 = arith.index_cast %while3A_73 : i32 to index
      %get3A_111 = arith.constant 64 : index
      %get3A_112 = tpu.vector_load %arg8[%get3A_110, %get3A_111] {strides = array<i32>} : memref<320x128xf32, #tpu.memory_space<vmem>>, vector<16xf32>,
      %max3A_113 = arith.maximumf %gather3A_109, %get3A_112 : vector<16xf32>
      tpu.vector_store_idx %arg9[%sub3A_75, %add3A_108], %max3A_113 : memref<632x128xf32, #tpu.memory_space<vmem>>[vector<16xi32>, vector<16xi32>], vector<16xf32>,
      %broadcast_in_dim3A_114 = arith.constant 80 : i32
      %broadcast_in_dim3A_115 = vector.broadcast %broadcast_in_dim3A_114 : i32 to vector<16xi32>
      %add3A_116 = arith.addi %broadcast_in_dim3A_115, %iota3A : vector<16xi32>
      %gather3A_117 = tpu.vector_load_idx %arg9[%sub3A_75, %add3A_116] : memref<632x128xf32, #tpu.memory_space<vmem>>[vector<16xi32>, vector<16xi32>], vector<16xf32>,
      %get3A_118 = arith.index_cast %while3A_73 : i32 to index
      %get3A_119 = arith.constant 80 : index
      %get3A_120 = tpu.vector_load %arg8[%get3A_118, %get3A_119] {strides = array<i32>} : memref<320x128xf32, #tpu.memory_space<vmem>>, vector<16xf32>,
      %max3A_121 = arith.maximumf %gather3A_117, %get3A_120 : vector<16xf32>
      tpu.vector_store_idx %arg9[%sub3A_75, %add3A_116], %max3A_121 : memref<632x128xf32, #tpu.memory_space<vmem>>[vector<16xi32>, vector<16xi32>], vector<16xf32>,
      %broadcast_in_dim3A_122 = arith.constant 96 : i32
      %broadcast_in_dim3A_123 = vector.broadcast %broadcast_in_dim3A_122 : i32 to vector<16xi32>
      %add3A_124 = arith.addi %broadcast_in_dim3A_123, %iota3A : vector<16xi32>
      %gather3A_125 = tpu.vector_load_idx %arg9[%sub3A_75, %add3A_124] : memref<632x128xf32, #tpu.memory_space<vmem>>[vector<16xi32>, vector<16xi32>], vector<16xf32>,
      %get3A_126 = arith.index_cast %while3A_73 : i32 to index
      %get3A_127 = arith.constant 96 : index
      %get3A_128 = tpu.vector_load %arg8[%get3A_126, %get3A_127] {strides = array<i32>} : memref<320x128xf32, #tpu.memory_space<vmem>>, vector<16xf32>,
      %max3A_129 = arith.maximumf %gather3A_125, %get3A_128 : vector<16xf32>
      tpu.vector_store_idx %arg9[%sub3A_75, %add3A_124], %max3A_129 : memref<632x128xf32, #tpu.memory_space<vmem>>[vector<16xi32>, vector<16xi32>], vector<16xf32>,
      %broadcast_in_dim3A_130 = arith.constant 112 : i32
      %broadcast_in_dim3A_131 = vector.broadcast %broadcast_in_dim3A_130 : i32 to vector<16xi32>
      %add3A_132 = arith.addi %broadcast_in_dim3A_131, %iota3A : vector<16xi32>
      %gather3A_133 = tpu.vector_load_idx %arg9[%sub3A_75, %add3A_132] : memref<632x128xf32, #tpu.memory_space<vmem>>[vector<16xi32>, vector<16xi32>], vector<16xf32>,
      %get3A_134 = arith.index_cast %while3A_73 : i32 to index
      %get3A_135 = arith.constant 112 : index
      %get3A_136 = tpu.vector_load %arg8[%get3A_134, %get3A_135] {strides = array<i32>} : memref<320x128xf32, #tpu.memory_space<vmem>>, vector<16xf32>,
      %max3A_137 = arith.maximumf %gather3A_133, %get3A_136 : vector<16xf32>
      tpu.vector_store_idx %arg9[%sub3A_75, %add3A_132], %max3A_137 : memref<632x128xf32, #tpu.memory_space<vmem>>[vector<16xi32>, vector<16xi32>], vector<16xf32>,
    }
    "tpu.region"() ({
      %run_scoped3A = tpu.sem_alloc : memref<!tpu.dma_semaphore, #tpu.memory_space<semaphore_mem>>
      %dma_start3A_73 = arith.constant 0 : i32
      %dma_start3A_74 = tpu.memref_slice %arg4[%arg0, %mul3A_0, %dma_start3A_73] : memref<2x10112x128xf32, #tpu.memory_space<hbm>> -> memref<1x632x128xf32, #tpu.memory_space<hbm>>
      %dma_start3A_75 = tpu.memref_squeeze %dma_start3A_74 : memref<1x632x128xf32, #tpu.memory_space<hbm>> -> memref<632x128xf32, #tpu.memory_space<hbm>>
      %dma_start3A_76 = arith.constant 0 : i32
      %dma_start3A_77 = tpu.memref_slice %arg4[%arg0, %mul3A_0, %dma_start3A_76] : memref<2x10112x128xf32, #tpu.memory_space<hbm>> -> memref<1x632x128xf32, #tpu.memory_space<hbm>>
      %dma_start3A_78 = tpu.memref_squeeze %dma_start3A_77 : memref<1x632x128xf32, #tpu.memory_space<hbm>> -> memref<632x128xf32, #tpu.memory_space<hbm>>
      tpu.enqueue_dma source(%arg9 : memref<632x128xf32, #tpu.memory_space<vmem>>) target(%dma_start3A_78 : memref<632x128xf32, #tpu.memory_space<hbm>>) target_semaphore(%run_scoped3A : memref<!tpu.dma_semaphore, #tpu.memory_space<semaphore_mem>>)
      %dma_wait3A_79 = arith.constant 0 : i32
      %dma_wait3A_80 = tpu.memref_slice %arg4[%arg0, %mul3A_0, %dma_wait3A_79] : memref<2x10112x128xf32, #tpu.memory_space<hbm>> -> memref<1x632x128xf32, #tpu.memory_space<hbm>>
      %dma_wait3A_81 = tpu.memref_squeeze %dma_wait3A_80 : memref<1x632x128xf32, #tpu.memory_space<hbm>> -> memref<632x128xf32, #tpu.memory_space<hbm>>
      %dma_wait3A_82 = arith.constant 0 : i32
      %dma_wait3A_83 = tpu.memref_slice %arg4[%arg0, %mul3A_0, %dma_wait3A_82] : memref<2x10112x128xf32, #tpu.memory_space<hbm>> -> memref<1x632x128xf32, #tpu.memory_space<hbm>>
      %dma_wait3A_84 = tpu.memref_squeeze %dma_wait3A_83 : memref<1x632x128xf32, #tpu.memory_space<hbm>> -> memref<632x128xf32, #tpu.memory_space<hbm>>
      tpu.wait_dma2 semaphore(%run_scoped3A : memref<!tpu.dma_semaphore, #tpu.memory_space<semaphore_mem>>) src(%arg9 : memref<632x128xf32, #tpu.memory_space<vmem>>) dst(%dma_wait3A_84 : memref<632x128xf32, #tpu.memory_space<hbm>>)
      tpu.yield
    }) : () -> ()
    return
  }
}

module attributes {stable_mosaic.version = 14 : i64} {
  func.func @_k5_body(%arg0: i32, %arg1: memref<1x632x128xf32, #tpu.memory_space<vmem>>, %arg2: memref<1x632x128xf32, #tpu.memory_space<vmem>>, %arg3: memref<632x128xf32, #tpu.memory_space<vmem>>) attributes {dimension_semantics = [#tpu.dimension_semantics<arbitrary>], iteration_bounds = array<i64: 16>, scalar_prefetch = 0 : i64, scratch_operands = 0 : i64, tpu.core_type = #tpu.core_type<tc>, window_params = [{transform_indices = @transform_0, window_bounds = array<i64: 1, 632, 128>}, {transform_indices = @transform_1, window_bounds = array<i64: 1, 632, 128>}, {transform_indices = @transform_2, window_bounds = array<i64: 632, 128>}]} {
    %get3A = arith.constant 0 : index
    %get3A_0 = arith.constant 0 : index
    %get3A_1 = arith.constant 0 : index
    %get3A_2 = vector.load %arg1[%get3A, %get3A_0, %get3A_1] : memref<1x632x128xf32, #tpu.memory_space<vmem>>, vector<1x632x128xf32>
    %get3A_3 = vector.shape_cast %get3A_2 : vector<1x632x128xf32> to vector<632x128xf32>
    %get3A_4 = arith.constant 0 : index
    %get3A_5 = arith.constant 0 : index
    %get3A_6 = arith.constant 0 : index
    %get3A_7 = vector.load %arg2[%get3A_4, %get3A_5, %get3A_6] : memref<1x632x128xf32, #tpu.memory_space<vmem>>, vector<1x632x128xf32>
    %get3A_8 = vector.shape_cast %get3A_7 : vector<1x632x128xf32> to vector<632x128xf32>
    %max3A = arith.maximumf %get3A_3, %get3A_8 : vector<632x128xf32>
    %swap3A = arith.constant 0 : index
    %swap3A_9 = arith.constant 0 : index
    %swap3A_10 = vector.load %arg3[%swap3A, %swap3A_9] : memref<632x128xf32, #tpu.memory_space<vmem>>, vector<632x128xf32>
    tpu.vector_store %arg3[%swap3A, %swap3A_9], %max3A {strides = array<i32>} : memref<632x128xf32, #tpu.memory_space<vmem>>, vector<632x128xf32>,
    return
  }
  func.func @transform_0(%arg0: i32) -> (i32, i32, i32) {
    %c0_i32 = arith.constant 0 : i32
    %c0_i32_0 = arith.constant 0 : i32
    %c0_i32_1 = arith.constant 0 : i32
    return %c0_i32, %arg0, %c0_i32_0 : i32, i32, i32
  }
  func.func @transform_1(%arg0: i32) -> (i32, i32, i32) {
    %c1_i32 = arith.constant 1 : i32
    %c0_i32 = arith.constant 0 : i32
    %c0_i32_0 = arith.constant 0 : i32
    return %c1_i32, %arg0, %c0_i32 : i32, i32, i32
  }
  func.func @transform_2(%arg0: i32) -> (i32, i32) {
    %c0_i32 = arith.constant 0 : i32
    %c0_i32_0 = arith.constant 0 : i32
    return %arg0, %c0_i32 : i32, i32
  }
}

module attributes {stable_mosaic.version = 14 : i64} {
  func.func @_k1_body(%arg0: i32, %arg1: memref<1000x128xf32, #tpu.memory_space<vmem>>, %arg2: memref<128x128xf32, #tpu.memory_space<vmem>>, %arg3: memref<1x128xf32, #tpu.memory_space<vmem>>, %arg4: memref<256x128xf32, #tpu.memory_space<vmem>>, %arg5: memref<1000x128xf32, #tpu.memory_space<vmem>>, %arg6: memref<1000x128xf32, #tpu.memory_space<vmem>>) attributes {dimension_semantics = [#tpu.dimension_semantics<arbitrary>], iteration_bounds = array<i64: 10>, scalar_prefetch = 0 : i64, scratch_operands = 0 : i64, tpu.core_type = #tpu.core_type<tc>, window_params = [{transform_indices = @transform_0, window_bounds = array<i64: 1000, 128>}, {pipeline_mode = #tpu.pipeline_mode<synchronous>, transform_indices = @transform_1, window_bounds = array<i64: 128, 128>}, {pipeline_mode = #tpu.pipeline_mode<synchronous>, transform_indices = @transform_2, window_bounds = array<i64: 1, 128>}, {pipeline_mode = #tpu.pipeline_mode<synchronous>, transform_indices = @transform_3, window_bounds = array<i64: 256, 128>}, {transform_indices = @transform_4, window_bounds = array<i64: 1000, 128>}, {transform_indices = @transform_5, window_bounds = array<i64: 1000, 128>}]} {
    %get3A = arith.constant 0 : index
    %get3A_0 = arith.constant 0 : index
    %get3A_1 = vector.load %arg1[%get3A, %get3A_0] : memref<1000x128xf32, #tpu.memory_space<vmem>>, vector<1000x128xf32>
    %get3A_2 = arith.constant 0 : index
    %get3A_3 = arith.constant 0 : index
    %get3A_4 = vector.load %arg2[%get3A_2, %get3A_3] : memref<128x128xf32, #tpu.memory_space<vmem>>, vector<128x128xf32>
    %dot_general3A = arith.constant dense<0.000000e+00> : vector<1000x128xf32>
    %dot_general3A_5 = tpu.matmul %get3A_1, %get3A_4, %dot_general3A {dimension_numbers = #tpu.dot_dimension_numbers<[1], [0], [0], [1], [0, 0, 1, 1], [], []>, transpose_lhs_hint = false} : vector<1000x128xf32>, vector<128x128xf32>, vector<1000x128xf32> -> vector<1000x128xf32>
    %get3A_6 = arith.constant 0 : index
    %get3A_7 = arith.constant 0 : index
    %get3A_8 = vector.load %arg3[%get3A_6, %get3A_7] : memref<1x128xf32, #tpu.memory_space<vmem>>, vector<1x128xf32>
    %add3A = vector.broadcast %get3A_8 : vector<1x128xf32> to vector<1000x128xf32>
    %add3A_9 = arith.addf %dot_general3A_5, %add3A : vector<1000x128xf32>
    %get3A_10 = arith.constant 0 : index
    %get3A_11 = arith.constant 0 : index
    %get3A_12 = vector.load %arg4[%get3A_10, %get3A_11] : memref<256x128xf32, #tpu.memory_space<vmem>>, vector<128x128xf32>
    %get3A_13 = arith.constant 128 : index
    %get3A_14 = arith.constant 0 : index
    %get3A_15 = vector.load %arg4[%get3A_13, %get3A_14] : memref<256x128xf32, #tpu.memory_space<vmem>>, vector<128x128xf32>
    %sub3A = arith.subf %get3A_12, %get3A_15 : vector<128x128xf32>
    %get3A_16 = arith.constant 128 : index
    %get3A_17 = arith.constant 0 : index
    %get3A_18 = vector.load %arg4[%get3A_16, %get3A_17] : memref<256x128xf32, #tpu.memory_space<vmem>>, vector<128x128xf32>
    %dot_general3A_19 = arith.constant dense<0.000000e+00> : vector<1000x128xf32>
    %dot_general3A_20 = tpu.matmul %add3A_9, %sub3A, %dot_general3A_19 {dimension_numbers = #tpu.dot_dimension_numbers<[1], [0], [0], [1], [0, 0, 1, 1], [], []>, transpose_lhs_hint = false} : vector<1000x128xf32>, vector<128x128xf32>, vector<1000x128xf32> -> vector<1000x128xf32>
    %swap3A = arith.constant 0 : index
    %swap3A_21 = arith.constant 0 : index
    %swap3A_22 = vector.load %arg5[%swap3A, %swap3A_21] : memref<1000x128xf32, #tpu.memory_space<vmem>>, vector<1000x128xf32>
    tpu.vector_store %arg5[%swap3A, %swap3A_21], %dot_general3A_20 {strides = array<i32>} : memref<1000x128xf32, #tpu.memory_space<vmem>>, vector<1000x128xf32>,
    %dot_general3A_23 = arith.constant dense<0.000000e+00> : vector<1000x128xf32>
    %dot_general3A_24 = tpu.matmul %add3A_9, %get3A_18, %dot_general3A_23 {dimension_numbers = #tpu.dot_dimension_numbers<[1], [0], [0], [1], [0, 0, 1, 1], [], []>, transpose_lhs_hint = false} : vector<1000x128xf32>, vector<128x128xf32>, vector<1000x128xf32> -> vector<1000x128xf32>
    %swap3A_25 = arith.constant 0 : index
    %swap3A_26 = arith.constant 0 : index
    %swap3A_27 = vector.load %arg6[%swap3A_25, %swap3A_26] : memref<1000x128xf32, #tpu.memory_space<vmem>>, vector<1000x128xf32>
    tpu.vector_store %arg6[%swap3A_25, %swap3A_26], %dot_general3A_24 {strides = array<i32>} : memref<1000x128xf32, #tpu.memory_space<vmem>>, vector<1000x128xf32>,
    return
  }
  func.func @transform_0(%arg0: i32) -> (i32, i32) {
    %c0_i32 = arith.constant 0 : i32
    %c0_i32_0 = arith.constant 0 : i32
    return %arg0, %c0_i32 : i32, i32
  }
  func.func @transform_1(%arg0: i32) -> (i32, i32) {
    %c0_i32 = arith.constant 0 : i32
    %c0_i32_0 = arith.constant 0 : i32
    %c0_i32_1 = arith.constant 0 : i32
    return %c0_i32, %c0_i32_0 : i32, i32
  }
  func.func @transform_2(%arg0: i32) -> (i32, i32) {
    %c0_i32 = arith.constant 0 : i32
    %c0_i32_0 = arith.constant 0 : i32
    %c0_i32_1 = arith.constant 0 : i32
    return %c0_i32, %c0_i32_0 : i32, i32
  }
  func.func @transform_3(%arg0: i32) -> (i32, i32) {
    %c0_i32 = arith.constant 0 : i32
    %c0_i32_0 = arith.constant 0 : i32
    %c0_i32_1 = arith.constant 0 : i32
    return %c0_i32, %c0_i32_0 : i32, i32
  }
  func.func @transform_4(%arg0: i32) -> (i32, i32) {
    %c0_i32 = arith.constant 0 : i32
    %c0_i32_0 = arith.constant 0 : i32
    return %arg0, %c0_i32 : i32, i32
  }
  func.func @transform_5(%arg0: i32) -> (i32, i32) {
    %c0_i32 = arith.constant 0 : i32
    %c0_i32_0 = arith.constant 0 : i32
    return %arg0, %c0_i32 : i32, i32
  }
}

module attributes {stable_mosaic.version = 14 : i64} {
  func.func @_k3_body(%arg0: i32, %arg1: memref<2000x128xf32, #tpu.memory_space<vmem>>, %arg2: memref<1x128xf32, #tpu.memory_space<vmem>>, %arg3: memref<128x128xf32, #tpu.memory_space<vmem>>, %arg4: memref<1x128xf32, #tpu.memory_space<vmem>>, %arg5: memref<2000x128xf32, #tpu.memory_space<vmem>>) attributes {dimension_semantics = [#tpu.dimension_semantics<arbitrary>], iteration_bounds = array<i64: 160>, scalar_prefetch = 0 : i64, scratch_operands = 0 : i64, tpu.core_type = #tpu.core_type<tc>, window_params = [{transform_indices = @transform_0, window_bounds = array<i64: 2000, 128>}, {pipeline_mode = #tpu.pipeline_mode<synchronous>, transform_indices = @transform_1, window_bounds = array<i64: 1, 128>}, {pipeline_mode = #tpu.pipeline_mode<synchronous>, transform_indices = @transform_2, window_bounds = array<i64: 128, 128>}, {pipeline_mode = #tpu.pipeline_mode<synchronous>, transform_indices = @transform_3, window_bounds = array<i64: 1, 128>}, {transform_indices = @transform_4, window_bounds = array<i64: 2000, 128>}]} {
    %get3A = arith.constant 0 : index
    %get3A_0 = arith.constant 0 : index
    %get3A_1 = vector.load %arg1[%get3A, %get3A_0] : memref<2000x128xf32, #tpu.memory_space<vmem>>, vector<2000x128xf32>
    %get3A_2 = arith.constant 0 : index
    %get3A_3 = arith.constant 0 : index
    %get3A_4 = vector.load %arg2[%get3A_2, %get3A_3] : memref<1x128xf32, #tpu.memory_space<vmem>>, vector<1x128xf32>
    %add3A = vector.broadcast %get3A_4 : vector<1x128xf32> to vector<2000x128xf32>
    %add3A_5 = arith.addf %get3A_1, %add3A : vector<2000x128xf32>
    %max3A = arith.constant 0.000000e+00 : f32
    %max3A_6 = vector.broadcast %max3A : f32 to vector<2000x128xf32>
    %max3A_7 = arith.maximumf %add3A_5, %max3A_6 : vector<2000x128xf32>
    %get3A_8 = arith.constant 0 : index
    %get3A_9 = arith.constant 0 : index
    %get3A_10 = vector.load %arg3[%get3A_8, %get3A_9] : memref<128x128xf32, #tpu.memory_space<vmem>>, vector<128x128xf32>
    %dot_general3A = arith.constant dense<0.000000e+00> : vector<2000x128xf32>
    %dot_general3A_11 = tpu.matmul %max3A_7, %get3A_10, %dot_general3A {dimension_numbers = #tpu.dot_dimension_numbers<[1], [0], [0], [1], [0, 0, 1, 1], [], []>, transpose_lhs_hint = false} : vector<2000x128xf32>, vector<128x128xf32>, vector<2000x128xf32> -> vector<2000x128xf32>
    %get3A_12 = arith.constant 0 : index
    %get3A_13 = arith.constant 0 : index
    %get3A_14 = vector.load %arg4[%get3A_12, %get3A_13] : memref<1x128xf32, #tpu.memory_space<vmem>>, vector<1x128xf32>
    %add3A_15 = vector.broadcast %get3A_14 : vector<1x128xf32> to vector<2000x128xf32>
    %add3A_16 = arith.addf %dot_general3A_11, %add3A_15 : vector<2000x128xf32>
    %max3A_17 = arith.constant 0.000000e+00 : f32
    %max3A_18 = vector.broadcast %max3A_17 : f32 to vector<2000x128xf32>
    %max3A_19 = arith.maximumf %add3A_16, %max3A_18 : vector<2000x128xf32>
    %swap3A = arith.constant 0 : index
    %swap3A_20 = arith.constant 0 : index
    %swap3A_21 = vector.load %arg5[%swap3A, %swap3A_20] : memref<2000x128xf32, #tpu.memory_space<vmem>>, vector<2000x128xf32>
    tpu.vector_store %arg5[%swap3A, %swap3A_20], %max3A_19 {strides = array<i32>} : memref<2000x128xf32, #tpu.memory_space<vmem>>, vector<2000x128xf32>,
    return
  }
  func.func @transform_0(%arg0: i32) -> (i32, i32) {
    %c0_i32 = arith.constant 0 : i32
    %c0_i32_0 = arith.constant 0 : i32
    return %arg0, %c0_i32 : i32, i32
  }
  func.func @transform_1(%arg0: i32) -> (i32, i32) {
    %c0_i32 = arith.constant 0 : i32
    %c0_i32_0 = arith.constant 0 : i32
    %c0_i32_1 = arith.constant 0 : i32
    return %c0_i32, %c0_i32_0 : i32, i32
  }
  func.func @transform_2(%arg0: i32) -> (i32, i32) {
    %c0_i32 = arith.constant 0 : i32
    %c0_i32_0 = arith.constant 0 : i32
    %c0_i32_1 = arith.constant 0 : i32
    return %c0_i32, %c0_i32_0 : i32, i32
  }
  func.func @transform_3(%arg0: i32) -> (i32, i32) {
    %c0_i32 = arith.constant 0 : i32
    %c0_i32_0 = arith.constant 0 : i32
    %c0_i32_1 = arith.constant 0 : i32
    return %c0_i32, %c0_i32_0 : i32, i32
  }
  func.func @transform_4(%arg0: i32) -> (i32, i32) {
    %c0_i32 = arith.constant 0 : i32
    %c0_i32_0 = arith.constant 0 : i32
    return %arg0, %c0_i32 : i32, i32
  }
}

</mosaic_0001>

<sc_bundles>
// kernel: kernel.10.cloned.1.call-start
scs
__scs_entry_jumppad:
0x0: {  	(pc) =	sbr.rel $0x88, $3  }
0x1: {  	(tag) =	ssettag $0x0;
	lr =	simm.s32 $0x1  }
0x2: {  	[smem:$0x3F99] =	sst lr;
	_ =	strace $0xD0000000  }
0x3: {  	_ = 	snop  }
0x4: {  	_ = 	snop  }
0x5: {  	_ = 	snop  }
0x6: {  	_ = 	snop  }
0x7: {  	_ = 	snop  }
__scs_overlays_trampoline_lowered:
0x8: {  	[smem:$0x3FA8] =	sst s0  }
0x9: {  	[smem:$0x3FA9] =	sst s1  }
0xa: {  	[smem:$0x3FAA] =	sst s2  }
0xb: {  	[smem:$0x3FAB] =	sst s3  }
0xc: {  	[smem:$0x3FAC] =	sst s4  }
0xd: {  	[smem:$0x3FAD] =	sst s5  }
0xe: {  	[smem:$0x3FAE] =	sst s6  }
0xf: {  	[smem:$0x3FAF] =	sst s7  }
0x10: {  	[smem:$0x3FB0] =	sst s8  }
0x11: {  	[smem:$0x3FB1] =	sst s9;
	s0 =	simm.s32 @!p0 $0x0  }
0x12: {  	s1 =	sld [smem:$0x3F97];
	s0 =	simm.s32 @p0 $0x1  }
0x13: {  	[smem:$0x3FB2] =	sst s0;
	s0 =	simm.s32 @!p1 $0x0  }
0x14: {  	s2 =	sld [smem:$0x3F96];
	s0 =	simm.s32 @p1 $0x1  }
0x15: {  	[smem:$0x3FB3] =	sst s0;
	s0 =	simm.s32 @!p2 $0x0  }
0x16: {  	s3 =	sld [smem:$0x3FDB];
	s0 =	simm.s32 @p2 $0x1  }
0x17: {  	s4 =	simm.s32 $0x1BF5;
	[smem:$0x3FB5] =	sst s0  }
0x18: {  	s0 =	sld [smem:$0x3F98];
	_ =	swait.ge [sflag:s4], $0x0  }
0x19: {  	s7 =	sld [smem:$0x3F99]  }
0x1a: {  	s8 =	sadd.s32 $0xFFFFE003, lr  }
0x1b: {  	s9 =	sadd.s32 $0xFFFFFEF7, lr;
	s5 =	simm.s32 $0xFFFFFFFF;
	p2 =	slt.u32 s8, $0xFFFFF086  }
0x1c: {  	p1 =	slt.u32 s9, $0xF7A;
	s5 =	simm.s32 @!p2 $0x0  }
0x1d: {  	s5 =	simm.s32 @p1 $0x1;
	p0 =	seq.s32 s7, s2  }
0x1e: {  	s7 =	smul.u32 @!p0 $0xF7A, s2;
	p2 =	seq.s32 @!p0 s5, $0x0  }
0x1f: {  	s9 =	smul.u32 $0xF7A, s1;
	s8 =	simm.s32 @!p0 $0x1BF5;
	p2 =	por !p2, p0  }
0x20: {  	[sflag:s8] =	ssyncset.s32 @!p0 $0xFFFFF086;
	s6 =	sadd.s32 @!p0 s3, s7;
	s7 =	simm.s32 @!p0 $0x108  }
0x21: {  	s3 =	sadd.s32 s3, s9;
	s6 =	sadd.s32 @!p0 $0x88, s6;
	s7 =	simm.s32 @p2 $0x1082  }
0x22: {  	[simem:s7], [sflag:s8] =	dma.local @!p0 [hbm:s6], $0xF7A  }
0x23: {  	s9 =	sor.u32 $0xD0000000, s2;
	s6 =	simm.s32 $0x108;
	_ =	swait.ge @!p0 [sflag:s8], $0x0  }
0x24: {  	s3 =	sadd.s32 $0x88, s3;
	s6 =	simm.s32 @!p1 $0x1082;
	[sflag:s4] =	ssyncset.s32 $0xFFFFF086  }
0x25: {  	[simem:s6], [sflag:s4] =	dma.local [hbm:s3], $0xF7A  }
0x26: {  	[smem:$0x3F99] =	sst s1;
	(tag) =	ssettag s2;
	_ =	strace s9  }
0x27: {  	s1 =	sld [smem:$0x3FA9]  }
0x28: {  	s2 =	sld [smem:$0x3FAA]  }
0x29: {  	s4 =	sld [smem:$0x3FAC]  }
0x2a: {  	p0 =	seq.s32 s5, $0x0;
	s5 =	sld [smem:$0x3FAD]  }
0x2b: {  	s6 =	sld [smem:$0x3FAE]  }
0x2c: {  	s7 =	sld [smem:$0x3FAF]  }
0x2d: {  	s3 =	simm.s32 $0x108;
	s8 =	sld [smem:$0x3FB0]  }
0x2e: {  	s3 =	simm.s32 @!p0 $0x1082;
	s9 =	sld [smem:$0x3FB1]  }
0x2f: {  	lr =	sadd.s32 s0, s3;
	s0 =	sld [smem:$0x3FA8]  }
0x30: {  	s3 =	sld [smem:$0x3FAB]  }
0x31: {  	[smem:$0x3FB4] =	sst s10  }
0x32: {  	s10 =	sld [smem:$0x3FB2];
	_ =	sdelay $0x3  }
0x33: {  	p0 =	seq.s32 s10, $0x1;
	s10 =	sld [smem:$0x3FB4];
	_ =	sdelay $0x3  }
0x34: {  	[smem:$0x3FB4] =	sst s10  }
0x35: {  	s10 =	sld [smem:$0x3FB3];
	_ =	sdelay $0x3  }
0x36: {  	p1 =	seq.s32 s10, $0x1;
	s10 =	sld [smem:$0x3FB4];
	_ =	sdelay $0x3  }
0x37: {  	[smem:$0x3FB4] =	sst s10  }
0x38: {  	s10 =	sld [smem:$0x3FB5]  }
0x39: {  	_ = 	snop;
	(pc) =	sbr.ind lr, $3  }
0x3a: {  	_ = 	snop  }
0x3b: {  	_ = 	snop  }
0x3c: {  	p2 =	seq.s32 s10, $0x1;
	s10 =	sld [smem:$0x3FB4]  }
0x3d: {  	_ =	shalt  }
0x3e: {  	_ =	shalt  }
0x3f: {  	_ =	shalt  }
0x40: {  	_ =	shalt  }
0x41: {  	_ =	shalt  }
0x42: {  	_ =	shalt  }
0x43: {  	_ =	shalt  }
0x44: {  	_ =	shalt  }
0x45: {  	_ =	shalt  }
0x46: {  	_ =	shalt  }
0x47: {  	_ =	shalt  }
0x48: {  	_ =	shalt  }
0x49: {  	_ =	shalt  }
0x4a: {  	_ =	shalt  }
0x4b: {  	_ =	shalt  }
0x4c: {  	_ =	shalt  }
0x4d: {  	_ =	shalt  }
0x4e: {  	_ =	shalt  }
0x4f: {  	_ =	shalt  }
0x50: {  	_ =	shalt  }
0x51: {  	_ =	shalt  }
0x52: {  	_ =	shalt  }
0x53: {  	_ =	shalt  }
0x54: {  	_ =	shalt  }
0x55: {  	_ =	shalt  }
0x56: {  	_ =	shalt  }
0x57: {  	_ =	shalt  }
0x58: {  	_ =	shalt  }
0x59: {  	_ =	shalt  }
0x5a: {  	_ =	shalt  }
0x5b: {  	_ =	shalt  }
0x5c: {  	_ =	shalt  }
0x5d: {  	_ =	shalt  }
0x5e: {  	_ =	shalt  }
0x5f: {  	_ =	shalt  }
0x60: {  	_ =	shalt  }
0x61: {  	_ =	shalt  }
0x62: {  	_ =	shalt  }
0x63: {  	_ =	shalt  }
0x64: {  	_ =	shalt  }
0x65: {  	_ =	shalt  }
0x66: {  	_ =	shalt  }
0x67: {  	_ =	shalt  }
0x68: {  	_ =	shalt  }
0x69: {  	_ =	shalt  }
0x6a: {  	_ =	shalt  }
0x6b: {  	_ =	shalt  }
0x6c: {  	_ =	shalt  }
0x6d: {  	_ =	shalt  }
0x6e: {  	_ =	shalt  }
0x6f: {  	_ =	shalt  }
0x70: {  	_ =	shalt  }
0x71: {  	_ =	shalt  }
0x72: {  	_ =	shalt  }
0x73: {  	_ =	shalt  }
0x74: {  	_ =	shalt  }
0x75: {  	_ =	shalt  }
0x76: {  	_ =	shalt  }
0x77: {  	_ =	shalt  }
0x78: {  	_ =	shalt  }
0x79: {  	_ =	shalt  }
0x7a: {  	_ =	shalt  }
0x7b: {  	_ =	shalt  }
0x7c: {  	_ =	shalt  }
0x7d: {  	_ =	shalt  }
0x7e: {  	_ =	shalt  }
0x7f: {  	_ =	shalt  }
0x80: {  	_ =	shalt  }
0x81: {  	_ =	shalt  }
0x82: {  	_ =	shalt  }
0x83: {  	_ =	shalt  }
0x84: {  	_ =	shalt  }
0x85: {  	_ =	shalt  }
0x86: {  	_ =	shalt  }
0x87: {  	_ =	shalt  }
.Lfunc_end0:
.L_simem_size_0:
called_computation.1_lowered:
.L_overlay_start_0:
0x88: {  	s2 =	sld [smem:$0x3FD9]  }
0x89: {  	s3 =	sld [smem:$0x3FFE];
	_ =	sdelay $0x1  }
0x8a: {  	s1 =	srdreg.scid  }
0x8b: {  	s0 =	sand.u32 $0x1, s1  }
0x8c: {  	s16 =	sshll.u32 s0, $0xA;
	s2 =	sadd.s32 s3, s2  }
0x8d: {  	s2 =	sadd.s32 s2, s16  }
0x8e: {  	[smem:$0x3FC0] =	sst s2  }
0x8f: {  	_ = 	snop  }
0x90: {  	(tm) =	ssettm $0x1  }
0x91: {  	s17 =	sld [smem:$0x3FFB];
	_ =	sdelay $0x3  }
0x92: {  	_ =	strace s17  }
0x93: {  	s2 =	sld [smem:$0x3FFC];
	_ =	sdelay $0x3  }
0x94: {  	_ =	strace s2  }
0x95: {  	s2 =	sld [smem:$0x3FFD];
	_ =	sdelay $0x3  }
0x96: {  	_ =	strace s2  }
0x97: {  	_ =	strace $0x8FFFFFFF  }
0x98: {  	s18 =	sld [smem:$0x3FDB];
	_ =	sdelay $0x1  }
0x99: {  	s19 =	simm.s32 $_scs_section_size  }
0x9a: {  	s4 =	simm.s32 $_size__tile_overlayer_lowered;
	s5 =	simm.s32 $_tile_overlayer_lowered  }
0x9b: {  	s22 =	simm.s32 $0x1BFF;
	s21 =	sshll.u32 s5, $0x1;
	s2 =	sadd.s32 s19, s18  }
0x9c: {  	s6 =	simm.s32 $0x0;
	s20 =	sshll.u32 s4, $0x1;
	s4 =	sadd.s32 s21, s2  }
0x9d: {  	[timem:s6], [sflag:s22] =	dma.local [hbm:s4], s20  }
0x9e: {  	_ =	swait.ge [sflag:s22], s20  }
0x9f: {  	s3 =	ssub.s32 $0x0, s20;
	[sflag:s22] =	ssyncset.done $0x0  }
0xa0: {  	[sflag:s22] =	ssyncadd.s32 s3;
	_ =	sdelay $0x1  }
0xa1: {  	s23 =	simm.s32 $0x1B8B  }
0xa2: {  	_ =	swait.ge [sflag:s23], $0x1  }
0xa3: {  	[sflag:s23] =	ssyncset.done $0x0  }
0xa4: {  	s25 =	simm.s32 $0x1B8E;
	s24 =	sld [smem:$0x3FFE];
	[sflag:s23] =	ssyncadd.s32 $0xFFFFFFFF  }
0xa5: {  	s26 =	simm.s32 $execute0_lowered;
	[smem:$0x3FD2] =	sst s25  }
0xa6: {  	s4 =	sshll.u32 s26, $0x1;
	_ =	strace $0x80000049;
	[dreg:$0x1] =	wrdreg $0xFFFFFFFF  }
0xa7: {  	s28 =	simm.s32 $_size_execute0_lowered;
	s2 =	sadd.s32 s2, s4;
	[dreg:$0x0] =	wrdreg $0x0  }
0xa8: {  	s4 =	sshll.u32 s28, $0x1;
	[dreg:$0x2] =	wrdreg s2  }
0xa9: {  	[dreg:$0x3] =	wrdreg s4  }
0xaa: {  	[dreg:$0x4] =	wrdreg $0xC0  }
0xab: {  	_ =	task [dreg:s6], $0x5FFFF  }
0xac: {  	[dreg:$0x1] =	wrdreg $0xFFFFFFFF  }
0xad: {  	[dreg:$0x0] =	wrdreg $0x60  }
0xae: {  	[dreg:$0x2] =	wrdreg s24  }
0xaf: {  	[dreg:$0x3] =	wrdreg $0x9  }
0xb0: {  	_ =	task.clear_ibuf [dreg:s6], $0x4FFFF;
	_ =	strace $0x90000049  }
0xb1: {  	s29 =	simm.s32 $0x9;
	_ =	strace $0x8000004B  }
0xb2: {  	_ =	swait.ge [sflag:s29], $0x1  }
0xb3: {  	[sflag:s29] =	ssyncadd.s32 $0xFFFFFFFF  }
0xb4: {  	_ =	strace $0x9000004B  }
0xb5: {  	_ =	sfence  }
0xb6: {  	s30 =	sld [smem:$0x0];
	_ =	sdelay $0x2  }
0xb7: {  	s31 =	sshll.u32 s1, $0xD;
	s1 =	sshrl.u32 s1, $0x2  }
0xb8: {  	s3 =	sand.u32 $0x4000, s31;
	s1 =	sadd.s32 s1, s30  }
0xb9: {  	s0 =	sor.u32 s3, s0;
	s1 =	sshll.u32 s1, $0x11  }
0xba: {  	s0 =	sor.u32 s1, s0  }
0xbb: {  	s0 =	sadd.s32 $0x8F2B, s0  }
0xbc: {  	[sflag:s0] =	ssyncadd.remote.s32 $0x1  }
0xbd: {  	_ =	sfence.sel $0xFFFF  }
0xbe: {  	[dreg:$0x0] =	wrdreg $0xFFFFFFFF;
	(pc) =	sbr.abs _section_cstart, $3  }
0xbf: {  	[dreg:$0x1] =	wrdreg $0xFFFFFFFF  }
0xc0: {  	_ =	task.clear_ibuf [dreg:s6], $0x2FFFF;
	_ =	strace $0x9FFFFFFF  }
0xc1: {  	(tm) =	ssettm $0x7FFFFFFF  }
tec
execute0_lowered:
.L_overlay_start_1:
0x0: {  	(tag) =	ssettag $0x1  }
0x1: {  	s5 =	rddreg [dreg:$0x0];
	s1 =	srdreg.scid  }
0x2: {  	s0 =	rddreg [dreg:$0x1];
	s2 =	simm.s32 $0x0;
	s11 =	simm.s32 $0xA0  }
0x3: {  	s12 =	simm.s32 $0xB00;
	s13 =	simm.s32 $0x8A0;
	s14 =	simm.s32 $0x5B00  }
0x4: {  	s15 =	simm.s32 $0x1;
	s16 =	simm.s32 $0xAB00;
	s6 =	sand.u32 $0x1, s1  }
0x5: {  	s17 =	simm.s32 $0x2;
	s1 =	stileid.u32;
	s4 =	smul.u32 $0x13C000, s6  }
0x6: {  	s18 =	simm.s32 $0x0;
	[smem:$0x7FF] =	sst s2;
	s7 =	smul.u32 $0x13C00, s1  }
0x7: {  	s3 =	sadd.s32 $0xB400, s5;
	s30 =	ssub.s32 $0x2, s6;
	s10 =	smul.u32 $0x278, s1  }
.Ltmp0:
0x8: {  	_ =	strace $0x8000004A;
	s9 =	sshrl.u32 s30, $0x1;
	(pc) =	sbr.rel .LBB2_1-.Ltmp0, $4  }
0x9: {  	v2 =	vlaneseq.u32;
	v3 =	vimm.f32 $0.0e+00;
	v4 =	vimm.s32 $0x0;
	s4 =	sadd.s32 s7, s4;
	s7 =	ssub.s32 s30, s9;
	s31 =	sadd.s32 $0x278, s10  }
0xa: {  	v5 =	vor.u32 $0x10, v2;
	v6 =	vor.u32 $0x20, v2;
	v0 =	vmov s10;
	s9 =	simm.s32 $0x800;
	s10 =	simm.s32 $0x980;
	s8 =	sshrl.u32 s4, $0x3  }
0xb: {  	v7 =	vor.u32 $0x30, v2;
	v8 =	vor.u32 $0x40, v2;
	v9 =	vor.u32 $0x50, v2;
	s4 =	sadd.s32 $0x51E400, s5;
	s7 =	smax.u32 s7, $0x1;
	s8 =	sadd.s32 s8, s5  }
0xc: {  	v10 =	vor.u32 $0x60, v2;
	v11 =	vor.u32 $0x70, v2;
	v1 =	vmov s31;
	s5 =	smul.u32 $0x27100, s6;
	s6 =	sadd.s32 $0x15200, s8;
	s8 =	simm.s32 $0x3  }
.LBB2_61:
0xd: {  	s20 =	simm.s32 $0x5B00  }
.LBB2_65:
0xe: {  	_ =	sdelay $0x3  }
0xf: {  	[tilespmem:v12+s16+$0x0] =	vst.idx.msk @p0 $0xffff, v14  }
0x10: {  	v12 =	vld.idx.msk [tilespmem:v13+s10+$0x0], $0xffff;
	_ =	sdelay $0x4  }
0x11: {  	v12 =	vsub.s32 v12, v0  }
0x12: {  	v12 =	vshll.u32 v12, $0x7  }
0x13: {  	v52 =	vor.u32 v2, v12;
	_ =	sdelay $0x1  }
0x14: {  	s20 =	sadd.s32 @p0 $0x80, s20  }
0x15: {  	s19 =	smov.u32 @p0 s20  }
0x16: {  	v15 =	vld [tilespmem:s19+$0x0]  }
0x17: {  	v14 =	vld.idx.msk [tilespmem:v52+s16+$0x0], $0xffff;
	_ =	sdelay $0x1  }
0x18: {  	v16 =	vor.u32 v5, v12;
	_ =	sdelay $0x2  }
0x19: {  	v14 =	vmax.f32 v14, v15  }
0x1a: {  	[tilespmem:v52+s16+$0x0] =	vst.idx.msk $0xffff, v14  }
0x1b: {  	v13 =	vld.idx.msk [tilespmem:v16+s16+$0x0], $0xffff  }
0x1c: {  	v14 =	vld [tilespmem:s19+$0x10];
	_ =	sdelay $0x1  }
0x1d: {  	v53 =	vor.u32 v6, v12;
	_ =	sdelay $0x2  }
0x1e: {  	v13 =	vmax.f32 v13, v14  }
0x1f: {  	[tilespmem:v16+s16+$0x0] =	vst.idx.msk $0xffff, v13  }
0x20: {  	v13 =	vld.idx.msk [tilespmem:v53+s16+$0x0], $0xffff  }
0x21: {  	v54 =	vld [tilespmem:s19+$0x20];
	_ =	sdelay $0x1  }
0x22: {  	v55 =	vor.u32 v7, v12;
	_ =	sdelay $0x2  }
0x23: {  	v13 =	vmax.f32 v13, v54  }
0x24: {  	[tilespmem:v53+s16+$0x0] =	vst.idx.msk $0xffff, v13  }
0x25: {  	v13 =	vld.idx.msk [tilespmem:v55+s16+$0x0], $0xffff  }
0x26: {  	v56 =	vld [tilespmem:s19+$0x30];
	_ =	sdelay $0x1  }
0x27: {  	v57 =	vor.u32 v8, v12;
	_ =	sdelay $0x2  }
0x28: {  	v13 =	vmax.f32 v13, v56  }
0x29: {  	[tilespmem:v55+s16+$0x0] =	vst.idx.msk $0xffff, v13  }
0x2a: {  	v13 =	vld.idx.msk [tilespmem:v57+s16+$0x0], $0xffff  }
0x2b: {  	v58 =	vld [tilespmem:s19+$0x40];
	_ =	sdelay $0x1  }
0x2c: {  	v59 =	vor.u32 v9, v12;
	_ =	sdelay $0x2  }
0x2d: {  	v13 =	vmax.f32 v13, v58  }
0x2e: {  	[tilespmem:v57+s16+$0x0] =	vst.idx.msk $0xffff, v13  }
0x2f: {  	v13 =	vld.idx.msk [tilespmem:v59+s16+$0x0], $0xffff  }
0x30: {  	v60 =	vld [tilespmem:s19+$0x50];
	_ =	sdelay $0x1  }
0x31: {  	v61 =	vor.u32 v10, v12;
	_ =	sdelay $0x2  }
0x32: {  	v13 =	vmax.f32 v13, v60  }
0x33: {  	[tilespmem:v59+s16+$0x0] =	vst.idx.msk $0xffff, v13  }
0x34: {  	v13 =	vld.idx.msk [tilespmem:v61+s16+$0x0], $0xffff  }
0x35: {  	v62 =	vld [tilespmem:s19+$0x60];
	_ =	sdelay $0x1  }
0x36: {  	v12 =	vor.u32 v11, v12;
	_ =	sdelay $0x2  }
0x37: {  	v13 =	vmax.f32 v13, v62  }
0x38: {  	[tilespmem:v61+s16+$0x0] =	vst.idx.msk $0xffff, v13  }
0x39: {  	v13 =	vld.idx.msk [tilespmem:v12+s16+$0x0], $0xffff  }
0x3a: {  	v63 =	vld [tilespmem:s19+$0x70];
	_ =	sdelay $0x4  }
0x3b: {  	v13 =	vmax.f32 v13, v63  }
0x3c: {  	[tilespmem:v12+s16+$0x0] =	vst.idx.msk $0xffff, v13  }
.LBB2_66:
0x3d: {  	s18 =	sadd.s32 $0x1, s18  }
0x3e: {  	p0 =	sne.s32 s18, s7  }
.Ltmp1:
0x3f: {  	_ = 	snop;
	(pc) =	sbr.rel @!p0 .LBB2_67-.Ltmp1, $4  }
0x40: {  	[hbm4b:s6+s2] =	stream.linear.scatter [tilespmem:s16], [sflag:$0x3], $0x13C00, $0x38;
	[tilespmem:$0x1E700] =	vst v63  }
0x41: {  	_ =	swait.ge [sflag:s8], $0x13C00  }
0x42: {  	[sflag:s8] =	ssyncset.done $0x0  }
0x43: {  	[sflag:s8] =	ssyncadd.s32 $0xFFFEC400  }
.LBB2_1:
0x44: {  	s19 =	simm.s32 $0x0;
	s20 =	simm.s32 $0x200  }
.LBB2_2:
0x45: {  	p0 =	sne.s32 s20, $0x4EE00;
	[tilespmem:s19+$0xAB70] =	vst v3  }
0x46: {  	[tilespmem:s19+$0xAB00] =	vst v3  }
0x47: {  	[tilespmem:s19+$0xAB10] =	vst v3  }
.Ltmp2:
0x48: {  	[tilespmem:s19+$0xAB20] =	vst v3;
	(pc) =	sbr.rel @p0 .LBB2_2-.Ltmp2, $4  }
0x49: {  	[tilespmem:s19+$0xAB30] =	vst v3  }
0x4a: {  	[tilespmem:s19+$0xAB40] =	vst v3  }
0x4b: {  	[tilespmem:s19+$0xAB50] =	vst v3  }
0x4c: {  	[tilespmem:s19+$0xAB60] =	vst v3;
	s19 =	sshra.s32 s20, $0x2;
	s20 =	sadd.s32 $0x200, s20  }
0x4d: {  	[tilespmem:s19+$0xAB70] =	vst v3  }
0x4e: {  	[tilespmem:s19+$0xAB00] =	vst v3  }
0x4f: {  	[tilespmem:s19+$0xAB10] =	vst v3  }
0x50: {  	[tilespmem:s19+$0xAB20] =	vst v3  }
0x51: {  	[tilespmem:s19+$0xAB30] =	vst v3  }
0x52: {  	[tilespmem:s19+$0xAB40] =	vst v3  }
0x53: {  	[tilespmem:s19+$0xAB50] =	vst v3  }
0x54: {  	[tilespmem:s19+$0xAB60] =	vst v3  }
0x55: {  	[tilespmem:$0x800] =	vst v4  }
0x56: {  	[tilespmem:$0x810] =	vst v4  }
0x57: {  	[tilespmem:$0x820] =	vst v4  }
0x58: {  	[tilespmem:$0x830] =	vst v4  }
0x59: {  	[tilespmem:$0x840] =	vst v4  }
0x5a: {  	[tilespmem:$0x850] =	vst v4  }
0x5b: {  	[tilespmem:$0x860] =	vst v4  }
0x5c: {  	[tilespmem:$0x870] =	vst v4  }
0x5d: {  	[tilespmem:$0x880] =	vst v4  }
0x5e: {  	[tilespmem:$0x890] =	vst v4  }
0x5f: {  	[tilespmem:$0x8A0] =	vst v4  }
0x60: {  	[tilespmem:$0x8B0] =	vst v4  }
0x61: {  	[tilespmem:$0x8C0] =	vst v4  }
0x62: {  	[tilespmem:$0x8D0] =	vst v4  }
0x63: {  	[tilespmem:$0x8E0] =	vst v4  }
.Ltmp3:
0x64: {  	[tilespmem:$0x8F0] =	vst v4;
	(pc) =	sbr.rel .LBB2_4-.Ltmp3, $4  }
0x65: {  	[tilespmem:$0x900] =	vst v4  }
0x66: {  	[tilespmem:$0x910] =	vst v4  }
0x67: {  	[tilespmem:$0x920] =	vst v4  }
0x68: {  	s19 =	simm.s32 $0x0;
	s24 =	simm.s32 $0x0;
	s20 =	simm.s32 $0x0;
	[tilespmem:$0x930] =	vst v4  }
.LBB2_51:
0x69: {  	s20 =	sadd.s32 $0x1, s20  }
0x6a: {  	p0 =	sne.s32 s20, $0x50  }
.Ltmp4:
0x6b: {  	_ = 	snop;
	(pc) =	sbr.rel @!p0 .LBB2_52-.Ltmp4, $1  }
0x6c: {  	_ =	sdelay $0x3  }
.LBB2_4:
0x6d: {  	s21 =	smul.u32 $0x7D0, s20;
	_ =	sdelay $0x1  }
0x6e: {  	s21 =	sadd.s32 s5, s21  }
0x6f: {  	s22 =	sshrl.u32 s21, $0x3  }
.Ltmp5:
0x70: {  	s22 =	sadd.s32 s3, s22;
	(pc) =	sbr.rel .LBB2_5-.Ltmp5, $4  }
0x71: {  	[tilespmem:s19], [sflag:$0x3] =	stream.linear.gather [hbm4b:s22+s19], $0x7D0, $0x38;
	[tilespmem:$0x1E700] =	vst v63  }
0x72: {  	_ =	swait.ge [sflag:s8], $0x7D0  }
0x73: {  	[sflag:s8] =	ssyncset.done $0x0  }
0x74: {  	s22 =	simm.s32 $0x0;
	[sflag:s8] =	ssyncadd.s32 $0xFFFFF830  }
.LBB2_45:
0x75: {  	s25 =	simm.s32 $0x5B00  }
.LBB2_49:
0x76: {  	_ =	sdelay $0x3  }
0x77: {  	[tilespmem:v12+s16+$0x0] =	vst.idx.msk @p0 $0xffff, v14  }
0x78: {  	v12 =	vld.idx.msk [tilespmem:v13+s10+$0x0], $0xffff;
	_ =	sdelay $0x4  }
0x79: {  	v12 =	vsub.s32 v12, v0  }
0x7a: {  	v12 =	vshll.u32 v12, $0x7  }
0x7b: {  	v52 =	vor.u32 v2, v12;
	_ =	sdelay $0x1  }
0x7c: {  	s25 =	sadd.s32 @p0 $0x80, s25  }
0x7d: {  	s23 =	smov.u32 @p0 s25  }
0x7e: {  	v15 =	vld [tilespmem:s23+$0x0]  }
0x7f: {  	v14 =	vld.idx.msk [tilespmem:v52+s16+$0x0], $0xffff;
	_ =	sdelay $0x1  }
0x80: {  	v16 =	vor.u32 v5, v12;
	_ =	sdelay $0x2  }
0x81: {  	v14 =	vmax.f32 v14, v15  }
0x82: {  	[tilespmem:v52+s16+$0x0] =	vst.idx.msk $0xffff, v14  }
0x83: {  	v13 =	vld.idx.msk [tilespmem:v16+s16+$0x0], $0xffff  }
0x84: {  	v14 =	vld [tilespmem:s23+$0x10];
	_ =	sdelay $0x1  }
0x85: {  	v53 =	vor.u32 v6, v12;
	_ =	sdelay $0x2  }
0x86: {  	v13 =	vmax.f32 v13, v14  }
0x87: {  	[tilespmem:v16+s16+$0x0] =	vst.idx.msk $0xffff, v13  }
0x88: {  	v13 =	vld.idx.msk [tilespmem:v53+s16+$0x0], $0xffff  }
0x89: {  	v54 =	vld [tilespmem:s23+$0x20];
	_ =	sdelay $0x1  }
0x8a: {  	v55 =	vor.u32 v7, v12;
	_ =	sdelay $0x2  }
0x8b: {  	v13 =	vmax.f32 v13, v54  }
0x8c: {  	[tilespmem:v53+s16+$0x0] =	vst.idx.msk $0xffff, v13  }
0x8d: {  	v13 =	vld.idx.msk [tilespmem:v55+s16+$0x0], $0xffff  }
0x8e: {  	v56 =	vld [tilespmem:s23+$0x30];
	_ =	sdelay $0x1  }
0x8f: {  	v57 =	vor.u32 v8, v12;
	_ =	sdelay $0x2  }
0x90: {  	v13 =	vmax.f32 v13, v56  }
0x91: {  	[tilespmem:v55+s16+$0x0] =	vst.idx.msk $0xffff, v13  }
0x92: {  	v13 =	vld.idx.msk [tilespmem:v57+s16+$0x0], $0xffff  }
0x93: {  	v58 =	vld [tilespmem:s23+$0x40];
	_ =	sdelay $0x1  }
0x94: {  	v59 =	vor.u32 v9, v12;
	_ =	sdelay $0x2  }
0x95: {  	v13 =	vmax.f32 v13, v58  }
0x96: {  	[tilespmem:v57+s16+$0x0] =	vst.idx.msk $0xffff, v13  }
0x97: {  	v13 =	vld.idx.msk [tilespmem:v59+s16+$0x0], $0xffff  }
0x98: {  	v60 =	vld [tilespmem:s23+$0x50];
	_ =	sdelay $0x1  }
0x99: {  	v61 =	vor.u32 v10, v12;
	_ =	sdelay $0x2  }
0x9a: {  	v13 =	vmax.f32 v13, v60  }
0x9b: {  	[tilespmem:v59+s16+$0x0] =	vst.idx.msk $0xffff, v13  }
0x9c: {  	v13 =	vld.idx.msk [tilespmem:v61+s16+$0x0], $0xffff  }
0x9d: {  	v62 =	vld [tilespmem:s23+$0x60];
	_ =	sdelay $0x1  }
0x9e: {  	v12 =	vor.u32 v11, v12;
	_ =	sdelay $0x2  }
0x9f: {  	v13 =	vmax.f32 v13, v62  }
0xa0: {  	[tilespmem:v61+s16+$0x0] =	vst.idx.msk $0xffff, v13  }
0xa1: {  	v13 =	vld.idx.msk [tilespmem:v12+s16+$0x0], $0xffff  }
0xa2: {  	v63 =	vld [tilespmem:s23+$0x70];
	_ =	sdelay $0x4  }
0xa3: {  	v13 =	vmax.f32 v13, v63  }
0xa4: {  	[tilespmem:v12+s16+$0x0] =	vst.idx.msk $0xffff, v13  }
.LBB2_50:
0xa5: {  	p1 =	slt.u32 s22, $0x78  }
.Ltmp6:
0xa6: {  	_ = 	snop;
	(pc) =	sbr.rel @!p1 .LBB2_51-.Ltmp6, $3  }
0xa7: {  	_ =	sdelay $0x1  }
0xa8: {  	p0 =	sgt.s32 s24, $0x12F;
	s23 =	sadd.s32 $0x5, s22  }
0xa9: {  	s24 =	simm.s32 @p0 $0x0;
	s22 =	smov.u32 s23  }
.LBB2_5:
0xaa: {  	s23 =	sshll.u32 s22, $0x4  }
0xab: {  	v12 =	vld [tilespmem:s23+$0x0];
	_ =	sdelay $0x4  }
0xac: {  	vm0 =	vge.s32 v12, v0;
	vm1 =	vlt.s32 v12, v1  }
0xad: {  	vm0 =	vmand vm0, vm1  }
0xae: {  	v13 =	vmpcnt.ones.xlane vm0;
	_ =	sdelay $0x1  }
0xaf: {  	(v2sf) =	vpush v13, $0x0;
	_ =	sdelay $0x7  }
0xb0: {  	v61 =	vsel vm0, $0x1, v4  }
0xb1: {  	(xrf0) =	vadd.scan.msk.s32 $0xffff, v61;
	_ =	sdelay $0x2  }
0xb2: {  	v62 =	vmov s24  }
0xb3: {  	v13 =	vadd.s32 $0xFFFFFFFF, v62  }
0xb4: {  	v13 =	vbroadcast v13, $0x0  }
0xb5: {  	v14, _, _ =	vpop (xrf0);
	s26 =	spop (v2sf)  }
0xb6: {  	v13 =	vadd.s32 v13, v14;
	s24 =	sadd.s32 s24, s26  }
0xb7: {  	p0 =	slt.s32 s24, $0x130  }
.Ltmp7:
0xb8: {  	_ = 	snop;
	(pc) =	sbr.rel @p0 .LBB2_14-.Ltmp7, $4  }
0xb9: {  	s25 =	sadd.s32 s21, s23  }
0xba: {  	v63 =	vor.u32 s25, v2  }
0xbb: {  	[tilespmem:v13+s9+$0x0] =	vst.idx.msk vm0, v63  }
0xbc: {  	[tilespmem:v13+s10+$0x0] =	vst.idx.msk vm0, v12  }
0xbd: {  	[tilespmem:s12], [sflag:$0x1] =	stream.indirect.gather [hbm4b:s4+s11], $0x80, s9, s11, $0xb8;
	[tilespmem:$0x1E700] =	vst v63  }
0xbe: {  	s25 =	simm.s32 $0x0  }
0xbf: {  	v12 =	vmov s25  }
0xc0: {  	[tilespmem:s14], [sflag:$0x2] =	stream.indirect.gather [hbm4b:s4+s11], $0x80, s13, s11, $0xb8;
	[tilespmem:$0x1E700] =	vst v63  }
0xc1: {  	_ =	swait.ge [sflag:s15], $0x5000  }
0xc2: {  	[sflag:s15] =	ssyncset.done $0x0  }
0xc3: {  	[sflag:s15] =	ssyncadd.s32 $0xFFFFB000  }
0xc4: {  	v12 =	vld.idx.msk [tilespmem:v12+s10+$0x0], $0xffff;
	_ =	sdelay $0x4  }
0xc5: {  	v12 =	vsub.s32 v12, v0  }
0xc6: {  	v12 =	vshll.u32 v12, $0x7  }
0xc7: {  	v13 =	vor.u32 v2, v12;
	_ =	sdelay $0x2  }
0xc8: {  	s25 =	simm.s32 $0xB40  }
0xc9: {  	v15 =	vld [tilespmem:s25+$0xFFFFFFC0]  }
0xca: {  	v14 =	vld.idx.msk [tilespmem:v13+s16+$0x0], $0xffff;
	_ =	sdelay $0x1  }
0xcb: {  	v16 =	vor.u32 v5, v12;
	_ =	sdelay $0x2  }
0xcc: {  	v14 =	vmax.f32 v14, v15  }
0xcd: {  	[tilespmem:v13+s16+$0x0] =	vst.idx.msk $0xffff, v14  }
0xce: {  	v13 =	vld.idx.msk [tilespmem:v16+s16+$0x0], $0xffff  }
0xcf: {  	v14 =	vld [tilespmem:s25+$0xFFFFFFD0];
	_ =	sdelay $0x1  }
0xd0: {  	v15 =	vor.u32 v6, v12;
	_ =	sdelay $0x2  }
0xd1: {  	v13 =	vmax.f32 v13, v14  }
0xd2: {  	[tilespmem:v16+s16+$0x0] =	vst.idx.msk $0xffff, v13  }
0xd3: {  	v13 =	vld.idx.msk [tilespmem:v15+s16+$0x0], $0xffff  }
0xd4: {  	v14 =	vld [tilespmem:s25+$0xFFFFFFE0];
	_ =	sdelay $0x1  }
0xd5: {  	v62 =	vor.u32 v7, v12;
	_ =	sdelay $0x2  }
0xd6: {  	v13 =	vmax.f32 v13, v14  }
0xd7: {  	[tilespmem:v15+s16+$0x0] =	vst.idx.msk $0xffff, v13  }
0xd8: {  	v13 =	vld.idx.msk [tilespmem:v62+s16+$0x0], $0xffff  }
0xd9: {  	v14 =	vld [tilespmem:s25+$0xFFFFFFF0];
	_ =	sdelay $0x1  }
0xda: {  	v15 =	vor.u32 v8, v12;
	_ =	sdelay $0x2  }
0xdb: {  	v13 =	vmax.f32 v13, v14  }
0xdc: {  	[tilespmem:v62+s16+$0x0] =	vst.idx.msk $0xffff, v13  }
0xdd: {  	v13 =	vld.idx.msk [tilespmem:v15+s16+$0x0], $0xffff  }
0xde: {  	v14 =	vld [tilespmem:s25+$0x0];
	_ =	sdelay $0x1  }
0xdf: {  	v63 =	vor.u32 v9, v12;
	_ =	sdelay $0x2  }
0xe0: {  	v13 =	vmax.f32 v13, v14  }
0xe1: {  	[tilespmem:v15+s16+$0x0] =	vst.idx.msk $0xffff, v13  }
0xe2: {  	v13 =	vld.idx.msk [tilespmem:v63+s16+$0x0], $0xffff  }
0xe3: {  	v14 =	vld [tilespmem:s25+$0x10];
	_ =	sdelay $0x1  }
0xe4: {  	v15 =	vor.u32 v10, v12;
	_ =	sdelay $0x2  }
0xe5: {  	v13 =	vmax.f32 v13, v14  }
0xe6: {  	[tilespmem:v63+s16+$0x0] =	vst.idx.msk $0xffff, v13  }
0xe7: {  	v13 =	vld.idx.msk [tilespmem:v15+s16+$0x0], $0xffff  }
0xe8: {  	v14 =	vld [tilespmem:s25+$0x20];
	_ =	sdelay $0x1  }
0xe9: {  	v12 =	vor.u32 v11, v12;
	_ =	sdelay $0x2  }
0xea: {  	v13 =	vmax.f32 v13, v14  }
0xeb: {  	[tilespmem:v15+s16+$0x0] =	vst.idx.msk $0xffff, v13  }
0xec: {  	v14 =	vld.idx.msk [tilespmem:v12+s16+$0x0], $0xffff  }
0xed: {  	v15 =	vld [tilespmem:s25+$0x30];
	_ =	sdelay $0x1  }
0xee: {  	s28 =	simm.s32 $0x1  }
0xef: {  	v13 =	vmov s28;
	_ =	sdelay $0x1  }
0xf0: {  	s26 =	simm.s32 $0x2;
	v14 =	vmax.f32 v14, v15  }
.LBB2_7:
0xf1: {  	p0 =	sne.s32 s26, $0x9F  }
0xf2: {  	[tilespmem:v12+s16+$0x0] =	vst.idx.msk $0xffff, v14;
	s25 =	sadd.s32 $0x80, s25;
	s28 =	smov.u32 s26;
	s26 =	sadd.s32 $0x1, s26  }
0xf3: {  	v12 =	vld.idx.msk [tilespmem:v13+s10+$0x0], $0xffff;
	_ =	sdelay $0x5  }
0xf4: {  	v12 =	vsub.s32 v12, v0  }
0xf5: {  	v12 =	vshll.u32 v12, $0x7  }
0xf6: {  	v13 =	vor.u32 v2, v12;
	_ =	sdelay $0x4  }
0xf7: {  	v14 =	vld.idx.msk [tilespmem:v13+s16+$0x0], $0xffff  }
0xf8: {  	v15 =	vld [tilespmem:s25+$0xFFFFFFC0];
	_ =	sdelay $0x1  }
0xf9: {  	v16 =	vor.u32 v5, v12;
	_ =	sdelay $0x2  }
0xfa: {  	v14 =	vmax.f32 v14, v15  }
0xfb: {  	[tilespmem:v13+s16+$0x0] =	vst.idx.msk $0xffff, v14  }
0xfc: {  	v13 =	vld.idx.msk [tilespmem:v16+s16+$0x0], $0xffff  }
0xfd: {  	v14 =	vld [tilespmem:s25+$0xFFFFFFD0];
	_ =	sdelay $0x1  }
0xfe: {  	v15 =	vor.u32 v6, v12;
	_ =	sdelay $0x2  }
0xff: {  	v13 =	vmax.f32 v13, v14  }
0x100: {  	[tilespmem:v16+s16+$0x0] =	vst.idx.msk $0xffff, v13  }
0x101: {  	v13 =	vld.idx.msk [tilespmem:v15+s16+$0x0], $0xffff  }
0x102: {  	v14 =	vld [tilespmem:s25+$0xFFFFFFE0];
	_ =	sdelay $0x1  }
0x103: {  	v16 =	vor.u32 v7, v12;
	_ =	sdelay $0x2  }
0x104: {  	v13 =	vmax.f32 v13, v14  }
0x105: {  	[tilespmem:v15+s16+$0x0] =	vst.idx.msk $0xffff, v13  }
0x106: {  	v13 =	vld.idx.msk [tilespmem:v16+s16+$0x0], $0xffff  }
0x107: {  	v14 =	vld [tilespmem:s25+$0xFFFFFFF0];
	_ =	sdelay $0x1  }
0x108: {  	v15 =	vor.u32 v8, v12;
	_ =	sdelay $0x2  }
0x109: {  	v13 =	vmax.f32 v13, v14  }
0x10a: {  	[tilespmem:v16+s16+$0x0] =	vst.idx.msk $0xffff, v13  }
0x10b: {  	v13 =	vld.idx.msk [tilespmem:v15+s16+$0x0], $0xffff  }
0x10c: {  	v14 =	vld [tilespmem:s25+$0x0];
	_ =	sdelay $0x1  }
0x10d: {  	v16 =	vor.u32 v9, v12;
	_ =	sdelay $0x2  }
0x10e: {  	v13 =	vmax.f32 v13, v14  }
0x10f: {  	[tilespmem:v15+s16+$0x0] =	vst.idx.msk $0xffff, v13  }
0x110: {  	v13 =	vld.idx.msk [tilespmem:v16+s16+$0x0], $0xffff  }
0x111: {  	v14 =	vld [tilespmem:s25+$0x10];
	_ =	sdelay $0x1  }
0x112: {  	v15 =	vor.u32 v10, v12;
	_ =	sdelay $0x2  }
0x113: {  	v13 =	vmax.f32 v13, v14  }
0x114: {  	[tilespmem:v16+s16+$0x0] =	vst.idx.msk $0xffff, v13  }
0x115: {  	v13 =	vld.idx.msk [tilespmem:v15+s16+$0x0], $0xffff  }
0x116: {  	v14 =	vld [tilespmem:s25+$0x20];
	_ =	sdelay $0x1  }
0x117: {  	v12 =	vor.u32 v11, v12;
	_ =	sdelay $0x2  }
0x118: {  	v13 =	vmax.f32 v13, v14  }
0x119: {  	[tilespmem:v15+s16+$0x0] =	vst.idx.msk $0xffff, v13  }
0x11a: {  	v14 =	vld.idx.msk [tilespmem:v12+s16+$0x0], $0xffff  }
0x11b: {  	v15 =	vld [tilespmem:s25+$0x30]  }
.Ltmp8:
0x11c: {  	(pc) =	sbr.rel @p0 .LBB2_7-.Ltmp8, $2  }
0x11d: {  	v13 =	vmov s28;
	_ =	sdelay $0x2  }
0x11e: {  	v14 =	vmax.f32 v14, v15  }
0x11f: {  	_ =	sdelay $0x3  }
0x120: {  	[tilespmem:v12+s16+$0x0] =	vst.idx.msk $0xffff, v14  }
0x121: {  	v12 =	vld.idx.msk [tilespmem:v13+s10+$0x0], $0xffff;
	_ =	sdelay $0x4  }
0x122: {  	v12 =	vsub.s32 v12, v0  }
0x123: {  	v12 =	vshll.u32 v12, $0x7  }
0x124: {  	v13 =	vor.u32 v2, v12;
	_ =	sdelay $0x2  }
0x125: {  	s25 =	sadd.s32 $0x80, s25  }
0x126: {  	v15 =	vld [tilespmem:s25+$0xFFFFFFC0]  }
0x127: {  	v14 =	vld.idx.msk [tilespmem:v13+s16+$0x0], $0xffff;
	_ =	sdelay $0x1  }
0x128: {  	v16 =	vor.u32 v5, v12;
	_ =	sdelay $0x2  }
0x129: {  	v14 =	vmax.f32 v14, v15  }
0x12a: {  	[tilespmem:v13+s16+$0x0] =	vst.idx.msk $0xffff, v14  }
0x12b: {  	v13 =	vld.idx.msk [tilespmem:v16+s16+$0x0], $0xffff  }
0x12c: {  	v14 =	vld [tilespmem:s25+$0xFFFFFFD0];
	_ =	sdelay $0x1  }
0x12d: {  	v15 =	vor.u32 v6, v12;
	_ =	sdelay $0x2  }
0x12e: {  	v13 =	vmax.f32 v13, v14  }
0x12f: {  	[tilespmem:v16+s16+$0x0] =	vst.idx.msk $0xffff, v13  }
0x130: {  	v13 =	vld.idx.msk [tilespmem:v15+s16+$0x0], $0xffff  }
0x131: {  	v14 =	vld [tilespmem:s25+$0xFFFFFFE0];
	_ =	sdelay $0x1  }
0x132: {  	v62 =	vor.u32 v7, v12;
	_ =	sdelay $0x2  }
0x133: {  	v13 =	vmax.f32 v13, v14  }
0x134: {  	[tilespmem:v15+s16+$0x0] =	vst.idx.msk $0xffff, v13  }
0x135: {  	v13 =	vld.idx.msk [tilespmem:v62+s16+$0x0], $0xffff  }
0x136: {  	v14 =	vld [tilespmem:s25+$0xFFFFFFF0];
	_ =	sdelay $0x1  }
0x137: {  	v15 =	vor.u32 v8, v12;
	_ =	sdelay $0x2  }
0x138: {  	v13 =	vmax.f32 v13, v14  }
0x139: {  	[tilespmem:v62+s16+$0x0] =	vst.idx.msk $0xffff, v13  }
0x13a: {  	v13 =	vld.idx.msk [tilespmem:v15+s16+$0x0], $0xffff  }
0x13b: {  	v14 =	vld [tilespmem:s25+$0x0];
	_ =	sdelay $0x1  }
0x13c: {  	v63 =	vor.u32 v9, v12;
	_ =	sdelay $0x2  }
0x13d: {  	v13 =	vmax.f32 v13, v14  }
0x13e: {  	[tilespmem:v15+s16+$0x0] =	vst.idx.msk $0xffff, v13  }
0x13f: {  	v13 =	vld.idx.msk [tilespmem:v63+s16+$0x0], $0xffff  }
0x140: {  	v14 =	vld [tilespmem:s25+$0x10];
	_ =	sdelay $0x1  }
0x141: {  	v15 =	vor.u32 v10, v12;
	_ =	sdelay $0x2  }
0x142: {  	v13 =	vmax.f32 v13, v14  }
0x143: {  	[tilespmem:v63+s16+$0x0] =	vst.idx.msk $0xffff, v13  }
0x144: {  	v13 =	vld.idx.msk [tilespmem:v15+s16+$0x0], $0xffff  }
0x145: {  	v14 =	vld [tilespmem:s25+$0x20];
	_ =	sdelay $0x1  }
0x146: {  	v12 =	vor.u32 v11, v12;
	_ =	sdelay $0x2  }
0x147: {  	v13 =	vmax.f32 v13, v14  }
0x148: {  	[tilespmem:v15+s16+$0x0] =	vst.idx.msk $0xffff, v13  }
0x149: {  	v13 =	vld.idx.msk [tilespmem:v12+s16+$0x0], $0xffff  }
0x14a: {  	v14 =	vld [tilespmem:s25+$0x30];
	_ =	sdelay $0x3  }
0x14b: {  	p1 =	sne.s32 s24, $0xA1  }
.Ltmp9:
0x14c: {  	v13 =	vmax.f32 v13, v14;
	(pc) =	sbr.rel @!p1 .LBB2_9-.Ltmp9, $4  }
0x14d: {  	[tilespmem:v12+s16+$0x0] =	vst.idx.msk $0xffff, v13  }
0x14e: {  	_ =	swait.ge [sflag:s17], $0x5000  }
0x14f: {  	s28 =	simm.s32 $0xA0;
	s26 =	simm.s32 $0xA1;
	[sflag:s17] =	ssyncset.done $0x0  }
0x150: {  	p0 =	por $0x0, $0x0;
	s25 =	simm.s32 $0x5B00;
	v13 =	vmov s28;
	[sflag:s17] =	ssyncadd.s32 $0xFFFFB000  }
0x151: {  	_ =	sdelay $0x3  }
0x152: {  	v12 =	vld.idx.msk [tilespmem:v13+s10+$0x0], $0xffff;
	_ =	sdelay $0x4  }
0x153: {  	v12 =	vsub.s32 v12, v0  }
0x154: {  	v12 =	vshll.u32 v12, $0x7  }
0x155: {  	v13 =	vor.u32 v2, v12;
	_ =	sdelay $0x3  }
0x156: {  	v15 =	vld [tilespmem:s25+$0x0]  }
0x157: {  	v14 =	vld.idx.msk [tilespmem:v13+s16+$0x0], $0xffff;
	_ =	sdelay $0x1  }
0x158: {  	v16 =	vor.u32 v5, v12;
	_ =	sdelay $0x2  }
0x159: {  	v14 =	vmax.f32 v14, v15  }
0x15a: {  	[tilespmem:v13+s16+$0x0] =	vst.idx.msk $0xffff, v14  }
0x15b: {  	v13 =	vld.idx.msk [tilespmem:v16+s16+$0x0], $0xffff  }
0x15c: {  	v14 =	vld [tilespmem:s25+$0x10];
	_ =	sdelay $0x1  }
0x15d: {  	v15 =	vor.u32 v6, v12;
	_ =	sdelay $0x2  }
0x15e: {  	v13 =	vmax.f32 v13, v14  }
0x15f: {  	[tilespmem:v16+s16+$0x0] =	vst.idx.msk $0xffff, v13  }
0x160: {  	v13 =	vld.idx.msk [tilespmem:v15+s16+$0x0], $0xffff  }
0x161: {  	v14 =	vld [tilespmem:s25+$0x20];
	_ =	sdelay $0x1  }
0x162: {  	v62 =	vor.u32 v7, v12;
	_ =	sdelay $0x2  }
0x163: {  	v13 =	vmax.f32 v13, v14  }
0x164: {  	[tilespmem:v15+s16+$0x0] =	vst.idx.msk $0xffff, v13  }
0x165: {  	v13 =	vld.idx.msk [tilespmem:v62+s16+$0x0], $0xffff  }
0x166: {  	v14 =	vld [tilespmem:s25+$0x30];
	_ =	sdelay $0x1  }
0x167: {  	v15 =	vor.u32 v8, v12;
	_ =	sdelay $0x2  }
0x168: {  	v13 =	vmax.f32 v13, v14  }
0x169: {  	[tilespmem:v62+s16+$0x0] =	vst.idx.msk $0xffff, v13  }
0x16a: {  	v13 =	vld.idx.msk [tilespmem:v15+s16+$0x0], $0xffff  }
0x16b: {  	v14 =	vld [tilespmem:s25+$0x40];
	_ =	sdelay $0x1  }
0x16c: {  	v63 =	vor.u32 v9, v12;
	_ =	sdelay $0x2  }
0x16d: {  	v13 =	vmax.f32 v13, v14  }
0x16e: {  	[tilespmem:v15+s16+$0x0] =	vst.idx.msk $0xffff, v13  }
0x16f: {  	v13 =	vld.idx.msk [tilespmem:v63+s16+$0x0], $0xffff  }
0x170: {  	v14 =	vld [tilespmem:s25+$0x50];
	_ =	sdelay $0x1  }
0x171: {  	v15 =	vor.u32 v10, v12;
	_ =	sdelay $0x2  }
0x172: {  	v13 =	vmax.f32 v13, v14  }
0x173: {  	[tilespmem:v63+s16+$0x0] =	vst.idx.msk $0xffff, v13  }
0x174: {  	v13 =	vld.idx.msk [tilespmem:v15+s16+$0x0], $0xffff  }
0x175: {  	v14 =	vld [tilespmem:s25+$0x60];
	_ =	sdelay $0x1  }
0x176: {  	v12 =	vor.u32 v11, v12;
	_ =	sdelay $0x2  }
0x177: {  	v13 =	vmax.f32 v13, v14  }
0x178: {  	[tilespmem:v15+s16+$0x0] =	vst.idx.msk $0xffff, v13  }
0x179: {  	v14 =	vld.idx.msk [tilespmem:v12+s16+$0x0], $0xffff  }
0x17a: {  	p1 =	sne.s32 s24, $0xA2;
	v15 =	vld [tilespmem:s25+$0x70]  }
.Ltmp10:
0x17b: {  	_ = 	snop;
	(pc) =	sbr.rel @!p1 .LBB2_11-.Ltmp10, $2  }
0x17c: {  	v13 =	vmov s26;
	_ =	sdelay $0x2  }
0x17d: {  	s28 =	simm.s32 $0xA2;
	p0 =	por $0x1, $0x1;
	s26 =	simm.s32 $0x5B00;
	v14 =	vmax.f32 v14, v15  }
.LBB2_12:
0x17e: {  	[tilespmem:v12+s16+$0x0] =	vst.idx.msk $0xffff, v14;
	s26 =	sadd.s32 $0x80, s26;
	s29 =	smov.u32 s28;
	s28 =	sadd.s32 $0x1, s28  }
0x17f: {  	p1 =	sne.s32 s24, s28;
	v12 =	vld.idx.msk [tilespmem:v13+s10+$0x0], $0xffff;
	_ =	sdelay $0x5  }
0x180: {  	v12 =	vsub.s32 v12, v0  }
0x181: {  	v12 =	vshll.u32 v12, $0x7  }
0x182: {  	v13 =	vor.u32 v2, v12;
	_ =	sdelay $0x4  }
0x183: {  	v14 =	vld.idx.msk [tilespmem:v13+s16+$0x0], $0xffff  }
0x184: {  	v15 =	vld [tilespmem:s26+$0x0];
	_ =	sdelay $0x1  }
0x185: {  	v16 =	vor.u32 v5, v12;
	_ =	sdelay $0x2  }
0x186: {  	v14 =	vmax.f32 v14, v15  }
0x187: {  	[tilespmem:v13+s16+$0x0] =	vst.idx.msk $0xffff, v14  }
0x188: {  	v13 =	vld.idx.msk [tilespmem:v16+s16+$0x0], $0xffff  }
0x189: {  	v14 =	vld [tilespmem:s26+$0x10];
	_ =	sdelay $0x1  }
0x18a: {  	v15 =	vor.u32 v6, v12;
	_ =	sdelay $0x2  }
0x18b: {  	v13 =	vmax.f32 v13, v14  }
0x18c: {  	[tilespmem:v16+s16+$0x0] =	vst.idx.msk $0xffff, v13  }
0x18d: {  	v13 =	vld.idx.msk [tilespmem:v15+s16+$0x0], $0xffff  }
0x18e: {  	v14 =	vld [tilespmem:s26+$0x20];
	_ =	sdelay $0x1  }
0x18f: {  	v16 =	vor.u32 v7, v12;
	_ =	sdelay $0x2  }
0x190: {  	v13 =	vmax.f32 v13, v14  }
0x191: {  	[tilespmem:v15+s16+$0x0] =	vst.idx.msk $0xffff, v13  }
0x192: {  	v13 =	vld.idx.msk [tilespmem:v16+s16+$0x0], $0xffff  }
0x193: {  	v14 =	vld [tilespmem:s26+$0x30];
	_ =	sdelay $0x1  }
0x194: {  	v15 =	vor.u32 v8, v12;
	_ =	sdelay $0x2  }
0x195: {  	v13 =	vmax.f32 v13, v14  }
0x196: {  	[tilespmem:v16+s16+$0x0] =	vst.idx.msk $0xffff, v13  }
0x197: {  	v13 =	vld.idx.msk [tilespmem:v15+s16+$0x0], $0xffff  }
0x198: {  	v14 =	vld [tilespmem:s26+$0x40];
	_ =	sdelay $0x1  }
0x199: {  	v16 =	vor.u32 v9, v12;
	_ =	sdelay $0x2  }
0x19a: {  	v13 =	vmax.f32 v13, v14  }
0x19b: {  	[tilespmem:v15+s16+$0x0] =	vst.idx.msk $0xffff, v13  }
0x19c: {  	v13 =	vld.idx.msk [tilespmem:v16+s16+$0x0], $0xffff  }
0x19d: {  	v14 =	vld [tilespmem:s26+$0x50];
	_ =	sdelay $0x1  }
0x19e: {  	v15 =	vor.u32 v10, v12;
	_ =	sdelay $0x2  }
0x19f: {  	v13 =	vmax.f32 v13, v14  }
0x1a0: {  	[tilespmem:v16+s16+$0x0] =	vst.idx.msk $0xffff, v13  }
0x1a1: {  	v13 =	vld.idx.msk [tilespmem:v15+s16+$0x0], $0xffff  }
0x1a2: {  	v14 =	vld [tilespmem:s26+$0x60];
	_ =	sdelay $0x1  }
0x1a3: {  	v12 =	vor.u32 v11, v12;
	_ =	sdelay $0x2  }
0x1a4: {  	v13 =	vmax.f32 v13, v14  }
0x1a5: {  	[tilespmem:v15+s16+$0x0] =	vst.idx.msk $0xffff, v13  }
0x1a6: {  	v14 =	vld.idx.msk [tilespmem:v12+s16+$0x0], $0xffff  }
0x1a7: {  	v15 =	vld [tilespmem:s26+$0x70]  }
.Ltmp11:
0x1a8: {  	(pc) =	sbr.rel @p1 .LBB2_12-.Ltmp11, $2  }
0x1a9: {  	v13 =	vmov s29;
	_ =	sdelay $0x2  }
0x1aa: {  	v14 =	vmax.f32 v14, v15  }
.LBB2_13:
0x1ab: {  	_ =	sdelay $0x3  }
0x1ac: {  	[tilespmem:v12+s16+$0x0] =	vst.idx.msk @p0 $0xffff, v14  }
0x1ad: {  	v12 =	vld.idx.msk [tilespmem:v13+s10+$0x0], $0xffff;
	_ =	sdelay $0x4  }
0x1ae: {  	v12 =	vsub.s32 v12, v0  }
0x1af: {  	v12 =	vshll.u32 v12, $0x7  }
0x1b0: {  	v52 =	vor.u32 v2, v12;
	_ =	sdelay $0x1  }
0x1b1: {  	s26 =	sadd.s32 @p0 $0x80, s26  }
0x1b2: {  	s25 =	smov.u32 @p0 s26  }
0x1b3: {  	v15 =	vld [tilespmem:s25+$0x0]  }
0x1b4: {  	v14 =	vld.idx.msk [tilespmem:v52+s16+$0x0], $0xffff;
	_ =	sdelay $0x1  }
0x1b5: {  	v16 =	vor.u32 v5, v12;
	_ =	sdelay $0x2  }
0x1b6: {  	v14 =	vmax.f32 v14, v15  }
0x1b7: {  	[tilespmem:v52+s16+$0x0] =	vst.idx.msk $0xffff, v14  }
0x1b8: {  	v13 =	vld.idx.msk [tilespmem:v16+s16+$0x0], $0xffff  }
0x1b9: {  	v14 =	vld [tilespmem:s25+$0x10];
	_ =	sdelay $0x1  }
0x1ba: {  	v53 =	vor.u32 v6, v12;
	_ =	sdelay $0x2  }
0x1bb: {  	v13 =	vmax.f32 v13, v14  }
0x1bc: {  	[tilespmem:v16+s16+$0x0] =	vst.idx.msk $0xffff, v13  }
0x1bd: {  	v13 =	vld.idx.msk [tilespmem:v53+s16+$0x0], $0xffff  }
0x1be: {  	v54 =	vld [tilespmem:s25+$0x20];
	_ =	sdelay $0x1  }
0x1bf: {  	v55 =	vor.u32 v7, v12;
	_ =	sdelay $0x2  }
0x1c0: {  	v13 =	vmax.f32 v13, v54  }
0x1c1: {  	[tilespmem:v53+s16+$0x0] =	vst.idx.msk $0xffff, v13  }
0x1c2: {  	v13 =	vld.idx.msk [tilespmem:v55+s16+$0x0], $0xffff  }
0x1c3: {  	v56 =	vld [tilespmem:s25+$0x30];
	_ =	sdelay $0x1  }
0x1c4: {  	v57 =	vor.u32 v8, v12;
	_ =	sdelay $0x2  }
0x1c5: {  	v13 =	vmax.f32 v13, v56  }
0x1c6: {  	[tilespmem:v55+s16+$0x0] =	vst.idx.msk $0xffff, v13  }
0x1c7: {  	v13 =	vld.idx.msk [tilespmem:v57+s16+$0x0], $0xffff  }
0x1c8: {  	v58 =	vld [tilespmem:s25+$0x40];
	_ =	sdelay $0x1  }
0x1c9: {  	v59 =	vor.u32 v9, v12;
	_ =	sdelay $0x2  }
0x1ca: {  	v13 =	vmax.f32 v13, v58  }
0x1cb: {  	[tilespmem:v57+s16+$0x0] =	vst.idx.msk $0xffff, v13  }
0x1cc: {  	v13 =	vld.idx.msk [tilespmem:v59+s16+$0x0], $0xffff  }
0x1cd: {  	v60 =	vld [tilespmem:s25+$0x50];
	_ =	sdelay $0x1  }
0x1ce: {  	v61 =	vor.u32 v10, v12;
	_ =	sdelay $0x2  }
0x1cf: {  	v13 =	vmax.f32 v13, v60  }
0x1d0: {  	[tilespmem:v59+s16+$0x0] =	vst.idx.msk $0xffff, v13  }
0x1d1: {  	v13 =	vld.idx.msk [tilespmem:v61+s16+$0x0], $0xffff  }
0x1d2: {  	v62 =	vld [tilespmem:s25+$0x60];
	_ =	sdelay $0x1  }
0x1d3: {  	v12 =	vor.u32 v11, v12;
	_ =	sdelay $0x2  }
0x1d4: {  	v13 =	vmax.f32 v13, v62  }
0x1d5: {  	[tilespmem:v61+s16+$0x0] =	vst.idx.msk $0xffff, v13  }
0x1d6: {  	v13 =	vld.idx.msk [tilespmem:v12+s16+$0x0], $0xffff  }
0x1d7: {  	v63 =	vld [tilespmem:s25+$0x70];
	_ =	sdelay $0x4  }
0x1d8: {  	v13 =	vmax.f32 v13, v63  }
0x1d9: {  	[tilespmem:v12+s16+$0x0] =	vst.idx.msk $0xffff, v13  }
.LBB2_14:
0x1da: {  	v12 =	vld [tilespmem:s23+$0x10];
	_ =	sdelay $0x4  }
0x1db: {  	vm0 =	vge.s32 v12, v0;
	vm1 =	vlt.s32 v12, v1  }
0x1dc: {  	vm0 =	vmand vm0, vm1  }
0x1dd: {  	v13 =	vmpcnt.ones.xlane vm0;
	_ =	sdelay $0x1  }
0x1de: {  	(v2sf) =	vpush v13, $0x0;
	_ =	sdelay $0x7  }
0x1df: {  	v61 =	vsel vm0, $0x1, v4  }
0x1e0: {  	(xrf0) =	vadd.scan.msk.s32 $0xffff, v61  }
0x1e1: {  	p0 =	sgt.s32 s24, $0x12F  }
0x1e2: {  	s24 =	simm.s32 @p0 $0x0  }
0x1e3: {  	v62 =	vmov s24  }
0x1e4: {  	v13 =	vadd.s32 $0xFFFFFFFF, v62  }
0x1e5: {  	v13 =	vbroadcast v13, $0x0  }
0x1e6: {  	v14, _, _ =	vpop (xrf0);
	s26 =	spop (v2sf)  }
0x1e7: {  	v13 =	vadd.s32 v13, v14;
	s24 =	sadd.s32 s24, s26  }
0x1e8: {  	p0 =	slt.s32 s24, $0x130  }
.Ltmp12:
0x1e9: {  	s25 =	sadd.s32 $0x10, s23;
	(pc) =	sbr.rel @p0 .LBB2_23-.Ltmp12, $4  }
0x1ea: {  	s25 =	sadd.s32 s21, s25  }
0x1eb: {  	v63 =	vor.u32 s25, v2  }
0x1ec: {  	[tilespmem:v13+s9+$0x0] =	vst.idx.msk vm0, v63  }
0x1ed: {  	[tilespmem:v13+s10+$0x0] =	vst.idx.msk vm0, v12  }
0x1ee: {  	[tilespmem:s12], [sflag:$0x1] =	stream.indirect.gather [hbm4b:s4+s11], $0x80, s9, s11, $0xb8;
	[tilespmem:$0x1E700] =	vst v63  }
0x1ef: {  	s25 =	simm.s32 $0x0  }
0x1f0: {  	v12 =	vmov s25  }
0x1f1: {  	[tilespmem:s14], [sflag:$0x2] =	stream.indirect.gather [hbm4b:s4+s11], $0x80, s13, s11, $0xb8;
	[tilespmem:$0x1E700] =	vst v63  }
0x1f2: {  	_ =	swait.ge [sflag:s15], $0x5000  }
0x1f3: {  	[sflag:s15] =	ssyncset.done $0x0  }
0x1f4: {  	[sflag:s15] =	ssyncadd.s32 $0xFFFFB000  }
0x1f5: {  	v12 =	vld.idx.msk [tilespmem:v12+s10+$0x0], $0xffff;
	_ =	sdelay $0x4  }
0x1f6: {  	v12 =	vsub.s32 v12, v0  }
0x1f7: {  	v12 =	vshll.u32 v12, $0x7  }
0x1f8: {  	v13 =	vor.u32 v2, v12;
	_ =	sdelay $0x2  }
0x1f9: {  	s25 =	simm.s32 $0xB40  }
0x1fa: {  	v15 =	vld [tilespmem:s25+$0xFFFFFFC0]  }
0x1fb: {  	v14 =	vld.idx.msk [tilespmem:v13+s16+$0x0], $0xffff;
	_ =	sdelay $0x1  }
0x1fc: {  	v16 =	vor.u32 v5, v12;
	_ =	sdelay $0x2  }
0x1fd: {  	v14 =	vmax.f32 v14, v15  }
0x1fe: {  	[tilespmem:v13+s16+$0x0] =	vst.idx.msk $0xffff, v14  }
0x1ff: {  	v13 =	vld.idx.msk [tilespmem:v16+s16+$0x0], $0xffff  }
0x200: {  	v14 =	vld [tilespmem:s25+$0xFFFFFFD0];
	_ =	sdelay $0x1  }
0x201: {  	v15 =	vor.u32 v6, v12;
	_ =	sdelay $0x2  }
0x202: {  	v13 =	vmax.f32 v13, v14  }
0x203: {  	[tilespmem:v16+s16+$0x0] =	vst.idx.msk $0xffff, v13  }
0x204: {  	v13 =	vld.idx.msk [tilespmem:v15+s16+$0x0], $0xffff  }
0x205: {  	v14 =	vld [tilespmem:s25+$0xFFFFFFE0];
	_ =	sdelay $0x1  }
0x206: {  	v62 =	vor.u32 v7, v12;
	_ =	sdelay $0x2  }
0x207: {  	v13 =	vmax.f32 v13, v14  }
0x208: {  	[tilespmem:v15+s16+$0x0] =	vst.idx.msk $0xffff, v13  }
0x209: {  	v13 =	vld.idx.msk [tilespmem:v62+s16+$0x0], $0xffff  }
0x20a: {  	v14 =	vld [tilespmem:s25+$0xFFFFFFF0];
	_ =	sdelay $0x1  }
0x20b: {  	v15 =	vor.u32 v8, v12;
	_ =	sdelay $0x2  }
0x20c: {  	v13 =	vmax.f32 v13, v14  }
0x20d: {  	[tilespmem:v62+s16+$0x0] =	vst.idx.msk $0xffff, v13  }
0x20e: {  	v13 =	vld.idx.msk [tilespmem:v15+s16+$0x0], $0xffff  }
0x20f: {  	v14 =	vld [tilespmem:s25+$0x0];
	_ =	sdelay $0x1  }
0x210: {  	v63 =	vor.u32 v9, v12;
	_ =	sdelay $0x2  }
0x211: {  	v13 =	vmax.f32 v13, v14  }
0x212: {  	[tilespmem:v15+s16+$0x0] =	vst.idx.msk $0xffff, v13  }
0x213: {  	v13 =	vld.idx.msk [tilespmem:v63+s16+$0x0], $0xffff  }
0x214: {  	v14 =	vld [tilespmem:s25+$0x10];
	_ =	sdelay $0x1  }
0x215: {  	v15 =	vor.u32 v10, v12;
	_ =	sdelay $0x2  }
0x216: {  	v13 =	vmax.f32 v13, v14  }
0x217: {  	[tilespmem:v63+s16+$0x0] =	vst.idx.msk $0xffff, v13  }
0x218: {  	v13 =	vld.idx.msk [tilespmem:v15+s16+$0x0], $0xffff  }
0x219: {  	v14 =	vld [tilespmem:s25+$0x20];
	_ =	sdelay $0x1  }
0x21a: {  	v12 =	vor.u32 v11, v12;
	_ =	sdelay $0x2  }
0x21b: {  	v13 =	vmax.f32 v13, v14  }
0x21c: {  	[tilespmem:v15+s16+$0x0] =	vst.idx.msk $0xffff, v13  }
0x21d: {  	v14 =	vld.idx.msk [tilespmem:v12+s16+$0x0], $0xffff  }
0x21e: {  	v15 =	vld [tilespmem:s25+$0x30];
	_ =	sdelay $0x1  }
0x21f: {  	s28 =	simm.s32 $0x1  }
0x220: {  	v13 =	vmov s28;
	_ =	sdelay $0x1  }
0x221: {  	s26 =	simm.s32 $0x2;
	v14 =	vmax.f32 v14, v15  }
.LBB2_16:
0x222: {  	p0 =	sne.s32 s26, $0x9F  }
0x223: {  	[tilespmem:v12+s16+$0x0] =	vst.idx.msk $0xffff, v14;
	s25 =	sadd.s32 $0x80, s25;
	s28 =	smov.u32 s26;
	s26 =	sadd.s32 $0x1, s26  }
0x224: {  	v12 =	vld.idx.msk [tilespmem:v13+s10+$0x0], $0xffff;
	_ =	sdelay $0x5  }
0x225: {  	v12 =	vsub.s32 v12, v0  }
0x226: {  	v12 =	vshll.u32 v12, $0x7  }
0x227: {  	v13 =	vor.u32 v2, v12;
	_ =	sdelay $0x4  }
0x228: {  	v14 =	vld.idx.msk [tilespmem:v13+s16+$0x0], $0xffff  }
0x229: {  	v15 =	vld [tilespmem:s25+$0xFFFFFFC0];
	_ =	sdelay $0x1  }
0x22a: {  	v16 =	vor.u32 v5, v12;
	_ =	sdelay $0x2  }
0x22b: {  	v14 =	vmax.f32 v14, v15  }
0x22c: {  	[tilespmem:v13+s16+$0x0] =	vst.idx.msk $0xffff, v14  }
0x22d: {  	v13 =	vld.idx.msk [tilespmem:v16+s16+$0x0], $0xffff  }
0x22e: {  	v14 =	vld [tilespmem:s25+$0xFFFFFFD0];
	_ =	sdelay $0x1  }
0x22f: {  	v15 =	vor.u32 v6, v12;
	_ =	sdelay $0x2  }
0x230: {  	v13 =	vmax.f32 v13, v14  }
0x231: {  	[tilespmem:v16+s16+$0x0] =	vst.idx.msk $0xffff, v13  }
0x232: {  	v13 =	vld.idx.msk [tilespmem:v15+s16+$0x0], $0xffff  }
0x233: {  	v14 =	vld [tilespmem:s25+$0xFFFFFFE0];
	_ =	sdelay $0x1  }
0x234: {  	v16 =	vor.u32 v7, v12;
	_ =	sdelay $0x2  }
0x235: {  	v13 =	vmax.f32 v13, v14  }
0x236: {  	[tilespmem:v15+s16+$0x0] =	vst.idx.msk $0xffff, v13  }
0x237: {  	v13 =	vld.idx.msk [tilespmem:v16+s16+$0x0], $0xffff  }
0x238: {  	v14 =	vld [tilespmem:s25+$0xFFFFFFF0];
	_ =	sdelay $0x1  }
0x239: {  	v15 =	vor.u32 v8, v12;
	_ =	sdelay $0x2  }
0x23a: {  	v13 =	vmax.f32 v13, v14  }
0x23b: {  	[tilespmem:v16+s16+$0x0] =	vst.idx.msk $0xffff, v13  }
0x23c: {  	v13 =	vld.idx.msk [tilespmem:v15+s16+$0x0], $0xffff  }
0x23d: {  	v14 =	vld [tilespmem:s25+$0x0];
	_ =	sdelay $0x1  }
0x23e: {  	v16 =	vor.u32 v9, v12;
	_ =	sdelay $0x2  }
0x23f: {  	v13 =	vmax.f32 v13, v14  }
0x240: {  	[tilespmem:v15+s16+$0x0] =	vst.idx.msk $0xffff, v13  }
0x241: {  	v13 =	vld.idx.msk [tilespmem:v16+s16+$0x0], $0xffff  }
0x242: {  	v14 =	vld [tilespmem:s25+$0x10];
	_ =	sdelay $0x1  }
0x243: {  	v15 =	vor.u32 v10, v12;
	_ =	sdelay $0x2  }
0x244: {  	v13 =	vmax.f32 v13, v14  }
0x245: {  	[tilespmem:v16+s16+$0x0] =	vst.idx.msk $0xffff, v13  }
0x246: {  	v13 =	vld.idx.msk [tilespmem:v15+s16+$0x0], $0xffff  }
0x247: {  	v14 =	vld [tilespmem:s25+$0x20];
	_ =	sdelay $0x1  }
0x248: {  	v12 =	vor.u32 v11, v12;
	_ =	sdelay $0x2  }
0x249: {  	v13 =	vmax.f32 v13, v14  }
0x24a: {  	[tilespmem:v15+s16+$0x0] =	vst.idx.msk $0xffff, v13  }
0x24b: {  	v14 =	vld.idx.msk [tilespmem:v12+s16+$0x0], $0xffff  }
0x24c: {  	v15 =	vld [tilespmem:s25+$0x30]  }
.Ltmp13:
0x24d: {  	(pc) =	sbr.rel @p0 .LBB2_16-.Ltmp13, $2  }
0x24e: {  	v13 =	vmov s28;
	_ =	sdelay $0x2  }
0x24f: {  	v14 =	vmax.f32 v14, v15  }
0x250: {  	_ =	sdelay $0x3  }
0x251: {  	[tilespmem:v12+s16+$0x0] =	vst.idx.msk $0xffff, v14  }
0x252: {  	v12 =	vld.idx.msk [tilespmem:v13+s10+$0x0], $0xffff;
	_ =	sdelay $0x4  }
0x253: {  	v12 =	vsub.s32 v12, v0  }
0x254: {  	v12 =	vshll.u32 v12, $0x7  }
0x255: {  	v13 =	vor.u32 v2, v12;
	_ =	sdelay $0x2  }
0x256: {  	s25 =	sadd.s32 $0x80, s25  }
0x257: {  	v15 =	vld [tilespmem:s25+$0xFFFFFFC0]  }
0x258: {  	v14 =	vld.idx.msk [tilespmem:v13+s16+$0x0], $0xffff;
	_ =	sdelay $0x1  }
0x259: {  	v16 =	vor.u32 v5, v12;
	_ =	sdelay $0x2  }
0x25a: {  	v14 =	vmax.f32 v14, v15  }
0x25b: {  	[tilespmem:v13+s16+$0x0] =	vst.idx.msk $0xffff, v14  }
0x25c: {  	v13 =	vld.idx.msk [tilespmem:v16+s16+$0x0], $0xffff  }
0x25d: {  	v14 =	vld [tilespmem:s25+$0xFFFFFFD0];
	_ =	sdelay $0x1  }
0x25e: {  	v15 =	vor.u32 v6, v12;
	_ =	sdelay $0x2  }
0x25f: {  	v13 =	vmax.f32 v13, v14  }
0x260: {  	[tilespmem:v16+s16+$0x0] =	vst.idx.msk $0xffff, v13  }
0x261: {  	v13 =	vld.idx.msk [tilespmem:v15+s16+$0x0], $0xffff  }
0x262: {  	v14 =	vld [tilespmem:s25+$0xFFFFFFE0];
	_ =	sdelay $0x1  }
0x263: {  	v62 =	vor.u32 v7, v12;
	_ =	sdelay $0x2  }
0x264: {  	v13 =	vmax.f32 v13, v14  }
0x265: {  	[tilespmem:v15+s16+$0x0] =	vst.idx.msk $0xffff, v13  }
0x266: {  	v13 =	vld.idx.msk [tilespmem:v62+s16+$0x0], $0xffff  }
0x267: {  	v14 =	vld [tilespmem:s25+$0xFFFFFFF0];
	_ =	sdelay $0x1  }
0x268: {  	v15 =	vor.u32 v8, v12;
	_ =	sdelay $0x2  }
0x269: {  	v13 =	vmax.f32 v13, v14  }
0x26a: {  	[tilespmem:v62+s16+$0x0] =	vst.idx.msk $0xffff, v13  }
0x26b: {  	v13 =	vld.idx.msk [tilespmem:v15+s16+$0x0], $0xffff  }
0x26c: {  	v14 =	vld [tilespmem:s25+$0x0];
	_ =	sdelay $0x1  }
0x26d: {  	v63 =	vor.u32 v9, v12;
	_ =	sdelay $0x2  }
0x26e: {  	v13 =	vmax.f32 v13, v14  }
0x26f: {  	[tilespmem:v15+s16+$0x0] =	vst.idx.msk $0xffff, v13  }
0x270: {  	v13 =	vld.idx.msk [tilespmem:v63+s16+$0x0], $0xffff  }
0x271: {  	v14 =	vld [tilespmem:s25+$0x10];
	_ =	sdelay $0x1  }
0x272: {  	v15 =	vor.u32 v10, v12;
	_ =	sdelay $0x2  }
0x273: {  	v13 =	vmax.f32 v13, v14  }
0x274: {  	[tilespmem:v63+s16+$0x0] =	vst.idx.msk $0xffff, v13  }
0x275: {  	v13 =	vld.idx.msk [tilespmem:v15+s16+$0x0], $0xffff  }
0x276: {  	v14 =	vld [tilespmem:s25+$0x20];
	_ =	sdelay $0x1  }
0x277: {  	v12 =	vor.u32 v11, v12;
	_ =	sdelay $0x2  }
0x278: {  	v13 =	vmax.f32 v13, v14  }
0x279: {  	[tilespmem:v15+s16+$0x0] =	vst.idx.msk $0xffff, v13  }
0x27a: {  	v13 =	vld.idx.msk [tilespmem:v12+s16+$0x0], $0xffff  }
0x27b: {  	v14 =	vld [tilespmem:s25+$0x30];
	_ =	sdelay $0x3  }
0x27c: {  	p1 =	sne.s32 s24, $0xA1  }
.Ltmp14:
0x27d: {  	v13 =	vmax.f32 v13, v14;
	(pc) =	sbr.rel @!p1 .LBB2_18-.Ltmp14, $4  }
0x27e: {  	[tilespmem:v12+s16+$0x0] =	vst.idx.msk $0xffff, v13  }
0x27f: {  	_ =	swait.ge [sflag:s17], $0x5000  }
0x280: {  	s28 =	simm.s32 $0xA0;
	s26 =	simm.s32 $0xA1;
	[sflag:s17] =	ssyncset.done $0x0  }
0x281: {  	p0 =	por $0x0, $0x0;
	s25 =	simm.s32 $0x5B00;
	v13 =	vmov s28;
	[sflag:s17] =	ssyncadd.s32 $0xFFFFB000  }
0x282: {  	_ =	sdelay $0x3  }
0x283: {  	v12 =	vld.idx.msk [tilespmem:v13+s10+$0x0], $0xffff;
	_ =	sdelay $0x4  }
0x284: {  	v12 =	vsub.s32 v12, v0  }
0x285: {  	v12 =	vshll.u32 v12, $0x7  }
0x286: {  	v13 =	vor.u32 v2, v12;
	_ =	sdelay $0x3  }
0x287: {  	v15 =	vld [tilespmem:s25+$0x0]  }
0x288: {  	v14 =	vld.idx.msk [tilespmem:v13+s16+$0x0], $0xffff;
	_ =	sdelay $0x1  }
0x289: {  	v16 =	vor.u32 v5, v12;
	_ =	sdelay $0x2  }
0x28a: {  	v14 =	vmax.f32 v14, v15  }
0x28b: {  	[tilespmem:v13+s16+$0x0] =	vst.idx.msk $0xffff, v14  }
0x28c: {  	v13 =	vld.idx.msk [tilespmem:v16+s16+$0x0], $0xffff  }
0x28d: {  	v14 =	vld [tilespmem:s25+$0x10];
	_ =	sdelay $0x1  }
0x28e: {  	v15 =	vor.u32 v6, v12;
	_ =	sdelay $0x2  }
0x28f: {  	v13 =	vmax.f32 v13, v14  }
0x290: {  	[tilespmem:v16+s16+$0x0] =	vst.idx.msk $0xffff, v13  }
0x291: {  	v13 =	vld.idx.msk [tilespmem:v15+s16+$0x0], $0xffff  }
0x292: {  	v14 =	vld [tilespmem:s25+$0x20];
	_ =	sdelay $0x1  }
0x293: {  	v62 =	vor.u32 v7, v12;
	_ =	sdelay $0x2  }
0x294: {  	v13 =	vmax.f32 v13, v14  }
0x295: {  	[tilespmem:v15+s16+$0x0] =	vst.idx.msk $0xffff, v13  }
0x296: {  	v13 =	vld.idx.msk [tilespmem:v62+s16+$0x0], $0xffff  }
0x297: {  	v14 =	vld [tilespmem:s25+$0x30];
	_ =	sdelay $0x1  }
0x298: {  	v15 =	vor.u32 v8, v12;
	_ =	sdelay $0x2  }
0x299: {  	v13 =	vmax.f32 v13, v14  }
0x29a: {  	[tilespmem:v62+s16+$0x0] =	vst.idx.msk $0xffff, v13  }
0x29b: {  	v13 =	vld.idx.msk [tilespmem:v15+s16+$0x0], $0xffff  }
0x29c: {  	v14 =	vld [tilespmem:s25+$0x40];
	_ =	sdelay $0x1  }
0x29d: {  	v63 =	vor.u32 v9, v12;
	_ =	sdelay $0x2  }
0x29e: {  	v13 =	vmax.f32 v13, v14  }
0x29f: {  	[tilespmem:v15+s16+$0x0] =	vst.idx.msk $0xffff, v13  }
0x2a0: {  	v13 =	vld.idx.msk [tilespmem:v63+s16+$0x0], $0xffff  }
0x2a1: {  	v14 =	vld [tilespmem:s25+$0x50];
	_ =	sdelay $0x1  }
0x2a2: {  	v15 =	vor.u32 v10, v12;
	_ =	sdelay $0x2  }
0x2a3: {  	v13 =	vmax.f32 v13, v14  }
0x2a4: {  	[tilespmem:v63+s16+$0x0] =	vst.idx.msk $0xffff, v13  }
0x2a5: {  	v13 =	vld.idx.msk [tilespmem:v15+s16+$0x0], $0xffff  }
0x2a6: {  	v14 =	vld [tilespmem:s25+$0x60];
	_ =	sdelay $0x1  }
0x2a7: {  	v12 =	vor.u32 v11, v12;
	_ =	sdelay $0x2  }
0x2a8: {  	v13 =	vmax.f32 v13, v14  }
0x2a9: {  	[tilespmem:v15+s16+$0x0] =	vst.idx.msk $0xffff, v13  }
0x2aa: {  	v14 =	vld.idx.msk [tilespmem:v12+s16+$0x0], $0xffff  }
0x2ab: {  	p1 =	sne.s32 s24, $0xA2;
	v15 =	vld [tilespmem:s25+$0x70]  }
.Ltmp15:
0x2ac: {  	_ = 	snop;
	(pc) =	sbr.rel @!p1 .LBB2_20-.Ltmp15, $2  }
0x2ad: {  	v13 =	vmov s26;
	_ =	sdelay $0x2  }
0x2ae: {  	s28 =	simm.s32 $0xA2;
	p0 =	por $0x1, $0x1;
	s26 =	simm.s32 $0x5B00;
	v14 =	vmax.f32 v14, v15  }
.LBB2_21:
0x2af: {  	[tilespmem:v12+s16+$0x0] =	vst.idx.msk $0xffff, v14;
	s26 =	sadd.s32 $0x80, s26;
	s29 =	smov.u32 s28;
	s28 =	sadd.s32 $0x1, s28  }
0x2b0: {  	p1 =	sne.s32 s24, s28;
	v12 =	vld.idx.msk [tilespmem:v13+s10+$0x0], $0xffff;
	_ =	sdelay $0x5  }
0x2b1: {  	v12 =	vsub.s32 v12, v0  }
0x2b2: {  	v12 =	vshll.u32 v12, $0x7  }
0x2b3: {  	v13 =	vor.u32 v2, v12;
	_ =	sdelay $0x4  }
0x2b4: {  	v14 =	vld.idx.msk [tilespmem:v13+s16+$0x0], $0xffff  }
0x2b5: {  	v15 =	vld [tilespmem:s26+$0x0];
	_ =	sdelay $0x1  }
0x2b6: {  	v16 =	vor.u32 v5, v12;
	_ =	sdelay $0x2  }
0x2b7: {  	v14 =	vmax.f32 v14, v15  }
0x2b8: {  	[tilespmem:v13+s16+$0x0] =	vst.idx.msk $0xffff, v14  }
0x2b9: {  	v13 =	vld.idx.msk [tilespmem:v16+s16+$0x0], $0xffff  }
0x2ba: {  	v14 =	vld [tilespmem:s26+$0x10];
	_ =	sdelay $0x1  }
0x2bb: {  	v15 =	vor.u32 v6, v12;
	_ =	sdelay $0x2  }
0x2bc: {  	v13 =	vmax.f32 v13, v14  }
0x2bd: {  	[tilespmem:v16+s16+$0x0] =	vst.idx.msk $0xffff, v13  }
0x2be: {  	v13 =	vld.idx.msk [tilespmem:v15+s16+$0x0], $0xffff  }
0x2bf: {  	v14 =	vld [tilespmem:s26+$0x20];
	_ =	sdelay $0x1  }
0x2c0: {  	v16 =	vor.u32 v7, v12;
	_ =	sdelay $0x2  }
0x2c1: {  	v13 =	vmax.f32 v13, v14  }
0x2c2: {  	[tilespmem:v15+s16+$0x0] =	vst.idx.msk $0xffff, v13  }
0x2c3: {  	v13 =	vld.idx.msk [tilespmem:v16+s16+$0x0], $0xffff  }
0x2c4: {  	v14 =	vld [tilespmem:s26+$0x30];
	_ =	sdelay $0x1  }
0x2c5: {  	v15 =	vor.u32 v8, v12;
	_ =	sdelay $0x2  }
0x2c6: {  	v13 =	vmax.f32 v13, v14  }
0x2c7: {  	[tilespmem:v16+s16+$0x0] =	vst.idx.msk $0xffff, v13  }
0x2c8: {  	v13 =	vld.idx.msk [tilespmem:v15+s16+$0x0], $0xffff  }
0x2c9: {  	v14 =	vld [tilespmem:s26+$0x40];
	_ =	sdelay $0x1  }
0x2ca: {  	v16 =	vor.u32 v9, v12;
	_ =	sdelay $0x2  }
0x2cb: {  	v13 =	vmax.f32 v13, v14  }
0x2cc: {  	[tilespmem:v15+s16+$0x0] =	vst.idx.msk $0xffff, v13  }
0x2cd: {  	v13 =	vld.idx.msk [tilespmem:v16+s16+$0x0], $0xffff  }
0x2ce: {  	v14 =	vld [tilespmem:s26+$0x50];
	_ =	sdelay $0x1  }
0x2cf: {  	v15 =	vor.u32 v10, v12;
	_ =	sdelay $0x2  }
0x2d0: {  	v13 =	vmax.f32 v13, v14  }
0x2d1: {  	[tilespmem:v16+s16+$0x0] =	vst.idx.msk $0xffff, v13  }
0x2d2: {  	v13 =	vld.idx.msk [tilespmem:v15+s16+$0x0], $0xffff  }
0x2d3: {  	v14 =	vld [tilespmem:s26+$0x60];
	_ =	sdelay $0x1  }
0x2d4: {  	v12 =	vor.u32 v11, v12;
	_ =	sdelay $0x2  }
0x2d5: {  	v13 =	vmax.f32 v13, v14  }
0x2d6: {  	[tilespmem:v15+s16+$0x0] =	vst.idx.msk $0xffff, v13  }
0x2d7: {  	v14 =	vld.idx.msk [tilespmem:v12+s16+$0x0], $0xffff  }
0x2d8: {  	v15 =	vld [tilespmem:s26+$0x70]  }
.Ltmp16:
0x2d9: {  	(pc) =	sbr.rel @p1 .LBB2_21-.Ltmp16, $2  }
0x2da: {  	v13 =	vmov s29;
	_ =	sdelay $0x2  }
0x2db: {  	v14 =	vmax.f32 v14, v15  }
.LBB2_22:
0x2dc: {  	_ =	sdelay $0x3  }
0x2dd: {  	[tilespmem:v12+s16+$0x0] =	vst.idx.msk @p0 $0xffff, v14  }
0x2de: {  	v12 =	vld.idx.msk [tilespmem:v13+s10+$0x0], $0xffff;
	_ =	sdelay $0x4  }
0x2df: {  	v12 =	vsub.s32 v12, v0  }
0x2e0: {  	v12 =	vshll.u32 v12, $0x7  }
0x2e1: {  	v52 =	vor.u32 v2, v12;
	_ =	sdelay $0x1  }
0x2e2: {  	s26 =	sadd.s32 @p0 $0x80, s26  }
0x2e3: {  	s25 =	smov.u32 @p0 s26  }
0x2e4: {  	v15 =	vld [tilespmem:s25+$0x0]  }
0x2e5: {  	v14 =	vld.idx.msk [tilespmem:v52+s16+$0x0], $0xffff;
	_ =	sdelay $0x1  }
0x2e6: {  	v16 =	vor.u32 v5, v12;
	_ =	sdelay $0x2  }
0x2e7: {  	v14 =	vmax.f32 v14, v15  }
0x2e8: {  	[tilespmem:v52+s16+$0x0] =	vst.idx.msk $0xffff, v14  }
0x2e9: {  	v13 =	vld.idx.msk [tilespmem:v16+s16+$0x0], $0xffff  }
0x2ea: {  	v14 =	vld [tilespmem:s25+$0x10];
	_ =	sdelay $0x1  }
0x2eb: {  	v53 =	vor.u32 v6, v12;
	_ =	sdelay $0x2  }
0x2ec: {  	v13 =	vmax.f32 v13, v14  }
0x2ed: {  	[tilespmem:v16+s16+$0x0] =	vst.idx.msk $0xffff, v13  }
0x2ee: {  	v13 =	vld.idx.msk [tilespmem:v53+s16+$0x0], $0xffff  }
0x2ef: {  	v54 =	vld [tilespmem:s25+$0x20];
	_ =	sdelay $0x1  }
0x2f0: {  	v55 =	vor.u32 v7, v12;
	_ =	sdelay $0x2  }
0x2f1: {  	v13 =	vmax.f32 v13, v54  }
0x2f2: {  	[tilespmem:v53+s16+$0x0] =	vst.idx.msk $0xffff, v13  }
0x2f3: {  	v13 =	vld.idx.msk [tilespmem:v55+s16+$0x0], $0xffff  }
0x2f4: {  	v56 =	vld [tilespmem:s25+$0x30];
	_ =	sdelay $0x1  }
0x2f5: {  	v57 =	vor.u32 v8, v12;
	_ =	sdelay $0x2  }
0x2f6: {  	v13 =	vmax.f32 v13, v56  }
0x2f7: {  	[tilespmem:v55+s16+$0x0] =	vst.idx.msk $0xffff, v13  }
0x2f8: {  	v13 =	vld.idx.msk [tilespmem:v57+s16+$0x0], $0xffff  }
0x2f9: {  	v58 =	vld [tilespmem:s25+$0x40];
	_ =	sdelay $0x1  }
0x2fa: {  	v59 =	vor.u32 v9, v12;
	_ =	sdelay $0x2  }
0x2fb: {  	v13 =	vmax.f32 v13, v58  }
0x2fc: {  	[tilespmem:v57+s16+$0x0] =	vst.idx.msk $0xffff, v13  }
0x2fd: {  	v13 =	vld.idx.msk [tilespmem:v59+s16+$0x0], $0xffff  }
0x2fe: {  	v60 =	vld [tilespmem:s25+$0x50];
	_ =	sdelay $0x1  }
0x2ff: {  	v61 =	vor.u32 v10, v12;
	_ =	sdelay $0x2  }
0x300: {  	v13 =	vmax.f32 v13, v60  }
0x301: {  	[tilespmem:v59+s16+$0x0] =	vst.idx.msk $0xffff, v13  }
0x302: {  	v13 =	vld.idx.msk [tilespmem:v61+s16+$0x0], $0xffff  }
0x303: {  	v62 =	vld [tilespmem:s25+$0x60];
	_ =	sdelay $0x1  }
0x304: {  	v12 =	vor.u32 v11, v12;
	_ =	sdelay $0x2  }
0x305: {  	v13 =	vmax.f32 v13, v62  }
0x306: {  	[tilespmem:v61+s16+$0x0] =	vst.idx.msk $0xffff, v13  }
0x307: {  	v13 =	vld.idx.msk [tilespmem:v12+s16+$0x0], $0xffff  }
0x308: {  	v63 =	vld [tilespmem:s25+$0x70];
	_ =	sdelay $0x4  }
0x309: {  	v13 =	vmax.f32 v13, v63  }
0x30a: {  	[tilespmem:v12+s16+$0x0] =	vst.idx.msk $0xffff, v13  }
.LBB2_23:
0x30b: {  	v12 =	vld [tilespmem:s23+$0x20];
	_ =	sdelay $0x4  }
0x30c: {  	vm0 =	vge.s32 v12, v0;
	vm1 =	vlt.s32 v12, v1  }
0x30d: {  	vm0 =	vmand vm0, vm1  }
0x30e: {  	v13 =	vmpcnt.ones.xlane vm0;
	_ =	sdelay $0x1  }
0x30f: {  	(v2sf) =	vpush v13, $0x0;
	_ =	sdelay $0x7  }
0x310: {  	v61 =	vsel vm0, $0x1, v4  }
0x311: {  	(xrf0) =	vadd.scan.msk.s32 $0xffff, v61  }
0x312: {  	p0 =	sgt.s32 s24, $0x12F  }
0x313: {  	s24 =	simm.s32 @p0 $0x0  }
0x314: {  	v62 =	vmov s24  }
0x315: {  	v13 =	vadd.s32 $0xFFFFFFFF, v62  }
0x316: {  	v13 =	vbroadcast v13, $0x0  }
0x317: {  	v14, _, _ =	vpop (xrf0);
	s26 =	spop (v2sf)  }
0x318: {  	v13 =	vadd.s32 v13, v14;
	s24 =	sadd.s32 s24, s26  }
0x319: {  	p0 =	slt.s32 s24, $0x130  }
.Ltmp17:
0x31a: {  	s25 =	sadd.s32 $0x20, s23;
	(pc) =	sbr.rel @p0 .LBB2_32-.Ltmp17, $4  }
0x31b: {  	s25 =	sadd.s32 s21, s25  }
0x31c: {  	v63 =	vor.u32 s25, v2  }
0x31d: {  	[tilespmem:v13+s9+$0x0] =	vst.idx.msk vm0, v63  }
0x31e: {  	[tilespmem:v13+s10+$0x0] =	vst.idx.msk vm0, v12  }
0x31f: {  	[tilespmem:s12], [sflag:$0x1] =	stream.indirect.gather [hbm4b:s4+s11], $0x80, s9, s11, $0xb8;
	[tilespmem:$0x1E700] =	vst v63  }
0x320: {  	s25 =	simm.s32 $0x0  }
0x321: {  	v12 =	vmov s25  }
0x322: {  	[tilespmem:s14], [sflag:$0x2] =	stream.indirect.gather [hbm4b:s4+s11], $0x80, s13, s11, $0xb8;
	[tilespmem:$0x1E700] =	vst v63  }
0x323: {  	_ =	swait.ge [sflag:s15], $0x5000  }
0x324: {  	[sflag:s15] =	ssyncset.done $0x0  }
0x325: {  	[sflag:s15] =	ssyncadd.s32 $0xFFFFB000  }
0x326: {  	v12 =	vld.idx.msk [tilespmem:v12+s10+$0x0], $0xffff;
	_ =	sdelay $0x4  }
0x327: {  	v12 =	vsub.s32 v12, v0  }
0x328: {  	v12 =	vshll.u32 v12, $0x7  }
0x329: {  	v13 =	vor.u32 v2, v12;
	_ =	sdelay $0x2  }
0x32a: {  	s25 =	simm.s32 $0xB40  }
0x32b: {  	v15 =	vld [tilespmem:s25+$0xFFFFFFC0]  }
0x32c: {  	v14 =	vld.idx.msk [tilespmem:v13+s16+$0x0], $0xffff;
	_ =	sdelay $0x1  }
0x32d: {  	v16 =	vor.u32 v5, v12;
	_ =	sdelay $0x2  }
0x32e: {  	v14 =	vmax.f32 v14, v15  }
0x32f: {  	[tilespmem:v13+s16+$0x0] =	vst.idx.msk $0xffff, v14  }
0x330: {  	v13 =	vld.idx.msk [tilespmem:v16+s16+$0x0], $0xffff  }
0x331: {  	v14 =	vld [tilespmem:s25+$0xFFFFFFD0];
	_ =	sdelay $0x1  }
0x332: {  	v15 =	vor.u32 v6, v12;
	_ =	sdelay $0x2  }
0x333: {  	v13 =	vmax.f32 v13, v14  }
0x334: {  	[tilespmem:v16+s16+$0x0] =	vst.idx.msk $0xffff, v13  }
0x335: {  	v13 =	vld.idx.msk [tilespmem:v15+s16+$0x0], $0xffff  }
0x336: {  	v14 =	vld [tilespmem:s25+$0xFFFFFFE0];
	_ =	sdelay $0x1  }
0x337: {  	v62 =	vor.u32 v7, v12;
	_ =	sdelay $0x2  }
0x338: {  	v13 =	vmax.f32 v13, v14  }
0x339: {  	[tilespmem:v15+s16+$0x0] =	vst.idx.msk $0xffff, v13  }
0x33a: {  	v13 =	vld.idx.msk [tilespmem:v62+s16+$0x0], $0xffff  }
0x33b: {  	v14 =	vld [tilespmem:s25+$0xFFFFFFF0];
	_ =	sdelay $0x1  }
0x33c: {  	v15 =	vor.u32 v8, v12;
	_ =	sdelay $0x2  }
0x33d: {  	v13 =	vmax.f32 v13, v14  }
0x33e: {  	[tilespmem:v62+s16+$0x0] =	vst.idx.msk $0xffff, v13  }
0x33f: {  	v13 =	vld.idx.msk [tilespmem:v15+s16+$0x0], $0xffff  }
0x340: {  	v14 =	vld [tilespmem:s25+$0x0];
	_ =	sdelay $0x1  }
0x341: {  	v63 =	vor.u32 v9, v12;
	_ =	sdelay $0x2  }
0x342: {  	v13 =	vmax.f32 v13, v14  }
0x343: {  	[tilespmem:v15+s16+$0x0] =	vst.idx.msk $0xffff, v13  }
0x344: {  	v13 =	vld.idx.msk [tilespmem:v63+s16+$0x0], $0xffff  }
0x345: {  	v14 =	vld [tilespmem:s25+$0x10];
	_ =	sdelay $0x1  }
0x346: {  	v15 =	vor.u32 v10, v12;
	_ =	sdelay $0x2  }
0x347: {  	v13 =	vmax.f32 v13, v14  }
0x348: {  	[tilespmem:v63+s16+$0x0] =	vst.idx.msk $0xffff, v13  }
0x349: {  	v13 =	vld.idx.msk [tilespmem:v15+s16+$0x0], $0xffff  }
0x34a: {  	v14 =	vld [tilespmem:s25+$0x20];
	_ =	sdelay $0x1  }
0x34b: {  	v12 =	vor.u32 v11, v12;
	_ =	sdelay $0x2  }
0x34c: {  	v13 =	vmax.f32 v13, v14  }
0x34d: {  	[tilespmem:v15+s16+$0x0] =	vst.idx.msk $0xffff, v13  }
0x34e: {  	v14 =	vld.idx.msk [tilespmem:v12+s16+$0x0], $0xffff  }
0x34f: {  	v15 =	vld [tilespmem:s25+$0x30];
	_ =	sdelay $0x1  }
0x350: {  	s28 =	simm.s32 $0x1  }
0x351: {  	v13 =	vmov s28;
	_ =	sdelay $0x1  }
0x352: {  	s26 =	simm.s32 $0x2;
	v14 =	vmax.f32 v14, v15  }
.LBB2_25:
0x353: {  	p0 =	sne.s32 s26, $0x9F  }
0x354: {  	[tilespmem:v12+s16+$0x0] =	vst.idx.msk $0xffff, v14;
	s25 =	sadd.s32 $0x80, s25;
	s28 =	smov.u32 s26;
	s26 =	sadd.s32 $0x1, s26  }
0x355: {  	v12 =	vld.idx.msk [tilespmem:v13+s10+$0x0], $0xffff;
	_ =	sdelay $0x5  }
0x356: {  	v12 =	vsub.s32 v12, v0  }
0x357: {  	v12 =	vshll.u32 v12, $0x7  }
0x358: {  	v13 =	vor.u32 v2, v12;
	_ =	sdelay $0x4  }
0x359: {  	v14 =	vld.idx.msk [tilespmem:v13+s16+$0x0], $0xffff  }
0x35a: {  	v15 =	vld [tilespmem:s25+$0xFFFFFFC0];
	_ =	sdelay $0x1  }
0x35b: {  	v16 =	vor.u32 v5, v12;
	_ =	sdelay $0x2  }
0x35c: {  	v14 =	vmax.f32 v14, v15  }
0x35d: {  	[tilespmem:v13+s16+$0x0] =	vst.idx.msk $0xffff, v14  }
0x35e: {  	v13 =	vld.idx.msk [tilespmem:v16+s16+$0x0], $0xffff  }
0x35f: {  	v14 =	vld [tilespmem:s25+$0xFFFFFFD0];
	_ =	sdelay $0x1  }
0x360: {  	v15 =	vor.u32 v6, v12;
	_ =	sdelay $0x2  }
0x361: {  	v13 =	vmax.f32 v13, v14  }
0x362: {  	[tilespmem:v16+s16+$0x0] =	vst.idx.msk $0xffff, v13  }
0x363: {  	v13 =	vld.idx.msk [tilespmem:v15+s16+$0x0], $0xffff  }
0x364: {  	v14 =	vld [tilespmem:s25+$0xFFFFFFE0];
	_ =	sdelay $0x1  }
0x365: {  	v16 =	vor.u32 v7, v12;
	_ =	sdelay $0x2  }
0x366: {  	v13 =	vmax.f32 v13, v14  }
0x367: {  	[tilespmem:v15+s16+$0x0] =	vst.idx.msk $0xffff, v13  }
0x368: {  	v13 =	vld.idx.msk [tilespmem:v16+s16+$0x0], $0xffff  }
0x369: {  	v14 =	vld [tilespmem:s25+$0xFFFFFFF0];
	_ =	sdelay $0x1  }
0x36a: {  	v15 =	vor.u32 v8, v12;
	_ =	sdelay $0x2  }
0x36b: {  	v13 =	vmax.f32 v13, v14  }
0x36c: {  	[tilespmem:v16+s16+$0x0] =	vst.idx.msk $0xffff, v13  }
0x36d: {  	v13 =	vld.idx.msk [tilespmem:v15+s16+$0x0], $0xffff  }
0x36e: {  	v14 =	vld [tilespmem:s25+$0x0];
	_ =	sdelay $0x1  }
0x36f: {  	v16 =	vor.u32 v9, v12;
	_ =	sdelay $0x2  }
0x370: {  	v13 =	vmax.f32 v13, v14  }
0x371: {  	[tilespmem:v15+s16+$0x0] =	vst.idx.msk $0xffff, v13  }
0x372: {  	v13 =	vld.idx.msk [tilespmem:v16+s16+$0x0], $0xffff  }
0x373: {  	v14 =	vld [tilespmem:s25+$0x10];
	_ =	sdelay $0x1  }
0x374: {  	v15 =	vor.u32 v10, v12;
	_ =	sdelay $0x2  }
0x375: {  	v13 =	vmax.f32 v13, v14  }
0x376: {  	[tilespmem:v16+s16+$0x0] =	vst.idx.msk $0xffff, v13  }
0x377: {  	v13 =	vld.idx.msk [tilespmem:v15+s16+$0x0], $0xffff  }
0x378: {  	v14 =	vld [tilespmem:s25+$0x20];
	_ =	sdelay $0x1  }
0x379: {  	v12 =	vor.u32 v11, v12;
	_ =	sdelay $0x2  }
0x37a: {  	v13 =	vmax.f32 v13, v14  }
0x37b: {  	[tilespmem:v15+s16+$0x0] =	vst.idx.msk $0xffff, v13  }
0x37c: {  	v14 =	vld.idx.msk [tilespmem:v12+s16+$0x0], $0xffff  }
0x37d: {  	v15 =	vld [tilespmem:s25+$0x30]  }
.Ltmp18:
0x37e: {  	(pc) =	sbr.rel @p0 .LBB2_25-.Ltmp18, $2  }
0x37f: {  	v13 =	vmov s28;
	_ =	sdelay $0x2  }
0x380: {  	v14 =	vmax.f32 v14, v15  }
0x381: {  	_ =	sdelay $0x3  }
0x382: {  	[tilespmem:v12+s16+$0x0] =	vst.idx.msk $0xffff, v14  }
0x383: {  	v12 =	vld.idx.msk [tilespmem:v13+s10+$0x0], $0xffff;
	_ =	sdelay $0x4  }
0x384: {  	v12 =	vsub.s32 v12, v0  }
0x385: {  	v12 =	vshll.u32 v12, $0x7  }
0x386: {  	v13 =	vor.u32 v2, v12;
	_ =	sdelay $0x2  }
0x387: {  	s25 =	sadd.s32 $0x80, s25  }
0x388: {  	v15 =	vld [tilespmem:s25+$0xFFFFFFC0]  }
0x389: {  	v14 =	vld.idx.msk [tilespmem:v13+s16+$0x0], $0xffff;
	_ =	sdelay $0x1  }
0x38a: {  	v16 =	vor.u32 v5, v12;
	_ =	sdelay $0x2  }
0x38b: {  	v14 =	vmax.f32 v14, v15  }
0x38c: {  	[tilespmem:v13+s16+$0x0] =	vst.idx.msk $0xffff, v14  }
0x38d: {  	v13 =	vld.idx.msk [tilespmem:v16+s16+$0x0], $0xffff  }
0x38e: {  	v14 =	vld [tilespmem:s25+$0xFFFFFFD0];
	_ =	sdelay $0x1  }
0x38f: {  	v15 =	vor.u32 v6, v12;
	_ =	sdelay $0x2  }
0x390: {  	v13 =	vmax.f32 v13, v14  }
0x391: {  	[tilespmem:v16+s16+$0x0] =	vst.idx.msk $0xffff, v13  }
0x392: {  	v13 =	vld.idx.msk [tilespmem:v15+s16+$0x0], $0xffff  }
0x393: {  	v14 =	vld [tilespmem:s25+$0xFFFFFFE0];
	_ =	sdelay $0x1  }
0x394: {  	v62 =	vor.u32 v7, v12;
	_ =	sdelay $0x2  }
0x395: {  	v13 =	vmax.f32 v13, v14  }
0x396: {  	[tilespmem:v15+s16+$0x0] =	vst.idx.msk $0xffff, v13  }
0x397: {  	v13 =	vld.idx.msk [tilespmem:v62+s16+$0x0], $0xffff  }
0x398: {  	v14 =	vld [tilespmem:s25+$0xFFFFFFF0];
	_ =	sdelay $0x1  }
0x399: {  	v15 =	vor.u32 v8, v12;
	_ =	sdelay $0x2  }
0x39a: {  	v13 =	vmax.f32 v13, v14  }
0x39b: {  	[tilespmem:v62+s16+$0x0] =	vst.idx.msk $0xffff, v13  }
0x39c: {  	v13 =	vld.idx.msk [tilespmem:v15+s16+$0x0], $0xffff  }
0x39d: {  	v14 =	vld [tilespmem:s25+$0x0];
	_ =	sdelay $0x1  }
0x39e: {  	v63 =	vor.u32 v9, v12;
	_ =	sdelay $0x2  }
0x39f: {  	v13 =	vmax.f32 v13, v14  }
0x3a0: {  	[tilespmem:v15+s16+$0x0] =	vst.idx.msk $0xffff, v13  }
0x3a1: {  	v13 =	vld.idx.msk [tilespmem:v63+s16+$0x0], $0xffff  }
0x3a2: {  	v14 =	vld [tilespmem:s25+$0x10];
	_ =	sdelay $0x1  }
0x3a3: {  	v15 =	vor.u32 v10, v12;
	_ =	sdelay $0x2  }
0x3a4: {  	v13 =	vmax.f32 v13, v14  }
0x3a5: {  	[tilespmem:v63+s16+$0x0] =	vst.idx.msk $0xffff, v13  }
0x3a6: {  	v13 =	vld.idx.msk [tilespmem:v15+s16+$0x0], $0xffff  }
0x3a7: {  	v14 =	vld [tilespmem:s25+$0x20];
	_ =	sdelay $0x1  }
0x3a8: {  	v12 =	vor.u32 v11, v12;
	_ =	sdelay $0x2  }
0x3a9: {  	v13 =	vmax.f32 v13, v14  }
0x3aa: {  	[tilespmem:v15+s16+$0x0] =	vst.idx.msk $0xffff, v13  }
0x3ab: {  	v13 =	vld.idx.msk [tilespmem:v12+s16+$0x0], $0xffff  }
0x3ac: {  	v14 =	vld [tilespmem:s25+$0x30];
	_ =	sdelay $0x3  }
0x3ad: {  	p1 =	sne.s32 s24, $0xA1  }
.Ltmp19:
0x3ae: {  	v13 =	vmax.f32 v13, v14;
	(pc) =	sbr.rel @!p1 .LBB2_27-.Ltmp19, $4  }
0x3af: {  	[tilespmem:v12+s16+$0x0] =	vst.idx.msk $0xffff, v13  }
0x3b0: {  	_ =	swait.ge [sflag:s17], $0x5000  }
0x3b1: {  	s28 =	simm.s32 $0xA0;
	s26 =	simm.s32 $0xA1;
	[sflag:s17] =	ssyncset.done $0x0  }
0x3b2: {  	p0 =	por $0x0, $0x0;
	s25 =	simm.s32 $0x5B00;
	v13 =	vmov s28;
	[sflag:s17] =	ssyncadd.s32 $0xFFFFB000  }
0x3b3: {  	_ =	sdelay $0x3  }
0x3b4: {  	v12 =	vld.idx.msk [tilespmem:v13+s10+$0x0], $0xffff;
	_ =	sdelay $0x4  }
0x3b5: {  	v12 =	vsub.s32 v12, v0  }
0x3b6: {  	v12 =	vshll.u32 v12, $0x7  }
0x3b7: {  	v13 =	vor.u32 v2, v12;
	_ =	sdelay $0x3  }
0x3b8: {  	v15 =	vld [tilespmem:s25+$0x0]  }
0x3b9: {  	v14 =	vld.idx.msk [tilespmem:v13+s16+$0x0], $0xffff;
	_ =	sdelay $0x1  }
0x3ba: {  	v16 =	vor.u32 v5, v12;
	_ =	sdelay $0x2  }
0x3bb: {  	v14 =	vmax.f32 v14, v15  }
0x3bc: {  	[tilespmem:v13+s16+$0x0] =	vst.idx.msk $0xffff, v14  }
0x3bd: {  	v13 =	vld.idx.msk [tilespmem:v16+s16+$0x0], $0xffff  }
0x3be: {  	v14 =	vld [tilespmem:s25+$0x10];
	_ =	sdelay $0x1  }
0x3bf: {  	v15 =	vor.u32 v6, v12;
	_ =	sdelay $0x2  }
0x3c0: {  	v13 =	vmax.f32 v13, v14  }
0x3c1: {  	[tilespmem:v16+s16+$0x0] =	vst.idx.msk $0xffff, v13  }
0x3c2: {  	v13 =	vld.idx.msk [tilespmem:v15+s16+$0x0], $0xffff  }
0x3c3: {  	v14 =	vld [tilespmem:s25+$0x20];
	_ =	sdelay $0x1  }
0x3c4: {  	v62 =	vor.u32 v7, v12;
	_ =	sdelay $0x2  }
0x3c5: {  	v13 =	vmax.f32 v13, v14  }
0x3c6: {  	[tilespmem:v15+s16+$0x0] =	vst.idx.msk $0xffff, v13  }
0x3c7: {  	v13 =	vld.idx.msk [tilespmem:v62+s16+$0x0], $0xffff  }
0x3c8: {  	v14 =	vld [tilespmem:s25+$0x30];
	_ =	sdelay $0x1  }
0x3c9: {  	v15 =	vor.u32 v8, v12;
	_ =	sdelay $0x2  }
0x3ca: {  	v13 =	vmax.f32 v13, v14  }
0x3cb: {  	[tilespmem:v62+s16+$0x0] =	vst.idx.msk $0xffff, v13  }
0x3cc: {  	v13 =	vld.idx.msk [tilespmem:v15+s16+$0x0], $0xffff  }
0x3cd: {  	v14 =	vld [tilespmem:s25+$0x40];
	_ =	sdelay $0x1  }
0x3ce: {  	v63 =	vor.u32 v9, v12;
	_ =	sdelay $0x2  }
0x3cf: {  	v13 =	vmax.f32 v13, v14  }
0x3d0: {  	[tilespmem:v15+s16+$0x0] =	vst.idx.msk $0xffff, v13  }
0x3d1: {  	v13 =	vld.idx.msk [tilespmem:v63+s16+$0x0], $0xffff  }
0x3d2: {  	v14 =	vld [tilespmem:s25+$0x50];
	_ =	sdelay $0x1  }
0x3d3: {  	v15 =	vor.u32 v10, v12;
	_ =	sdelay $0x2  }
0x3d4: {  	v13 =	vmax.f32 v13, v14  }
0x3d5: {  	[tilespmem:v63+s16+$0x0] =	vst.idx.msk $0xffff, v13  }
0x3d6: {  	v13 =	vld.idx.msk [tilespmem:v15+s16+$0x0], $0xffff  }
0x3d7: {  	v14 =	vld [tilespmem:s25+$0x60];
	_ =	sdelay $0x1  }
0x3d8: {  	v12 =	vor.u32 v11, v12;
	_ =	sdelay $0x2  }
0x3d9: {  	v13 =	vmax.f32 v13, v14  }
0x3da: {  	[tilespmem:v15+s16+$0x0] =	vst.idx.msk $0xffff, v13  }
0x3db: {  	v14 =	vld.idx.msk [tilespmem:v12+s16+$0x0], $0xffff  }
0x3dc: {  	p1 =	sne.s32 s24, $0xA2;
	v15 =	vld [tilespmem:s25+$0x70]  }
.Ltmp20:
0x3dd: {  	_ = 	snop;
	(pc) =	sbr.rel @!p1 .LBB2_29-.Ltmp20, $2  }
0x3de: {  	v13 =	vmov s26;
	_ =	sdelay $0x2  }
0x3df: {  	s28 =	simm.s32 $0xA2;
	p0 =	por $0x1, $0x1;
	s26 =	simm.s32 $0x5B00;
	v14 =	vmax.f32 v14, v15  }
.LBB2_30:
0x3e0: {  	[tilespmem:v12+s16+$0x0] =	vst.idx.msk $0xffff, v14;
	s26 =	sadd.s32 $0x80, s26;
	s29 =	smov.u32 s28;
	s28 =	sadd.s32 $0x1, s28  }
0x3e1: {  	p1 =	sne.s32 s24, s28;
	v12 =	vld.idx.msk [tilespmem:v13+s10+$0x0], $0xffff;
	_ =	sdelay $0x5  }
0x3e2: {  	v12 =	vsub.s32 v12, v0  }
0x3e3: {  	v12 =	vshll.u32 v12, $0x7  }
0x3e4: {  	v13 =	vor.u32 v2, v12;
	_ =	sdelay $0x4  }
0x3e5: {  	v14 =	vld.idx.msk [tilespmem:v13+s16+$0x0], $0xffff  }
0x3e6: {  	v15 =	vld [tilespmem:s26+$0x0];
	_ =	sdelay $0x1  }
0x3e7: {  	v16 =	vor.u32 v5, v12;
	_ =	sdelay $0x2  }
0x3e8: {  	v14 =	vmax.f32 v14, v15  }
0x3e9: {  	[tilespmem:v13+s16+$0x0] =	vst.idx.msk $0xffff, v14  }
0x3ea: {  	v13 =	vld.idx.msk [tilespmem:v16+s16+$0x0], $0xffff  }
0x3eb: {  	v14 =	vld [tilespmem:s26+$0x10];
	_ =	sdelay $0x1  }
0x3ec: {  	v15 =	vor.u32 v6, v12;
	_ =	sdelay $0x2  }
0x3ed: {  	v13 =	vmax.f32 v13, v14  }
0x3ee: {  	[tilespmem:v16+s16+$0x0] =	vst.idx.msk $0xffff, v13  }
0x3ef: {  	v13 =	vld.idx.msk [tilespmem:v15+s16+$0x0], $0xffff  }
0x3f0: {  	v14 =	vld [tilespmem:s26+$0x20];
	_ =	sdelay $0x1  }
0x3f1: {  	v16 =	vor.u32 v7, v12;
	_ =	sdelay $0x2  }
0x3f2: {  	v13 =	vmax.f32 v13, v14  }
0x3f3: {  	[tilespmem:v15+s16+$0x0] =	vst.idx.msk $0xffff, v13  }
0x3f4: {  	v13 =	vld.idx.msk [tilespmem:v16+s16+$0x0], $0xffff  }
0x3f5: {  	v14 =	vld [tilespmem:s26+$0x30];
	_ =	sdelay $0x1  }
0x3f6: {  	v15 =	vor.u32 v8, v12;
	_ =	sdelay $0x2  }
0x3f7: {  	v13 =	vmax.f32 v13, v14  }
0x3f8: {  	[tilespmem:v16+s16+$0x0] =	vst.idx.msk $0xffff, v13  }
0x3f9: {  	v13 =	vld.idx.msk [tilespmem:v15+s16+$0x0], $0xffff  }
0x3fa: {  	v14 =	vld [tilespmem:s26+$0x40];
	_ =	sdelay $0x1  }
0x3fb: {  	v16 =	vor.u32 v9, v12;
	_ =	sdelay $0x2  }
0x3fc: {  	v13 =	vmax.f32 v13, v14  }
0x3fd: {  	[tilespmem:v15+s16+$0x0] =	vst.idx.msk $0xffff, v13  }
0x3fe: {  	v13 =	vld.idx.msk [tilespmem:v16+s16+$0x0], $0xffff  }
0x3ff: {  	v14 =	vld [tilespmem:s26+$0x50];
	_ =	sdelay $0x1  }
0x400: {  	v15 =	vor.u32 v10, v12;
	_ =	sdelay $0x2  }
0x401: {  	v13 =	vmax.f32 v13, v14  }
0x402: {  	[tilespmem:v16+s16+$0x0] =	vst.idx.msk $0xffff, v13  }
0x403: {  	v13 =	vld.idx.msk [tilespmem:v15+s16+$0x0], $0xffff  }
0x404: {  	v14 =	vld [tilespmem:s26+$0x60];
	_ =	sdelay $0x1  }
0x405: {  	v12 =	vor.u32 v11, v12;
	_ =	sdelay $0x2  }
0x406: {  	v13 =	vmax.f32 v13, v14  }
0x407: {  	[tilespmem:v15+s16+$0x0] =	vst.idx.msk $0xffff, v13  }
0x408: {  	v14 =	vld.idx.msk [tilespmem:v12+s16+$0x0], $0xffff  }
0x409: {  	v15 =	vld [tilespmem:s26+$0x70]  }
.Ltmp21:
0x40a: {  	(pc) =	sbr.rel @p1 .LBB2_30-.Ltmp21, $2  }
0x40b: {  	v13 =	vmov s29;
	_ =	sdelay $0x2  }
0x40c: {  	v14 =	vmax.f32 v14, v15  }
.LBB2_31:
0x40d: {  	_ =	sdelay $0x3  }
0x40e: {  	[tilespmem:v12+s16+$0x0] =	vst.idx.msk @p0 $0xffff, v14  }
0x40f: {  	v12 =	vld.idx.msk [tilespmem:v13+s10+$0x0], $0xffff;
	_ =	sdelay $0x4  }
0x410: {  	v12 =	vsub.s32 v12, v0  }
0x411: {  	v12 =	vshll.u32 v12, $0x7  }
0x412: {  	v52 =	vor.u32 v2, v12;
	_ =	sdelay $0x1  }
0x413: {  	s26 =	sadd.s32 @p0 $0x80, s26  }
0x414: {  	s25 =	smov.u32 @p0 s26  }
0x415: {  	v15 =	vld [tilespmem:s25+$0x0]  }
0x416: {  	v14 =	vld.idx.msk [tilespmem:v52+s16+$0x0], $0xffff;
	_ =	sdelay $0x1  }
0x417: {  	v16 =	vor.u32 v5, v12;
	_ =	sdelay $0x2  }
0x418: {  	v14 =	vmax.f32 v14, v15  }
0x419: {  	[tilespmem:v52+s16+$0x0] =	vst.idx.msk $0xffff, v14  }
0x41a: {  	v13 =	vld.idx.msk [tilespmem:v16+s16+$0x0], $0xffff  }
0x41b: {  	v14 =	vld [tilespmem:s25+$0x10];
	_ =	sdelay $0x1  }
0x41c: {  	v53 =	vor.u32 v6, v12;
	_ =	sdelay $0x2  }
0x41d: {  	v13 =	vmax.f32 v13, v14  }
0x41e: {  	[tilespmem:v16+s16+$0x0] =	vst.idx.msk $0xffff, v13  }
0x41f: {  	v13 =	vld.idx.msk [tilespmem:v53+s16+$0x0], $0xffff  }
0x420: {  	v54 =	vld [tilespmem:s25+$0x20];
	_ =	sdelay $0x1  }
0x421: {  	v55 =	vor.u32 v7, v12;
	_ =	sdelay $0x2  }
0x422: {  	v13 =	vmax.f32 v13, v54  }
0x423: {  	[tilespmem:v53+s16+$0x0] =	vst.idx.msk $0xffff, v13  }
0x424: {  	v13 =	vld.idx.msk [tilespmem:v55+s16+$0x0], $0xffff  }
0x425: {  	v56 =	vld [tilespmem:s25+$0x30];
	_ =	sdelay $0x1  }
0x426: {  	v57 =	vor.u32 v8, v12;
	_ =	sdelay $0x2  }
0x427: {  	v13 =	vmax.f32 v13, v56  }
0x428: {  	[tilespmem:v55+s16+$0x0] =	vst.idx.msk $0xffff, v13  }
0x429: {  	v13 =	vld.idx.msk [tilespmem:v57+s16+$0x0], $0xffff  }
0x42a: {  	v58 =	vld [tilespmem:s25+$0x40];
	_ =	sdelay $0x1  }
0x42b: {  	v59 =	vor.u32 v9, v12;
	_ =	sdelay $0x2  }
0x42c: {  	v13 =	vmax.f32 v13, v58  }
0x42d: {  	[tilespmem:v57+s16+$0x0] =	vst.idx.msk $0xffff, v13  }
0x42e: {  	v13 =	vld.idx.msk [tilespmem:v59+s16+$0x0], $0xffff  }
0x42f: {  	v60 =	vld [tilespmem:s25+$0x50];
	_ =	sdelay $0x1  }
0x430: {  	v61 =	vor.u32 v10, v12;
	_ =	sdelay $0x2  }
0x431: {  	v13 =	vmax.f32 v13, v60  }
0x432: {  	[tilespmem:v59+s16+$0x0] =	vst.idx.msk $0xffff, v13  }
0x433: {  	v13 =	vld.idx.msk [tilespmem:v61+s16+$0x0], $0xffff  }
0x434: {  	v62 =	vld [tilespmem:s25+$0x60];
	_ =	sdelay $0x1  }
0x435: {  	v12 =	vor.u32 v11, v12;
	_ =	sdelay $0x2  }
0x436: {  	v13 =	vmax.f32 v13, v62  }
0x437: {  	[tilespmem:v61+s16+$0x0] =	vst.idx.msk $0xffff, v13  }
0x438: {  	v13 =	vld.idx.msk [tilespmem:v12+s16+$0x0], $0xffff  }
0x439: {  	v63 =	vld [tilespmem:s25+$0x70];
	_ =	sdelay $0x4  }
0x43a: {  	v13 =	vmax.f32 v13, v63  }
0x43b: {  	[tilespmem:v12+s16+$0x0] =	vst.idx.msk $0xffff, v13  }
.LBB2_32:
0x43c: {  	v12 =	vld [tilespmem:s23+$0x30];
	_ =	sdelay $0x4  }
0x43d: {  	vm0 =	vge.s32 v12, v0;
	vm1 =	vlt.s32 v12, v1  }
0x43e: {  	vm0 =	vmand vm0, vm1  }
0x43f: {  	v13 =	vmpcnt.ones.xlane vm0;
	_ =	sdelay $0x1  }
0x440: {  	(v2sf) =	vpush v13, $0x0;
	_ =	sdelay $0x7  }
0x441: {  	v61 =	vsel vm0, $0x1, v4  }
0x442: {  	(xrf0) =	vadd.scan.msk.s32 $0xffff, v61  }
0x443: {  	p0 =	sgt.s32 s24, $0x12F  }
0x444: {  	s24 =	simm.s32 @p0 $0x0  }
0x445: {  	v62 =	vmov s24  }
0x446: {  	v13 =	vadd.s32 $0xFFFFFFFF, v62  }
0x447: {  	v13 =	vbroadcast v13, $0x0  }
0x448: {  	v14, _, _ =	vpop (xrf0);
	s26 =	spop (v2sf)  }
0x449: {  	v13 =	vadd.s32 v13, v14;
	s24 =	sadd.s32 s24, s26  }
0x44a: {  	p0 =	slt.s32 s24, $0x130  }
.Ltmp22:
0x44b: {  	s25 =	sadd.s32 $0x30, s23;
	(pc) =	sbr.rel @p0 .LBB2_41-.Ltmp22, $4  }
0x44c: {  	s25 =	sadd.s32 s21, s25  }
0x44d: {  	v63 =	vor.u32 s25, v2  }
0x44e: {  	[tilespmem:v13+s9+$0x0] =	vst.idx.msk vm0, v63  }
0x44f: {  	[tilespmem:v13+s10+$0x0] =	vst.idx.msk vm0, v12  }
0x450: {  	[tilespmem:s12], [sflag:$0x1] =	stream.indirect.gather [hbm4b:s4+s11], $0x80, s9, s11, $0xb8;
	[tilespmem:$0x1E700] =	vst v63  }
0x451: {  	s25 =	simm.s32 $0x0  }
0x452: {  	v12 =	vmov s25  }
0x453: {  	[tilespmem:s14], [sflag:$0x2] =	stream.indirect.gather [hbm4b:s4+s11], $0x80, s13, s11, $0xb8;
	[tilespmem:$0x1E700] =	vst v63  }
0x454: {  	_ =	swait.ge [sflag:s15], $0x5000  }
0x455: {  	[sflag:s15] =	ssyncset.done $0x0  }
0x456: {  	[sflag:s15] =	ssyncadd.s32 $0xFFFFB000  }
0x457: {  	v12 =	vld.idx.msk [tilespmem:v12+s10+$0x0], $0xffff;
	_ =	sdelay $0x4  }
0x458: {  	v12 =	vsub.s32 v12, v0  }
0x459: {  	v12 =	vshll.u32 v12, $0x7  }
0x45a: {  	v13 =	vor.u32 v2, v12;
	_ =	sdelay $0x2  }
0x45b: {  	s25 =	simm.s32 $0xB40  }
0x45c: {  	v15 =	vld [tilespmem:s25+$0xFFFFFFC0]  }
0x45d: {  	v14 =	vld.idx.msk [tilespmem:v13+s16+$0x0], $0xffff;
	_ =	sdelay $0x1  }
0x45e: {  	v16 =	vor.u32 v5, v12;
	_ =	sdelay $0x2  }
0x45f: {  	v14 =	vmax.f32 v14, v15  }
0x460: {  	[tilespmem:v13+s16+$0x0] =	vst.idx.msk $0xffff, v14  }
0x461: {  	v13 =	vld.idx.msk [tilespmem:v16+s16+$0x0], $0xffff  }
0x462: {  	v14 =	vld [tilespmem:s25+$0xFFFFFFD0];
	_ =	sdelay $0x1  }
0x463: {  	v15 =	vor.u32 v6, v12;
	_ =	sdelay $0x2  }
0x464: {  	v13 =	vmax.f32 v13, v14  }
0x465: {  	[tilespmem:v16+s16+$0x0] =	vst.idx.msk $0xffff, v13  }
0x466: {  	v13 =	vld.idx.msk [tilespmem:v15+s16+$0x0], $0xffff  }
0x467: {  	v14 =	vld [tilespmem:s25+$0xFFFFFFE0];
	_ =	sdelay $0x1  }
0x468: {  	v62 =	vor.u32 v7, v12;
	_ =	sdelay $0x2  }
0x469: {  	v13 =	vmax.f32 v13, v14  }
0x46a: {  	[tilespmem:v15+s16+$0x0] =	vst.idx.msk $0xffff, v13  }
0x46b: {  	v13 =	vld.idx.msk [tilespmem:v62+s16+$0x0], $0xffff  }
0x46c: {  	v14 =	vld [tilespmem:s25+$0xFFFFFFF0];
	_ =	sdelay $0x1  }
0x46d: {  	v15 =	vor.u32 v8, v12;
	_ =	sdelay $0x2  }
0x46e: {  	v13 =	vmax.f32 v13, v14  }
0x46f: {  	[tilespmem:v62+s16+$0x0] =	vst.idx.msk $0xffff, v13  }
0x470: {  	v13 =	vld.idx.msk [tilespmem:v15+s16+$0x0], $0xffff  }
0x471: {  	v14 =	vld [tilespmem:s25+$0x0];
	_ =	sdelay $0x1  }
0x472: {  	v63 =	vor.u32 v9, v12;
	_ =	sdelay $0x2  }
0x473: {  	v13 =	vmax.f32 v13, v14  }
0x474: {  	[tilespmem:v15+s16+$0x0] =	vst.idx.msk $0xffff, v13  }
0x475: {  	v13 =	vld.idx.msk [tilespmem:v63+s16+$0x0], $0xffff  }
0x476: {  	v14 =	vld [tilespmem:s25+$0x10];
	_ =	sdelay $0x1  }
0x477: {  	v15 =	vor.u32 v10, v12;
	_ =	sdelay $0x2  }
0x478: {  	v13 =	vmax.f32 v13, v14  }
0x479: {  	[tilespmem:v63+s16+$0x0] =	vst.idx.msk $0xffff, v13  }
0x47a: {  	v13 =	vld.idx.msk [tilespmem:v15+s16+$0x0], $0xffff  }
0x47b: {  	v14 =	vld [tilespmem:s25+$0x20];
	_ =	sdelay $0x1  }
0x47c: {  	v12 =	vor.u32 v11, v12;
	_ =	sdelay $0x2  }
0x47d: {  	v13 =	vmax.f32 v13, v14  }
0x47e: {  	[tilespmem:v15+s16+$0x0] =	vst.idx.msk $0xffff, v13  }
0x47f: {  	v14 =	vld.idx.msk [tilespmem:v12+s16+$0x0], $0xffff  }
0x480: {  	v15 =	vld [tilespmem:s25+$0x30];
	_ =	sdelay $0x1  }
0x481: {  	s28 =	simm.s32 $0x1  }
0x482: {  	v13 =	vmov s28;
	_ =	sdelay $0x1  }
0x483: {  	s26 =	simm.s32 $0x2;
	v14 =	vmax.f32 v14, v15  }
.LBB2_34:
0x484: {  	p0 =	sne.s32 s26, $0x9F  }
0x485: {  	[tilespmem:v12+s16+$0x0] =	vst.idx.msk $0xffff, v14;
	s25 =	sadd.s32 $0x80, s25;
	s28 =	smov.u32 s26;
	s26 =	sadd.s32 $0x1, s26  }
0x486: {  	v12 =	vld.idx.msk [tilespmem:v13+s10+$0x0], $0xffff;
	_ =	sdelay $0x5  }
0x487: {  	v12 =	vsub.s32 v12, v0  }
0x488: {  	v12 =	vshll.u32 v12, $0x7  }
0x489: {  	v13 =	vor.u32 v2, v12;
	_ =	sdelay $0x4  }
0x48a: {  	v14 =	vld.idx.msk [tilespmem:v13+s16+$0x0], $0xffff  }
0x48b: {  	v15 =	vld [tilespmem:s25+$0xFFFFFFC0];
	_ =	sdelay $0x1  }
0x48c: {  	v16 =	vor.u32 v5, v12;
	_ =	sdelay $0x2  }
0x48d: {  	v14 =	vmax.f32 v14, v15  }
0x48e: {  	[tilespmem:v13+s16+$0x0] =	vst.idx.msk $0xffff, v14  }
0x48f: {  	v13 =	vld.idx.msk [tilespmem:v16+s16+$0x0], $0xffff  }
0x490: {  	v14 =	vld [tilespmem:s25+$0xFFFFFFD0];
	_ =	sdelay $0x1  }
0x491: {  	v15 =	vor.u32 v6, v12;
	_ =	sdelay $0x2  }
0x492: {  	v13 =	vmax.f32 v13, v14  }
0x493: {  	[tilespmem:v16+s16+$0x0] =	vst.idx.msk $0xffff, v13  }
0x494: {  	v13 =	vld.idx.msk [tilespmem:v15+s16+$0x0], $0xffff  }
0x495: {  	v14 =	vld [tilespmem:s25+$0xFFFFFFE0];
	_ =	sdelay $0x1  }
0x496: {  	v16 =	vor.u32 v7, v12;
	_ =	sdelay $0x2  }
0x497: {  	v13 =	vmax.f32 v13, v14  }
0x498: {  	[tilespmem:v15+s16+$0x0] =	vst.idx.msk $0xffff, v13  }
0x499: {  	v13 =	vld.idx.msk [tilespmem:v16+s16+$0x0], $0xffff  }
0x49a: {  	v14 =	vld [tilespmem:s25+$0xFFFFFFF0];
	_ =	sdelay $0x1  }
0x49b: {  	v15 =	vor.u32 v8, v12;
	_ =	sdelay $0x2  }
0x49c: {  	v13 =	vmax.f32 v13, v14  }
0x49d: {  	[tilespmem:v16+s16+$0x0] =	vst.idx.msk $0xffff, v13  }
0x49e: {  	v13 =	vld.idx.msk [tilespmem:v15+s16+$0x0], $0xffff  }
0x49f: {  	v14 =	vld [tilespmem:s25+$0x0];
	_ =	sdelay $0x1  }
0x4a0: {  	v16 =	vor.u32 v9, v12;
	_ =	sdelay $0x2  }
0x4a1: {  	v13 =	vmax.f32 v13, v14  }
0x4a2: {  	[tilespmem:v15+s16+$0x0] =	vst.idx.msk $0xffff, v13  }
0x4a3: {  	v13 =	vld.idx.msk [tilespmem:v16+s16+$0x0], $0xffff  }
0x4a4: {  	v14 =	vld [tilespmem:s25+$0x10];
	_ =	sdelay $0x1  }
0x4a5: {  	v15 =	vor.u32 v10, v12;
	_ =	sdelay $0x2  }
0x4a6: {  	v13 =	vmax.f32 v13, v14  }
0x4a7: {  	[tilespmem:v16+s16+$0x0] =	vst.idx.msk $0xffff, v13  }
0x4a8: {  	v13 =	vld.idx.msk [tilespmem:v15+s16+$0x0], $0xffff  }
0x4a9: {  	v14 =	vld [tilespmem:s25+$0x20];
	_ =	sdelay $0x1  }
0x4aa: {  	v12 =	vor.u32 v11, v12;
	_ =	sdelay $0x2  }
0x4ab: {  	v13 =	vmax.f32 v13, v14  }
0x4ac: {  	[tilespmem:v15+s16+$0x0] =	vst.idx.msk $0xffff, v13  }
0x4ad: {  	v14 =	vld.idx.msk [tilespmem:v12+s16+$0x0], $0xffff  }
0x4ae: {  	v15 =	vld [tilespmem:s25+$0x30]  }
.Ltmp23:
0x4af: {  	(pc) =	sbr.rel @p0 .LBB2_34-.Ltmp23, $2  }
0x4b0: {  	v13 =	vmov s28;
	_ =	sdelay $0x2  }
0x4b1: {  	v14 =	vmax.f32 v14, v15  }
0x4b2: {  	_ =	sdelay $0x3  }
0x4b3: {  	[tilespmem:v12+s16+$0x0] =	vst.idx.msk $0xffff, v14  }
0x4b4: {  	v12 =	vld.idx.msk [tilespmem:v13+s10+$0x0], $0xffff;
	_ =	sdelay $0x4  }
0x4b5: {  	v12 =	vsub.s32 v12, v0  }
0x4b6: {  	v12 =	vshll.u32 v12, $0x7  }
0x4b7: {  	v13 =	vor.u32 v2, v12;
	_ =	sdelay $0x2  }
0x4b8: {  	s25 =	sadd.s32 $0x80, s25  }
0x4b9: {  	v15 =	vld [tilespmem:s25+$0xFFFFFFC0]  }
0x4ba: {  	v14 =	vld.idx.msk [tilespmem:v13+s16+$0x0], $0xffff;
	_ =	sdelay $0x1  }
0x4bb: {  	v16 =	vor.u32 v5, v12;
	_ =	sdelay $0x2  }
0x4bc: {  	v14 =	vmax.f32 v14, v15  }
0x4bd: {  	[tilespmem:v13+s16+$0x0] =	vst.idx.msk $0xffff, v14  }
0x4be: {  	v13 =	vld.idx.msk [tilespmem:v16+s16+$0x0], $0xffff  }
0x4bf: {  	v14 =	vld [tilespmem:s25+$0xFFFFFFD0];
	_ =	sdelay $0x1  }
0x4c0: {  	v15 =	vor.u32 v6, v12;
	_ =	sdelay $0x2  }
0x4c1: {  	v13 =	vmax.f32 v13, v14  }
0x4c2: {  	[tilespmem:v16+s16+$0x0] =	vst.idx.msk $0xffff, v13  }
0x4c3: {  	v13 =	vld.idx.msk [tilespmem:v15+s16+$0x0], $0xffff  }
0x4c4: {  	v14 =	vld [tilespmem:s25+$0xFFFFFFE0];
	_ =	sdelay $0x1  }
0x4c5: {  	v62 =	vor.u32 v7, v12;
	_ =	sdelay $0x2  }
0x4c6: {  	v13 =	vmax.f32 v13, v14  }
0x4c7: {  	[tilespmem:v15+s16+$0x0] =	vst.idx.msk $0xffff, v13  }
0x4c8: {  	v13 =	vld.idx.msk [tilespmem:v62+s16+$0x0], $0xffff  }
0x4c9: {  	v14 =	vld [tilespmem:s25+$0xFFFFFFF0];
	_ =	sdelay $0x1  }
0x4ca: {  	v15 =	vor.u32 v8, v12;
	_ =	sdelay $0x2  }
0x4cb: {  	v13 =	vmax.f32 v13, v14  }
0x4cc: {  	[tilespmem:v62+s16+$0x0] =	vst.idx.msk $0xffff, v13  }
0x4cd: {  	v13 =	vld.idx.msk [tilespmem:v15+s16+$0x0], $0xffff  }
0x4ce: {  	v14 =	vld [tilespmem:s25+$0x0];
	_ =	sdelay $0x1  }
0x4cf: {  	v63 =	vor.u32 v9, v12;
	_ =	sdelay $0x2  }
0x4d0: {  	v13 =	vmax.f32 v13, v14  }
0x4d1: {  	[tilespmem:v15+s16+$0x0] =	vst.idx.msk $0xffff, v13  }
0x4d2: {  	v13 =	vld.idx.msk [tilespmem:v63+s16+$0x0], $0xffff  }
0x4d3: {  	v14 =	vld [tilespmem:s25+$0x10];
	_ =	sdelay $0x1  }
0x4d4: {  	v15 =	vor.u32 v10, v12;
	_ =	sdelay $0x2  }
0x4d5: {  	v13 =	vmax.f32 v13, v14  }
0x4d6: {  	[tilespmem:v63+s16+$0x0] =	vst.idx.msk $0xffff, v13  }
0x4d7: {  	v13 =	vld.idx.msk [tilespmem:v15+s16+$0x0], $0xffff  }
0x4d8: {  	v14 =	vld [tilespmem:s25+$0x20];
	_ =	sdelay $0x1  }
0x4d9: {  	v12 =	vor.u32 v11, v12;
	_ =	sdelay $0x2  }
0x4da: {  	v13 =	vmax.f32 v13, v14  }
0x4db: {  	[tilespmem:v15+s16+$0x0] =	vst.idx.msk $0xffff, v13  }
0x4dc: {  	v13 =	vld.idx.msk [tilespmem:v12+s16+$0x0], $0xffff  }
0x4dd: {  	v14 =	vld [tilespmem:s25+$0x30];
	_ =	sdelay $0x3  }
0x4de: {  	p1 =	sne.s32 s24, $0xA1  }
.Ltmp24:
0x4df: {  	v13 =	vmax.f32 v13, v14;
	(pc) =	sbr.rel @!p1 .LBB2_36-.Ltmp24, $4  }
0x4e0: {  	[tilespmem:v12+s16+$0x0] =	vst.idx.msk $0xffff, v13  }
0x4e1: {  	_ =	swait.ge [sflag:s17], $0x5000  }
0x4e2: {  	s28 =	simm.s32 $0xA0;
	s26 =	simm.s32 $0xA1;
	[sflag:s17] =	ssyncset.done $0x0  }
0x4e3: {  	p0 =	por $0x0, $0x0;
	s25 =	simm.s32 $0x5B00;
	v13 =	vmov s28;
	[sflag:s17] =	ssyncadd.s32 $0xFFFFB000  }
0x4e4: {  	_ =	sdelay $0x3  }
0x4e5: {  	v12 =	vld.idx.msk [tilespmem:v13+s10+$0x0], $0xffff;
	_ =	sdelay $0x4  }
0x4e6: {  	v12 =	vsub.s32 v12, v0  }
0x4e7: {  	v12 =	vshll.u32 v12, $0x7  }
0x4e8: {  	v13 =	vor.u32 v2, v12;
	_ =	sdelay $0x3  }
0x4e9: {  	v15 =	vld [tilespmem:s25+$0x0]  }
0x4ea: {  	v14 =	vld.idx.msk [tilespmem:v13+s16+$0x0], $0xffff;
	_ =	sdelay $0x1  }
0x4eb: {  	v16 =	vor.u32 v5, v12;
	_ =	sdelay $0x2  }
0x4ec: {  	v14 =	vmax.f32 v14, v15  }
0x4ed: {  	[tilespmem:v13+s16+$0x0] =	vst.idx.msk $0xffff, v14  }
0x4ee: {  	v13 =	vld.idx.msk [tilespmem:v16+s16+$0x0], $0xffff  }
0x4ef: {  	v14 =	vld [tilespmem:s25+$0x10];
	_ =	sdelay $0x1  }
0x4f0: {  	v15 =	vor.u32 v6, v12;
	_ =	sdelay $0x2  }
0x4f1: {  	v13 =	vmax.f32 v13, v14  }
0x4f2: {  	[tilespmem:v16+s16+$0x0] =	vst.idx.msk $0xffff, v13  }
0x4f3: {  	v13 =	vld.idx.msk [tilespmem:v15+s16+$0x0], $0xffff  }
0x4f4: {  	v14 =	vld [tilespmem:s25+$0x20];
	_ =	sdelay $0x1  }
0x4f5: {  	v62 =	vor.u32 v7, v12;
	_ =	sdelay $0x2  }
0x4f6: {  	v13 =	vmax.f32 v13, v14  }
0x4f7: {  	[tilespmem:v15+s16+$0x0] =	vst.idx.msk $0xffff, v13  }
0x4f8: {  	v13 =	vld.idx.msk [tilespmem:v62+s16+$0x0], $0xffff  }
0x4f9: {  	v14 =	vld [tilespmem:s25+$0x30];
	_ =	sdelay $0x1  }
0x4fa: {  	v15 =	vor.u32 v8, v12;
	_ =	sdelay $0x2  }
0x4fb: {  	v13 =	vmax.f32 v13, v14  }
0x4fc: {  	[tilespmem:v62+s16+$0x0] =	vst.idx.msk $0xffff, v13  }
0x4fd: {  	v13 =	vld.idx.msk [tilespmem:v15+s16+$0x0], $0xffff  }
0x4fe: {  	v14 =	vld [tilespmem:s25+$0x40];
	_ =	sdelay $0x1  }
0x4ff: {  	v63 =	vor.u32 v9, v12;
	_ =	sdelay $0x2  }
0x500: {  	v13 =	vmax.f32 v13, v14  }
0x501: {  	[tilespmem:v15+s16+$0x0] =	vst.idx.msk $0xffff, v13  }
0x502: {  	v13 =	vld.idx.msk [tilespmem:v63+s16+$0x0], $0xffff  }
0x503: {  	v14 =	vld [tilespmem:s25+$0x50];
	_ =	sdelay $0x1  }
0x504: {  	v15 =	vor.u32 v10, v12;
	_ =	sdelay $0x2  }
0x505: {  	v13 =	vmax.f32 v13, v14  }
0x506: {  	[tilespmem:v63+s16+$0x0] =	vst.idx.msk $0xffff, v13  }
0x507: {  	v13 =	vld.idx.msk [tilespmem:v15+s16+$0x0], $0xffff  }
0x508: {  	v14 =	vld [tilespmem:s25+$0x60];
	_ =	sdelay $0x1  }
0x509: {  	v12 =	vor.u32 v11, v12;
	_ =	sdelay $0x2  }
0x50a: {  	v13 =	vmax.f32 v13, v14  }
0x50b: {  	[tilespmem:v15+s16+$0x0] =	vst.idx.msk $0xffff, v13  }
0x50c: {  	v14 =	vld.idx.msk [tilespmem:v12+s16+$0x0], $0xffff  }
0x50d: {  	p1 =	sne.s32 s24, $0xA2;
	v15 =	vld [tilespmem:s25+$0x70]  }
.Ltmp25:
0x50e: {  	_ = 	snop;
	(pc) =	sbr.rel @!p1 .LBB2_38-.Ltmp25, $2  }
0x50f: {  	v13 =	vmov s26;
	_ =	sdelay $0x2  }
0x510: {  	s28 =	simm.s32 $0xA2;
	p0 =	por $0x1, $0x1;
	s26 =	simm.s32 $0x5B00;
	v14 =	vmax.f32 v14, v15  }
.LBB2_39:
0x511: {  	[tilespmem:v12+s16+$0x0] =	vst.idx.msk $0xffff, v14;
	s26 =	sadd.s32 $0x80, s26;
	s29 =	smov.u32 s28;
	s28 =	sadd.s32 $0x1, s28  }
0x512: {  	p1 =	sne.s32 s24, s28;
	v12 =	vld.idx.msk [tilespmem:v13+s10+$0x0], $0xffff;
	_ =	sdelay $0x5  }
0x513: {  	v12 =	vsub.s32 v12, v0  }
0x514: {  	v12 =	vshll.u32 v12, $0x7  }
0x515: {  	v13 =	vor.u32 v2, v12;
	_ =	sdelay $0x4  }
0x516: {  	v14 =	vld.idx.msk [tilespmem:v13+s16+$0x0], $0xffff  }
0x517: {  	v15 =	vld [tilespmem:s26+$0x0];
	_ =	sdelay $0x1  }
0x518: {  	v16 =	vor.u32 v5, v12;
	_ =	sdelay $0x2  }
0x519: {  	v14 =	vmax.f32 v14, v15  }
0x51a: {  	[tilespmem:v13+s16+$0x0] =	vst.idx.msk $0xffff, v14  }
0x51b: {  	v13 =	vld.idx.msk [tilespmem:v16+s16+$0x0], $0xffff  }
0x51c: {  	v14 =	vld [tilespmem:s26+$0x10];
	_ =	sdelay $0x1  }
0x51d: {  	v15 =	vor.u32 v6, v12;
	_ =	sdelay $0x2  }
0x51e: {  	v13 =	vmax.f32 v13, v14  }
0x51f: {  	[tilespmem:v16+s16+$0x0] =	vst.idx.msk $0xffff, v13  }
0x520: {  	v13 =	vld.idx.msk [tilespmem:v15+s16+$0x0], $0xffff  }
0x521: {  	v14 =	vld [tilespmem:s26+$0x20];
	_ =	sdelay $0x1  }
0x522: {  	v16 =	vor.u32 v7, v12;
	_ =	sdelay $0x2  }
0x523: {  	v13 =	vmax.f32 v13, v14  }
0x524: {  	[tilespmem:v15+s16+$0x0] =	vst.idx.msk $0xffff, v13  }
0x525: {  	v13 =	vld.idx.msk [tilespmem:v16+s16+$0x0], $0xffff  }
0x526: {  	v14 =	vld [tilespmem:s26+$0x30];
	_ =	sdelay $0x1  }
0x527: {  	v15 =	vor.u32 v8, v12;
	_ =	sdelay $0x2  }
0x528: {  	v13 =	vmax.f32 v13, v14  }
0x529: {  	[tilespmem:v16+s16+$0x0] =	vst.idx.msk $0xffff, v13  }
0x52a: {  	v13 =	vld.idx.msk [tilespmem:v15+s16+$0x0], $0xffff  }
0x52b: {  	v14 =	vld [tilespmem:s26+$0x40];
	_ =	sdelay $0x1  }
0x52c: {  	v16 =	vor.u32 v9, v12;
	_ =	sdelay $0x2  }
0x52d: {  	v13 =	vmax.f32 v13, v14  }
0x52e: {  	[tilespmem:v15+s16+$0x0] =	vst.idx.msk $0xffff, v13  }
0x52f: {  	v13 =	vld.idx.msk [tilespmem:v16+s16+$0x0], $0xffff  }
0x530: {  	v14 =	vld [tilespmem:s26+$0x50];
	_ =	sdelay $0x1  }
0x531: {  	v15 =	vor.u32 v10, v12;
	_ =	sdelay $0x2  }
0x532: {  	v13 =	vmax.f32 v13, v14  }
0x533: {  	[tilespmem:v16+s16+$0x0] =	vst.idx.msk $0xffff, v13  }
0x534: {  	v13 =	vld.idx.msk [tilespmem:v15+s16+$0x0], $0xffff  }
0x535: {  	v14 =	vld [tilespmem:s26+$0x60];
	_ =	sdelay $0x1  }
0x536: {  	v12 =	vor.u32 v11, v12;
	_ =	sdelay $0x2  }
0x537: {  	v13 =	vmax.f32 v13, v14  }
0x538: {  	[tilespmem:v15+s16+$0x0] =	vst.idx.msk $0xffff, v13  }
0x539: {  	v14 =	vld.idx.msk [tilespmem:v12+s16+$0x0], $0xffff  }
0x53a: {  	v15 =	vld [tilespmem:s26+$0x70]  }
.Ltmp26:
0x53b: {  	(pc) =	sbr.rel @p1 .LBB2_39-.Ltmp26, $2  }
0x53c: {  	v13 =	vmov s29;
	_ =	sdelay $0x2  }
0x53d: {  	v14 =	vmax.f32 v14, v15  }
.LBB2_40:
0x53e: {  	_ =	sdelay $0x3  }
0x53f: {  	[tilespmem:v12+s16+$0x0] =	vst.idx.msk @p0 $0xffff, v14  }
0x540: {  	v12 =	vld.idx.msk [tilespmem:v13+s10+$0x0], $0xffff;
	_ =	sdelay $0x4  }
0x541: {  	v12 =	vsub.s32 v12, v0  }
0x542: {  	v12 =	vshll.u32 v12, $0x7  }
0x543: {  	v52 =	vor.u32 v2, v12;
	_ =	sdelay $0x1  }
0x544: {  	s26 =	sadd.s32 @p0 $0x80, s26  }
0x545: {  	s25 =	smov.u32 @p0 s26  }
0x546: {  	v15 =	vld [tilespmem:s25+$0x0]  }
0x547: {  	v14 =	vld.idx.msk [tilespmem:v52+s16+$0x0], $0xffff;
	_ =	sdelay $0x1  }
0x548: {  	v16 =	vor.u32 v5, v12;
	_ =	sdelay $0x2  }
0x549: {  	v14 =	vmax.f32 v14, v15  }
0x54a: {  	[tilespmem:v52+s16+$0x0] =	vst.idx.msk $0xffff, v14  }
0x54b: {  	v13 =	vld.idx.msk [tilespmem:v16+s16+$0x0], $0xffff  }
0x54c: {  	v14 =	vld [tilespmem:s25+$0x10];
	_ =	sdelay $0x1  }
0x54d: {  	v53 =	vor.u32 v6, v12;
	_ =	sdelay $0x2  }
0x54e: {  	v13 =	vmax.f32 v13, v14  }
0x54f: {  	[tilespmem:v16+s16+$0x0] =	vst.idx.msk $0xffff, v13  }
0x550: {  	v13 =	vld.idx.msk [tilespmem:v53+s16+$0x0], $0xffff  }
0x551: {  	v54 =	vld [tilespmem:s25+$0x20];
	_ =	sdelay $0x1  }
0x552: {  	v55 =	vor.u32 v7, v12;
	_ =	sdelay $0x2  }
0x553: {  	v13 =	vmax.f32 v13, v54  }
0x554: {  	[tilespmem:v53+s16+$0x0] =	vst.idx.msk $0xffff, v13  }
0x555: {  	v13 =	vld.idx.msk [tilespmem:v55+s16+$0x0], $0xffff  }
0x556: {  	v56 =	vld [tilespmem:s25+$0x30];
	_ =	sdelay $0x1  }
0x557: {  	v57 =	vor.u32 v8, v12;
	_ =	sdelay $0x2  }
0x558: {  	v13 =	vmax.f32 v13, v56  }
0x559: {  	[tilespmem:v55+s16+$0x0] =	vst.idx.msk $0xffff, v13  }
0x55a: {  	v13 =	vld.idx.msk [tilespmem:v57+s16+$0x0], $0xffff  }
0x55b: {  	v58 =	vld [tilespmem:s25+$0x40];
	_ =	sdelay $0x1  }
0x55c: {  	v59 =	vor.u32 v9, v12;
	_ =	sdelay $0x2  }
0x55d: {  	v13 =	vmax.f32 v13, v58  }
0x55e: {  	[tilespmem:v57+s16+$0x0] =	vst.idx.msk $0xffff, v13  }
0x55f: {  	v13 =	vld.idx.msk [tilespmem:v59+s16+$0x0], $0xffff  }
0x560: {  	v60 =	vld [tilespmem:s25+$0x50];
	_ =	sdelay $0x1  }
0x561: {  	v61 =	vor.u32 v10, v12;
	_ =	sdelay $0x2  }
0x562: {  	v13 =	vmax.f32 v13, v60  }
0x563: {  	[tilespmem:v59+s16+$0x0] =	vst.idx.msk $0xffff, v13  }
0x564: {  	v13 =	vld.idx.msk [tilespmem:v61+s16+$0x0], $0xffff  }
0x565: {  	v62 =	vld [tilespmem:s25+$0x60];
	_ =	sdelay $0x1  }
0x566: {  	v12 =	vor.u32 v11, v12;
	_ =	sdelay $0x2  }
0x567: {  	v13 =	vmax.f32 v13, v62  }
0x568: {  	[tilespmem:v61+s16+$0x0] =	vst.idx.msk $0xffff, v13  }
0x569: {  	v13 =	vld.idx.msk [tilespmem:v12+s16+$0x0], $0xffff  }
0x56a: {  	v63 =	vld [tilespmem:s25+$0x70];
	_ =	sdelay $0x4  }
0x56b: {  	v13 =	vmax.f32 v13, v63  }
0x56c: {  	[tilespmem:v12+s16+$0x0] =	vst.idx.msk $0xffff, v13  }
.LBB2_41:
0x56d: {  	v12 =	vld [tilespmem:s23+$0x40];
	_ =	sdelay $0x4  }
0x56e: {  	vm0 =	vge.s32 v12, v0;
	vm1 =	vlt.s32 v12, v1  }
0x56f: {  	vm0 =	vmand vm0, vm1  }
0x570: {  	v13 =	vmpcnt.ones.xlane vm0;
	_ =	sdelay $0x1  }
0x571: {  	(v2sf) =	vpush v13, $0x0;
	_ =	sdelay $0x7  }
0x572: {  	v61 =	vsel vm0, $0x1, v4  }
0x573: {  	(xrf0) =	vadd.scan.msk.s32 $0xffff, v61  }
0x574: {  	p0 =	sgt.s32 s24, $0x12F  }
0x575: {  	s24 =	simm.s32 @p0 $0x0  }
0x576: {  	v62 =	vmov s24  }
0x577: {  	v13 =	vadd.s32 $0xFFFFFFFF, v62  }
0x578: {  	v13 =	vbroadcast v13, $0x0  }
0x579: {  	v14, _, _ =	vpop (xrf0);
	s25 =	spop (v2sf)  }
0x57a: {  	v13 =	vadd.s32 v13, v14;
	s24 =	sadd.s32 s24, s25  }
0x57b: {  	p0 =	slt.s32 s24, $0x130  }
.Ltmp27:
0x57c: {  	s31 =	sadd.s32 $0x40, s23;
	(pc) =	sbr.rel @p0 .LBB2_50-.Ltmp27, $4  }
0x57d: {  	s23 =	sadd.s32 s21, s31  }
0x57e: {  	v63 =	vor.u32 s23, v2  }
0x57f: {  	[tilespmem:v13+s9+$0x0] =	vst.idx.msk vm0, v63  }
0x580: {  	[tilespmem:v13+s10+$0x0] =	vst.idx.msk vm0, v12  }
0x581: {  	[tilespmem:s12], [sflag:$0x1] =	stream.indirect.gather [hbm4b:s4+s11], $0x80, s9, s11, $0xb8;
	[tilespmem:$0x1E700] =	vst v63  }
0x582: {  	s23 =	simm.s32 $0x0  }
0x583: {  	v12 =	vmov s23  }
0x584: {  	[tilespmem:s14], [sflag:$0x2] =	stream.indirect.gather [hbm4b:s4+s11], $0x80, s13, s11, $0xb8;
	[tilespmem:$0x1E700] =	vst v63  }
0x585: {  	_ =	swait.ge [sflag:s15], $0x5000  }
0x586: {  	[sflag:s15] =	ssyncset.done $0x0  }
0x587: {  	[sflag:s15] =	ssyncadd.s32 $0xFFFFB000  }
0x588: {  	v12 =	vld.idx.msk [tilespmem:v12+s10+$0x0], $0xffff;
	_ =	sdelay $0x4  }
0x589: {  	v12 =	vsub.s32 v12, v0  }
0x58a: {  	v12 =	vshll.u32 v12, $0x7  }
0x58b: {  	v13 =	vor.u32 v2, v12;
	_ =	sdelay $0x2  }
0x58c: {  	s23 =	simm.s32 $0xB40  }
0x58d: {  	v15 =	vld [tilespmem:s23+$0xFFFFFFC0]  }
0x58e: {  	v14 =	vld.idx.msk [tilespmem:v13+s16+$0x0], $0xffff;
	_ =	sdelay $0x1  }
0x58f: {  	v16 =	vor.u32 v5, v12;
	_ =	sdelay $0x2  }
0x590: {  	v14 =	vmax.f32 v14, v15  }
0x591: {  	[tilespmem:v13+s16+$0x0] =	vst.idx.msk $0xffff, v14  }
0x592: {  	v13 =	vld.idx.msk [tilespmem:v16+s16+$0x0], $0xffff  }
0x593: {  	v14 =	vld [tilespmem:s23+$0xFFFFFFD0];
	_ =	sdelay $0x1  }
0x594: {  	v15 =	vor.u32 v6, v12;
	_ =	sdelay $0x2  }
0x595: {  	v13 =	vmax.f32 v13, v14  }
0x596: {  	[tilespmem:v16+s16+$0x0] =	vst.idx.msk $0xffff, v13  }
0x597: {  	v13 =	vld.idx.msk [tilespmem:v15+s16+$0x0], $0xffff  }
0x598: {  	v14 =	vld [tilespmem:s23+$0xFFFFFFE0];
	_ =	sdelay $0x1  }
0x599: {  	v62 =	vor.u32 v7, v12;
	_ =	sdelay $0x2  }
0x59a: {  	v13 =	vmax.f32 v13, v14  }
0x59b: {  	[tilespmem:v15+s16+$0x0] =	vst.idx.msk $0xffff, v13  }
0x59c: {  	v13 =	vld.idx.msk [tilespmem:v62+s16+$0x0], $0xffff  }
0x59d: {  	v14 =	vld [tilespmem:s23+$0xFFFFFFF0];
	_ =	sdelay $0x1  }
0x59e: {  	v15 =	vor.u32 v8, v12;
	_ =	sdelay $0x2  }
0x59f: {  	v13 =	vmax.f32 v13, v14  }
0x5a0: {  	[tilespmem:v62+s16+$0x0] =	vst.idx.msk $0xffff, v13  }
0x5a1: {  	v13 =	vld.idx.msk [tilespmem:v15+s16+$0x0], $0xffff  }
0x5a2: {  	v14 =	vld [tilespmem:s23+$0x0];
	_ =	sdelay $0x1  }
0x5a3: {  	v63 =	vor.u32 v9, v12;
	_ =	sdelay $0x2  }
0x5a4: {  	v13 =	vmax.f32 v13, v14  }
0x5a5: {  	[tilespmem:v15+s16+$0x0] =	vst.idx.msk $0xffff, v13  }
0x5a6: {  	v13 =	vld.idx.msk [tilespmem:v63+s16+$0x0], $0xffff  }
0x5a7: {  	v14 =	vld [tilespmem:s23+$0x10];
	_ =	sdelay $0x1  }
0x5a8: {  	v15 =	vor.u32 v10, v12;
	_ =	sdelay $0x2  }
0x5a9: {  	v13 =	vmax.f32 v13, v14  }
0x5aa: {  	[tilespmem:v63+s16+$0x0] =	vst.idx.msk $0xffff, v13  }
0x5ab: {  	v13 =	vld.idx.msk [tilespmem:v15+s16+$0x0], $0xffff  }
0x5ac: {  	v14 =	vld [tilespmem:s23+$0x20];
	_ =	sdelay $0x1  }
0x5ad: {  	v12 =	vor.u32 v11, v12;
	_ =	sdelay $0x2  }
0x5ae: {  	v13 =	vmax.f32 v13, v14  }
0x5af: {  	[tilespmem:v15+s16+$0x0] =	vst.idx.msk $0xffff, v13  }
0x5b0: {  	v14 =	vld.idx.msk [tilespmem:v12+s16+$0x0], $0xffff  }
0x5b1: {  	v15 =	vld [tilespmem:s23+$0x30];
	_ =	sdelay $0x1  }
0x5b2: {  	s26 =	simm.s32 $0x1  }
0x5b3: {  	v13 =	vmov s26;
	_ =	sdelay $0x1  }
0x5b4: {  	s25 =	simm.s32 $0x2;
	v14 =	vmax.f32 v14, v15  }
.LBB2_43:
0x5b5: {  	p0 =	sne.s32 s25, $0x9F  }
0x5b6: {  	[tilespmem:v12+s16+$0x0] =	vst.idx.msk $0xffff, v14;
	s23 =	sadd.s32 $0x80, s23;
	s26 =	smov.u32 s25;
	s25 =	sadd.s32 $0x1, s25  }
0x5b7: {  	v12 =	vld.idx.msk [tilespmem:v13+s10+$0x0], $0xffff;
	_ =	sdelay $0x5  }
0x5b8: {  	v12 =	vsub.s32 v12, v0  }
0x5b9: {  	v12 =	vshll.u32 v12, $0x7  }
0x5ba: {  	v13 =	vor.u32 v2, v12;
	_ =	sdelay $0x4  }
0x5bb: {  	v14 =	vld.idx.msk [tilespmem:v13+s16+$0x0], $0xffff  }
0x5bc: {  	v15 =	vld [tilespmem:s23+$0xFFFFFFC0];
	_ =	sdelay $0x1  }
0x5bd: {  	v16 =	vor.u32 v5, v12;
	_ =	sdelay $0x2  }
0x5be: {  	v14 =	vmax.f32 v14, v15  }
0x5bf: {  	[tilespmem:v13+s16+$0x0] =	vst.idx.msk $0xffff, v14  }
0x5c0: {  	v13 =	vld.idx.msk [tilespmem:v16+s16+$0x0], $0xffff  }
0x5c1: {  	v14 =	vld [tilespmem:s23+$0xFFFFFFD0];
	_ =	sdelay $0x1  }
0x5c2: {  	v15 =	vor.u32 v6, v12;
	_ =	sdelay $0x2  }
0x5c3: {  	v13 =	vmax.f32 v13, v14  }
0x5c4: {  	[tilespmem:v16+s16+$0x0] =	vst.idx.msk $0xffff, v13  }
0x5c5: {  	v13 =	vld.idx.msk [tilespmem:v15+s16+$0x0], $0xffff  }
0x5c6: {  	v14 =	vld [tilespmem:s23+$0xFFFFFFE0];
	_ =	sdelay $0x1  }
0x5c7: {  	v16 =	vor.u32 v7, v12;
	_ =	sdelay $0x2  }
0x5c8: {  	v13 =	vmax.f32 v13, v14  }
0x5c9: {  	[tilespmem:v15+s16+$0x0] =	vst.idx.msk $0xffff, v13  }
0x5ca: {  	v13 =	vld.idx.msk [tilespmem:v16+s16+$0x0], $0xffff  }
0x5cb: {  	v14 =	vld [tilespmem:s23+$0xFFFFFFF0];
	_ =	sdelay $0x1  }
0x5cc: {  	v15 =	vor.u32 v8, v12;
	_ =	sdelay $0x2  }
0x5cd: {  	v13 =	vmax.f32 v13, v14  }
0x5ce: {  	[tilespmem:v16+s16+$0x0] =	vst.idx.msk $0xffff, v13  }
0x5cf: {  	v13 =	vld.idx.msk [tilespmem:v15+s16+$0x0], $0xffff  }
0x5d0: {  	v14 =	vld [tilespmem:s23+$0x0];
	_ =	sdelay $0x1  }
0x5d1: {  	v16 =	vor.u32 v9, v12;
	_ =	sdelay $0x2  }
0x5d2: {  	v13 =	vmax.f32 v13, v14  }
0x5d3: {  	[tilespmem:v15+s16+$0x0] =	vst.idx.msk $0xffff, v13  }
0x5d4: {  	v13 =	vld.idx.msk [tilespmem:v16+s16+$0x0], $0xffff  }
0x5d5: {  	v14 =	vld [tilespmem:s23+$0x10];
	_ =	sdelay $0x1  }
0x5d6: {  	v15 =	vor.u32 v10, v12;
	_ =	sdelay $0x2  }
0x5d7: {  	v13 =	vmax.f32 v13, v14  }
0x5d8: {  	[tilespmem:v16+s16+$0x0] =	vst.idx.msk $0xffff, v13  }
0x5d9: {  	v13 =	vld.idx.msk [tilespmem:v15+s16+$0x0], $0xffff  }
0x5da: {  	v14 =	vld [tilespmem:s23+$0x20];
	_ =	sdelay $0x1  }
0x5db: {  	v12 =	vor.u32 v11, v12;
	_ =	sdelay $0x2  }
0x5dc: {  	v13 =	vmax.f32 v13, v14  }
0x5dd: {  	[tilespmem:v15+s16+$0x0] =	vst.idx.msk $0xffff, v13  }
0x5de: {  	v14 =	vld.idx.msk [tilespmem:v12+s16+$0x0], $0xffff  }
0x5df: {  	v15 =	vld [tilespmem:s23+$0x30]  }
.Ltmp28:
0x5e0: {  	(pc) =	sbr.rel @p0 .LBB2_43-.Ltmp28, $2  }
0x5e1: {  	v13 =	vmov s26;
	_ =	sdelay $0x2  }
0x5e2: {  	v14 =	vmax.f32 v14, v15  }
0x5e3: {  	_ =	sdelay $0x3  }
0x5e4: {  	[tilespmem:v12+s16+$0x0] =	vst.idx.msk $0xffff, v14  }
0x5e5: {  	v12 =	vld.idx.msk [tilespmem:v13+s10+$0x0], $0xffff;
	_ =	sdelay $0x4  }
0x5e6: {  	v12 =	vsub.s32 v12, v0  }
0x5e7: {  	v12 =	vshll.u32 v12, $0x7  }
0x5e8: {  	v13 =	vor.u32 v2, v12;
	_ =	sdelay $0x2  }
0x5e9: {  	s23 =	sadd.s32 $0x80, s23  }
0x5ea: {  	v15 =	vld [tilespmem:s23+$0xFFFFFFC0]  }
0x5eb: {  	v14 =	vld.idx.msk [tilespmem:v13+s16+$0x0], $0xffff;
	_ =	sdelay $0x1  }
0x5ec: {  	v16 =	vor.u32 v5, v12;
	_ =	sdelay $0x2  }
0x5ed: {  	v14 =	vmax.f32 v14, v15  }
0x5ee: {  	[tilespmem:v13+s16+$0x0] =	vst.idx.msk $0xffff, v14  }
0x5ef: {  	v13 =	vld.idx.msk [tilespmem:v16+s16+$0x0], $0xffff  }
0x5f0: {  	v14 =	vld [tilespmem:s23+$0xFFFFFFD0];
	_ =	sdelay $0x1  }
0x5f1: {  	v15 =	vor.u32 v6, v12;
	_ =	sdelay $0x2  }
0x5f2: {  	v13 =	vmax.f32 v13, v14  }
0x5f3: {  	[tilespmem:v16+s16+$0x0] =	vst.idx.msk $0xffff, v13  }
0x5f4: {  	v13 =	vld.idx.msk [tilespmem:v15+s16+$0x0], $0xffff  }
0x5f5: {  	v14 =	vld [tilespmem:s23+$0xFFFFFFE0];
	_ =	sdelay $0x1  }
0x5f6: {  	v62 =	vor.u32 v7, v12;
	_ =	sdelay $0x2  }
0x5f7: {  	v13 =	vmax.f32 v13, v14  }
0x5f8: {  	[tilespmem:v15+s16+$0x0] =	vst.idx.msk $0xffff, v13  }
0x5f9: {  	v13 =	vld.idx.msk [tilespmem:v62+s16+$0x0], $0xffff  }
0x5fa: {  	v14 =	vld [tilespmem:s23+$0xFFFFFFF0];
	_ =	sdelay $0x1  }
0x5fb: {  	v15 =	vor.u32 v8, v12;
	_ =	sdelay $0x2  }
0x5fc: {  	v13 =	vmax.f32 v13, v14  }
0x5fd: {  	[tilespmem:v62+s16+$0x0] =	vst.idx.msk $0xffff, v13  }
0x5fe: {  	v13 =	vld.idx.msk [tilespmem:v15+s16+$0x0], $0xffff  }
0x5ff: {  	v14 =	vld [tilespmem:s23+$0x0];
	_ =	sdelay $0x1  }
0x600: {  	v63 =	vor.u32 v9, v12;
	_ =	sdelay $0x2  }
0x601: {  	v13 =	vmax.f32 v13, v14  }
0x602: {  	[tilespmem:v15+s16+$0x0] =	vst.idx.msk $0xffff, v13  }
0x603: {  	v13 =	vld.idx.msk [tilespmem:v63+s16+$0x0], $0xffff  }
0x604: {  	v14 =	vld [tilespmem:s23+$0x10];
	_ =	sdelay $0x1  }
0x605: {  	v15 =	vor.u32 v10, v12;
	_ =	sdelay $0x2  }
0x606: {  	v13 =	vmax.f32 v13, v14  }
0x607: {  	[tilespmem:v63+s16+$0x0] =	vst.idx.msk $0xffff, v13  }
0x608: {  	v13 =	vld.idx.msk [tilespmem:v15+s16+$0x0], $0xffff  }
0x609: {  	v14 =	vld [tilespmem:s23+$0x20];
	_ =	sdelay $0x1  }
0x60a: {  	v12 =	vor.u32 v11, v12;
	_ =	sdelay $0x2  }
0x60b: {  	v13 =	vmax.f32 v13, v14  }
0x60c: {  	[tilespmem:v15+s16+$0x0] =	vst.idx.msk $0xffff, v13  }
0x60d: {  	v13 =	vld.idx.msk [tilespmem:v12+s16+$0x0], $0xffff  }
0x60e: {  	v14 =	vld [tilespmem:s23+$0x30];
	_ =	sdelay $0x3  }
0x60f: {  	p1 =	sne.s32 s24, $0xA1  }
.Ltmp29:
0x610: {  	v13 =	vmax.f32 v13, v14;
	(pc) =	sbr.rel @!p1 .LBB2_45-.Ltmp29, $4  }
0x611: {  	[tilespmem:v12+s16+$0x0] =	vst.idx.msk $0xffff, v13  }
0x612: {  	_ =	swait.ge [sflag:s17], $0x5000  }
0x613: {  	s26 =	simm.s32 $0xA0;
	s25 =	simm.s32 $0xA1;
	[sflag:s17] =	ssyncset.done $0x0  }
0x614: {  	p0 =	por $0x0, $0x0;
	s23 =	simm.s32 $0x5B00;
	v13 =	vmov s26;
	[sflag:s17] =	ssyncadd.s32 $0xFFFFB000  }
0x615: {  	_ =	sdelay $0x3  }
0x616: {  	v12 =	vld.idx.msk [tilespmem:v13+s10+$0x0], $0xffff;
	_ =	sdelay $0x4  }
0x617: {  	v12 =	vsub.s32 v12, v0  }
0x618: {  	v12 =	vshll.u32 v12, $0x7  }
0x619: {  	v13 =	vor.u32 v2, v12;
	_ =	sdelay $0x3  }
0x61a: {  	v15 =	vld [tilespmem:s23+$0x0]  }
0x61b: {  	v14 =	vld.idx.msk [tilespmem:v13+s16+$0x0], $0xffff;
	_ =	sdelay $0x1  }
0x61c: {  	v16 =	vor.u32 v5, v12;
	_ =	sdelay $0x2  }
0x61d: {  	v14 =	vmax.f32 v14, v15  }
0x61e: {  	[tilespmem:v13+s16+$0x0] =	vst.idx.msk $0xffff, v14  }
0x61f: {  	v13 =	vld.idx.msk [tilespmem:v16+s16+$0x0], $0xffff  }
0x620: {  	v14 =	vld [tilespmem:s23+$0x10];
	_ =	sdelay $0x1  }
0x621: {  	v15 =	vor.u32 v6, v12;
	_ =	sdelay $0x2  }
0x622: {  	v13 =	vmax.f32 v13, v14  }
0x623: {  	[tilespmem:v16+s16+$0x0] =	vst.idx.msk $0xffff, v13  }
0x624: {  	v13 =	vld.idx.msk [tilespmem:v15+s16+$0x0], $0xffff  }
0x625: {  	v14 =	vld [tilespmem:s23+$0x20];
	_ =	sdelay $0x1  }
0x626: {  	v62 =	vor.u32 v7, v12;
	_ =	sdelay $0x2  }
0x627: {  	v13 =	vmax.f32 v13, v14  }
0x628: {  	[tilespmem:v15+s16+$0x0] =	vst.idx.msk $0xffff, v13  }
0x629: {  	v13 =	vld.idx.msk [tilespmem:v62+s16+$0x0], $0xffff  }
0x62a: {  	v14 =	vld [tilespmem:s23+$0x30];
	_ =	sdelay $0x1  }
0x62b: {  	v15 =	vor.u32 v8, v12;
	_ =	sdelay $0x2  }
0x62c: {  	v13 =	vmax.f32 v13, v14  }
0x62d: {  	[tilespmem:v62+s16+$0x0] =	vst.idx.msk $0xffff, v13  }
0x62e: {  	v13 =	vld.idx.msk [tilespmem:v15+s16+$0x0], $0xffff  }
0x62f: {  	v14 =	vld [tilespmem:s23+$0x40];
	_ =	sdelay $0x1  }
0x630: {  	v63 =	vor.u32 v9, v12;
	_ =	sdelay $0x2  }
0x631: {  	v13 =	vmax.f32 v13, v14  }
0x632: {  	[tilespmem:v15+s16+$0x0] =	vst.idx.msk $0xffff, v13  }
0x633: {  	v13 =	vld.idx.msk [tilespmem:v63+s16+$0x0], $0xffff  }
0x634: {  	v14 =	vld [tilespmem:s23+$0x50];
	_ =	sdelay $0x1  }
0x635: {  	v15 =	vor.u32 v10, v12;
	_ =	sdelay $0x2  }
0x636: {  	v13 =	vmax.f32 v13, v14  }
0x637: {  	[tilespmem:v63+s16+$0x0] =	vst.idx.msk $0xffff, v13  }
0x638: {  	v13 =	vld.idx.msk [tilespmem:v15+s16+$0x0], $0xffff  }
0x639: {  	v14 =	vld [tilespmem:s23+$0x60];
	_ =	sdelay $0x1  }
0x63a: {  	v12 =	vor.u32 v11, v12;
	_ =	sdelay $0x2  }
0x63b: {  	v13 =	vmax.f32 v13, v14  }
0x63c: {  	[tilespmem:v15+s16+$0x0] =	vst.idx.msk $0xffff, v13  }
0x63d: {  	v14 =	vld.idx.msk [tilespmem:v12+s16+$0x0], $0xffff  }
0x63e: {  	p1 =	sne.s32 s24, $0xA2;
	v15 =	vld [tilespmem:s23+$0x70]  }
.Ltmp30:
0x63f: {  	_ = 	snop;
	(pc) =	sbr.rel @!p1 .LBB2_47-.Ltmp30, $2  }
0x640: {  	v13 =	vmov s25;
	_ =	sdelay $0x2  }
0x641: {  	s26 =	simm.s32 $0xA2;
	p0 =	por $0x1, $0x1;
	s25 =	simm.s32 $0x5B00;
	v14 =	vmax.f32 v14, v15  }
.LBB2_48:
0x642: {  	[tilespmem:v12+s16+$0x0] =	vst.idx.msk $0xffff, v14;
	s25 =	sadd.s32 $0x80, s25;
	s28 =	smov.u32 s26;
	s26 =	sadd.s32 $0x1, s26  }
0x643: {  	p1 =	sne.s32 s24, s26;
	v12 =	vld.idx.msk [tilespmem:v13+s10+$0x0], $0xffff;
	_ =	sdelay $0x5  }
0x644: {  	v12 =	vsub.s32 v12, v0  }
0x645: {  	v12 =	vshll.u32 v12, $0x7  }
0x646: {  	v13 =	vor.u32 v2, v12;
	_ =	sdelay $0x4  }
0x647: {  	v14 =	vld.idx.msk [tilespmem:v13+s16+$0x0], $0xffff  }
0x648: {  	v15 =	vld [tilespmem:s25+$0x0];
	_ =	sdelay $0x1  }
0x649: {  	v16 =	vor.u32 v5, v12;
	_ =	sdelay $0x2  }
0x64a: {  	v14 =	vmax.f32 v14, v15  }
0x64b: {  	[tilespmem:v13+s16+$0x0] =	vst.idx.msk $0xffff, v14  }
0x64c: {  	v13 =	vld.idx.msk [tilespmem:v16+s16+$0x0], $0xffff  }
0x64d: {  	v14 =	vld [tilespmem:s25+$0x10];
	_ =	sdelay $0x1  }
0x64e: {  	v15 =	vor.u32 v6, v12;
	_ =	sdelay $0x2  }
0x64f: {  	v13 =	vmax.f32 v13, v14  }
0x650: {  	[tilespmem:v16+s16+$0x0] =	vst.idx.msk $0xffff, v13  }
0x651: {  	v13 =	vld.idx.msk [tilespmem:v15+s16+$0x0], $0xffff  }
0x652: {  	v14 =	vld [tilespmem:s25+$0x20];
	_ =	sdelay $0x1  }
0x653: {  	v16 =	vor.u32 v7, v12;
	_ =	sdelay $0x2  }
0x654: {  	v13 =	vmax.f32 v13, v14  }
0x655: {  	[tilespmem:v15+s16+$0x0] =	vst.idx.msk $0xffff, v13  }
0x656: {  	v13 =	vld.idx.msk [tilespmem:v16+s16+$0x0], $0xffff  }
0x657: {  	v14 =	vld [tilespmem:s25+$0x30];
	_ =	sdelay $0x1  }
0x658: {  	v15 =	vor.u32 v8, v12;
	_ =	sdelay $0x2  }
0x659: {  	v13 =	vmax.f32 v13, v14  }
0x65a: {  	[tilespmem:v16+s16+$0x0] =	vst.idx.msk $0xffff, v13  }
0x65b: {  	v13 =	vld.idx.msk [tilespmem:v15+s16+$0x0], $0xffff  }
0x65c: {  	v14 =	vld [tilespmem:s25+$0x40];
	_ =	sdelay $0x1  }
0x65d: {  	v16 =	vor.u32 v9, v12;
	_ =	sdelay $0x2  }
0x65e: {  	v13 =	vmax.f32 v13, v14  }
0x65f: {  	[tilespmem:v15+s16+$0x0] =	vst.idx.msk $0xffff, v13  }
0x660: {  	v13 =	vld.idx.msk [tilespmem:v16+s16+$0x0], $0xffff  }
0x661: {  	v14 =	vld [tilespmem:s25+$0x50];
	_ =	sdelay $0x1  }
0x662: {  	v15 =	vor.u32 v10, v12;
	_ =	sdelay $0x2  }
0x663: {  	v13 =	vmax.f32 v13, v14  }
0x664: {  	[tilespmem:v16+s16+$0x0] =	vst.idx.msk $0xffff, v13  }
0x665: {  	v13 =	vld.idx.msk [tilespmem:v15+s16+$0x0], $0xffff  }
0x666: {  	v14 =	vld [tilespmem:s25+$0x60];
	_ =	sdelay $0x1  }
0x667: {  	v12 =	vor.u32 v11, v12;
	_ =	sdelay $0x2  }
0x668: {  	v13 =	vmax.f32 v13, v14  }
0x669: {  	[tilespmem:v15+s16+$0x0] =	vst.idx.msk $0xffff, v13  }
0x66a: {  	v14 =	vld.idx.msk [tilespmem:v12+s16+$0x0], $0xffff  }
0x66b: {  	v15 =	vld [tilespmem:s25+$0x70]  }
.Ltmp31:
0x66c: {  	(pc) =	sbr.rel @p1 .LBB2_48-.Ltmp31, $2  }
0x66d: {  	v13 =	vmov s28;
	_ =	sdelay $0x2  }
0x66e: {  	v14 =	vmax.f32 v14, v15  }
.Ltmp32:
0x66f: {  	_ = 	snop;
	(pc) =	sbr.rel .LBB2_49-.Ltmp32, $1  }
0x670: {  	_ =	sdelay $0x3  }
.LBB2_9:
.Ltmp33:
0x671: {  	(pc) =	sbr.rel .LBB2_13-.Ltmp33, $2  }
0x672: {  	_ =	sdelay $0x2  }
0x673: {  	s26 =	simm.s32 $0x5B00  }
.LBB2_18:
.Ltmp34:
0x674: {  	(pc) =	sbr.rel .LBB2_22-.Ltmp34, $2  }
0x675: {  	_ =	sdelay $0x2  }
0x676: {  	s26 =	simm.s32 $0x5B00  }
.LBB2_27:
.Ltmp35:
0x677: {  	(pc) =	sbr.rel .LBB2_31-.Ltmp35, $2  }
0x678: {  	_ =	sdelay $0x2  }
0x679: {  	s26 =	simm.s32 $0x5B00  }
.LBB2_36:
.Ltmp36:
0x67a: {  	(pc) =	sbr.rel .LBB2_40-.Ltmp36, $2  }
0x67b: {  	_ =	sdelay $0x2  }
0x67c: {  	s26 =	simm.s32 $0x5B00  }
.LBB2_11:
.Ltmp37:
0x67d: {  	(pc) =	sbr.rel .LBB2_13-.Ltmp37, $2  }
0x67e: {  	_ =	sdelay $0x2  }
0x67f: {  	s26 =	simm.s32 $0x5B00  }
.LBB2_20:
.Ltmp38:
0x680: {  	(pc) =	sbr.rel .LBB2_22-.Ltmp38, $2  }
0x681: {  	_ =	sdelay $0x2  }
0x682: {  	s26 =	simm.s32 $0x5B00  }
.LBB2_29:
.Ltmp39:
0x683: {  	(pc) =	sbr.rel .LBB2_31-.Ltmp39, $2  }
0x684: {  	_ =	sdelay $0x2  }
0x685: {  	s26 =	simm.s32 $0x5B00  }
.LBB2_38:
.Ltmp40:
0x686: {  	(pc) =	sbr.rel .LBB2_40-.Ltmp40, $2  }
0x687: {  	_ =	sdelay $0x2  }
0x688: {  	s26 =	simm.s32 $0x5B00  }
.LBB2_47:
.Ltmp41:
0x689: {  	(pc) =	sbr.rel .LBB2_49-.Ltmp41, $2  }
0x68a: {  	_ =	sdelay $0x2  }
0x68b: {  	s25 =	simm.s32 $0x5B00  }
.LBB2_52:
0x68c: {  	[tilespmem:s12], [sflag:$0x1] =	stream.indirect.gather [hbm4b:s4+s11], $0x80, s9, s11, $0xb8;
	[tilespmem:$0x1E700] =	vst v63  }
0x68d: {  	p0 =	slt.s32 s24, $0x1  }
.Ltmp42:
0x68e: {  	_ = 	snop;
	(pc) =	sbr.rel @p0 .LBB2_59-.Ltmp42, $4  }
0x68f: {  	[tilespmem:s14], [sflag:$0x2] =	stream.indirect.gather [hbm4b:s4+s11], $0x80, s13, s11, $0xb8;
	[tilespmem:$0x1E700] =	vst v63  }
0x690: {  	_ =	swait.ge [sflag:s15], $0x5000  }
0x691: {  	[sflag:s15] =	ssyncset.done $0x0  }
0x692: {  	[sflag:s15] =	ssyncadd.s32 $0xFFFFB000  }
0x693: {  	p0 =	slt.s32 s24, $0xA0;
	s20 =	smov.u32 s24  }
0x694: {  	s20 =	simm.s32 @!p0 $0xA0  }
0x695: {  	p1 =	sne.s32 s20, $0x1  }
.Ltmp43:
0x696: {  	_ = 	snop;
	(pc) =	sbr.rel @!p1 .LBB2_54-.Ltmp43, $3  }
0x697: {  	_ =	sdelay $0x1  }
0x698: {  	s22 =	simm.s32 $0x0  }
0x699: {  	s19 =	simm.s32 $0xB40;
	s21 =	simm.s32 $0x1;
	v13 =	vmov s22;
	p0 =	por $0x0, $0x0  }
0x69a: {  	_ =	sdelay $0x3  }
0x69b: {  	v12 =	vld.idx.msk [tilespmem:v13+s10+$0x0], $0xffff;
	_ =	sdelay $0x4  }
0x69c: {  	v12 =	vsub.s32 v12, v0  }
0x69d: {  	v12 =	vshll.u32 v12, $0x7  }
0x69e: {  	v13 =	vor.u32 v2, v12;
	_ =	sdelay $0x3  }
0x69f: {  	v15 =	vld [tilespmem:s19+$0xFFFFFFC0]  }
0x6a0: {  	v14 =	vld.idx.msk [tilespmem:v13+s16+$0x0], $0xffff;
	_ =	sdelay $0x1  }
0x6a1: {  	v16 =	vor.u32 v5, v12;
	_ =	sdelay $0x2  }
0x6a2: {  	v14 =	vmax.f32 v14, v15  }
0x6a3: {  	[tilespmem:v13+s16+$0x0] =	vst.idx.msk $0xffff, v14  }
0x6a4: {  	v13 =	vld.idx.msk [tilespmem:v16+s16+$0x0], $0xffff  }
0x6a5: {  	v14 =	vld [tilespmem:s19+$0xFFFFFFD0];
	_ =	sdelay $0x1  }
0x6a6: {  	v15 =	vor.u32 v6, v12;
	_ =	sdelay $0x2  }
0x6a7: {  	v13 =	vmax.f32 v13, v14  }
0x6a8: {  	[tilespmem:v16+s16+$0x0] =	vst.idx.msk $0xffff, v13  }
0x6a9: {  	v13 =	vld.idx.msk [tilespmem:v15+s16+$0x0], $0xffff  }
0x6aa: {  	v14 =	vld [tilespmem:s19+$0xFFFFFFE0];
	_ =	sdelay $0x1  }
0x6ab: {  	v62 =	vor.u32 v7, v12;
	_ =	sdelay $0x2  }
0x6ac: {  	v13 =	vmax.f32 v13, v14  }
0x6ad: {  	[tilespmem:v15+s16+$0x0] =	vst.idx.msk $0xffff, v13  }
0x6ae: {  	v13 =	vld.idx.msk [tilespmem:v62+s16+$0x0], $0xffff  }
0x6af: {  	v14 =	vld [tilespmem:s19+$0xFFFFFFF0];
	_ =	sdelay $0x1  }
0x6b0: {  	v15 =	vor.u32 v8, v12;
	_ =	sdelay $0x2  }
0x6b1: {  	v13 =	vmax.f32 v13, v14  }
0x6b2: {  	[tilespmem:v62+s16+$0x0] =	vst.idx.msk $0xffff, v13  }
0x6b3: {  	v13 =	vld.idx.msk [tilespmem:v15+s16+$0x0], $0xffff  }
0x6b4: {  	v14 =	vld [tilespmem:s19+$0x0];
	_ =	sdelay $0x1  }
0x6b5: {  	v63 =	vor.u32 v9, v12;
	_ =	sdelay $0x2  }
0x6b6: {  	v13 =	vmax.f32 v13, v14  }
0x6b7: {  	[tilespmem:v15+s16+$0x0] =	vst.idx.msk $0xffff, v13  }
0x6b8: {  	v13 =	vld.idx.msk [tilespmem:v63+s16+$0x0], $0xffff  }
0x6b9: {  	v14 =	vld [tilespmem:s19+$0x10];
	_ =	sdelay $0x1  }
0x6ba: {  	v15 =	vor.u32 v10, v12;
	_ =	sdelay $0x2  }
0x6bb: {  	v13 =	vmax.f32 v13, v14  }
0x6bc: {  	[tilespmem:v63+s16+$0x0] =	vst.idx.msk $0xffff, v13  }
0x6bd: {  	v13 =	vld.idx.msk [tilespmem:v15+s16+$0x0], $0xffff  }
0x6be: {  	v14 =	vld [tilespmem:s19+$0x20];
	_ =	sdelay $0x1  }
0x6bf: {  	v12 =	vor.u32 v11, v12;
	_ =	sdelay $0x2  }
0x6c0: {  	v13 =	vmax.f32 v13, v14  }
0x6c1: {  	[tilespmem:v15+s16+$0x0] =	vst.idx.msk $0xffff, v13  }
0x6c2: {  	v14 =	vld.idx.msk [tilespmem:v12+s16+$0x0], $0xffff  }
0x6c3: {  	p1 =	sne.s32 s20, $0x2;
	v15 =	vld [tilespmem:s19+$0x30]  }
.Ltmp44:
0x6c4: {  	_ = 	snop;
	(pc) =	sbr.rel @!p1 .LBB2_56-.Ltmp44, $2  }
0x6c5: {  	v13 =	vmov s21;
	_ =	sdelay $0x2  }
0x6c6: {  	s22 =	simm.s32 $0x2;
	p0 =	por $0x1, $0x1;
	s21 =	simm.s32 $0xB40;
	v14 =	vmax.f32 v14, v15  }
.LBB2_57:
0x6c7: {  	[tilespmem:v12+s16+$0x0] =	vst.idx.msk $0xffff, v14;
	s21 =	sadd.s32 $0x80, s21;
	s23 =	smov.u32 s22;
	s22 =	sadd.s32 $0x1, s22  }
0x6c8: {  	p1 =	sne.s32 s20, s22;
	v12 =	vld.idx.msk [tilespmem:v13+s10+$0x0], $0xffff;
	_ =	sdelay $0x5  }
0x6c9: {  	v12 =	vsub.s32 v12, v0  }
0x6ca: {  	v12 =	vshll.u32 v12, $0x7  }
0x6cb: {  	v13 =	vor.u32 v2, v12;
	_ =	sdelay $0x4  }
0x6cc: {  	v14 =	vld.idx.msk [tilespmem:v13+s16+$0x0], $0xffff  }
0x6cd: {  	v15 =	vld [tilespmem:s21+$0xFFFFFFC0];
	_ =	sdelay $0x1  }
0x6ce: {  	v16 =	vor.u32 v5, v12;
	_ =	sdelay $0x2  }
0x6cf: {  	v14 =	vmax.f32 v14, v15  }
0x6d0: {  	[tilespmem:v13+s16+$0x0] =	vst.idx.msk $0xffff, v14  }
0x6d1: {  	v13 =	vld.idx.msk [tilespmem:v16+s16+$0x0], $0xffff  }
0x6d2: {  	v14 =	vld [tilespmem:s21+$0xFFFFFFD0];
	_ =	sdelay $0x1  }
0x6d3: {  	v15 =	vor.u32 v6, v12;
	_ =	sdelay $0x2  }
0x6d4: {  	v13 =	vmax.f32 v13, v14  }
0x6d5: {  	[tilespmem:v16+s16+$0x0] =	vst.idx.msk $0xffff, v13  }
0x6d6: {  	v13 =	vld.idx.msk [tilespmem:v15+s16+$0x0], $0xffff  }
0x6d7: {  	v14 =	vld [tilespmem:s21+$0xFFFFFFE0];
	_ =	sdelay $0x1  }
0x6d8: {  	v16 =	vor.u32 v7, v12;
	_ =	sdelay $0x2  }
0x6d9: {  	v13 =	vmax.f32 v13, v14  }
0x6da: {  	[tilespmem:v15+s16+$0x0] =	vst.idx.msk $0xffff, v13  }
0x6db: {  	v13 =	vld.idx.msk [tilespmem:v16+s16+$0x0], $0xffff  }
0x6dc: {  	v14 =	vld [tilespmem:s21+$0xFFFFFFF0];
	_ =	sdelay $0x1  }
0x6dd: {  	v15 =	vor.u32 v8, v12;
	_ =	sdelay $0x2  }
0x6de: {  	v13 =	vmax.f32 v13, v14  }
0x6df: {  	[tilespmem:v16+s16+$0x0] =	vst.idx.msk $0xffff, v13  }
0x6e0: {  	v13 =	vld.idx.msk [tilespmem:v15+s16+$0x0], $0xffff  }
0x6e1: {  	v14 =	vld [tilespmem:s21+$0x0];
	_ =	sdelay $0x1  }
0x6e2: {  	v16 =	vor.u32 v9, v12;
	_ =	sdelay $0x2  }
0x6e3: {  	v13 =	vmax.f32 v13, v14  }
0x6e4: {  	[tilespmem:v15+s16+$0x0] =	vst.idx.msk $0xffff, v13  }
0x6e5: {  	v13 =	vld.idx.msk [tilespmem:v16+s16+$0x0], $0xffff  }
0x6e6: {  	v14 =	vld [tilespmem:s21+$0x10];
	_ =	sdelay $0x1  }
0x6e7: {  	v15 =	vor.u32 v10, v12;
	_ =	sdelay $0x2  }
0x6e8: {  	v13 =	vmax.f32 v13, v14  }
0x6e9: {  	[tilespmem:v16+s16+$0x0] =	vst.idx.msk $0xffff, v13  }
0x6ea: {  	v13 =	vld.idx.msk [tilespmem:v15+s16+$0x0], $0xffff  }
0x6eb: {  	v14 =	vld [tilespmem:s21+$0x20];
	_ =	sdelay $0x1  }
0x6ec: {  	v12 =	vor.u32 v11, v12;
	_ =	sdelay $0x2  }
0x6ed: {  	v13 =	vmax.f32 v13, v14  }
0x6ee: {  	[tilespmem:v15+s16+$0x0] =	vst.idx.msk $0xffff, v13  }
0x6ef: {  	v14 =	vld.idx.msk [tilespmem:v12+s16+$0x0], $0xffff  }
0x6f0: {  	v15 =	vld [tilespmem:s21+$0x30]  }
.Ltmp45:
0x6f1: {  	(pc) =	sbr.rel @p1 .LBB2_57-.Ltmp45, $2  }
0x6f2: {  	v13 =	vmov s23;
	_ =	sdelay $0x2  }
0x6f3: {  	v14 =	vmax.f32 v14, v15  }
.LBB2_58:
0x6f4: {  	_ =	sdelay $0x3  }
0x6f5: {  	[tilespmem:v12+s16+$0x0] =	vst.idx.msk @p0 $0xffff, v14  }
0x6f6: {  	v12 =	vld.idx.msk [tilespmem:v13+s10+$0x0], $0xffff;
	_ =	sdelay $0x4  }
0x6f7: {  	v12 =	vsub.s32 v12, v0  }
0x6f8: {  	v12 =	vshll.u32 v12, $0x7  }
0x6f9: {  	v52 =	vor.u32 v2, v12;
	_ =	sdelay $0x1  }
0x6fa: {  	s20 =	sadd.s32 @p0 $0x80, s21  }
0x6fb: {  	s19 =	smov.u32 @p0 s20  }
0x6fc: {  	v15 =	vld [tilespmem:s19+$0xFFFFFFC0]  }
0x6fd: {  	v14 =	vld.idx.msk [tilespmem:v52+s16+$0x0], $0xffff;
	_ =	sdelay $0x1  }
0x6fe: {  	v16 =	vor.u32 v5, v12;
	_ =	sdelay $0x2  }
0x6ff: {  	v14 =	vmax.f32 v14, v15  }
0x700: {  	[tilespmem:v52+s16+$0x0] =	vst.idx.msk $0xffff, v14  }
0x701: {  	v13 =	vld.idx.msk [tilespmem:v16+s16+$0x0], $0xffff  }
0x702: {  	v14 =	vld [tilespmem:s19+$0xFFFFFFD0];
	_ =	sdelay $0x1  }
0x703: {  	v53 =	vor.u32 v6, v12;
	_ =	sdelay $0x2  }
0x704: {  	v13 =	vmax.f32 v13, v14  }
0x705: {  	[tilespmem:v16+s16+$0x0] =	vst.idx.msk $0xffff, v13  }
0x706: {  	v13 =	vld.idx.msk [tilespmem:v53+s16+$0x0], $0xffff  }
0x707: {  	v54 =	vld [tilespmem:s19+$0xFFFFFFE0];
	_ =	sdelay $0x1  }
0x708: {  	v55 =	vor.u32 v7, v12;
	_ =	sdelay $0x2  }
0x709: {  	v13 =	vmax.f32 v13, v54  }
0x70a: {  	[tilespmem:v53+s16+$0x0] =	vst.idx.msk $0xffff, v13  }
0x70b: {  	v13 =	vld.idx.msk [tilespmem:v55+s16+$0x0], $0xffff  }
0x70c: {  	v56 =	vld [tilespmem:s19+$0xFFFFFFF0];
	_ =	sdelay $0x1  }
0x70d: {  	v57 =	vor.u32 v8, v12;
	_ =	sdelay $0x2  }
0x70e: {  	v13 =	vmax.f32 v13, v56  }
0x70f: {  	[tilespmem:v55+s16+$0x0] =	vst.idx.msk $0xffff, v13  }
0x710: {  	v13 =	vld.idx.msk [tilespmem:v57+s16+$0x0], $0xffff  }
0x711: {  	v58 =	vld [tilespmem:s19+$0x0];
	_ =	sdelay $0x1  }
0x712: {  	v59 =	vor.u32 v9, v12;
	_ =	sdelay $0x2  }
0x713: {  	v13 =	vmax.f32 v13, v58  }
0x714: {  	[tilespmem:v57+s16+$0x0] =	vst.idx.msk $0xffff, v13  }
0x715: {  	v13 =	vld.idx.msk [tilespmem:v59+s16+$0x0], $0xffff  }
0x716: {  	v60 =	vld [tilespmem:s19+$0x10];
	_ =	sdelay $0x1  }
0x717: {  	v61 =	vor.u32 v10, v12;
	_ =	sdelay $0x2  }
0x718: {  	v13 =	vmax.f32 v13, v60  }
0x719: {  	[tilespmem:v59+s16+$0x0] =	vst.idx.msk $0xffff, v13  }
0x71a: {  	v13 =	vld.idx.msk [tilespmem:v61+s16+$0x0], $0xffff  }
0x71b: {  	v62 =	vld [tilespmem:s19+$0x20];
	_ =	sdelay $0x1  }
0x71c: {  	v12 =	vor.u32 v11, v12;
	_ =	sdelay $0x2  }
0x71d: {  	v13 =	vmax.f32 v13, v62  }
0x71e: {  	[tilespmem:v61+s16+$0x0] =	vst.idx.msk $0xffff, v13  }
0x71f: {  	v13 =	vld.idx.msk [tilespmem:v12+s16+$0x0], $0xffff  }
0x720: {  	v63 =	vld [tilespmem:s19+$0x30];
	_ =	sdelay $0x4  }
0x721: {  	v13 =	vmax.f32 v13, v63  }
0x722: {  	[tilespmem:v12+s16+$0x0] =	vst.idx.msk $0xffff, v13  }
.LBB2_59:
0x723: {  	p0 =	slt.s32 s24, $0xA1  }
.Ltmp46:
0x724: {  	_ = 	snop;
	(pc) =	sbr.rel @p0 .LBB2_66-.Ltmp46, $4  }
0x725: {  	_ = 	snop  }
0x726: {  	_ =	swait.ge [sflag:s17], $0x5000  }
0x727: {  	[sflag:s17] =	ssyncset.done $0x0  }
0x728: {  	[sflag:s17] =	ssyncadd.s32 $0xFFFFB000  }
0x729: {  	p0 =	sgt.s32 s24, $0xA0  }
0x72a: {  	s24 =	simm.s32 @!p0 $0xA0  }
0x72b: {  	p1 =	sne.s32 s24, $0xA1  }
.Ltmp47:
0x72c: {  	_ = 	snop;
	(pc) =	sbr.rel @!p1 .LBB2_61-.Ltmp47, $3  }
0x72d: {  	_ =	sdelay $0x1  }
0x72e: {  	s21 =	simm.s32 $0xA0  }
0x72f: {  	s19 =	simm.s32 $0x5B00;
	s20 =	simm.s32 $0xA1;
	v13 =	vmov s21;
	p0 =	por $0x0, $0x0  }
0x730: {  	_ =	sdelay $0x3  }
0x731: {  	v12 =	vld.idx.msk [tilespmem:v13+s10+$0x0], $0xffff;
	_ =	sdelay $0x4  }
0x732: {  	v12 =	vsub.s32 v12, v0  }
0x733: {  	v12 =	vshll.u32 v12, $0x7  }
0x734: {  	v13 =	vor.u32 v2, v12;
	_ =	sdelay $0x3  }
0x735: {  	v15 =	vld [tilespmem:s19+$0x0]  }
0x736: {  	v14 =	vld.idx.msk [tilespmem:v13+s16+$0x0], $0xffff;
	_ =	sdelay $0x1  }
0x737: {  	v16 =	vor.u32 v5, v12;
	_ =	sdelay $0x2  }
0x738: {  	v14 =	vmax.f32 v14, v15  }
0x739: {  	[tilespmem:v13+s16+$0x0] =	vst.idx.msk $0xffff, v14  }
0x73a: {  	v13 =	vld.idx.msk [tilespmem:v16+s16+$0x0], $0xffff  }
0x73b: {  	v14 =	vld [tilespmem:s19+$0x10];
	_ =	sdelay $0x1  }
0x73c: {  	v15 =	vor.u32 v6, v12;
	_ =	sdelay $0x2  }
0x73d: {  	v13 =	vmax.f32 v13, v14  }
0x73e: {  	[tilespmem:v16+s16+$0x0] =	vst.idx.msk $0xffff, v13  }
0x73f: {  	v13 =	vld.idx.msk [tilespmem:v15+s16+$0x0], $0xffff  }
0x740: {  	v14 =	vld [tilespmem:s19+$0x20];
	_ =	sdelay $0x1  }
0x741: {  	v62 =	vor.u32 v7, v12;
	_ =	sdelay $0x2  }
0x742: {  	v13 =	vmax.f32 v13, v14  }
0x743: {  	[tilespmem:v15+s16+$0x0] =	vst.idx.msk $0xffff, v13  }
0x744: {  	v13 =	vld.idx.msk [tilespmem:v62+s16+$0x0], $0xffff  }
0x745: {  	v14 =	vld [tilespmem:s19+$0x30];
	_ =	sdelay $0x1  }
0x746: {  	v15 =	vor.u32 v8, v12;
	_ =	sdelay $0x2  }
0x747: {  	v13 =	vmax.f32 v13, v14  }
0x748: {  	[tilespmem:v62+s16+$0x0] =	vst.idx.msk $0xffff, v13  }
0x749: {  	v13 =	vld.idx.msk [tilespmem:v15+s16+$0x0], $0xffff  }
0x74a: {  	v14 =	vld [tilespmem:s19+$0x40];
	_ =	sdelay $0x1  }
0x74b: {  	v63 =	vor.u32 v9, v12;
	_ =	sdelay $0x2  }
0x74c: {  	v13 =	vmax.f32 v13, v14  }
0x74d: {  	[tilespmem:v15+s16+$0x0] =	vst.idx.msk $0xffff, v13  }
0x74e: {  	v13 =	vld.idx.msk [tilespmem:v63+s16+$0x0], $0xffff  }
0x74f: {  	v14 =	vld [tilespmem:s19+$0x50];
	_ =	sdelay $0x1  }
0x750: {  	v15 =	vor.u32 v10, v12;
	_ =	sdelay $0x2  }
0x751: {  	v13 =	vmax.f32 v13, v14  }
0x752: {  	[tilespmem:v63+s16+$0x0] =	vst.idx.msk $0xffff, v13  }
0x753: {  	v13 =	vld.idx.msk [tilespmem:v15+s16+$0x0], $0xffff  }
0x754: {  	v14 =	vld [tilespmem:s19+$0x60];
	_ =	sdelay $0x1  }
0x755: {  	v12 =	vor.u32 v11, v12;
	_ =	sdelay $0x2  }
0x756: {  	v13 =	vmax.f32 v13, v14  }
0x757: {  	[tilespmem:v15+s16+$0x0] =	vst.idx.msk $0xffff, v13  }
0x758: {  	v14 =	vld.idx.msk [tilespmem:v12+s16+$0x0], $0xffff  }
0x759: {  	p1 =	sne.s32 s24, $0xA2;
	v15 =	vld [tilespmem:s19+$0x70]  }
.Ltmp48:
0x75a: {  	_ = 	snop;
	(pc) =	sbr.rel @!p1 .LBB2_63-.Ltmp48, $2  }
0x75b: {  	v13 =	vmov s20;
	_ =	sdelay $0x2  }
0x75c: {  	s21 =	simm.s32 $0xA2;
	p0 =	por $0x1, $0x1;
	s20 =	simm.s32 $0x5B00;
	v14 =	vmax.f32 v14, v15  }
.LBB2_64:
0x75d: {  	[tilespmem:v12+s16+$0x0] =	vst.idx.msk $0xffff, v14;
	s20 =	sadd.s32 $0x80, s20;
	s22 =	smov.u32 s21;
	s21 =	sadd.s32 $0x1, s21  }
0x75e: {  	p1 =	sne.s32 s24, s21;
	v12 =	vld.idx.msk [tilespmem:v13+s10+$0x0], $0xffff;
	_ =	sdelay $0x5  }
0x75f: {  	v12 =	vsub.s32 v12, v0  }
0x760: {  	v12 =	vshll.u32 v12, $0x7  }
0x761: {  	v13 =	vor.u32 v2, v12;
	_ =	sdelay $0x4  }
0x762: {  	v14 =	vld.idx.msk [tilespmem:v13+s16+$0x0], $0xffff  }
0x763: {  	v15 =	vld [tilespmem:s20+$0x0];
	_ =	sdelay $0x1  }
0x764: {  	v16 =	vor.u32 v5, v12;
	_ =	sdelay $0x2  }
0x765: {  	v14 =	vmax.f32 v14, v15  }
0x766: {  	[tilespmem:v13+s16+$0x0] =	vst.idx.msk $0xffff, v14  }
0x767: {  	v13 =	vld.idx.msk [tilespmem:v16+s16+$0x0], $0xffff  }
0x768: {  	v14 =	vld [tilespmem:s20+$0x10];
	_ =	sdelay $0x1  }
0x769: {  	v15 =	vor.u32 v6, v12;
	_ =	sdelay $0x2  }
0x76a: {  	v13 =	vmax.f32 v13, v14  }
0x76b: {  	[tilespmem:v16+s16+$0x0] =	vst.idx.msk $0xffff, v13  }
0x76c: {  	v13 =	vld.idx.msk [tilespmem:v15+s16+$0x0], $0xffff  }
0x76d: {  	v14 =	vld [tilespmem:s20+$0x20];
	_ =	sdelay $0x1  }
0x76e: {  	v16 =	vor.u32 v7, v12;
	_ =	sdelay $0x2  }
0x76f: {  	v13 =	vmax.f32 v13, v14  }
0x770: {  	[tilespmem:v15+s16+$0x0] =	vst.idx.msk $0xffff, v13  }
0x771: {  	v13 =	vld.idx.msk [tilespmem:v16+s16+$0x0], $0xffff  }
0x772: {  	v14 =	vld [tilespmem:s20+$0x30];
	_ =	sdelay $0x1  }
0x773: {  	v15 =	vor.u32 v8, v12;
	_ =	sdelay $0x2  }
0x774: {  	v13 =	vmax.f32 v13, v14  }
0x775: {  	[tilespmem:v16+s16+$0x0] =	vst.idx.msk $0xffff, v13  }
0x776: {  	v13 =	vld.idx.msk [tilespmem:v15+s16+$0x0], $0xffff  }
0x777: {  	v14 =	vld [tilespmem:s20+$0x40];
	_ =	sdelay $0x1  }
0x778: {  	v16 =	vor.u32 v9, v12;
	_ =	sdelay $0x2  }
0x779: {  	v13 =	vmax.f32 v13, v14  }
0x77a: {  	[tilespmem:v15+s16+$0x0] =	vst.idx.msk $0xffff, v13  }
0x77b: {  	v13 =	vld.idx.msk [tilespmem:v16+s16+$0x0], $0xffff  }
0x77c: {  	v14 =	vld [tilespmem:s20+$0x50];
	_ =	sdelay $0x1  }
0x77d: {  	v15 =	vor.u32 v10, v12;
	_ =	sdelay $0x2  }
0x77e: {  	v13 =	vmax.f32 v13, v14  }
0x77f: {  	[tilespmem:v16+s16+$0x0] =	vst.idx.msk $0xffff, v13  }
0x780: {  	v13 =	vld.idx.msk [tilespmem:v15+s16+$0x0], $0xffff  }
0x781: {  	v14 =	vld [tilespmem:s20+$0x60];
	_ =	sdelay $0x1  }
0x782: {  	v12 =	vor.u32 v11, v12;
	_ =	sdelay $0x2  }
0x783: {  	v13 =	vmax.f32 v13, v14  }
0x784: {  	[tilespmem:v15+s16+$0x0] =	vst.idx.msk $0xffff, v13  }
0x785: {  	v14 =	vld.idx.msk [tilespmem:v12+s16+$0x0], $0xffff  }
0x786: {  	v15 =	vld [tilespmem:s20+$0x70]  }
.Ltmp49:
0x787: {  	(pc) =	sbr.rel @p1 .LBB2_64-.Ltmp49, $2  }
0x788: {  	v13 =	vmov s22;
	_ =	sdelay $0x2  }
0x789: {  	v14 =	vmax.f32 v14, v15  }
.Ltmp50:
0x78a: {  	_ = 	snop;
	(pc) =	sbr.rel .LBB2_65-.Ltmp50, $1  }
0x78b: {  	_ =	sdelay $0x3  }
.LBB2_54:
.Ltmp51:
0x78c: {  	(pc) =	sbr.rel .LBB2_58-.Ltmp51, $2  }
0x78d: {  	_ =	sdelay $0x2  }
0x78e: {  	s21 =	simm.s32 $0xB40  }
.LBB2_56:
.Ltmp52:
0x78f: {  	(pc) =	sbr.rel .LBB2_58-.Ltmp52, $2  }
0x790: {  	_ =	sdelay $0x2  }
0x791: {  	s21 =	simm.s32 $0xB40  }
.LBB2_63:
.Ltmp53:
0x792: {  	(pc) =	sbr.rel .LBB2_65-.Ltmp53, $2  }
0x793: {  	_ =	sdelay $0x2  }
0x794: {  	s20 =	simm.s32 $0x5B00  }
.LBB2_67:
0x795: {  	_ =	sfence.sel $0x180000  }
0x796: {  	[bflag:$0x0] =	sbarrier.arrive $0xFFFF  }
0x797: {  	p0 =	sne.s32 s1, $0x0;
	_ =	strace $0x9000004A  }
0x798: {  	s0 =	sadd.s32 @!p0 $0x100000, s0;
	[bflag:$0x2] =	sbarrier.arrive $0xFFFF  }
0x799: {  	[sflag:s0] =	ssyncadd.tile.s32 @!p0 $0x1;
	_ =	shalt  }
.Lfunc_end2:
_tile_overlayer_lowered:
.L_overlay_start_2:
0x79a: {  	(tag) =	ssettag $0x2  }
0x79b: {  	s0 =	rddreg [dreg:$0x0];
	s2 =	stileid.u32  }
0x79c: {  	s1 =	rddreg [dreg:$0x1];
	p0 =	sne.s32 s2, $0x0  }
0x79d: {  	s3 =	rddreg [dreg:$0x2];
	[bflag:$0x3] =	sbarrier.arrive $0xFFFF;
	s2 =	simm.s32 @!p0 $0x1C03  }
0x79e: {  	[timem:s3], [sflag:s2] =	dma.local @!p0 [hbm:s0], s1  }
0x79f: {  	s0 =	simm.s32 @!p0 $0x3  }
0x7a0: {  	_ =	swait.ge @!p0 [sflag:s0], s1  }
0x7a1: {  	s1 =	ssub.s32 @!p0 $0x0, s1;
	[sflag:s0] =	ssyncset.done @!p0 $0x0  }
0x7a2: {  	[sflag:s0] =	ssyncadd.s32 @!p0 s1  }
0x7a3: {  	[bflag:$0x3] =	sbarrier.arrive $0xFFFF  }
0x7a4: {  	_ =	shalt  }

// kernel: kernel.7.cloned.1.call-start
scs
__scs_entry_jumppad:
0x0: {  	(pc) =	sbr.rel $0x88, $3  }
0x1: {  	(tag) =	ssettag $0x0;
	lr =	simm.s32 $0x1  }
0x2: {  	[smem:$0x3F99] =	sst lr;
	_ =	strace $0xD0000000  }
0x3: {  	_ = 	snop  }
0x4: {  	_ = 	snop  }
0x5: {  	_ = 	snop  }
0x6: {  	_ = 	snop  }
0x7: {  	_ = 	snop  }
__scs_overlays_trampoline_lowered:
0x8: {  	[smem:$0x3FA8] =	sst s0  }
0x9: {  	[smem:$0x3FA9] =	sst s1  }
0xa: {  	[smem:$0x3FAA] =	sst s2  }
0xb: {  	[smem:$0x3FAB] =	sst s3  }
0xc: {  	[smem:$0x3FAC] =	sst s4  }
0xd: {  	[smem:$0x3FAD] =	sst s5  }
0xe: {  	[smem:$0x3FAE] =	sst s6  }
0xf: {  	[smem:$0x3FAF] =	sst s7  }
0x10: {  	[smem:$0x3FB0] =	sst s8  }
0x11: {  	[smem:$0x3FB1] =	sst s9;
	s0 =	simm.s32 @!p0 $0x0  }
0x12: {  	s1 =	sld [smem:$0x3F97];
	s0 =	simm.s32 @p0 $0x1  }
0x13: {  	[smem:$0x3FB2] =	sst s0;
	s0 =	simm.s32 @!p1 $0x0  }
0x14: {  	s2 =	sld [smem:$0x3F96];
	s0 =	simm.s32 @p1 $0x1  }
0x15: {  	[smem:$0x3FB3] =	sst s0;
	s0 =	simm.s32 @!p2 $0x0  }
0x16: {  	s3 =	sld [smem:$0x3FDB];
	s0 =	simm.s32 @p2 $0x1  }
0x17: {  	s4 =	simm.s32 $0x1BF5;
	[smem:$0x3FB5] =	sst s0  }
0x18: {  	s0 =	sld [smem:$0x3F98];
	_ =	swait.ge [sflag:s4], $0x0  }
0x19: {  	s7 =	sld [smem:$0x3F99]  }
0x1a: {  	s8 =	sadd.s32 $0xFFFFE003, lr  }
0x1b: {  	s9 =	sadd.s32 $0xFFFFFEF7, lr;
	s5 =	simm.s32 $0xFFFFFFFF;
	p2 =	slt.u32 s8, $0xFFFFF086  }
0x1c: {  	p1 =	slt.u32 s9, $0xF7A;
	s5 =	simm.s32 @!p2 $0x0  }
0x1d: {  	s5 =	simm.s32 @p1 $0x1;
	p0 =	seq.s32 s7, s2  }
0x1e: {  	s7 =	smul.u32 @!p0 $0xF7A, s2;
	p2 =	seq.s32 @!p0 s5, $0x0  }
0x1f: {  	s9 =	smul.u32 $0xF7A, s1;
	s8 =	simm.s32 @!p0 $0x1BF5;
	p2 =	por !p2, p0  }
0x20: {  	[sflag:s8] =	ssyncset.s32 @!p0 $0xFFFFF086;
	s6 =	sadd.s32 @!p0 s3, s7;
	s7 =	simm.s32 @!p0 $0x108  }
0x21: {  	s3 =	sadd.s32 s3, s9;
	s6 =	sadd.s32 @!p0 $0x88, s6;
	s7 =	simm.s32 @p2 $0x1082  }
0x22: {  	[simem:s7], [sflag:s8] =	dma.local @!p0 [hbm:s6], $0xF7A  }
0x23: {  	s9 =	sor.u32 $0xD0000000, s2;
	s6 =	simm.s32 $0x108;
	_ =	swait.ge @!p0 [sflag:s8], $0x0  }
0x24: {  	s3 =	sadd.s32 $0x88, s3;
	s6 =	simm.s32 @!p1 $0x1082;
	[sflag:s4] =	ssyncset.s32 $0xFFFFF086  }
0x25: {  	[simem:s6], [sflag:s4] =	dma.local [hbm:s3], $0xF7A  }
0x26: {  	[smem:$0x3F99] =	sst s1;
	(tag) =	ssettag s2;
	_ =	strace s9  }
0x27: {  	s1 =	sld [smem:$0x3FA9]  }
0x28: {  	s2 =	sld [smem:$0x3FAA]  }
0x29: {  	s4 =	sld [smem:$0x3FAC]  }
0x2a: {  	p0 =	seq.s32 s5, $0x0;
	s5 =	sld [smem:$0x3FAD]  }
0x2b: {  	s6 =	sld [smem:$0x3FAE]  }
0x2c: {  	s7 =	sld [smem:$0x3FAF]  }
0x2d: {  	s3 =	simm.s32 $0x108;
	s8 =	sld [smem:$0x3FB0]  }
0x2e: {  	s3 =	simm.s32 @!p0 $0x1082;
	s9 =	sld [smem:$0x3FB1]  }
0x2f: {  	lr =	sadd.s32 s0, s3;
	s0 =	sld [smem:$0x3FA8]  }
0x30: {  	s3 =	sld [smem:$0x3FAB]  }
0x31: {  	[smem:$0x3FB4] =	sst s10  }
0x32: {  	s10 =	sld [smem:$0x3FB2];
	_ =	sdelay $0x3  }
0x33: {  	p0 =	seq.s32 s10, $0x1;
	s10 =	sld [smem:$0x3FB4];
	_ =	sdelay $0x3  }
0x34: {  	[smem:$0x3FB4] =	sst s10  }
0x35: {  	s10 =	sld [smem:$0x3FB3];
	_ =	sdelay $0x3  }
0x36: {  	p1 =	seq.s32 s10, $0x1;
	s10 =	sld [smem:$0x3FB4];
	_ =	sdelay $0x3  }
0x37: {  	[smem:$0x3FB4] =	sst s10  }
0x38: {  	s10 =	sld [smem:$0x3FB5]  }
0x39: {  	_ = 	snop;
	(pc) =	sbr.ind lr, $3  }
0x3a: {  	_ = 	snop  }
0x3b: {  	_ = 	snop  }
0x3c: {  	p2 =	seq.s32 s10, $0x1;
	s10 =	sld [smem:$0x3FB4]  }
0x3d: {  	_ =	shalt  }
0x3e: {  	_ =	shalt  }
0x3f: {  	_ =	shalt  }
0x40: {  	_ =	shalt  }
0x41: {  	_ =	shalt  }
0x42: {  	_ =	shalt  }
0x43: {  	_ =	shalt  }
0x44: {  	_ =	shalt  }
0x45: {  	_ =	shalt  }
0x46: {  	_ =	shalt  }
0x47: {  	_ =	shalt  }
0x48: {  	_ =	shalt  }
0x49: {  	_ =	shalt  }
0x4a: {  	_ =	shalt  }
0x4b: {  	_ =	shalt  }
0x4c: {  	_ =	shalt  }
0x4d: {  	_ =	shalt  }
0x4e: {  	_ =	shalt  }
0x4f: {  	_ =	shalt  }
0x50: {  	_ =	shalt  }
0x51: {  	_ =	shalt  }
0x52: {  	_ =	shalt  }
0x53: {  	_ =	shalt  }
0x54: {  	_ =	shalt  }
0x55: {  	_ =	shalt  }
0x56: {  	_ =	shalt  }
0x57: {  	_ =	shalt  }
0x58: {  	_ =	shalt  }
0x59: {  	_ =	shalt  }
0x5a: {  	_ =	shalt  }
0x5b: {  	_ =	shalt  }
0x5c: {  	_ =	shalt  }
0x5d: {  	_ =	shalt  }
0x5e: {  	_ =	shalt  }
0x5f: {  	_ =	shalt  }
0x60: {  	_ =	shalt  }
0x61: {  	_ =	shalt  }
0x62: {  	_ =	shalt  }
0x63: {  	_ =	shalt  }
0x64: {  	_ =	shalt  }
0x65: {  	_ =	shalt  }
0x66: {  	_ =	shalt  }
0x67: {  	_ =	shalt  }
0x68: {  	_ =	shalt  }
0x69: {  	_ =	shalt  }
0x6a: {  	_ =	shalt  }
0x6b: {  	_ =	shalt  }
0x6c: {  	_ =	shalt  }
0x6d: {  	_ =	shalt  }
0x6e: {  	_ =	shalt  }
0x6f: {  	_ =	shalt  }
0x70: {  	_ =	shalt  }
0x71: {  	_ =	shalt  }
0x72: {  	_ =	shalt  }
0x73: {  	_ =	shalt  }
0x74: {  	_ =	shalt  }
0x75: {  	_ =	shalt  }
0x76: {  	_ =	shalt  }
0x77: {  	_ =	shalt  }
0x78: {  	_ =	shalt  }
0x79: {  	_ =	shalt  }
0x7a: {  	_ =	shalt  }
0x7b: {  	_ =	shalt  }
0x7c: {  	_ =	shalt  }
0x7d: {  	_ =	shalt  }
0x7e: {  	_ =	shalt  }
0x7f: {  	_ =	shalt  }
0x80: {  	_ =	shalt  }
0x81: {  	_ =	shalt  }
0x82: {  	_ =	shalt  }
0x83: {  	_ =	shalt  }
0x84: {  	_ =	shalt  }
0x85: {  	_ =	shalt  }
0x86: {  	_ =	shalt  }
0x87: {  	_ =	shalt  }
.Lfunc_end0:
.L_simem_size_0:
called_computation_lowered:
.L_overlay_start_0:
0x88: {  	s2 =	sld [smem:$0x3FD9]  }
0x89: {  	s3 =	sld [smem:$0x3FFE];
	_ =	sdelay $0x1  }
0x8a: {  	s1 =	srdreg.scid  }
0x8b: {  	s0 =	sand.u32 $0x1, s1  }
0x8c: {  	s17 =	sshll.u32 s0, $0xA;
	s2 =	sadd.s32 s3, s2  }
0x8d: {  	s2 =	sadd.s32 s2, s17  }
0x8e: {  	[smem:$0x3FC0] =	sst s2  }
0x8f: {  	_ = 	snop  }
0x90: {  	s2 =	sld [smem:$0x3FD0];
	(tm) =	ssettm $0x1  }
0x91: {  	s18 =	sld [smem:$0x3FFB];
	_ =	sdelay $0x3  }
0x92: {  	_ =	strace s18  }
0x93: {  	s3 =	sld [smem:$0x3FFC];
	_ =	sdelay $0x3  }
0x94: {  	_ =	strace s3  }
0x95: {  	s3 =	sld [smem:$0x3FFD];
	_ =	sdelay $0x3  }
0x96: {  	_ =	strace s3  }
0x97: {  	_ =	strace $0x8FFFFFFF  }
0x98: {  	s19 =	sld [smem:$0x3FDB];
	_ =	sdelay $0x1  }
0x99: {  	s4 =	simm.s32 $_scs_section_size  }
0x9a: {  	s5 =	simm.s32 $_size__tile_overlayer_lowered;
	s6 =	simm.s32 $_tile_overlayer_lowered  }
0x9b: {  	s22 =	simm.s32 $0x1BFF;
	s21 =	sshll.u32 s6, $0x1;
	s3 =	sadd.s32 s4, s19  }
0x9c: {  	s7 =	simm.s32 $0x0;
	s20 =	sshll.u32 s5, $0x1;
	s5 =	sadd.s32 s21, s3  }
0x9d: {  	[timem:s7], [sflag:s22] =	dma.local [hbm:s5], s20  }
0x9e: {  	_ =	swait.ge [sflag:s22], s20  }
0x9f: {  	s4 =	ssub.s32 $0x0, s20;
	[sflag:s22] =	ssyncset.done $0x0  }
0xa0: {  	[sflag:s22] =	ssyncadd.s32 s4;
	_ =	sdelay $0x1  }
0xa1: {  	s23 =	simm.s32 $0x1B8B  }
0xa2: {  	_ =	swait.ge [sflag:s23], $0x1  }
0xa3: {  	[sflag:s23] =	ssyncset.done $0x0  }
0xa4: {  	s25 =	simm.s32 $0x1B8E;
	s24 =	sld [smem:$0x3FFE];
	[sflag:s23] =	ssyncadd.s32 $0xFFFFFFFF  }
0xa5: {  	s26 =	simm.s32 $execute0_lowered;
	[smem:$0x3FD2] =	sst s25  }
0xa6: {  	s5 =	sshll.u32 s26, $0x1;
	_ =	strace $0x80000046;
	[dreg:$0x1] =	wrdreg $0xFFFFFFFF  }
0xa7: {  	s28 =	simm.s32 $_size_execute0_lowered;
	s3 =	sadd.s32 s3, s5;
	[dreg:$0x0] =	wrdreg $0x0  }
0xa8: {  	s5 =	sshll.u32 s28, $0x1;
	[dreg:$0x2] =	wrdreg s3  }
0xa9: {  	[dreg:$0x3] =	wrdreg s5  }
0xaa: {  	[dreg:$0x4] =	wrdreg $0xC0  }
0xab: {  	_ =	task [dreg:s7], $0x5FFFF  }
0xac: {  	[dreg:$0x1] =	wrdreg $0xFFFFFFFF  }
0xad: {  	[dreg:$0x0] =	wrdreg $0x60  }
0xae: {  	[dreg:$0x2] =	wrdreg s24  }
0xaf: {  	[dreg:$0x3] =	wrdreg s2  }
0xb0: {  	[dreg:$0x4] =	wrdreg $0x9  }
0xb1: {  	_ =	task.clear_ibuf [dreg:s7], $0x5FFFF;
	_ =	strace $0x90000046  }
0xb2: {  	s29 =	simm.s32 $0x9;
	_ =	strace $0x80000048  }
0xb3: {  	_ =	swait.ge [sflag:s29], $0x1  }
0xb4: {  	[sflag:s29] =	ssyncadd.s32 $0xFFFFFFFF  }
0xb5: {  	_ =	strace $0x90000048  }
0xb6: {  	_ =	sfence  }
0xb7: {  	s30 =	sld [smem:$0x0];
	_ =	sdelay $0x2  }
0xb8: {  	s31 =	sshll.u32 s1, $0xD;
	s1 =	sshrl.u32 s1, $0x2  }
0xb9: {  	s3 =	sand.u32 $0x4000, s31;
	s1 =	sadd.s32 s1, s30  }
0xba: {  	s0 =	sor.u32 s3, s0;
	s1 =	sshll.u32 s1, $0x11  }
0xbb: {  	s0 =	sor.u32 s1, s0  }
0xbc: {  	s0 =	sadd.s32 $0x8F2B, s0  }
0xbd: {  	[sflag:s0] =	ssyncadd.remote.s32 $0x1  }
0xbe: {  	_ =	sfence.sel $0xFFFF  }
0xbf: {  	[dreg:$0x0] =	wrdreg $0xFFFFFFFF;
	(pc) =	sbr.abs _section_cstart, $3  }
0xc0: {  	[dreg:$0x1] =	wrdreg $0xFFFFFFFF  }
0xc1: {  	_ =	task.clear_ibuf [dreg:s7], $0x2FFFF;
	_ =	strace $0x9FFFFFFF  }
0xc2: {  	(tm) =	ssettm $0x7FFFFFFF  }
0xc3: {  	_ =	shalt  }
tec
execute0_lowered:
.L_overlay_start_1:
0x0: {  	(tag) =	ssettag $0x1  }
0x1: {  	s7 =	rddreg [dreg:$0x0]  }
0x2: {  	s1 =	rddreg [dreg:$0x1]  }
0x3: {  	s0 =	rddreg [dreg:$0x2];
	s2 =	simm.s32 $0x0  }
0x4: {  	s5 =	srdreg.scid;
	s3 =	stileid.u32;
	s12 =	simm.s32 $0x190  }
0x5: {  	s13 =	simm.s32 $0x400;
	s14 =	simm.s32 $0xCC00;
	s15 =	simm.s32 $0x1  }
0x6: {  	s16 =	simm.s32 $0x2;
	s17 =	simm.s32 $0x0;
	[smem:$0x7FF] =	sst s2  }
0x7: {  	s4 =	sadd.s32 $0xB400, s7;
	s8 =	sand.u32 $0x1, s5;
	s5 =	sadd.s32 $0x1600, s7  }
0x8: {  	s10 =	sshll.u32 s3, $0x1;
	s6 =	sadd.s32 $0x15200, s7;
	s9 =	ssub.s32 $0x2, s8  }
0x9: {  	s7 =	sadd.s32 $0x3C400, s7;
	_ =	strace $0x80000047;
	s11 =	sshrl.u32 s9, $0x1  }
0xa: {  	s8 =	sor.u32 s8, s10;
	s10 =	simm.s32 $0x3;
	s9 =	ssub.s32 s9, s11  }
0xb: {  	s8 =	smul.u32 $0x2710, s8;
	s11 =	simm.s32 $0x200;
	s9 =	smax.u32 s9, $0x1  }
.LBB2_1:
0xc: {  	s18 =	simm.s32 $0x0  }
.LBB2_2:
0xd: {  	s19 =	smul.u32 $0x190, s18;
	_ =	sdelay $0x1  }
0xe: {  	s19 =	sadd.s32 s8, s19  }
0xf: {  	s20 =	sshrl.u32 s19, $0x3  }
0x10: {  	s22 =	simm.s32 $0x0;
	s21 =	sadd.s32 s4, s20  }
0x11: {  	[tilespmem:s22], [sflag:$0x3] =	stream.linear.gather [hbm4b:s21+s22], $0x190, $0x38;
	[tilespmem:$0x19400] =	vst v63  }
0x12: {  	_ =	swait.ge [sflag:s10], $0x190  }
0x13: {  	[sflag:s10] =	ssyncset.done $0x0  }
0x14: {  	s20 =	sadd.s32 s5, s20;
	[sflag:s10] =	ssyncadd.s32 $0xFFFFFE70  }
0x15: {  	[tilespmem:s11], [sflag:$0x3] =	stream.linear.gather [hbm4b:s20+s22], $0x190, $0x38;
	[tilespmem:$0x19400] =	vst v63  }
0x16: {  	_ =	swait.ge [sflag:s10], $0x190  }
0x17: {  	[sflag:s10] =	ssyncset.done $0x0  }
0x18: {  	[sflag:s10] =	ssyncadd.s32 $0xFFFFFE70  }
0x19: {  	[tilespmem:s13], [sflag:$0x1] =	stream.indirect.gather [hbm4b:s1+s12], $0x80, s22, s12, $0xb8;
	[tilespmem:$0x19400] =	vst v63  }
0x1a: {  	_ = 	snop  }
0x1b: {  	[tilespmem:s14], [sflag:$0x2] =	stream.indirect.gather [hbm4b:s6+s12], $0x80, s11, s12, $0xb8;
	[tilespmem:$0x19400] =	vst v63  }
0x1c: {  	_ =	swait.ge [sflag:s15], $0xC800  }
0x1d: {  	[sflag:s15] =	ssyncset.done $0x0  }
0x1e: {  	[sflag:s15] =	ssyncadd.s32 $0xFFFF3800  }
0x1f: {  	_ =	swait.ge [sflag:s16], $0xC800  }
0x20: {  	[sflag:s16] =	ssyncset.done $0x0  }
0x21: {  	s20 =	simm.s32 $0x0;
	[sflag:s16] =	ssyncadd.s32 $0xFFFF3800  }
0x22: {  	v7 =	vld [tilespmem:s20+$0xCC00]  }
0x23: {  	v11 =	vld [tilespmem:s20+$0xCC10]  }
0x24: {  	v5 =	vld [tilespmem:s20+$0xCC20]  }
0x25: {  	v4 =	vld [tilespmem:s20+$0xCC30]  }
0x26: {  	v3 =	vld [tilespmem:s20+$0xCC40]  }
0x27: {  	v2 =	vld [tilespmem:s20+$0xCC50]  }
0x28: {  	v1 =	vld [tilespmem:s20+$0xCC60]  }
0x29: {  	v0 =	vld [tilespmem:s20+$0xCC70]  }
0x2a: {  	v12 =	vld [tilespmem:s20+$0x400]  }
0x2b: {  	v13 =	vld [tilespmem:s20+$0x410]  }
0x2c: {  	v10 =	vld [tilespmem:s20+$0x420]  }
0x2d: {  	v9 =	vld [tilespmem:s20+$0x430]  }
0x2e: {  	v8 =	vld [tilespmem:s20+$0x440]  }
0x2f: {  	v6 =	vld [tilespmem:s20+$0x450];
	v12 =	vadd.f32 v7, v12  }
0x30: {  	s21 =	simm.s32 $0x200;
	v11 =	vadd.f32 v11, v13;
	v7 =	vld [tilespmem:s20+$0x460]  }
.LBB2_3:
0x31: {  	s22 =	sshra.s32 s21, $0x2;
	p0 =	sne.s32 s21, $0x31E00;
	[tilespmem:s20+$0x400] =	vst v12;
	v5 =	vadd.f32 v5, v10;
	v10 =	vld [tilespmem:s20+$0x470]  }
0x32: {  	v12 =	vld [tilespmem:s22+$0xCC00];
	[tilespmem:s20+$0x410] =	vst v11;
	v4 =	vadd.f32 v4, v9  }
0x33: {  	v11 =	vld [tilespmem:s22+$0xCC10];
	[tilespmem:s20+$0x420] =	vst v5;
	v3 =	vadd.f32 v3, v8  }
0x34: {  	v5 =	vld [tilespmem:s22+$0xCC20];
	[tilespmem:s20+$0x430] =	vst v4;
	v2 =	vadd.f32 v2, v6  }
0x35: {  	v4 =	vld [tilespmem:s22+$0xCC30];
	[tilespmem:s20+$0x440] =	vst v3;
	v1 =	vadd.f32 v1, v7  }
0x36: {  	v3 =	vld [tilespmem:s22+$0xCC40];
	[tilespmem:s20+$0x450] =	vst v2;
	v0 =	vadd.f32 v0, v10  }
0x37: {  	v2 =	vld [tilespmem:s22+$0xCC50];
	[tilespmem:s20+$0x460] =	vst v1  }
0x38: {  	v1 =	vld [tilespmem:s22+$0xCC60];
	[tilespmem:s20+$0x470] =	vst v0;
	s20 =	smov.u32 s22  }
0x39: {  	v0 =	vld [tilespmem:s20+$0xCC70]  }
0x3a: {  	v6 =	vld [tilespmem:s20+$0x400]  }
0x3b: {  	v7 =	vld [tilespmem:s20+$0x410]  }
.Ltmp0:
0x3c: {  	v10 =	vld [tilespmem:s20+$0x420];
	(pc) =	sbr.rel @p0 .LBB2_3-.Ltmp0, $4  }
0x3d: {  	v9 =	vld [tilespmem:s20+$0x430]  }
0x3e: {  	v8 =	vld [tilespmem:s20+$0x440]  }
0x3f: {  	v12 =	vadd.f32 v12, v6;
	v6 =	vld [tilespmem:s20+$0x450]  }
0x40: {  	s21 =	sadd.s32 $0x200, s21;
	v11 =	vadd.f32 v11, v7;
	v7 =	vld [tilespmem:s20+$0x460]  }
0x41: {  	[tilespmem:s20+$0x400] =	vst v12;
	v5 =	vadd.f32 v5, v10;
	v63 =	vld [tilespmem:s20+$0x470]  }
0x42: {  	[tilespmem:s20+$0x410] =	vst v11;
	v4 =	vadd.f32 v4, v9  }
0x43: {  	[tilespmem:s20+$0x420] =	vst v5;
	v3 =	vadd.f32 v3, v8  }
0x44: {  	[tilespmem:s20+$0x430] =	vst v4;
	v2 =	vadd.f32 v2, v6  }
0x45: {  	[tilespmem:s20+$0x440] =	vst v3;
	v1 =	vadd.f32 v1, v7  }
0x46: {  	s18 =	sadd.s32 $0x1, s18;
	[tilespmem:s20+$0x450] =	vst v2;
	v0 =	vadd.f32 v0, v63  }
0x47: {  	s19 =	sshll.u32 s19, $0x4;
	p0 =	sne.s32 s18, $0x19;
	[tilespmem:s20+$0x460] =	vst v1  }
.Ltmp1:
0x48: {  	s19 =	sadd.s32 s7, s19;
	[tilespmem:s20+$0x470] =	vst v0;
	(pc) =	sbr.rel @p0 .LBB2_2-.Ltmp1, $4  }
0x49: {  	[hbm4b:s19+s2] =	stream.linear.scatter [tilespmem:s13], [sflag:$0x3], $0xC800, $0x38;
	[tilespmem:$0x19400] =	vst v63  }
0x4a: {  	_ =	swait.ge [sflag:s10], $0xC800  }
0x4b: {  	[sflag:s10] =	ssyncset.done $0x0  }
0x4c: {  	[sflag:s10] =	ssyncadd.s32 $0xFFFF3800  }
0x4d: {  	s17 =	sadd.s32 $0x1, s17  }
0x4e: {  	p0 =	sne.s32 s17, s9  }
.Ltmp2:
0x4f: {  	_ = 	snop;
	(pc) =	sbr.rel @p0 .LBB2_1-.Ltmp2, $1  }
0x50: {  	_ =	sdelay $0x3  }
0x51: {  	_ =	sfence.sel $0x180000  }
0x52: {  	[bflag:$0x0] =	sbarrier.arrive $0xFFFF  }
0x53: {  	p0 =	sne.s32 s3, $0x0;
	_ =	strace $0x90000047  }
0x54: {  	s0 =	sadd.s32 @!p0 $0x100000, s0;
	[bflag:$0x2] =	sbarrier.arrive $0xFFFF  }
0x55: {  	[sflag:s0] =	ssyncadd.tile.s32 @!p0 $0x1;
	_ =	shalt  }
.Lfunc_end2:
_tile_overlayer_lowered:
.L_overlay_start_2:
0x56: {  	(tag) =	ssettag $0x2  }
0x57: {  	s0 =	rddreg [dreg:$0x0];
	s2 =	stileid.u32  }
0x58: {  	s1 =	rddreg [dreg:$0x1];
	p0 =	sne.s32 s2, $0x0  }
0x59: {  	s3 =	rddreg [dreg:$0x2];
	[bflag:$0x3] =	sbarrier.arrive $0xFFFF;
	s2 =	simm.s32 @!p0 $0x1C03  }
0x5a: {  	[timem:s3], [sflag:s2] =	dma.local @!p0 [hbm:s0], s1  }
0x5b: {  	s0 =	simm.s32 @!p0 $0x3  }
0x5c: {  	_ =	swait.ge @!p0 [sflag:s0], s1  }
0x5d: {  	s1 =	ssub.s32 @!p0 $0x0, s1;
	[sflag:s0] =	ssyncset.done @!p0 $0x0  }
0x5e: {  	[sflag:s0] =	ssyncadd.s32 @!p0 s1  }
0x5f: {  	[bflag:$0x3] =	sbarrier.arrive $0xFFFF  }
0x60: {  	_ =	shalt  }

</sc_bundles>
